<compile_context>
chip_gen: v7x
topology: tpu7x:2x2x1
jax: 0.10.2.dev20260603
libtpu: 0.0.44.dev20260713+nightly
codegen_flags: <defaults>
</compile_context>

<pallas_src>
import functools

import jax
import jax.numpy as jnp
from jax import lax
from jax.experimental import pallas as pl
from jax.experimental.pallas import tpu as pltpu
from jax.experimental.pallas import tpu_sc as plsc

_D = 128
_PAIRS = _D // 2
_NB = 2
_NCLS = 5
_C = 128
_NS = 16
_SC0_FRAC = 0.50


def _pack_pairs(h):
    hb = lax.bitcast_convert_type(h.astype(jnp.bfloat16), jnp.uint16)
    lo = hb[:, :_PAIRS].astype(jnp.int32)
    hi = hb[:, _PAIRS:].astype(jnp.int32)
    return lo | (hi << 16)


def _mm_body(u_ref, p_ref, o_ref):
    u = u_ref[...]
    h0 = lax.dot_general(u, p_ref[0], (((1,), (0,)), ((), ())),
                         preferred_element_type=jnp.float32)
    h1 = lax.dot_general(u, p_ref[1], (((1,), (0,)), ((), ())),
                         preferred_element_type=jnp.float32)
    o_ref[:, 0:_PAIRS] = _pack_pairs(h0)
    o_ref[:, _PAIRS:2 * _PAIRS] = _pack_pairs(h1)


def _compute_uh(ufeat, P):
    n, d = ufeat.shape
    blk = 1000
    return pl.pallas_call(
        _mm_body,
        grid=(n // blk,),
        in_specs=[
            pl.BlockSpec((blk, d), lambda i: (i, 0)),
            pl.BlockSpec(P.shape, lambda i: (0, 0, 0)),
        ],
        out_specs=pl.BlockSpec((blk, _NB * _PAIRS), lambda i: (i, 0)),
        out_shape=jax.ShapeDtypeStruct((n, _NB * _PAIRS), jnp.int32),
    )(ufeat, P)


def _split(total):
    s0_total = int(round(total * _SC0_FRAC))
    n0, r0 = divmod(s0_total, _NS)
    n1, r1 = divmod(total - s0_total, _NS)
    return n0, r0, n1, r1


def _sc_body(split, uh_hbm, if_hbm, src_hbm, dst_hbm, w_hbm, out_hbm,
             srci, dsti, uhv0, uhv1, ifv0, ifv1, wv, outv0, outv1,
             su0, su1, si0, si1, so0, so1):
    n0, r0, n1, r1 = split
    max0 = n0 + (1 if r0 else 0)
    max1 = n1 + (1 if r1 else 0)
    s0_total = _NS * n0 + r0
    c_idx = lax.axis_index("c")
    s_idx = lax.axis_index("s")
    uhv = [uhv0, uhv1]
    ifv = [ifv0, ifv1]
    outv = [outv0, outv1]
    su = [su0, su1]
    si = [si0, si1]
    so = [so0, so1]

    on_core0 = c_idx == 0
    rows0 = jnp.where(
        on_core0,
        s_idx * n0 + jnp.minimum(s_idx, r0),
        s0_total + s_idx * n1 + jnp.minimum(s_idx, r1))
    m = jnp.where(on_core0,
                  n0 + (s_idx < r0).astype(jnp.int32),
                  n1 + (s_idx < r1).astype(jnp.int32))

    pltpu.sync_copy(w_hbm, wv)

    @pl.when(on_core0)
    def _():
        pltpu.sync_copy(src_hbm.at[pl.ds(rows0, max0)],
                        srci.at[pl.ds(0, max0)])
        pltpu.sync_copy(dst_hbm.at[pl.ds(rows0, max0)],
                        dsti.at[pl.ds(0, max0)])

    @pl.when(jnp.logical_not(on_core0))
    def _():
        pltpu.sync_copy(src_hbm.at[pl.ds(rows0, max1)],
                        srci.at[pl.ds(0, max1)])
        pltpu.sync_copy(dst_hbm.at[pl.ds(rows0, max1)],
                        dsti.at[pl.ds(0, max1)])

    wrows = [wv[i, :] for i in range(_NB)]
    w = [[wrows[i][c] for c in range(_NCLS)] for i in range(_NB)]
    lanes = lax.iota(jnp.int32, 16)
    zero = jnp.zeros((16,), jnp.float32)
    ngr = _C // 16
    evecs = [g * 16 + lanes for g in range(ngr)]
    tile_base = rows0 * _C

    def issue_gathers(k, p):
        pltpu.async_copy(uh_hbm.at[srci.at[k]], uhv[p], su[p])
        pltpu.async_copy(if_hbm.at[dsti.at[k]], ifv[p], si[p])

    def wait_gathers(k, p):
        pltpu.make_async_copy(uh_hbm.at[srci.at[k]], uhv[p], su[p]).wait()
        pltpu.make_async_copy(if_hbm.at[dsti.at[k]], ifv[p], si[p]).wait()

    def out_slice(k):
        base = pl.multiple_of(tile_base + k * _C, _C)
        return out_hbm.at[pl.ds(base, _C), :]

    def wait_out(k, p):
        pltpu.make_async_copy(outv[p], out_slice(k), so[p]).wait()

    def unpack2(x):
        return plsc.unpack(plsc.bitcast(x, jnp.bfloat16),
                           format=plsc.PackFormat.INTERLEAVED,
                           preferred_element_type=jnp.float32)

    def compute(k, p):
        uhr = uhv[p]
        ifr = ifv[p]

        def fstep(f, carry):
            accs = list(carry)
            colv = (lanes + f) & (_PAIRS - 1)
            colb = colv + _PAIRS
            for g in range(ngr):
                u0p = plsc.load_gather(uhr, [evecs[g], colv])
                u1p = plsc.load_gather(uhr, [evecs[g], colb])
                iva = plsc.load_gather(ifr, [evecs[g], colv])
                ivb = plsc.load_gather(ifr, [evecs[g], colb])
                u0a, u0b = unpack2(u0p)
                u1a, u1b = unpack2(u1p)
                accs[2 * g] = accs[2 * g] + u0a * iva + u0b * ivb
                accs[2 * g + 1] = accs[2 * g + 1] + u1a * iva + u1b * ivb
            return tuple(accs)

        res = lax.fori_loop(0, _PAIRS, fstep, (zero,) * (2 * ngr))
        for g in range(ngr):
            a0 = res[2 * g]
            a1 = res[2 * g + 1]
            for c in range(_NCLS):
                ov = w[0][c] * a0 + w[1][c] * a1
                plsc.store_scatter(
                    outv[p], [evecs[g], jnp.full((16,), c, jnp.int32)], ov)
        pltpu.async_copy(outv[p], out_slice(k), so[p])

    issue_gathers(0, 0)

    def body(jj, _):
        a = 2 * jj
        b = a + 1
        issue_gathers(b, 1)
        wait_gathers(a, 0)

        @pl.when(jj > 0)
        def _():
            wait_out(a - 2, 0)

        compute(a, 0)

        @pl.when(b + 1 < m)
        def _():
            issue_gathers(b + 1, 0)

        wait_gathers(b, 1)

        @pl.when(jj > 0)
        def _():
            wait_out(b - 2, 1)

        compute(b, 1)
        return 0

    lax.fori_loop(0, m // 2, body, 0)

    is_odd = (m & 1) == 1

    @pl.when(is_odd)
    def _():
        wait_gathers(m - 1, 0)
        wait_out(m - 3, 0)
        compute(m - 1, 0)
        wait_out(m - 2, 1)
        wait_out(m - 1, 0)

    @pl.when(jnp.logical_not(is_odd))
    def _():
        wait_out(m - 2, 0)
        wait_out(m - 1, 1)


def _sc_scores(uh, ifeat, src2d, dst2d, w2, e_pad, split):
    n0, r0 = split[0], split[1]
    max0 = n0 + (1 if r0 else 0)
    mesh = plsc.VectorSubcoreMesh(core_axis_name="c", subcore_axis_name="s")
    f = pl.kernel(
        functools.partial(_sc_body, split),
        mesh=mesh,
        compiler_params=pltpu.CompilerParams(
            needs_layout_passes=False, use_tc_tiling_on_sc=False),
        out_type=jax.ShapeDtypeStruct((e_pad, _NCLS), jnp.float32),
        scratch_types=[
            pltpu.VMEM((max0, _C), jnp.int32),
            pltpu.VMEM((max0, _C), jnp.int32),
            pltpu.VMEM((_C, _NB * _PAIRS), jnp.int32),
            pltpu.VMEM((_C, _NB * _PAIRS), jnp.int32),
            pltpu.VMEM((_C, _D), jnp.float32),
            pltpu.VMEM((_C, _D), jnp.float32),
            pltpu.VMEM((_NB, 16), jnp.float32),
            pltpu.VMEM((_C, _NCLS), jnp.float32),
            pltpu.VMEM((_C, _NCLS), jnp.float32),
            pltpu.SemaphoreType.DMA,
            pltpu.SemaphoreType.DMA,
            pltpu.SemaphoreType.DMA,
            pltpu.SemaphoreType.DMA,
            pltpu.SemaphoreType.DMA,
            pltpu.SemaphoreType.DMA,
        ],
    )
    return f(uh, ifeat, src2d, dst2d, w2)


def kernel(ufeat, ifeat, edge_index, P, W_combine):
    e = edge_index.shape[1]
    uh_i32 = _compute_uh(ufeat, P)
    src = edge_index[0].astype(jnp.int32)
    dst = edge_index[1].astype(jnp.int32)
    e_pad = -(-e // _C) * _C
    if e_pad != e:
        src = jnp.pad(src, (0, e_pad - e))
        dst = jnp.pad(dst, (0, e_pad - e))
    src2d = src.reshape(e_pad // _C, _C)
    dst2d = dst.reshape(e_pad // _C, _C)
    split = _split(e_pad // _C)
    w2 = jnp.zeros((_NB, 16), jnp.float32).at[:, :_NCLS].set(W_combine.T)
    out = _sc_scores(uh_i32, ifeat, src2d, dst2d, w2, e_pad, split)
    return out[:e]

# --- scband reference (transcript-rebuilt; emitter-appended) ---
"""Pipeline reference for scband-bi-decoder-22497038697227 (READ-ONLY COPY).

The authoritative reference and input builder live on the scoring server;
editing this copy changes nothing except your own understanding.
"""

import jax, jax.numpy as jnp
import numpy as np

IN_UNITS = 128
NUM_CLASSES = 5
NUM_BASIS = 2
N_NODES = 10000
N_EDGES = 320000


def setup_inputs(seed: int = 0) -> dict:
    key = jax.random.key(seed)
    k1, k2, k3, k4, k5, k6 = jax.random.split(key, 6)
    ufeat = jax.random.normal(k1, (N_NODES, IN_UNITS), dtype=jnp.float32)
    ifeat = jax.random.normal(k2, (N_NODES, IN_UNITS), dtype=jnp.float32)
    edge_index = jax.random.randint(k3, (2, N_EDGES), 0, N_NODES, dtype=jnp.int64)
    # Basis matrices Ps: xavier-uniform-like init, stacked [num_basis, D, D]
    limit_p = np.sqrt(6.0 / (IN_UNITS + IN_UNITS))
    P = jax.random.uniform(k4, (NUM_BASIS, IN_UNITS, IN_UNITS), dtype=jnp.float32,
                           minval=-limit_p, maxval=limit_p)
    # combine_basis: nn.Linear(num_basis, num_classes, bias=False), weight [num_classes, num_basis]
    limit_w = np.sqrt(6.0 / (NUM_BASIS + NUM_CLASSES))
    W_combine = jax.random.uniform(k5, (NUM_CLASSES, NUM_BASIS), dtype=jnp.float32,
                                   minval=-limit_w, maxval=limit_w)
    return {"ufeat": ufeat, "ifeat": ifeat, "edge_index": edge_index,
            "P": P, "W_combine": W_combine}


def reference(ufeat, ifeat, edge_index, P, W_combine):
    # dropout_rate = 0.0 -> identity
    src = edge_index[0]  # user node id per edge
    dst = edge_index[1]  # item node id per edge
    ifeat_e = jnp.take(ifeat, dst, axis=0)  # gather item feats per edge [E, D]
    basis_out = []
    for i in range(P.shape[0]):
        uh = ufeat @ P[i]                        # [N_u, D]
        uh_e = jnp.take(uh, src, axis=0)         # gather per edge [E, D]
        sr = jnp.sum(uh_e * ifeat_e, axis=-1, keepdims=True)  # u_dot_v [E, 1]
        basis_out.append(sr)
    out = jnp.concatenate(basis_out, axis=1)     # [E, num_basis]
    out = out @ W_combine.T                      # [E, num_classes]
    return out

if __name__ == "__main__":
    import jax
    _d = setup_inputs()
    print(jax.jit(kernel)(*tuple(_d.values())))

</pallas_src>

<mosaic_0001>
#map = affine_map<(d0, d1) -> (0, 0)>
module attributes {stable_mosaic.version = 14 : i64} {
  func.func @_sc_body(%arg0: i32, %arg1: i32, %arg2: memref<10000x128xi32, #tpu.memory_space<hbm>>, %arg3: memref<10000x128xf32, #tpu.memory_space<hbm>>, %arg4: memref<2500x128xi32, #tpu.memory_space<hbm>>, %arg5: memref<2500x128xi32, #tpu.memory_space<hbm>>, %arg6: memref<2x16xf32, #tpu.memory_space<hbm>>, %arg7: memref<320000x5xf32, #tpu.memory_space<hbm>>, %arg8: memref<79x128xi32, #tpu.memory_space<vmem>>, %arg9: memref<79x128xi32, #tpu.memory_space<vmem>>, %arg10: memref<128x128xi32, #tpu.memory_space<vmem>>, %arg11: memref<128x128xi32, #tpu.memory_space<vmem>>, %arg12: memref<128x128xf32, #tpu.memory_space<vmem>>, %arg13: memref<128x128xf32, #tpu.memory_space<vmem>>, %arg14: memref<2x16xf32, #tpu.memory_space<vmem>>, %arg15: memref<128x5xf32, #tpu.memory_space<vmem>>, %arg16: memref<128x5xf32, #tpu.memory_space<vmem>>, %arg17: memref<!tpu.dma_semaphore, #tpu.memory_space<semaphore_mem>>, %arg18: memref<!tpu.dma_semaphore, #tpu.memory_space<semaphore_mem>>, %arg19: memref<!tpu.dma_semaphore, #tpu.memory_space<semaphore_mem>>, %arg20: memref<!tpu.dma_semaphore, #tpu.memory_space<semaphore_mem>>, %arg21: memref<!tpu.dma_semaphore, #tpu.memory_space<semaphore_mem>>, %arg22: memref<!tpu.dma_semaphore, #tpu.memory_space<semaphore_mem>>) attributes {dimension_semantics = [#tpu.dimension_semantics<core_parallel>, #tpu.dimension_semantics<subcore_parallel>], iteration_bounds = array<i64: 2, 16>, scalar_prefetch = 0 : i64, scratch_operands = 15 : i64, tpu.core_type = #tpu.core_type<sc_vector_subcore>, window_params = [{transform_indices = #map}, {transform_indices = #map}, {transform_indices = #map}, {transform_indices = #map}, {transform_indices = #map}, {transform_indices = #map}]} {
    %eq3A = arith.constant 0 : i32
    %eq3A_0 = arith.cmpi eq, %arg0, %eq3A : i32
    %mul3A = arith.constant 78 : i32
    %mul3A_1 = arith.muli %arg1, %mul3A : i32
    %min3A = arith.constant 2 : i32
    %min3A_2 = arith.minsi %arg1, %min3A : i32
    %add3A = arith.addi %mul3A_1, %min3A_2 : i32
    %mul3A_3 = arith.constant 78 : i32
    %mul3A_4 = arith.muli %arg1, %mul3A_3 : i32
    %add3A_5 = arith.constant 1250 : i32
    %add3A_6 = arith.addi %add3A_5, %mul3A_4 : i32
    %min3A_7 = arith.constant 2 : i32
    %min3A_8 = arith.minsi %arg1, %min3A_7 : i32
    %add3A_9 = arith.addi %add3A_6, %min3A_8 : i32
    %select_n3A = arith.select %eq3A_0, %add3A, %add3A_9 : i32
    %lt3A = arith.constant 2 : i32
    %lt3A_10 = arith.cmpi slt, %arg1, %lt3A : i32
    %convert_element_type3A = arith.extui %lt3A_10 : i1 to i32
    %add3A_11 = arith.constant 78 : i32
    %add3A_12 = arith.addi %add3A_11, %convert_element_type3A : i32
    %lt3A_13 = arith.constant 2 : i32
    %lt3A_14 = arith.cmpi slt, %arg1, %lt3A_13 : i32
    %convert_element_type3A_15 = arith.extui %lt3A_14 : i1 to i32
    %add3A_16 = arith.constant 78 : i32
    %add3A_17 = arith.addi %add3A_16, %convert_element_type3A_15 : i32
    %select_n3A_18 = arith.select %eq3A_0, %add3A_12, %add3A_17 : i32
    "tpu.region"() ({
      %run_scoped3A = tpu.sem_alloc : memref<!tpu.dma_semaphore, #tpu.memory_space<semaphore_mem>>
      tpu.enqueue_dma source(%arg6 : memref<2x16xf32, #tpu.memory_space<hbm>>) target(%arg14 : memref<2x16xf32, #tpu.memory_space<vmem>>) target_semaphore(%run_scoped3A : memref<!tpu.dma_semaphore, #tpu.memory_space<semaphore_mem>>)
      tpu.wait_dma2 semaphore(%run_scoped3A : memref<!tpu.dma_semaphore, #tpu.memory_space<semaphore_mem>>) src(%arg6 : memref<2x16xf32, #tpu.memory_space<hbm>>) dst(%arg14 : memref<2x16xf32, #tpu.memory_space<vmem>>)
      tpu.yield
    }) : () -> ()
    %convert_element_type3A_19 = arith.extui %eq3A_0 : i1 to i32
    %cond3A = arith.constant 0 : i32
    %cond3A_20 = arith.cmpi ne, %convert_element_type3A_19, %cond3A : i32
    scf.if %cond3A_20 {
      "tpu.region"() ({
        %run_scoped3A = tpu.sem_alloc : memref<!tpu.dma_semaphore, #tpu.memory_space<semaphore_mem>>
        %dma_start3A_130 = arith.constant 0 : i32
        %dma_start3A_131 = arith.constant 0 : i32
        %dma_start3A_132 = tpu.memref_slice %arg8[%dma_start3A_130, %dma_start3A_131] : memref<79x128xi32, #tpu.memory_space<vmem>> -> memref<79x128xi32, #tpu.memory_space<vmem>>
        %dma_start3A_133 = arith.constant 0 : i32
        %dma_start3A_134 = tpu.memref_slice %arg4[%select_n3A, %dma_start3A_133] : memref<2500x128xi32, #tpu.memory_space<hbm>> -> memref<79x128xi32, #tpu.memory_space<hbm>>
        %dma_start3A_135 = arith.constant 0 : i32
        %dma_start3A_136 = arith.constant 0 : i32
        %dma_start3A_137 = tpu.memref_slice %arg8[%dma_start3A_135, %dma_start3A_136] : memref<79x128xi32, #tpu.memory_space<vmem>> -> memref<79x128xi32, #tpu.memory_space<vmem>>
        %dma_start3A_138 = arith.constant 0 : i32
        %dma_start3A_139 = tpu.memref_slice %arg4[%select_n3A, %dma_start3A_138] : memref<2500x128xi32, #tpu.memory_space<hbm>> -> memref<79x128xi32, #tpu.memory_space<hbm>>
        tpu.enqueue_dma source(%dma_start3A_139 : memref<79x128xi32, #tpu.memory_space<hbm>>) target(%dma_start3A_137 : memref<79x128xi32, #tpu.memory_space<vmem>>) target_semaphore(%run_scoped3A : memref<!tpu.dma_semaphore, #tpu.memory_space<semaphore_mem>>)
        %dma_wait3A = arith.constant 0 : i32
        %dma_wait3A_140 = arith.constant 0 : i32
        %dma_wait3A_141 = tpu.memref_slice %arg8[%dma_wait3A, %dma_wait3A_140] : memref<79x128xi32, #tpu.memory_space<vmem>> -> memref<79x128xi32, #tpu.memory_space<vmem>>
        %dma_wait3A_142 = arith.constant 0 : i32
        %dma_wait3A_143 = tpu.memref_slice %arg4[%select_n3A, %dma_wait3A_142] : memref<2500x128xi32, #tpu.memory_space<hbm>> -> memref<79x128xi32, #tpu.memory_space<hbm>>
        %dma_wait3A_144 = arith.constant 0 : i32
        %dma_wait3A_145 = arith.constant 0 : i32
        %dma_wait3A_146 = tpu.memref_slice %arg8[%dma_wait3A_144, %dma_wait3A_145] : memref<79x128xi32, #tpu.memory_space<vmem>> -> memref<79x128xi32, #tpu.memory_space<vmem>>
        %dma_wait3A_147 = arith.constant 0 : i32
        %dma_wait3A_148 = tpu.memref_slice %arg4[%select_n3A, %dma_wait3A_147] : memref<2500x128xi32, #tpu.memory_space<hbm>> -> memref<79x128xi32, #tpu.memory_space<hbm>>
        tpu.wait_dma2 semaphore(%run_scoped3A : memref<!tpu.dma_semaphore, #tpu.memory_space<semaphore_mem>>) src(%dma_wait3A_148 : memref<79x128xi32, #tpu.memory_space<hbm>>) dst(%dma_wait3A_146 : memref<79x128xi32, #tpu.memory_space<vmem>>)
        tpu.yield
      }) : () -> ()
      "tpu.region"() ({
        %run_scoped3A = tpu.sem_alloc : memref<!tpu.dma_semaphore, #tpu.memory_space<semaphore_mem>>
        %dma_start3A_130 = arith.constant 0 : i32
        %dma_start3A_131 = arith.constant 0 : i32
        %dma_start3A_132 = tpu.memref_slice %arg9[%dma_start3A_130, %dma_start3A_131] : memref<79x128xi32, #tpu.memory_space<vmem>> -> memref<79x128xi32, #tpu.memory_space<vmem>>
        %dma_start3A_133 = arith.constant 0 : i32
        %dma_start3A_134 = tpu.memref_slice %arg5[%select_n3A, %dma_start3A_133] : memref<2500x128xi32, #tpu.memory_space<hbm>> -> memref<79x128xi32, #tpu.memory_space<hbm>>
        %dma_start3A_135 = arith.constant 0 : i32
        %dma_start3A_136 = arith.constant 0 : i32
        %dma_start3A_137 = tpu.memref_slice %arg9[%dma_start3A_135, %dma_start3A_136] : memref<79x128xi32, #tpu.memory_space<vmem>> -> memref<79x128xi32, #tpu.memory_space<vmem>>
        %dma_start3A_138 = arith.constant 0 : i32
        %dma_start3A_139 = tpu.memref_slice %arg5[%select_n3A, %dma_start3A_138] : memref<2500x128xi32, #tpu.memory_space<hbm>> -> memref<79x128xi32, #tpu.memory_space<hbm>>
        tpu.enqueue_dma source(%dma_start3A_139 : memref<79x128xi32, #tpu.memory_space<hbm>>) target(%dma_start3A_137 : memref<79x128xi32, #tpu.memory_space<vmem>>) target_semaphore(%run_scoped3A : memref<!tpu.dma_semaphore, #tpu.memory_space<semaphore_mem>>)
        %dma_wait3A = arith.constant 0 : i32
        %dma_wait3A_140 = arith.constant 0 : i32
        %dma_wait3A_141 = tpu.memref_slice %arg9[%dma_wait3A, %dma_wait3A_140] : memref<79x128xi32, #tpu.memory_space<vmem>> -> memref<79x128xi32, #tpu.memory_space<vmem>>
        %dma_wait3A_142 = arith.constant 0 : i32
        %dma_wait3A_143 = tpu.memref_slice %arg5[%select_n3A, %dma_wait3A_142] : memref<2500x128xi32, #tpu.memory_space<hbm>> -> memref<79x128xi32, #tpu.memory_space<hbm>>
        %dma_wait3A_144 = arith.constant 0 : i32
        %dma_wait3A_145 = arith.constant 0 : i32
        %dma_wait3A_146 = tpu.memref_slice %arg9[%dma_wait3A_144, %dma_wait3A_145] : memref<79x128xi32, #tpu.memory_space<vmem>> -> memref<79x128xi32, #tpu.memory_space<vmem>>
        %dma_wait3A_147 = arith.constant 0 : i32
        %dma_wait3A_148 = tpu.memref_slice %arg5[%select_n3A, %dma_wait3A_147] : memref<2500x128xi32, #tpu.memory_space<hbm>> -> memref<79x128xi32, #tpu.memory_space<hbm>>
        tpu.wait_dma2 semaphore(%run_scoped3A : memref<!tpu.dma_semaphore, #tpu.memory_space<semaphore_mem>>) src(%dma_wait3A_148 : memref<79x128xi32, #tpu.memory_space<hbm>>) dst(%dma_wait3A_146 : memref<79x128xi32, #tpu.memory_space<vmem>>)
        tpu.yield
      }) : () -> ()
    } else {
    }
    %not3A = arith.constant true
    %not3A_21 = arith.xori %eq3A_0, %not3A : i1
    %convert_element_type3A_22 = arith.extui %not3A_21 : i1 to i32
    %cond3A_23 = arith.constant 0 : i32
    %cond3A_24 = arith.cmpi ne, %convert_element_type3A_22, %cond3A_23 : i32
    scf.if %cond3A_24 {
      "tpu.region"() ({
        %run_scoped3A = tpu.sem_alloc : memref<!tpu.dma_semaphore, #tpu.memory_space<semaphore_mem>>
        %dma_start3A_130 = arith.constant 0 : i32
        %dma_start3A_131 = arith.constant 0 : i32
        %dma_start3A_132 = tpu.memref_slice %arg8[%dma_start3A_130, %dma_start3A_131] : memref<79x128xi32, #tpu.memory_space<vmem>> -> memref<79x128xi32, #tpu.memory_space<vmem>>
        %dma_start3A_133 = arith.constant 0 : i32
        %dma_start3A_134 = tpu.memref_slice %arg4[%select_n3A, %dma_start3A_133] : memref<2500x128xi32, #tpu.memory_space<hbm>> -> memref<79x128xi32, #tpu.memory_space<hbm>>
        %dma_start3A_135 = arith.constant 0 : i32
        %dma_start3A_136 = arith.constant 0 : i32
        %dma_start3A_137 = tpu.memref_slice %arg8[%dma_start3A_135, %dma_start3A_136] : memref<79x128xi32, #tpu.memory_space<vmem>> -> memref<79x128xi32, #tpu.memory_space<vmem>>
        %dma_start3A_138 = arith.constant 0 : i32
        %dma_start3A_139 = tpu.memref_slice %arg4[%select_n3A, %dma_start3A_138] : memref<2500x128xi32, #tpu.memory_space<hbm>> -> memref<79x128xi32, #tpu.memory_space<hbm>>
        tpu.enqueue_dma source(%dma_start3A_139 : memref<79x128xi32, #tpu.memory_space<hbm>>) target(%dma_start3A_137 : memref<79x128xi32, #tpu.memory_space<vmem>>) target_semaphore(%run_scoped3A : memref<!tpu.dma_semaphore, #tpu.memory_space<semaphore_mem>>)
        %dma_wait3A = arith.constant 0 : i32
        %dma_wait3A_140 = arith.constant 0 : i32
        %dma_wait3A_141 = tpu.memref_slice %arg8[%dma_wait3A, %dma_wait3A_140] : memref<79x128xi32, #tpu.memory_space<vmem>> -> memref<79x128xi32, #tpu.memory_space<vmem>>
        %dma_wait3A_142 = arith.constant 0 : i32
        %dma_wait3A_143 = tpu.memref_slice %arg4[%select_n3A, %dma_wait3A_142] : memref<2500x128xi32, #tpu.memory_space<hbm>> -> memref<79x128xi32, #tpu.memory_space<hbm>>
        %dma_wait3A_144 = arith.constant 0 : i32
        %dma_wait3A_145 = arith.constant 0 : i32
        %dma_wait3A_146 = tpu.memref_slice %arg8[%dma_wait3A_144, %dma_wait3A_145] : memref<79x128xi32, #tpu.memory_space<vmem>> -> memref<79x128xi32, #tpu.memory_space<vmem>>
        %dma_wait3A_147 = arith.constant 0 : i32
        %dma_wait3A_148 = tpu.memref_slice %arg4[%select_n3A, %dma_wait3A_147] : memref<2500x128xi32, #tpu.memory_space<hbm>> -> memref<79x128xi32, #tpu.memory_space<hbm>>
        tpu.wait_dma2 semaphore(%run_scoped3A : memref<!tpu.dma_semaphore, #tpu.memory_space<semaphore_mem>>) src(%dma_wait3A_148 : memref<79x128xi32, #tpu.memory_space<hbm>>) dst(%dma_wait3A_146 : memref<79x128xi32, #tpu.memory_space<vmem>>)
        tpu.yield
      }) : () -> ()
      "tpu.region"() ({
        %run_scoped3A = tpu.sem_alloc : memref<!tpu.dma_semaphore, #tpu.memory_space<semaphore_mem>>
        %dma_start3A_130 = arith.constant 0 : i32
        %dma_start3A_131 = arith.constant 0 : i32
        %dma_start3A_132 = tpu.memref_slice %arg9[%dma_start3A_130, %dma_start3A_131] : memref<79x128xi32, #tpu.memory_space<vmem>> -> memref<79x128xi32, #tpu.memory_space<vmem>>
        %dma_start3A_133 = arith.constant 0 : i32
        %dma_start3A_134 = tpu.memref_slice %arg5[%select_n3A, %dma_start3A_133] : memref<2500x128xi32, #tpu.memory_space<hbm>> -> memref<79x128xi32, #tpu.memory_space<hbm>>
        %dma_start3A_135 = arith.constant 0 : i32
        %dma_start3A_136 = arith.constant 0 : i32
        %dma_start3A_137 = tpu.memref_slice %arg9[%dma_start3A_135, %dma_start3A_136] : memref<79x128xi32, #tpu.memory_space<vmem>> -> memref<79x128xi32, #tpu.memory_space<vmem>>
        %dma_start3A_138 = arith.constant 0 : i32
        %dma_start3A_139 = tpu.memref_slice %arg5[%select_n3A, %dma_start3A_138] : memref<2500x128xi32, #tpu.memory_space<hbm>> -> memref<79x128xi32, #tpu.memory_space<hbm>>
        tpu.enqueue_dma source(%dma_start3A_139 : memref<79x128xi32, #tpu.memory_space<hbm>>) target(%dma_start3A_137 : memref<79x128xi32, #tpu.memory_space<vmem>>) target_semaphore(%run_scoped3A : memref<!tpu.dma_semaphore, #tpu.memory_space<semaphore_mem>>)
        %dma_wait3A = arith.constant 0 : i32
        %dma_wait3A_140 = arith.constant 0 : i32
        %dma_wait3A_141 = tpu.memref_slice %arg9[%dma_wait3A, %dma_wait3A_140] : memref<79x128xi32, #tpu.memory_space<vmem>> -> memref<79x128xi32, #tpu.memory_space<vmem>>
        %dma_wait3A_142 = arith.constant 0 : i32
        %dma_wait3A_143 = tpu.memref_slice %arg5[%select_n3A, %dma_wait3A_142] : memref<2500x128xi32, #tpu.memory_space<hbm>> -> memref<79x128xi32, #tpu.memory_space<hbm>>
        %dma_wait3A_144 = arith.constant 0 : i32
        %dma_wait3A_145 = arith.constant 0 : i32
        %dma_wait3A_146 = tpu.memref_slice %arg9[%dma_wait3A_144, %dma_wait3A_145] : memref<79x128xi32, #tpu.memory_space<vmem>> -> memref<79x128xi32, #tpu.memory_space<vmem>>
        %dma_wait3A_147 = arith.constant 0 : i32
        %dma_wait3A_148 = tpu.memref_slice %arg5[%select_n3A, %dma_wait3A_147] : memref<2500x128xi32, #tpu.memory_space<hbm>> -> memref<79x128xi32, #tpu.memory_space<hbm>>
        tpu.wait_dma2 semaphore(%run_scoped3A : memref<!tpu.dma_semaphore, #tpu.memory_space<semaphore_mem>>) src(%dma_wait3A_148 : memref<79x128xi32, #tpu.memory_space<hbm>>) dst(%dma_wait3A_146 : memref<79x128xi32, #tpu.memory_space<vmem>>)
        tpu.yield
      }) : () -> ()
    } else {
    }
    %get3A = arith.constant 0 : i32
    %get3A_25 = arith.index_cast %get3A : i32 to index
    %get3A_26 = arith.constant 0 : index
    %get3A_27 = tpu.vector_load %arg14[%get3A_25, %get3A_26] {strides = array<i32>} : memref<2x16xf32, #tpu.memory_space<vmem>>, vector<16xf32>,
    %get3A_28 = arith.constant 1 : i32
    %get3A_29 = arith.index_cast %get3A_28 : i32 to index
    %get3A_30 = arith.constant 0 : index
    %get3A_31 = tpu.vector_load %arg14[%get3A_29, %get3A_30] {strides = array<i32>} : memref<2x16xf32, #tpu.memory_space<vmem>>, vector<16xf32>,
    %slice3A = vector.extract_strided_slice %get3A_27 {offsets = [0], sizes = [1], strides = [1]} : vector<16xf32> to vector<1xf32>
    %squeeze3A = vector.extract %slice3A[0] : f32 from vector<1xf32>
    %slice3A_32 = vector.extract_strided_slice %get3A_27 {offsets = [1], sizes = [1], strides = [1]} : vector<16xf32> to vector<1xf32>
    %squeeze3A_33 = vector.extract %slice3A_32[0] : f32 from vector<1xf32>
    %slice3A_34 = vector.extract_strided_slice %get3A_27 {offsets = [2], sizes = [1], strides = [1]} : vector<16xf32> to vector<1xf32>
    %squeeze3A_35 = vector.extract %slice3A_34[0] : f32 from vector<1xf32>
    %slice3A_36 = vector.extract_strided_slice %get3A_27 {offsets = [3], sizes = [1], strides = [1]} : vector<16xf32> to vector<1xf32>
    %squeeze3A_37 = vector.extract %slice3A_36[0] : f32 from vector<1xf32>
    %slice3A_38 = vector.extract_strided_slice %get3A_27 {offsets = [4], sizes = [1], strides = [1]} : vector<16xf32> to vector<1xf32>
    %squeeze3A_39 = vector.extract %slice3A_38[0] : f32 from vector<1xf32>
    %slice3A_40 = vector.extract_strided_slice %get3A_31 {offsets = [0], sizes = [1], strides = [1]} : vector<16xf32> to vector<1xf32>
    %squeeze3A_41 = vector.extract %slice3A_40[0] : f32 from vector<1xf32>
    %slice3A_42 = vector.extract_strided_slice %get3A_31 {offsets = [1], sizes = [1], strides = [1]} : vector<16xf32> to vector<1xf32>
    %squeeze3A_43 = vector.extract %slice3A_42[0] : f32 from vector<1xf32>
    %slice3A_44 = vector.extract_strided_slice %get3A_31 {offsets = [2], sizes = [1], strides = [1]} : vector<16xf32> to vector<1xf32>
    %squeeze3A_45 = vector.extract %slice3A_44[0] : f32 from vector<1xf32>
    %slice3A_46 = vector.extract_strided_slice %get3A_31 {offsets = [3], sizes = [1], strides = [1]} : vector<16xf32> to vector<1xf32>
    %squeeze3A_47 = vector.extract %slice3A_46[0] : f32 from vector<1xf32>
    %slice3A_48 = vector.extract_strided_slice %get3A_31 {offsets = [4], sizes = [1], strides = [1]} : vector<16xf32> to vector<1xf32>
    %squeeze3A_49 = vector.extract %slice3A_48[0] : f32 from vector<1xf32>
    %iota3A = tpu.iota {dimensions = array<i32: 0>} : vector<16xi32>
    %broadcast_in_dim3A = arith.constant 0.000000e+00 : f32
    %broadcast_in_dim3A_50 = vector.broadcast %broadcast_in_dim3A : f32 to vector<16xf32>
    %add3A_51 = arith.constant 0 : i32
    %add3A_52 = vector.broadcast %add3A_51 : i32 to vector<16xi32>
    %add3A_53 = arith.addi %add3A_52, %iota3A : vector<16xi32>
    %add3A_54 = arith.constant 16 : i32
    %add3A_55 = vector.broadcast %add3A_54 : i32 to vector<16xi32>
    %add3A_56 = arith.addi %add3A_55, %iota3A : vector<16xi32>
    %add3A_57 = arith.constant 32 : i32
    %add3A_58 = vector.broadcast %add3A_57 : i32 to vector<16xi32>
    %add3A_59 = arith.addi %add3A_58, %iota3A : vector<16xi32>
    %add3A_60 = arith.constant 48 : i32
    %add3A_61 = vector.broadcast %add3A_60 : i32 to vector<16xi32>
    %add3A_62 = arith.addi %add3A_61, %iota3A : vector<16xi32>
    %add3A_63 = arith.constant 64 : i32
    %add3A_64 = vector.broadcast %add3A_63 : i32 to vector<16xi32>
    %add3A_65 = arith.addi %add3A_64, %iota3A : vector<16xi32>
    %add3A_66 = arith.constant 80 : i32
    %add3A_67 = vector.broadcast %add3A_66 : i32 to vector<16xi32>
    %add3A_68 = arith.addi %add3A_67, %iota3A : vector<16xi32>
    %add3A_69 = arith.constant 96 : i32
    %add3A_70 = vector.broadcast %add3A_69 : i32 to vector<16xi32>
    %add3A_71 = arith.addi %add3A_70, %iota3A : vector<16xi32>
    %add3A_72 = arith.constant 112 : i32
    %add3A_73 = vector.broadcast %add3A_72 : i32 to vector<16xi32>
    %add3A_74 = arith.addi %add3A_73, %iota3A : vector<16xi32>
    %mul3A_75 = arith.constant 128 : i32
    %mul3A_76 = arith.muli %select_n3A, %mul3A_75 : i32
    %dma_start3A = arith.constant 0 : i32
    %dma_start3A_77 = arith.constant 0 : i32
    %dma_start3A_78 = tpu.memref_slice %arg8[%dma_start3A, %dma_start3A_77] : memref<79x128xi32, #tpu.memory_space<vmem>> -> memref<1x128xi32, #tpu.memory_space<vmem>>
    %dma_start3A_79 = tpu.memref_squeeze %dma_start3A_78 : memref<1x128xi32, #tpu.memory_space<vmem>> -> memref<128xi32, #tpu.memory_space<vmem>>
    %dma_start3A_80 = arith.constant 0 : i32
    %dma_start3A_81 = arith.constant 0 : i32
    %dma_start3A_82 = tpu.memref_slice %arg2[%dma_start3A_80, %dma_start3A_81] : memref<10000x128xi32, #tpu.memory_space<hbm>> -> memref<10000x128xi32, #tpu.memory_space<hbm>>
    tpu.enqueue_indirect_dma source(%dma_start3A_82 : memref<10000x128xi32, #tpu.memory_space<hbm>>) target(%arg10 : memref<128x128xi32, #tpu.memory_space<vmem>>) offsets(%dma_start3A_79 : memref<128xi32, #tpu.memory_space<vmem>>) semaphore(%arg17 : memref<!tpu.dma_semaphore, #tpu.memory_space<semaphore_mem>>)
    %dma_start3A_83 = arith.constant 0 : i32
    %dma_start3A_84 = arith.constant 0 : i32
    %dma_start3A_85 = tpu.memref_slice %arg9[%dma_start3A_83, %dma_start3A_84] : memref<79x128xi32, #tpu.memory_space<vmem>> -> memref<1x128xi32, #tpu.memory_space<vmem>>
    %dma_start3A_86 = tpu.memref_squeeze %dma_start3A_85 : memref<1x128xi32, #tpu.memory_space<vmem>> -> memref<128xi32, #tpu.memory_space<vmem>>
    %dma_start3A_87 = arith.constant 0 : i32
    %dma_start3A_88 = arith.constant 0 : i32
    %dma_start3A_89 = tpu.memref_slice %arg3[%dma_start3A_87, %dma_start3A_88] : memref<10000x128xf32, #tpu.memory_space<hbm>> -> memref<10000x128xf32, #tpu.memory_space<hbm>>
    tpu.enqueue_indirect_dma source(%dma_start3A_89 : memref<10000x128xf32, #tpu.memory_space<hbm>>) target(%arg12 : memref<128x128xf32, #tpu.memory_space<vmem>>) offsets(%dma_start3A_86 : memref<128xi32, #tpu.memory_space<vmem>>) semaphore(%arg19 : memref<!tpu.dma_semaphore, #tpu.memory_space<semaphore_mem>>)
    %jit3A = arith.constant 2 : i32
    %div3A = arith.divsi %select_n3A_18, %jit3A : i32
    %sign3A = arith.constant 0 : i32
    %sign3A_90 = arith.cmpi sgt, %select_n3A_18, %sign3A : i32
    %sign3A_91 = arith.extui %sign3A_90 : i1 to i32
    %sign3A_92 = arith.constant 0 : i32
    %sign3A_93 = arith.cmpi slt, %select_n3A_18, %sign3A_92 : i32
    %sign3A_94 = arith.extui %sign3A_93 : i1 to i32
    %sign3A_95 = arith.subi %sign3A_91, %sign3A_94 : i32
    %sign3A_96 = arith.constant 0 : i32
    %sign3A_97 = arith.cmpi sgt, %jit3A, %sign3A_96 : i32
    %sign3A_98 = arith.extui %sign3A_97 : i1 to i32
    %sign3A_99 = arith.constant 0 : i32
    %sign3A_100 = arith.cmpi slt, %jit3A, %sign3A_99 : i32
    %sign3A_101 = arith.extui %sign3A_100 : i1 to i32
    %sign3A_102 = arith.subi %sign3A_98, %sign3A_101 : i32
    %ne3A = arith.cmpi ne, %sign3A_95, %sign3A_102 : i32
    %rem3A = arith.remsi %select_n3A_18, %jit3A : i32
    %ne3A_103 = arith.constant 0 : i32
    %ne3A_104 = arith.cmpi ne, %rem3A, %ne3A_103 : i32
    %and3A = arith.andi %ne3A, %ne3A_104 : i1
    %sub3A = arith.constant 1 : i32
    %sub3A_105 = arith.subi %div3A, %sub3A : i32
    %select_n3A_106 = arith.select %and3A, %sub3A_105, %div3A : i32
    %while3A = arith.constant 0 : i32
    %while3A_107 = arith.constant 0 : i32
    %while3A_108 = arith.subi %select_n3A_106, %while3A : i32
    %while3A_109 = arith.addi %while3A, %while3A_108 : i32
    %while3A_110 = arith.constant 1 : i32
    %while3A_111 = arith.divsi %while3A_108, %while3A_110 : i32
    %while3A_112 = arith.muli %while3A_111, %while3A_110 : i32
    %while3A_113 = arith.addi %while3A, %while3A_112 : i32
    %while3A_114 = arith.constant 1 : i32
    %while3A_115 = scf.for %while3A_130 = %while3A to %while3A_113 step %while3A_114 iter_args(%while3A_131 = %while3A_107) -> (i32)  : i32 {
      %mul3A_132 = arith.constant 2 : i32
      %mul3A_133 = arith.muli %mul3A_132, %while3A_130 : i32
      %add3A_134 = arith.constant 1 : i32
      %add3A_135 = arith.addi %mul3A_133, %add3A_134 : i32
      %dma_start3A_136 = arith.constant 0 : i32
      %dma_start3A_137 = tpu.memref_slice %arg8[%add3A_135, %dma_start3A_136] : memref<79x128xi32, #tpu.memory_space<vmem>> -> memref<1x128xi32, #tpu.memory_space<vmem>>
      %dma_start3A_138 = tpu.memref_squeeze %dma_start3A_137 : memref<1x128xi32, #tpu.memory_space<vmem>> -> memref<128xi32, #tpu.memory_space<vmem>>
      %dma_start3A_139 = arith.constant 0 : i32
      %dma_start3A_140 = arith.constant 0 : i32
      %dma_start3A_141 = tpu.memref_slice %arg2[%dma_start3A_139, %dma_start3A_140] : memref<10000x128xi32, #tpu.memory_space<hbm>> -> memref<10000x128xi32, #tpu.memory_space<hbm>>
      tpu.enqueue_indirect_dma source(%dma_start3A_141 : memref<10000x128xi32, #tpu.memory_space<hbm>>) target(%arg11 : memref<128x128xi32, #tpu.memory_space<vmem>>) offsets(%dma_start3A_138 : memref<128xi32, #tpu.memory_space<vmem>>) semaphore(%arg18 : memref<!tpu.dma_semaphore, #tpu.memory_space<semaphore_mem>>)
      %dma_start3A_142 = arith.constant 0 : i32
      %dma_start3A_143 = tpu.memref_slice %arg9[%add3A_135, %dma_start3A_142] : memref<79x128xi32, #tpu.memory_space<vmem>> -> memref<1x128xi32, #tpu.memory_space<vmem>>
      %dma_start3A_144 = tpu.memref_squeeze %dma_start3A_143 : memref<1x128xi32, #tpu.memory_space<vmem>> -> memref<128xi32, #tpu.memory_space<vmem>>
      %dma_start3A_145 = arith.constant 0 : i32
      %dma_start3A_146 = arith.constant 0 : i32
      %dma_start3A_147 = tpu.memref_slice %arg3[%dma_start3A_145, %dma_start3A_146] : memref<10000x128xf32, #tpu.memory_space<hbm>> -> memref<10000x128xf32, #tpu.memory_space<hbm>>
      tpu.enqueue_indirect_dma source(%dma_start3A_147 : memref<10000x128xf32, #tpu.memory_space<hbm>>) target(%arg13 : memref<128x128xf32, #tpu.memory_space<vmem>>) offsets(%dma_start3A_144 : memref<128xi32, #tpu.memory_space<vmem>>) semaphore(%arg20 : memref<!tpu.dma_semaphore, #tpu.memory_space<semaphore_mem>>)
      %dma_wait3A = arith.constant 0 : i32
      %dma_wait3A_148 = tpu.memref_slice %arg8[%mul3A_133, %dma_wait3A] : memref<79x128xi32, #tpu.memory_space<vmem>> -> memref<1x128xi32, #tpu.memory_space<vmem>>
      %dma_wait3A_149 = tpu.memref_squeeze %dma_wait3A_148 : memref<1x128xi32, #tpu.memory_space<vmem>> -> memref<128xi32, #tpu.memory_space<vmem>>
      %dma_wait3A_150 = arith.constant 0 : i32
      %dma_wait3A_151 = arith.constant 0 : i32
      %dma_wait3A_152 = tpu.memref_slice %arg2[%dma_wait3A_150, %dma_wait3A_151] : memref<10000x128xi32, #tpu.memory_space<hbm>> -> memref<10000x128xi32, #tpu.memory_space<hbm>>
      tpu.wait_indirect_dma semaphore(%arg17 : memref<!tpu.dma_semaphore, #tpu.memory_space<semaphore_mem>>) src(%dma_wait3A_152 : memref<10000x128xi32, #tpu.memory_space<hbm>>) dst(%arg10 : memref<128x128xi32, #tpu.memory_space<vmem>>)
      %dma_wait3A_153 = arith.constant 0 : i32
      %dma_wait3A_154 = tpu.memref_slice %arg9[%mul3A_133, %dma_wait3A_153] : memref<79x128xi32, #tpu.memory_space<vmem>> -> memref<1x128xi32, #tpu.memory_space<vmem>>
      %dma_wait3A_155 = tpu.memref_squeeze %dma_wait3A_154 : memref<1x128xi32, #tpu.memory_space<vmem>> -> memref<128xi32, #tpu.memory_space<vmem>>
      %dma_wait3A_156 = arith.constant 0 : i32
      %dma_wait3A_157 = arith.constant 0 : i32
      %dma_wait3A_158 = tpu.memref_slice %arg3[%dma_wait3A_156, %dma_wait3A_157] : memref<10000x128xf32, #tpu.memory_space<hbm>> -> memref<10000x128xf32, #tpu.memory_space<hbm>>
      tpu.wait_indirect_dma semaphore(%arg19 : memref<!tpu.dma_semaphore, #tpu.memory_space<semaphore_mem>>) src(%dma_wait3A_158 : memref<10000x128xf32, #tpu.memory_space<hbm>>) dst(%arg12 : memref<128x128xf32, #tpu.memory_space<vmem>>)
      %gt3A = arith.constant 0 : i32
      %gt3A_159 = arith.cmpi sgt, %while3A_130, %gt3A : i32
      %convert_element_type3A_160 = arith.extui %gt3A_159 : i1 to i32
      %cond3A_161 = arith.constant 0 : i32
      %cond3A_162 = arith.cmpi ne, %convert_element_type3A_160, %cond3A_161 : i32
      scf.if %cond3A_162 {
        %sub3A_773 = arith.constant 2 : i32
        %sub3A_774 = arith.subi %mul3A_133, %sub3A_773 : i32
        %mul3A_775 = arith.constant 128 : i32
        %mul3A_776 = arith.muli %sub3A_774, %mul3A_775 : i32
        %add3A_777 = arith.addi %mul3A_76, %mul3A_776 : i32
        %multiple_of3A_778 = tpu.assume_multiple %add3A_777, 128 : i32
        %dma_wait3A_779 = arith.constant 0 : i32
        %dma_wait3A_780 = tpu.memref_slice %arg7[%multiple_of3A_778, %dma_wait3A_779] : memref<320000x5xf32, #tpu.memory_space<hbm>> -> memref<128x5xf32, #tpu.memory_space<hbm>>
        %dma_wait3A_781 = arith.constant 0 : i32
        %dma_wait3A_782 = tpu.memref_slice %arg7[%multiple_of3A_778, %dma_wait3A_781] : memref<320000x5xf32, #tpu.memory_space<hbm>> -> memref<128x5xf32, #tpu.memory_space<hbm>>
        tpu.wait_dma2 semaphore(%arg21 : memref<!tpu.dma_semaphore, #tpu.memory_space<semaphore_mem>>) src(%arg15 : memref<128x5xf32, #tpu.memory_space<vmem>>) dst(%dma_wait3A_782 : memref<128x5xf32, #tpu.memory_space<hbm>>)
      } else {
      }
      %scan3A = arith.constant 0 : i32
      %scan3A_163 = arith.constant 64 : i32
      %scan3A_164 = arith.addi %scan3A, %scan3A_163 : i32
      %scan3A_165 = arith.constant 1 : i32
      %scan3A_166:16 = scf.for %scan3A_773 = %scan3A to %scan3A_164 step %scan3A_165 iter_args(%scan3A_774 = %broadcast_in_dim3A_50, %scan3A_775 = %broadcast_in_dim3A_50, %scan3A_776 = %broadcast_in_dim3A_50, %scan3A_777 = %broadcast_in_dim3A_50, %scan3A_778 = %broadcast_in_dim3A_50, %scan3A_779 = %broadcast_in_dim3A_50, %scan3A_780 = %broadcast_in_dim3A_50, %scan3A_781 = %broadcast_in_dim3A_50, %scan3A_782 = %broadcast_in_dim3A_50, %scan3A_783 = %broadcast_in_dim3A_50, %scan3A_784 = %broadcast_in_dim3A_50, %scan3A_785 = %broadcast_in_dim3A_50, %scan3A_786 = %broadcast_in_dim3A_50, %scan3A_787 = %broadcast_in_dim3A_50, %scan3A_788 = %broadcast_in_dim3A_50, %scan3A_789 = %broadcast_in_dim3A_50) -> (vector<16xf32>, vector<16xf32>, vector<16xf32>, vector<16xf32>, vector<16xf32>, vector<16xf32>, vector<16xf32>, vector<16xf32>, vector<16xf32>, vector<16xf32>, vector<16xf32>, vector<16xf32>, vector<16xf32>, vector<16xf32>, vector<16xf32>, vector<16xf32>)  : i32 {
        %add3A_790 = vector.broadcast %scan3A_773 : i32 to vector<16xi32>
        %add3A_791 = arith.addi %iota3A, %add3A_790 : vector<16xi32>
        %and3A_792 = arith.constant 63 : i32
        %and3A_793 = vector.broadcast %and3A_792 : i32 to vector<16xi32>
        %and3A_794 = arith.andi %add3A_791, %and3A_793 : vector<16xi32>
        %add3A_795 = arith.constant 64 : i32
        %add3A_796 = vector.broadcast %add3A_795 : i32 to vector<16xi32>
        %add3A_797 = arith.addi %and3A_794, %add3A_796 : vector<16xi32>
        %gather3A = tpu.vector_load_idx %arg10[%add3A_53, %and3A_794] : memref<128x128xi32, #tpu.memory_space<vmem>>[vector<16xi32>, vector<16xi32>], vector<16xi32>,
        %gather3A_798 = tpu.vector_load_idx %arg10[%add3A_53, %add3A_797] : memref<128x128xi32, #tpu.memory_space<vmem>>[vector<16xi32>, vector<16xi32>], vector<16xi32>,
        %gather3A_799 = tpu.vector_load_idx %arg12[%add3A_53, %and3A_794] : memref<128x128xf32, #tpu.memory_space<vmem>>[vector<16xi32>, vector<16xi32>], vector<16xf32>,
        %gather3A_800 = tpu.vector_load_idx %arg12[%add3A_53, %add3A_797] : memref<128x128xf32, #tpu.memory_space<vmem>>[vector<16xi32>, vector<16xi32>], vector<16xf32>,
        %bitcast3A = vector.bitcast %gather3A : vector<16xi32> to vector<32xbf16>
        %unpack3A = tpu.unpack_subelements %bitcast3A, 0 {pack_format = #tpu.pack_format<interleaved>} : vector<32xbf16> -> vector<16xf32>
        %unpack3A_801 = tpu.unpack_subelements %bitcast3A, 1 {pack_format = #tpu.pack_format<interleaved>} : vector<32xbf16> -> vector<16xf32>
        %bitcast3A_802 = vector.bitcast %gather3A_798 : vector<16xi32> to vector<32xbf16>
        %unpack3A_803 = tpu.unpack_subelements %bitcast3A_802, 0 {pack_format = #tpu.pack_format<interleaved>} : vector<32xbf16> -> vector<16xf32>
        %unpack3A_804 = tpu.unpack_subelements %bitcast3A_802, 1 {pack_format = #tpu.pack_format<interleaved>} : vector<32xbf16> -> vector<16xf32>
        %mul3A_805 = arith.mulf %unpack3A, %gather3A_799 : vector<16xf32>
        %add3A_806 = arith.addf %scan3A_774, %mul3A_805 : vector<16xf32>
        %mul3A_807 = arith.mulf %unpack3A_801, %gather3A_800 : vector<16xf32>
        %add3A_808 = arith.addf %add3A_806, %mul3A_807 : vector<16xf32>
        %mul3A_809 = arith.mulf %unpack3A_803, %gather3A_799 : vector<16xf32>
        %add3A_810 = arith.addf %scan3A_775, %mul3A_809 : vector<16xf32>
        %mul3A_811 = arith.mulf %unpack3A_804, %gather3A_800 : vector<16xf32>
        %add3A_812 = arith.addf %add3A_810, %mul3A_811 : vector<16xf32>
        %gather3A_813 = tpu.vector_load_idx %arg10[%add3A_56, %and3A_794] : memref<128x128xi32, #tpu.memory_space<vmem>>[vector<16xi32>, vector<16xi32>], vector<16xi32>,
        %gather3A_814 = tpu.vector_load_idx %arg10[%add3A_56, %add3A_797] : memref<128x128xi32, #tpu.memory_space<vmem>>[vector<16xi32>, vector<16xi32>], vector<16xi32>,
        %gather3A_815 = tpu.vector_load_idx %arg12[%add3A_56, %and3A_794] : memref<128x128xf32, #tpu.memory_space<vmem>>[vector<16xi32>, vector<16xi32>], vector<16xf32>,
        %gather3A_816 = tpu.vector_load_idx %arg12[%add3A_56, %add3A_797] : memref<128x128xf32, #tpu.memory_space<vmem>>[vector<16xi32>, vector<16xi32>], vector<16xf32>,
        %bitcast3A_817 = vector.bitcast %gather3A_813 : vector<16xi32> to vector<32xbf16>
        %unpack3A_818 = tpu.unpack_subelements %bitcast3A_817, 0 {pack_format = #tpu.pack_format<interleaved>} : vector<32xbf16> -> vector<16xf32>
        %unpack3A_819 = tpu.unpack_subelements %bitcast3A_817, 1 {pack_format = #tpu.pack_format<interleaved>} : vector<32xbf16> -> vector<16xf32>
        %bitcast3A_820 = vector.bitcast %gather3A_814 : vector<16xi32> to vector<32xbf16>
        %unpack3A_821 = tpu.unpack_subelements %bitcast3A_820, 0 {pack_format = #tpu.pack_format<interleaved>} : vector<32xbf16> -> vector<16xf32>
        %unpack3A_822 = tpu.unpack_subelements %bitcast3A_820, 1 {pack_format = #tpu.pack_format<interleaved>} : vector<32xbf16> -> vector<16xf32>
        %mul3A_823 = arith.mulf %unpack3A_818, %gather3A_815 : vector<16xf32>
        %add3A_824 = arith.addf %scan3A_776, %mul3A_823 : vector<16xf32>
        %mul3A_825 = arith.mulf %unpack3A_819, %gather3A_816 : vector<16xf32>
        %add3A_826 = arith.addf %add3A_824, %mul3A_825 : vector<16xf32>
        %mul3A_827 = arith.mulf %unpack3A_821, %gather3A_815 : vector<16xf32>
        %add3A_828 = arith.addf %scan3A_777, %mul3A_827 : vector<16xf32>
        %mul3A_829 = arith.mulf %unpack3A_822, %gather3A_816 : vector<16xf32>
        %add3A_830 = arith.addf %add3A_828, %mul3A_829 : vector<16xf32>
        %gather3A_831 = tpu.vector_load_idx %arg10[%add3A_59, %and3A_794] : memref<128x128xi32, #tpu.memory_space<vmem>>[vector<16xi32>, vector<16xi32>], vector<16xi32>,
        %gather3A_832 = tpu.vector_load_idx %arg10[%add3A_59, %add3A_797] : memref<128x128xi32, #tpu.memory_space<vmem>>[vector<16xi32>, vector<16xi32>], vector<16xi32>,
        %gather3A_833 = tpu.vector_load_idx %arg12[%add3A_59, %and3A_794] : memref<128x128xf32, #tpu.memory_space<vmem>>[vector<16xi32>, vector<16xi32>], vector<16xf32>,
        %gather3A_834 = tpu.vector_load_idx %arg12[%add3A_59, %add3A_797] : memref<128x128xf32, #tpu.memory_space<vmem>>[vector<16xi32>, vector<16xi32>], vector<16xf32>,
        %bitcast3A_835 = vector.bitcast %gather3A_831 : vector<16xi32> to vector<32xbf16>
        %unpack3A_836 = tpu.unpack_subelements %bitcast3A_835, 0 {pack_format = #tpu.pack_format<interleaved>} : vector<32xbf16> -> vector<16xf32>
        %unpack3A_837 = tpu.unpack_subelements %bitcast3A_835, 1 {pack_format = #tpu.pack_format<interleaved>} : vector<32xbf16> -> vector<16xf32>
        %bitcast3A_838 = vector.bitcast %gather3A_832 : vector<16xi32> to vector<32xbf16>
        %unpack3A_839 = tpu.unpack_subelements %bitcast3A_838, 0 {pack_format = #tpu.pack_format<interleaved>} : vector<32xbf16> -> vector<16xf32>
        %unpack3A_840 = tpu.unpack_subelements %bitcast3A_838, 1 {pack_format = #tpu.pack_format<interleaved>} : vector<32xbf16> -> vector<16xf32>
        %mul3A_841 = arith.mulf %unpack3A_836, %gather3A_833 : vector<16xf32>
        %add3A_842 = arith.addf %scan3A_778, %mul3A_841 : vector<16xf32>
        %mul3A_843 = arith.mulf %unpack3A_837, %gather3A_834 : vector<16xf32>
        %add3A_844 = arith.addf %add3A_842, %mul3A_843 : vector<16xf32>
        %mul3A_845 = arith.mulf %unpack3A_839, %gather3A_833 : vector<16xf32>
        %add3A_846 = arith.addf %scan3A_779, %mul3A_845 : vector<16xf32>
        %mul3A_847 = arith.mulf %unpack3A_840, %gather3A_834 : vector<16xf32>
        %add3A_848 = arith.addf %add3A_846, %mul3A_847 : vector<16xf32>
        %gather3A_849 = tpu.vector_load_idx %arg10[%add3A_62, %and3A_794] : memref<128x128xi32, #tpu.memory_space<vmem>>[vector<16xi32>, vector<16xi32>], vector<16xi32>,
        %gather3A_850 = tpu.vector_load_idx %arg10[%add3A_62, %add3A_797] : memref<128x128xi32, #tpu.memory_space<vmem>>[vector<16xi32>, vector<16xi32>], vector<16xi32>,
        %gather3A_851 = tpu.vector_load_idx %arg12[%add3A_62, %and3A_794] : memref<128x128xf32, #tpu.memory_space<vmem>>[vector<16xi32>, vector<16xi32>], vector<16xf32>,
        %gather3A_852 = tpu.vector_load_idx %arg12[%add3A_62, %add3A_797] : memref<128x128xf32, #tpu.memory_space<vmem>>[vector<16xi32>, vector<16xi32>], vector<16xf32>,
        %bitcast3A_853 = vector.bitcast %gather3A_849 : vector<16xi32> to vector<32xbf16>
        %unpack3A_854 = tpu.unpack_subelements %bitcast3A_853, 0 {pack_format = #tpu.pack_format<interleaved>} : vector<32xbf16> -> vector<16xf32>
        %unpack3A_855 = tpu.unpack_subelements %bitcast3A_853, 1 {pack_format = #tpu.pack_format<interleaved>} : vector<32xbf16> -> vector<16xf32>
        %bitcast3A_856 = vector.bitcast %gather3A_850 : vector<16xi32> to vector<32xbf16>
        %unpack3A_857 = tpu.unpack_subelements %bitcast3A_856, 0 {pack_format = #tpu.pack_format<interleaved>} : vector<32xbf16> -> vector<16xf32>
        %unpack3A_858 = tpu.unpack_subelements %bitcast3A_856, 1 {pack_format = #tpu.pack_format<interleaved>} : vector<32xbf16> -> vector<16xf32>
        %mul3A_859 = arith.mulf %unpack3A_854, %gather3A_851 : vector<16xf32>
        %add3A_860 = arith.addf %scan3A_780, %mul3A_859 : vector<16xf32>
        %mul3A_861 = arith.mulf %unpack3A_855, %gather3A_852 : vector<16xf32>
        %add3A_862 = arith.addf %add3A_860, %mul3A_861 : vector<16xf32>
        %mul3A_863 = arith.mulf %unpack3A_857, %gather3A_851 : vector<16xf32>
        %add3A_864 = arith.addf %scan3A_781, %mul3A_863 : vector<16xf32>
        %mul3A_865 = arith.mulf %unpack3A_858, %gather3A_852 : vector<16xf32>
        %add3A_866 = arith.addf %add3A_864, %mul3A_865 : vector<16xf32>
        %gather3A_867 = tpu.vector_load_idx %arg10[%add3A_65, %and3A_794] : memref<128x128xi32, #tpu.memory_space<vmem>>[vector<16xi32>, vector<16xi32>], vector<16xi32>,
        %gather3A_868 = tpu.vector_load_idx %arg10[%add3A_65, %add3A_797] : memref<128x128xi32, #tpu.memory_space<vmem>>[vector<16xi32>, vector<16xi32>], vector<16xi32>,
        %gather3A_869 = tpu.vector_load_idx %arg12[%add3A_65, %and3A_794] : memref<128x128xf32, #tpu.memory_space<vmem>>[vector<16xi32>, vector<16xi32>], vector<16xf32>,
        %gather3A_870 = tpu.vector_load_idx %arg12[%add3A_65, %add3A_797] : memref<128x128xf32, #tpu.memory_space<vmem>>[vector<16xi32>, vector<16xi32>], vector<16xf32>,
        %bitcast3A_871 = vector.bitcast %gather3A_867 : vector<16xi32> to vector<32xbf16>
        %unpack3A_872 = tpu.unpack_subelements %bitcast3A_871, 0 {pack_format = #tpu.pack_format<interleaved>} : vector<32xbf16> -> vector<16xf32>
        %unpack3A_873 = tpu.unpack_subelements %bitcast3A_871, 1 {pack_format = #tpu.pack_format<interleaved>} : vector<32xbf16> -> vector<16xf32>
        %bitcast3A_874 = vector.bitcast %gather3A_868 : vector<16xi32> to vector<32xbf16>
        %unpack3A_875 = tpu.unpack_subelements %bitcast3A_874, 0 {pack_format = #tpu.pack_format<interleaved>} : vector<32xbf16> -> vector<16xf32>
        %unpack3A_876 = tpu.unpack_subelements %bitcast3A_874, 1 {pack_format = #tpu.pack_format<interleaved>} : vector<32xbf16> -> vector<16xf32>
        %mul3A_877 = arith.mulf %unpack3A_872, %gather3A_869 : vector<16xf32>
        %add3A_878 = arith.addf %scan3A_782, %mul3A_877 : vector<16xf32>
        %mul3A_879 = arith.mulf %unpack3A_873, %gather3A_870 : vector<16xf32>
        %add3A_880 = arith.addf %add3A_878, %mul3A_879 : vector<16xf32>
        %mul3A_881 = arith.mulf %unpack3A_875, %gather3A_869 : vector<16xf32>
        %add3A_882 = arith.addf %scan3A_783, %mul3A_881 : vector<16xf32>
        %mul3A_883 = arith.mulf %unpack3A_876, %gather3A_870 : vector<16xf32>
        %add3A_884 = arith.addf %add3A_882, %mul3A_883 : vector<16xf32>
        %gather3A_885 = tpu.vector_load_idx %arg10[%add3A_68, %and3A_794] : memref<128x128xi32, #tpu.memory_space<vmem>>[vector<16xi32>, vector<16xi32>], vector<16xi32>,
        %gather3A_886 = tpu.vector_load_idx %arg10[%add3A_68, %add3A_797] : memref<128x128xi32, #tpu.memory_space<vmem>>[vector<16xi32>, vector<16xi32>], vector<16xi32>,
        %gather3A_887 = tpu.vector_load_idx %arg12[%add3A_68, %and3A_794] : memref<128x128xf32, #tpu.memory_space<vmem>>[vector<16xi32>, vector<16xi32>], vector<16xf32>,
        %gather3A_888 = tpu.vector_load_idx %arg12[%add3A_68, %add3A_797] : memref<128x128xf32, #tpu.memory_space<vmem>>[vector<16xi32>, vector<16xi32>], vector<16xf32>,
        %bitcast3A_889 = vector.bitcast %gather3A_885 : vector<16xi32> to vector<32xbf16>
        %unpack3A_890 = tpu.unpack_subelements %bitcast3A_889, 0 {pack_format = #tpu.pack_format<interleaved>} : vector<32xbf16> -> vector<16xf32>
        %unpack3A_891 = tpu.unpack_subelements %bitcast3A_889, 1 {pack_format = #tpu.pack_format<interleaved>} : vector<32xbf16> -> vector<16xf32>
        %bitcast3A_892 = vector.bitcast %gather3A_886 : vector<16xi32> to vector<32xbf16>
        %unpack3A_893 = tpu.unpack_subelements %bitcast3A_892, 0 {pack_format = #tpu.pack_format<interleaved>} : vector<32xbf16> -> vector<16xf32>
        %unpack3A_894 = tpu.unpack_subelements %bitcast3A_892, 1 {pack_format = #tpu.pack_format<interleaved>} : vector<32xbf16> -> vector<16xf32>
        %mul3A_895 = arith.mulf %unpack3A_890, %gather3A_887 : vector<16xf32>
        %add3A_896 = arith.addf %scan3A_784, %mul3A_895 : vector<16xf32>
        %mul3A_897 = arith.mulf %unpack3A_891, %gather3A_888 : vector<16xf32>
        %add3A_898 = arith.addf %add3A_896, %mul3A_897 : vector<16xf32>
        %mul3A_899 = arith.mulf %unpack3A_893, %gather3A_887 : vector<16xf32>
        %add3A_900 = arith.addf %scan3A_785, %mul3A_899 : vector<16xf32>
        %mul3A_901 = arith.mulf %unpack3A_894, %gather3A_888 : vector<16xf32>
        %add3A_902 = arith.addf %add3A_900, %mul3A_901 : vector<16xf32>
        %gather3A_903 = tpu.vector_load_idx %arg10[%add3A_71, %and3A_794] : memref<128x128xi32, #tpu.memory_space<vmem>>[vector<16xi32>, vector<16xi32>], vector<16xi32>,
        %gather3A_904 = tpu.vector_load_idx %arg10[%add3A_71, %add3A_797] : memref<128x128xi32, #tpu.memory_space<vmem>>[vector<16xi32>, vector<16xi32>], vector<16xi32>,
        %gather3A_905 = tpu.vector_load_idx %arg12[%add3A_71, %and3A_794] : memref<128x128xf32, #tpu.memory_space<vmem>>[vector<16xi32>, vector<16xi32>], vector<16xf32>,
        %gather3A_906 = tpu.vector_load_idx %arg12[%add3A_71, %add3A_797] : memref<128x128xf32, #tpu.memory_space<vmem>>[vector<16xi32>, vector<16xi32>], vector<16xf32>,
        %bitcast3A_907 = vector.bitcast %gather3A_903 : vector<16xi32> to vector<32xbf16>
        %unpack3A_908 = tpu.unpack_subelements %bitcast3A_907, 0 {pack_format = #tpu.pack_format<interleaved>} : vector<32xbf16> -> vector<16xf32>
        %unpack3A_909 = tpu.unpack_subelements %bitcast3A_907, 1 {pack_format = #tpu.pack_format<interleaved>} : vector<32xbf16> -> vector<16xf32>
        %bitcast3A_910 = vector.bitcast %gather3A_904 : vector<16xi32> to vector<32xbf16>
        %unpack3A_911 = tpu.unpack_subelements %bitcast3A_910, 0 {pack_format = #tpu.pack_format<interleaved>} : vector<32xbf16> -> vector<16xf32>
        %unpack3A_912 = tpu.unpack_subelements %bitcast3A_910, 1 {pack_format = #tpu.pack_format<interleaved>} : vector<32xbf16> -> vector<16xf32>
        %mul3A_913 = arith.mulf %unpack3A_908, %gather3A_905 : vector<16xf32>
        %add3A_914 = arith.addf %scan3A_786, %mul3A_913 : vector<16xf32>
        %mul3A_915 = arith.mulf %unpack3A_909, %gather3A_906 : vector<16xf32>
        %add3A_916 = arith.addf %add3A_914, %mul3A_915 : vector<16xf32>
        %mul3A_917 = arith.mulf %unpack3A_911, %gather3A_905 : vector<16xf32>
        %add3A_918 = arith.addf %scan3A_787, %mul3A_917 : vector<16xf32>
        %mul3A_919 = arith.mulf %unpack3A_912, %gather3A_906 : vector<16xf32>
        %add3A_920 = arith.addf %add3A_918, %mul3A_919 : vector<16xf32>
        %gather3A_921 = tpu.vector_load_idx %arg10[%add3A_74, %and3A_794] : memref<128x128xi32, #tpu.memory_space<vmem>>[vector<16xi32>, vector<16xi32>], vector<16xi32>,
        %gather3A_922 = tpu.vector_load_idx %arg10[%add3A_74, %add3A_797] : memref<128x128xi32, #tpu.memory_space<vmem>>[vector<16xi32>, vector<16xi32>], vector<16xi32>,
        %gather3A_923 = tpu.vector_load_idx %arg12[%add3A_74, %and3A_794] : memref<128x128xf32, #tpu.memory_space<vmem>>[vector<16xi32>, vector<16xi32>], vector<16xf32>,
        %gather3A_924 = tpu.vector_load_idx %arg12[%add3A_74, %add3A_797] : memref<128x128xf32, #tpu.memory_space<vmem>>[vector<16xi32>, vector<16xi32>], vector<16xf32>,
        %bitcast3A_925 = vector.bitcast %gather3A_921 : vector<16xi32> to vector<32xbf16>
        %unpack3A_926 = tpu.unpack_subelements %bitcast3A_925, 0 {pack_format = #tpu.pack_format<interleaved>} : vector<32xbf16> -> vector<16xf32>
        %unpack3A_927 = tpu.unpack_subelements %bitcast3A_925, 1 {pack_format = #tpu.pack_format<interleaved>} : vector<32xbf16> -> vector<16xf32>
        %bitcast3A_928 = vector.bitcast %gather3A_922 : vector<16xi32> to vector<32xbf16>
        %unpack3A_929 = tpu.unpack_subelements %bitcast3A_928, 0 {pack_format = #tpu.pack_format<interleaved>} : vector<32xbf16> -> vector<16xf32>
        %unpack3A_930 = tpu.unpack_subelements %bitcast3A_928, 1 {pack_format = #tpu.pack_format<interleaved>} : vector<32xbf16> -> vector<16xf32>
        %mul3A_931 = arith.mulf %unpack3A_926, %gather3A_923 : vector<16xf32>
        %add3A_932 = arith.addf %scan3A_788, %mul3A_931 : vector<16xf32>
        %mul3A_933 = arith.mulf %unpack3A_927, %gather3A_924 : vector<16xf32>
        %add3A_934 = arith.addf %add3A_932, %mul3A_933 : vector<16xf32>
        %mul3A_935 = arith.mulf %unpack3A_929, %gather3A_923 : vector<16xf32>
        %add3A_936 = arith.addf %scan3A_789, %mul3A_935 : vector<16xf32>
        %mul3A_937 = arith.mulf %unpack3A_930, %gather3A_924 : vector<16xf32>
        %add3A_938 = arith.addf %add3A_936, %mul3A_937 : vector<16xf32>
        scf.yield %add3A_808, %add3A_812, %add3A_826, %add3A_830, %add3A_844, %add3A_848, %add3A_862, %add3A_866, %add3A_880, %add3A_884, %add3A_898, %add3A_902, %add3A_916, %add3A_920, %add3A_934, %add3A_938 : vector<16xf32>, vector<16xf32>, vector<16xf32>, vector<16xf32>, vector<16xf32>, vector<16xf32>, vector<16xf32>, vector<16xf32>, vector<16xf32>, vector<16xf32>, vector<16xf32>, vector<16xf32>, vector<16xf32>, vector<16xf32>, vector<16xf32>, vector<16xf32>
      }
      %scan3A_167 = arith.constant 64 : i32
      %mul3A_168 = vector.broadcast %squeeze3A : f32 to vector<16xf32>
      %mul3A_169 = arith.mulf %mul3A_168, %scan3A_166#0 : vector<16xf32>
      %mul3A_170 = vector.broadcast %squeeze3A_41 : f32 to vector<16xf32>
      %mul3A_171 = arith.mulf %mul3A_170, %scan3A_166#1 : vector<16xf32>
      %add3A_172 = arith.addf %mul3A_169, %mul3A_171 : vector<16xf32>
      %broadcast_in_dim3A_173 = arith.constant 0 : i32
      %broadcast_in_dim3A_174 = vector.broadcast %broadcast_in_dim3A_173 : i32 to vector<16xi32>
      tpu.vector_store_idx %arg15[%add3A_53, %broadcast_in_dim3A_174], %add3A_172 : memref<128x5xf32, #tpu.memory_space<vmem>>[vector<16xi32>, vector<16xi32>], vector<16xf32>,
      %mul3A_175 = vector.broadcast %squeeze3A_33 : f32 to vector<16xf32>
      %mul3A_176 = arith.mulf %mul3A_175, %scan3A_166#0 : vector<16xf32>
      %mul3A_177 = vector.broadcast %squeeze3A_43 : f32 to vector<16xf32>
      %mul3A_178 = arith.mulf %mul3A_177, %scan3A_166#1 : vector<16xf32>
      %add3A_179 = arith.addf %mul3A_176, %mul3A_178 : vector<16xf32>
      %broadcast_in_dim3A_180 = arith.constant 1 : i32
      %broadcast_in_dim3A_181 = vector.broadcast %broadcast_in_dim3A_180 : i32 to vector<16xi32>
      tpu.vector_store_idx %arg15[%add3A_53, %broadcast_in_dim3A_181], %add3A_179 : memref<128x5xf32, #tpu.memory_space<vmem>>[vector<16xi32>, vector<16xi32>], vector<16xf32>,
      %mul3A_182 = vector.broadcast %squeeze3A_35 : f32 to vector<16xf32>
      %mul3A_183 = arith.mulf %mul3A_182, %scan3A_166#0 : vector<16xf32>
      %mul3A_184 = vector.broadcast %squeeze3A_45 : f32 to vector<16xf32>
      %mul3A_185 = arith.mulf %mul3A_184, %scan3A_166#1 : vector<16xf32>
      %add3A_186 = arith.addf %mul3A_183, %mul3A_185 : vector<16xf32>
      %broadcast_in_dim3A_187 = arith.constant 2 : i32
      %broadcast_in_dim3A_188 = vector.broadcast %broadcast_in_dim3A_187 : i32 to vector<16xi32>
      tpu.vector_store_idx %arg15[%add3A_53, %broadcast_in_dim3A_188], %add3A_186 : memref<128x5xf32, #tpu.memory_space<vmem>>[vector<16xi32>, vector<16xi32>], vector<16xf32>,
      %mul3A_189 = vector.broadcast %squeeze3A_37 : f32 to vector<16xf32>
      %mul3A_190 = arith.mulf %mul3A_189, %scan3A_166#0 : vector<16xf32>
      %mul3A_191 = vector.broadcast %squeeze3A_47 : f32 to vector<16xf32>
      %mul3A_192 = arith.mulf %mul3A_191, %scan3A_166#1 : vector<16xf32>
      %add3A_193 = arith.addf %mul3A_190, %mul3A_192 : vector<16xf32>
      %broadcast_in_dim3A_194 = arith.constant 3 : i32
      %broadcast_in_dim3A_195 = vector.broadcast %broadcast_in_dim3A_194 : i32 to vector<16xi32>
      tpu.vector_store_idx %arg15[%add3A_53, %broadcast_in_dim3A_195], %add3A_193 : memref<128x5xf32, #tpu.memory_space<vmem>>[vector<16xi32>, vector<16xi32>], vector<16xf32>,
      %mul3A_196 = vector.broadcast %squeeze3A_39 : f32 to vector<16xf32>
      %mul3A_197 = arith.mulf %mul3A_196, %scan3A_166#0 : vector<16xf32>
      %mul3A_198 = vector.broadcast %squeeze3A_49 : f32 to vector<16xf32>
      %mul3A_199 = arith.mulf %mul3A_198, %scan3A_166#1 : vector<16xf32>
      %add3A_200 = arith.addf %mul3A_197, %mul3A_199 : vector<16xf32>
      %broadcast_in_dim3A_201 = arith.constant 4 : i32
      %broadcast_in_dim3A_202 = vector.broadcast %broadcast_in_dim3A_201 : i32 to vector<16xi32>
      tpu.vector_store_idx %arg15[%add3A_53, %broadcast_in_dim3A_202], %add3A_200 : memref<128x5xf32, #tpu.memory_space<vmem>>[vector<16xi32>, vector<16xi32>], vector<16xf32>,
      %mul3A_203 = vector.broadcast %squeeze3A : f32 to vector<16xf32>
      %mul3A_204 = arith.mulf %mul3A_203, %scan3A_166#2 : vector<16xf32>
      %mul3A_205 = vector.broadcast %squeeze3A_41 : f32 to vector<16xf32>
      %mul3A_206 = arith.mulf %mul3A_205, %scan3A_166#3 : vector<16xf32>
      %add3A_207 = arith.addf %mul3A_204, %mul3A_206 : vector<16xf32>
      %broadcast_in_dim3A_208 = arith.constant 0 : i32
      %broadcast_in_dim3A_209 = vector.broadcast %broadcast_in_dim3A_208 : i32 to vector<16xi32>
      tpu.vector_store_idx %arg15[%add3A_56, %broadcast_in_dim3A_209], %add3A_207 : memref<128x5xf32, #tpu.memory_space<vmem>>[vector<16xi32>, vector<16xi32>], vector<16xf32>,
      %mul3A_210 = vector.broadcast %squeeze3A_33 : f32 to vector<16xf32>
      %mul3A_211 = arith.mulf %mul3A_210, %scan3A_166#2 : vector<16xf32>
      %mul3A_212 = vector.broadcast %squeeze3A_43 : f32 to vector<16xf32>
      %mul3A_213 = arith.mulf %mul3A_212, %scan3A_166#3 : vector<16xf32>
      %add3A_214 = arith.addf %mul3A_211, %mul3A_213 : vector<16xf32>
      %broadcast_in_dim3A_215 = arith.constant 1 : i32
      %broadcast_in_dim3A_216 = vector.broadcast %broadcast_in_dim3A_215 : i32 to vector<16xi32>
      tpu.vector_store_idx %arg15[%add3A_56, %broadcast_in_dim3A_216], %add3A_214 : memref<128x5xf32, #tpu.memory_space<vmem>>[vector<16xi32>, vector<16xi32>], vector<16xf32>,
      %mul3A_217 = vector.broadcast %squeeze3A_35 : f32 to vector<16xf32>
      %mul3A_218 = arith.mulf %mul3A_217, %scan3A_166#2 : vector<16xf32>
      %mul3A_219 = vector.broadcast %squeeze3A_45 : f32 to vector<16xf32>
      %mul3A_220 = arith.mulf %mul3A_219, %scan3A_166#3 : vector<16xf32>
      %add3A_221 = arith.addf %mul3A_218, %mul3A_220 : vector<16xf32>
      %broadcast_in_dim3A_222 = arith.constant 2 : i32
      %broadcast_in_dim3A_223 = vector.broadcast %broadcast_in_dim3A_222 : i32 to vector<16xi32>
      tpu.vector_store_idx %arg15[%add3A_56, %broadcast_in_dim3A_223], %add3A_221 : memref<128x5xf32, #tpu.memory_space<vmem>>[vector<16xi32>, vector<16xi32>], vector<16xf32>,
      %mul3A_224 = vector.broadcast %squeeze3A_37 : f32 to vector<16xf32>
      %mul3A_225 = arith.mulf %mul3A_224, %scan3A_166#2 : vector<16xf32>
      %mul3A_226 = vector.broadcast %squeeze3A_47 : f32 to vector<16xf32>
      %mul3A_227 = arith.mulf %mul3A_226, %scan3A_166#3 : vector<16xf32>
      %add3A_228 = arith.addf %mul3A_225, %mul3A_227 : vector<16xf32>
      %broadcast_in_dim3A_229 = arith.constant 3 : i32
      %broadcast_in_dim3A_230 = vector.broadcast %broadcast_in_dim3A_229 : i32 to vector<16xi32>
      tpu.vector_store_idx %arg15[%add3A_56, %broadcast_in_dim3A_230], %add3A_228 : memref<128x5xf32, #tpu.memory_space<vmem>>[vector<16xi32>, vector<16xi32>], vector<16xf32>,
      %mul3A_231 = vector.broadcast %squeeze3A_39 : f32 to vector<16xf32>
      %mul3A_232 = arith.mulf %mul3A_231, %scan3A_166#2 : vector<16xf32>
      %mul3A_233 = vector.broadcast %squeeze3A_49 : f32 to vector<16xf32>
      %mul3A_234 = arith.mulf %mul3A_233, %scan3A_166#3 : vector<16xf32>
      %add3A_235 = arith.addf %mul3A_232, %mul3A_234 : vector<16xf32>
      %broadcast_in_dim3A_236 = arith.constant 4 : i32
      %broadcast_in_dim3A_237 = vector.broadcast %broadcast_in_dim3A_236 : i32 to vector<16xi32>
      tpu.vector_store_idx %arg15[%add3A_56, %broadcast_in_dim3A_237], %add3A_235 : memref<128x5xf32, #tpu.memory_space<vmem>>[vector<16xi32>, vector<16xi32>], vector<16xf32>,
      %mul3A_238 = vector.broadcast %squeeze3A : f32 to vector<16xf32>
      %mul3A_239 = arith.mulf %mul3A_238, %scan3A_166#4 : vector<16xf32>
      %mul3A_240 = vector.broadcast %squeeze3A_41 : f32 to vector<16xf32>
      %mul3A_241 = arith.mulf %mul3A_240, %scan3A_166#5 : vector<16xf32>
      %add3A_242 = arith.addf %mul3A_239, %mul3A_241 : vector<16xf32>
      %broadcast_in_dim3A_243 = arith.constant 0 : i32
      %broadcast_in_dim3A_244 = vector.broadcast %broadcast_in_dim3A_243 : i32 to vector<16xi32>
      tpu.vector_store_idx %arg15[%add3A_59, %broadcast_in_dim3A_244], %add3A_242 : memref<128x5xf32, #tpu.memory_space<vmem>>[vector<16xi32>, vector<16xi32>], vector<16xf32>,
      %mul3A_245 = vector.broadcast %squeeze3A_33 : f32 to vector<16xf32>
      %mul3A_246 = arith.mulf %mul3A_245, %scan3A_166#4 : vector<16xf32>
      %mul3A_247 = vector.broadcast %squeeze3A_43 : f32 to vector<16xf32>
      %mul3A_248 = arith.mulf %mul3A_247, %scan3A_166#5 : vector<16xf32>
      %add3A_249 = arith.addf %mul3A_246, %mul3A_248 : vector<16xf32>
      %broadcast_in_dim3A_250 = arith.constant 1 : i32
      %broadcast_in_dim3A_251 = vector.broadcast %broadcast_in_dim3A_250 : i32 to vector<16xi32>
      tpu.vector_store_idx %arg15[%add3A_59, %broadcast_in_dim3A_251], %add3A_249 : memref<128x5xf32, #tpu.memory_space<vmem>>[vector<16xi32>, vector<16xi32>], vector<16xf32>,
      %mul3A_252 = vector.broadcast %squeeze3A_35 : f32 to vector<16xf32>
      %mul3A_253 = arith.mulf %mul3A_252, %scan3A_166#4 : vector<16xf32>
      %mul3A_254 = vector.broadcast %squeeze3A_45 : f32 to vector<16xf32>
      %mul3A_255 = arith.mulf %mul3A_254, %scan3A_166#5 : vector<16xf32>
      %add3A_256 = arith.addf %mul3A_253, %mul3A_255 : vector<16xf32>
      %broadcast_in_dim3A_257 = arith.constant 2 : i32
      %broadcast_in_dim3A_258 = vector.broadcast %broadcast_in_dim3A_257 : i32 to vector<16xi32>
      tpu.vector_store_idx %arg15[%add3A_59, %broadcast_in_dim3A_258], %add3A_256 : memref<128x5xf32, #tpu.memory_space<vmem>>[vector<16xi32>, vector<16xi32>], vector<16xf32>,
      %mul3A_259 = vector.broadcast %squeeze3A_37 : f32 to vector<16xf32>
      %mul3A_260 = arith.mulf %mul3A_259, %scan3A_166#4 : vector<16xf32>
      %mul3A_261 = vector.broadcast %squeeze3A_47 : f32 to vector<16xf32>
      %mul3A_262 = arith.mulf %mul3A_261, %scan3A_166#5 : vector<16xf32>
      %add3A_263 = arith.addf %mul3A_260, %mul3A_262 : vector<16xf32>
      %broadcast_in_dim3A_264 = arith.constant 3 : i32
      %broadcast_in_dim3A_265 = vector.broadcast %broadcast_in_dim3A_264 : i32 to vector<16xi32>
      tpu.vector_store_idx %arg15[%add3A_59, %broadcast_in_dim3A_265], %add3A_263 : memref<128x5xf32, #tpu.memory_space<vmem>>[vector<16xi32>, vector<16xi32>], vector<16xf32>,
      %mul3A_266 = vector.broadcast %squeeze3A_39 : f32 to vector<16xf32>
      %mul3A_267 = arith.mulf %mul3A_266, %scan3A_166#4 : vector<16xf32>
      %mul3A_268 = vector.broadcast %squeeze3A_49 : f32 to vector<16xf32>
      %mul3A_269 = arith.mulf %mul3A_268, %scan3A_166#5 : vector<16xf32>
      %add3A_270 = arith.addf %mul3A_267, %mul3A_269 : vector<16xf32>
      %broadcast_in_dim3A_271 = arith.constant 4 : i32
      %broadcast_in_dim3A_272 = vector.broadcast %broadcast_in_dim3A_271 : i32 to vector<16xi32>
      tpu.vector_store_idx %arg15[%add3A_59, %broadcast_in_dim3A_272], %add3A_270 : memref<128x5xf32, #tpu.memory_space<vmem>>[vector<16xi32>, vector<16xi32>], vector<16xf32>,
      %mul3A_273 = vector.broadcast %squeeze3A : f32 to vector<16xf32>
      %mul3A_274 = arith.mulf %mul3A_273, %scan3A_166#6 : vector<16xf32>
      %mul3A_275 = vector.broadcast %squeeze3A_41 : f32 to vector<16xf32>
      %mul3A_276 = arith.mulf %mul3A_275, %scan3A_166#7 : vector<16xf32>
      %add3A_277 = arith.addf %mul3A_274, %mul3A_276 : vector<16xf32>
      %broadcast_in_dim3A_278 = arith.constant 0 : i32
      %broadcast_in_dim3A_279 = vector.broadcast %broadcast_in_dim3A_278 : i32 to vector<16xi32>
      tpu.vector_store_idx %arg15[%add3A_62, %broadcast_in_dim3A_279], %add3A_277 : memref<128x5xf32, #tpu.memory_space<vmem>>[vector<16xi32>, vector<16xi32>], vector<16xf32>,
      %mul3A_280 = vector.broadcast %squeeze3A_33 : f32 to vector<16xf32>
      %mul3A_281 = arith.mulf %mul3A_280, %scan3A_166#6 : vector<16xf32>
      %mul3A_282 = vector.broadcast %squeeze3A_43 : f32 to vector<16xf32>
      %mul3A_283 = arith.mulf %mul3A_282, %scan3A_166#7 : vector<16xf32>
      %add3A_284 = arith.addf %mul3A_281, %mul3A_283 : vector<16xf32>
      %broadcast_in_dim3A_285 = arith.constant 1 : i32
      %broadcast_in_dim3A_286 = vector.broadcast %broadcast_in_dim3A_285 : i32 to vector<16xi32>
      tpu.vector_store_idx %arg15[%add3A_62, %broadcast_in_dim3A_286], %add3A_284 : memref<128x5xf32, #tpu.memory_space<vmem>>[vector<16xi32>, vector<16xi32>], vector<16xf32>,
      %mul3A_287 = vector.broadcast %squeeze3A_35 : f32 to vector<16xf32>
      %mul3A_288 = arith.mulf %mul3A_287, %scan3A_166#6 : vector<16xf32>
      %mul3A_289 = vector.broadcast %squeeze3A_45 : f32 to vector<16xf32>
      %mul3A_290 = arith.mulf %mul3A_289, %scan3A_166#7 : vector<16xf32>
      %add3A_291 = arith.addf %mul3A_288, %mul3A_290 : vector<16xf32>
      %broadcast_in_dim3A_292 = arith.constant 2 : i32
      %broadcast_in_dim3A_293 = vector.broadcast %broadcast_in_dim3A_292 : i32 to vector<16xi32>
      tpu.vector_store_idx %arg15[%add3A_62, %broadcast_in_dim3A_293], %add3A_291 : memref<128x5xf32, #tpu.memory_space<vmem>>[vector<16xi32>, vector<16xi32>], vector<16xf32>,
      %mul3A_294 = vector.broadcast %squeeze3A_37 : f32 to vector<16xf32>
      %mul3A_295 = arith.mulf %mul3A_294, %scan3A_166#6 : vector<16xf32>
      %mul3A_296 = vector.broadcast %squeeze3A_47 : f32 to vector<16xf32>
      %mul3A_297 = arith.mulf %mul3A_296, %scan3A_166#7 : vector<16xf32>
      %add3A_298 = arith.addf %mul3A_295, %mul3A_297 : vector<16xf32>
      %broadcast_in_dim3A_299 = arith.constant 3 : i32
      %broadcast_in_dim3A_300 = vector.broadcast %broadcast_in_dim3A_299 : i32 to vector<16xi32>
      tpu.vector_store_idx %arg15[%add3A_62, %broadcast_in_dim3A_300], %add3A_298 : memref<128x5xf32, #tpu.memory_space<vmem>>[vector<16xi32>, vector<16xi32>], vector<16xf32>,
      %mul3A_301 = vector.broadcast %squeeze3A_39 : f32 to vector<16xf32>
      %mul3A_302 = arith.mulf %mul3A_301, %scan3A_166#6 : vector<16xf32>
      %mul3A_303 = vector.broadcast %squeeze3A_49 : f32 to vector<16xf32>
      %mul3A_304 = arith.mulf %mul3A_303, %scan3A_166#7 : vector<16xf32>
      %add3A_305 = arith.addf %mul3A_302, %mul3A_304 : vector<16xf32>
      %broadcast_in_dim3A_306 = arith.constant 4 : i32
      %broadcast_in_dim3A_307 = vector.broadcast %broadcast_in_dim3A_306 : i32 to vector<16xi32>
      tpu.vector_store_idx %arg15[%add3A_62, %broadcast_in_dim3A_307], %add3A_305 : memref<128x5xf32, #tpu.memory_space<vmem>>[vector<16xi32>, vector<16xi32>], vector<16xf32>,
      %mul3A_308 = vector.broadcast %squeeze3A : f32 to vector<16xf32>
      %mul3A_309 = arith.mulf %mul3A_308, %scan3A_166#8 : vector<16xf32>
      %mul3A_310 = vector.broadcast %squeeze3A_41 : f32 to vector<16xf32>
      %mul3A_311 = arith.mulf %mul3A_310, %scan3A_166#9 : vector<16xf32>
      %add3A_312 = arith.addf %mul3A_309, %mul3A_311 : vector<16xf32>
      %broadcast_in_dim3A_313 = arith.constant 0 : i32
      %broadcast_in_dim3A_314 = vector.broadcast %broadcast_in_dim3A_313 : i32 to vector<16xi32>
      tpu.vector_store_idx %arg15[%add3A_65, %broadcast_in_dim3A_314], %add3A_312 : memref<128x5xf32, #tpu.memory_space<vmem>>[vector<16xi32>, vector<16xi32>], vector<16xf32>,
      %mul3A_315 = vector.broadcast %squeeze3A_33 : f32 to vector<16xf32>
      %mul3A_316 = arith.mulf %mul3A_315, %scan3A_166#8 : vector<16xf32>
      %mul3A_317 = vector.broadcast %squeeze3A_43 : f32 to vector<16xf32>
      %mul3A_318 = arith.mulf %mul3A_317, %scan3A_166#9 : vector<16xf32>
      %add3A_319 = arith.addf %mul3A_316, %mul3A_318 : vector<16xf32>
      %broadcast_in_dim3A_320 = arith.constant 1 : i32
      %broadcast_in_dim3A_321 = vector.broadcast %broadcast_in_dim3A_320 : i32 to vector<16xi32>
      tpu.vector_store_idx %arg15[%add3A_65, %broadcast_in_dim3A_321], %add3A_319 : memref<128x5xf32, #tpu.memory_space<vmem>>[vector<16xi32>, vector<16xi32>], vector<16xf32>,
      %mul3A_322 = vector.broadcast %squeeze3A_35 : f32 to vector<16xf32>
      %mul3A_323 = arith.mulf %mul3A_322, %scan3A_166#8 : vector<16xf32>
      %mul3A_324 = vector.broadcast %squeeze3A_45 : f32 to vector<16xf32>
      %mul3A_325 = arith.mulf %mul3A_324, %scan3A_166#9 : vector<16xf32>
      %add3A_326 = arith.addf %mul3A_323, %mul3A_325 : vector<16xf32>
      %broadcast_in_dim3A_327 = arith.constant 2 : i32
      %broadcast_in_dim3A_328 = vector.broadcast %broadcast_in_dim3A_327 : i32 to vector<16xi32>
      tpu.vector_store_idx %arg15[%add3A_65, %broadcast_in_dim3A_328], %add3A_326 : memref<128x5xf32, #tpu.memory_space<vmem>>[vector<16xi32>, vector<16xi32>], vector<16xf32>,
      %mul3A_329 = vector.broadcast %squeeze3A_37 : f32 to vector<16xf32>
      %mul3A_330 = arith.mulf %mul3A_329, %scan3A_166#8 : vector<16xf32>
      %mul3A_331 = vector.broadcast %squeeze3A_47 : f32 to vector<16xf32>
      %mul3A_332 = arith.mulf %mul3A_331, %scan3A_166#9 : vector<16xf32>
      %add3A_333 = arith.addf %mul3A_330, %mul3A_332 : vector<16xf32>
      %broadcast_in_dim3A_334 = arith.constant 3 : i32
      %broadcast_in_dim3A_335 = vector.broadcast %broadcast_in_dim3A_334 : i32 to vector<16xi32>
      tpu.vector_store_idx %arg15[%add3A_65, %broadcast_in_dim3A_335], %add3A_333 : memref<128x5xf32, #tpu.memory_space<vmem>>[vector<16xi32>, vector<16xi32>], vector<16xf32>,
      %mul3A_336 = vector.broadcast %squeeze3A_39 : f32 to vector<16xf32>
      %mul3A_337 = arith.mulf %mul3A_336, %scan3A_166#8 : vector<16xf32>
      %mul3A_338 = vector.broadcast %squeeze3A_49 : f32 to vector<16xf32>
      %mul3A_339 = arith.mulf %mul3A_338, %scan3A_166#9 : vector<16xf32>
      %add3A_340 = arith.addf %mul3A_337, %mul3A_339 : vector<16xf32>
      %broadcast_in_dim3A_341 = arith.constant 4 : i32
      %broadcast_in_dim3A_342 = vector.broadcast %broadcast_in_dim3A_341 : i32 to vector<16xi32>
      tpu.vector_store_idx %arg15[%add3A_65, %broadcast_in_dim3A_342], %add3A_340 : memref<128x5xf32, #tpu.memory_space<vmem>>[vector<16xi32>, vector<16xi32>], vector<16xf32>,
      %mul3A_343 = vector.broadcast %squeeze3A : f32 to vector<16xf32>
      %mul3A_344 = arith.mulf %mul3A_343, %scan3A_166#10 : vector<16xf32>
      %mul3A_345 = vector.broadcast %squeeze3A_41 : f32 to vector<16xf32>
      %mul3A_346 = arith.mulf %mul3A_345, %scan3A_166#11 : vector<16xf32>
      %add3A_347 = arith.addf %mul3A_344, %mul3A_346 : vector<16xf32>
      %broadcast_in_dim3A_348 = arith.constant 0 : i32
      %broadcast_in_dim3A_349 = vector.broadcast %broadcast_in_dim3A_348 : i32 to vector<16xi32>
      tpu.vector_store_idx %arg15[%add3A_68, %broadcast_in_dim3A_349], %add3A_347 : memref<128x5xf32, #tpu.memory_space<vmem>>[vector<16xi32>, vector<16xi32>], vector<16xf32>,
      %mul3A_350 = vector.broadcast %squeeze3A_33 : f32 to vector<16xf32>
      %mul3A_351 = arith.mulf %mul3A_350, %scan3A_166#10 : vector<16xf32>
      %mul3A_352 = vector.broadcast %squeeze3A_43 : f32 to vector<16xf32>
      %mul3A_353 = arith.mulf %mul3A_352, %scan3A_166#11 : vector<16xf32>
      %add3A_354 = arith.addf %mul3A_351, %mul3A_353 : vector<16xf32>
      %broadcast_in_dim3A_355 = arith.constant 1 : i32
      %broadcast_in_dim3A_356 = vector.broadcast %broadcast_in_dim3A_355 : i32 to vector<16xi32>
      tpu.vector_store_idx %arg15[%add3A_68, %broadcast_in_dim3A_356], %add3A_354 : memref<128x5xf32, #tpu.memory_space<vmem>>[vector<16xi32>, vector<16xi32>], vector<16xf32>,
      %mul3A_357 = vector.broadcast %squeeze3A_35 : f32 to vector<16xf32>
      %mul3A_358 = arith.mulf %mul3A_357, %scan3A_166#10 : vector<16xf32>
      %mul3A_359 = vector.broadcast %squeeze3A_45 : f32 to vector<16xf32>
      %mul3A_360 = arith.mulf %mul3A_359, %scan3A_166#11 : vector<16xf32>
      %add3A_361 = arith.addf %mul3A_358, %mul3A_360 : vector<16xf32>
      %broadcast_in_dim3A_362 = arith.constant 2 : i32
      %broadcast_in_dim3A_363 = vector.broadcast %broadcast_in_dim3A_362 : i32 to vector<16xi32>
      tpu.vector_store_idx %arg15[%add3A_68, %broadcast_in_dim3A_363], %add3A_361 : memref<128x5xf32, #tpu.memory_space<vmem>>[vector<16xi32>, vector<16xi32>], vector<16xf32>,
      %mul3A_364 = vector.broadcast %squeeze3A_37 : f32 to vector<16xf32>
      %mul3A_365 = arith.mulf %mul3A_364, %scan3A_166#10 : vector<16xf32>
      %mul3A_366 = vector.broadcast %squeeze3A_47 : f32 to vector<16xf32>
      %mul3A_367 = arith.mulf %mul3A_366, %scan3A_166#11 : vector<16xf32>
      %add3A_368 = arith.addf %mul3A_365, %mul3A_367 : vector<16xf32>
      %broadcast_in_dim3A_369 = arith.constant 3 : i32
      %broadcast_in_dim3A_370 = vector.broadcast %broadcast_in_dim3A_369 : i32 to vector<16xi32>
      tpu.vector_store_idx %arg15[%add3A_68, %broadcast_in_dim3A_370], %add3A_368 : memref<128x5xf32, #tpu.memory_space<vmem>>[vector<16xi32>, vector<16xi32>], vector<16xf32>,
      %mul3A_371 = vector.broadcast %squeeze3A_39 : f32 to vector<16xf32>
      %mul3A_372 = arith.mulf %mul3A_371, %scan3A_166#10 : vector<16xf32>
      %mul3A_373 = vector.broadcast %squeeze3A_49 : f32 to vector<16xf32>
      %mul3A_374 = arith.mulf %mul3A_373, %scan3A_166#11 : vector<16xf32>
      %add3A_375 = arith.addf %mul3A_372, %mul3A_374 : vector<16xf32>
      %broadcast_in_dim3A_376 = arith.constant 4 : i32
      %broadcast_in_dim3A_377 = vector.broadcast %broadcast_in_dim3A_376 : i32 to vector<16xi32>
      tpu.vector_store_idx %arg15[%add3A_68, %broadcast_in_dim3A_377], %add3A_375 : memref<128x5xf32, #tpu.memory_space<vmem>>[vector<16xi32>, vector<16xi32>], vector<16xf32>,
      %mul3A_378 = vector.broadcast %squeeze3A : f32 to vector<16xf32>
      %mul3A_379 = arith.mulf %mul3A_378, %scan3A_166#12 : vector<16xf32>
      %mul3A_380 = vector.broadcast %squeeze3A_41 : f32 to vector<16xf32>
      %mul3A_381 = arith.mulf %mul3A_380, %scan3A_166#13 : vector<16xf32>
      %add3A_382 = arith.addf %mul3A_379, %mul3A_381 : vector<16xf32>
      %broadcast_in_dim3A_383 = arith.constant 0 : i32
      %broadcast_in_dim3A_384 = vector.broadcast %broadcast_in_dim3A_383 : i32 to vector<16xi32>
      tpu.vector_store_idx %arg15[%add3A_71, %broadcast_in_dim3A_384], %add3A_382 : memref<128x5xf32, #tpu.memory_space<vmem>>[vector<16xi32>, vector<16xi32>], vector<16xf32>,
      %mul3A_385 = vector.broadcast %squeeze3A_33 : f32 to vector<16xf32>
      %mul3A_386 = arith.mulf %mul3A_385, %scan3A_166#12 : vector<16xf32>
      %mul3A_387 = vector.broadcast %squeeze3A_43 : f32 to vector<16xf32>
      %mul3A_388 = arith.mulf %mul3A_387, %scan3A_166#13 : vector<16xf32>
      %add3A_389 = arith.addf %mul3A_386, %mul3A_388 : vector<16xf32>
      %broadcast_in_dim3A_390 = arith.constant 1 : i32
      %broadcast_in_dim3A_391 = vector.broadcast %broadcast_in_dim3A_390 : i32 to vector<16xi32>
      tpu.vector_store_idx %arg15[%add3A_71, %broadcast_in_dim3A_391], %add3A_389 : memref<128x5xf32, #tpu.memory_space<vmem>>[vector<16xi32>, vector<16xi32>], vector<16xf32>,
      %mul3A_392 = vector.broadcast %squeeze3A_35 : f32 to vector<16xf32>
      %mul3A_393 = arith.mulf %mul3A_392, %scan3A_166#12 : vector<16xf32>
      %mul3A_394 = vector.broadcast %squeeze3A_45 : f32 to vector<16xf32>
      %mul3A_395 = arith.mulf %mul3A_394, %scan3A_166#13 : vector<16xf32>
      %add3A_396 = arith.addf %mul3A_393, %mul3A_395 : vector<16xf32>
      %broadcast_in_dim3A_397 = arith.constant 2 : i32
      %broadcast_in_dim3A_398 = vector.broadcast %broadcast_in_dim3A_397 : i32 to vector<16xi32>
      tpu.vector_store_idx %arg15[%add3A_71, %broadcast_in_dim3A_398], %add3A_396 : memref<128x5xf32, #tpu.memory_space<vmem>>[vector<16xi32>, vector<16xi32>], vector<16xf32>,
      %mul3A_399 = vector.broadcast %squeeze3A_37 : f32 to vector<16xf32>
      %mul3A_400 = arith.mulf %mul3A_399, %scan3A_166#12 : vector<16xf32>
      %mul3A_401 = vector.broadcast %squeeze3A_47 : f32 to vector<16xf32>
      %mul3A_402 = arith.mulf %mul3A_401, %scan3A_166#13 : vector<16xf32>
      %add3A_403 = arith.addf %mul3A_400, %mul3A_402 : vector<16xf32>
      %broadcast_in_dim3A_404 = arith.constant 3 : i32
      %broadcast_in_dim3A_405 = vector.broadcast %broadcast_in_dim3A_404 : i32 to vector<16xi32>
      tpu.vector_store_idx %arg15[%add3A_71, %broadcast_in_dim3A_405], %add3A_403 : memref<128x5xf32, #tpu.memory_space<vmem>>[vector<16xi32>, vector<16xi32>], vector<16xf32>,
      %mul3A_406 = vector.broadcast %squeeze3A_39 : f32 to vector<16xf32>
      %mul3A_407 = arith.mulf %mul3A_406, %scan3A_166#12 : vector<16xf32>
      %mul3A_408 = vector.broadcast %squeeze3A_49 : f32 to vector<16xf32>
      %mul3A_409 = arith.mulf %mul3A_408, %scan3A_166#13 : vector<16xf32>
      %add3A_410 = arith.addf %mul3A_407, %mul3A_409 : vector<16xf32>
      %broadcast_in_dim3A_411 = arith.constant 4 : i32
      %broadcast_in_dim3A_412 = vector.broadcast %broadcast_in_dim3A_411 : i32 to vector<16xi32>
      tpu.vector_store_idx %arg15[%add3A_71, %broadcast_in_dim3A_412], %add3A_410 : memref<128x5xf32, #tpu.memory_space<vmem>>[vector<16xi32>, vector<16xi32>], vector<16xf32>,
      %mul3A_413 = vector.broadcast %squeeze3A : f32 to vector<16xf32>
      %mul3A_414 = arith.mulf %mul3A_413, %scan3A_166#14 : vector<16xf32>
      %mul3A_415 = vector.broadcast %squeeze3A_41 : f32 to vector<16xf32>
      %mul3A_416 = arith.mulf %mul3A_415, %scan3A_166#15 : vector<16xf32>
      %add3A_417 = arith.addf %mul3A_414, %mul3A_416 : vector<16xf32>
      %broadcast_in_dim3A_418 = arith.constant 0 : i32
      %broadcast_in_dim3A_419 = vector.broadcast %broadcast_in_dim3A_418 : i32 to vector<16xi32>
      tpu.vector_store_idx %arg15[%add3A_74, %broadcast_in_dim3A_419], %add3A_417 : memref<128x5xf32, #tpu.memory_space<vmem>>[vector<16xi32>, vector<16xi32>], vector<16xf32>,
      %mul3A_420 = vector.broadcast %squeeze3A_33 : f32 to vector<16xf32>
      %mul3A_421 = arith.mulf %mul3A_420, %scan3A_166#14 : vector<16xf32>
      %mul3A_422 = vector.broadcast %squeeze3A_43 : f32 to vector<16xf32>
      %mul3A_423 = arith.mulf %mul3A_422, %scan3A_166#15 : vector<16xf32>
      %add3A_424 = arith.addf %mul3A_421, %mul3A_423 : vector<16xf32>
      %broadcast_in_dim3A_425 = arith.constant 1 : i32
      %broadcast_in_dim3A_426 = vector.broadcast %broadcast_in_dim3A_425 : i32 to vector<16xi32>
      tpu.vector_store_idx %arg15[%add3A_74, %broadcast_in_dim3A_426], %add3A_424 : memref<128x5xf32, #tpu.memory_space<vmem>>[vector<16xi32>, vector<16xi32>], vector<16xf32>,
      %mul3A_427 = vector.broadcast %squeeze3A_35 : f32 to vector<16xf32>
      %mul3A_428 = arith.mulf %mul3A_427, %scan3A_166#14 : vector<16xf32>
      %mul3A_429 = vector.broadcast %squeeze3A_45 : f32 to vector<16xf32>
      %mul3A_430 = arith.mulf %mul3A_429, %scan3A_166#15 : vector<16xf32>
      %add3A_431 = arith.addf %mul3A_428, %mul3A_430 : vector<16xf32>
      %broadcast_in_dim3A_432 = arith.constant 2 : i32
      %broadcast_in_dim3A_433 = vector.broadcast %broadcast_in_dim3A_432 : i32 to vector<16xi32>
      tpu.vector_store_idx %arg15[%add3A_74, %broadcast_in_dim3A_433], %add3A_431 : memref<128x5xf32, #tpu.memory_space<vmem>>[vector<16xi32>, vector<16xi32>], vector<16xf32>,
      %mul3A_434 = vector.broadcast %squeeze3A_37 : f32 to vector<16xf32>
      %mul3A_435 = arith.mulf %mul3A_434, %scan3A_166#14 : vector<16xf32>
      %mul3A_436 = vector.broadcast %squeeze3A_47 : f32 to vector<16xf32>
      %mul3A_437 = arith.mulf %mul3A_436, %scan3A_166#15 : vector<16xf32>
      %add3A_438 = arith.addf %mul3A_435, %mul3A_437 : vector<16xf32>
      %broadcast_in_dim3A_439 = arith.constant 3 : i32
      %broadcast_in_dim3A_440 = vector.broadcast %broadcast_in_dim3A_439 : i32 to vector<16xi32>
      tpu.vector_store_idx %arg15[%add3A_74, %broadcast_in_dim3A_440], %add3A_438 : memref<128x5xf32, #tpu.memory_space<vmem>>[vector<16xi32>, vector<16xi32>], vector<16xf32>,
      %mul3A_441 = vector.broadcast %squeeze3A_39 : f32 to vector<16xf32>
      %mul3A_442 = arith.mulf %mul3A_441, %scan3A_166#14 : vector<16xf32>
      %mul3A_443 = vector.broadcast %squeeze3A_49 : f32 to vector<16xf32>
      %mul3A_444 = arith.mulf %mul3A_443, %scan3A_166#15 : vector<16xf32>
      %add3A_445 = arith.addf %mul3A_442, %mul3A_444 : vector<16xf32>
      %broadcast_in_dim3A_446 = arith.constant 4 : i32
      %broadcast_in_dim3A_447 = vector.broadcast %broadcast_in_dim3A_446 : i32 to vector<16xi32>
      tpu.vector_store_idx %arg15[%add3A_74, %broadcast_in_dim3A_447], %add3A_445 : memref<128x5xf32, #tpu.memory_space<vmem>>[vector<16xi32>, vector<16xi32>], vector<16xf32>,
      %mul3A_448 = arith.constant 128 : i32
      %mul3A_449 = arith.muli %mul3A_133, %mul3A_448 : i32
      %add3A_450 = arith.addi %mul3A_76, %mul3A_449 : i32
      %multiple_of3A = tpu.assume_multiple %add3A_450, 128 : i32
      %dma_start3A_451 = arith.constant 0 : i32
      %dma_start3A_452 = tpu.memref_slice %arg7[%multiple_of3A, %dma_start3A_451] : memref<320000x5xf32, #tpu.memory_space<hbm>> -> memref<128x5xf32, #tpu.memory_space<hbm>>
      %dma_start3A_453 = arith.constant 0 : i32
      %dma_start3A_454 = tpu.memref_slice %arg7[%multiple_of3A, %dma_start3A_453] : memref<320000x5xf32, #tpu.memory_space<hbm>> -> memref<128x5xf32, #tpu.memory_space<hbm>>
      tpu.enqueue_dma source(%arg15 : memref<128x5xf32, #tpu.memory_space<vmem>>) target(%dma_start3A_454 : memref<128x5xf32, #tpu.memory_space<hbm>>) target_semaphore(%arg21 : memref<!tpu.dma_semaphore, #tpu.memory_space<semaphore_mem>>)
      %add3A_455 = arith.constant 1 : i32
      %add3A_456 = arith.addi %add3A_135, %add3A_455 : i32
      %lt3A_457 = arith.cmpi slt, %add3A_456, %select_n3A_18 : i32
      %convert_element_type3A_458 = arith.extui %lt3A_457 : i1 to i32
      %cond3A_459 = arith.constant 0 : i32
      %cond3A_460 = arith.cmpi ne, %convert_element_type3A_458, %cond3A_459 : i32
      scf.if %cond3A_460 {
        %add3A_773 = arith.constant 1 : i32
        %add3A_774 = arith.addi %add3A_135, %add3A_773 : i32
        %dma_start3A_775 = arith.constant 0 : i32
        %dma_start3A_776 = tpu.memref_slice %arg8[%add3A_774, %dma_start3A_775] : memref<79x128xi32, #tpu.memory_space<vmem>> -> memref<1x128xi32, #tpu.memory_space<vmem>>
        %dma_start3A_777 = tpu.memref_squeeze %dma_start3A_776 : memref<1x128xi32, #tpu.memory_space<vmem>> -> memref<128xi32, #tpu.memory_space<vmem>>
        %dma_start3A_778 = arith.constant 0 : i32
        %dma_start3A_779 = arith.constant 0 : i32
        %dma_start3A_780 = tpu.memref_slice %arg2[%dma_start3A_778, %dma_start3A_779] : memref<10000x128xi32, #tpu.memory_space<hbm>> -> memref<10000x128xi32, #tpu.memory_space<hbm>>
        tpu.enqueue_indirect_dma source(%dma_start3A_780 : memref<10000x128xi32, #tpu.memory_space<hbm>>) target(%arg10 : memref<128x128xi32, #tpu.memory_space<vmem>>) offsets(%dma_start3A_777 : memref<128xi32, #tpu.memory_space<vmem>>) semaphore(%arg17 : memref<!tpu.dma_semaphore, #tpu.memory_space<semaphore_mem>>)
        %dma_start3A_781 = arith.constant 0 : i32
        %dma_start3A_782 = tpu.memref_slice %arg9[%add3A_774, %dma_start3A_781] : memref<79x128xi32, #tpu.memory_space<vmem>> -> memref<1x128xi32, #tpu.memory_space<vmem>>
        %dma_start3A_783 = tpu.memref_squeeze %dma_start3A_782 : memref<1x128xi32, #tpu.memory_space<vmem>> -> memref<128xi32, #tpu.memory_space<vmem>>
        %dma_start3A_784 = arith.constant 0 : i32
        %dma_start3A_785 = arith.constant 0 : i32
        %dma_start3A_786 = tpu.memref_slice %arg3[%dma_start3A_784, %dma_start3A_785] : memref<10000x128xf32, #tpu.memory_space<hbm>> -> memref<10000x128xf32, #tpu.memory_space<hbm>>
        tpu.enqueue_indirect_dma source(%dma_start3A_786 : memref<10000x128xf32, #tpu.memory_space<hbm>>) target(%arg12 : memref<128x128xf32, #tpu.memory_space<vmem>>) offsets(%dma_start3A_783 : memref<128xi32, #tpu.memory_space<vmem>>) semaphore(%arg19 : memref<!tpu.dma_semaphore, #tpu.memory_space<semaphore_mem>>)
      } else {
      }
      %dma_wait3A_461 = arith.constant 0 : i32
      %dma_wait3A_462 = tpu.memref_slice %arg8[%add3A_135, %dma_wait3A_461] : memref<79x128xi32, #tpu.memory_space<vmem>> -> memref<1x128xi32, #tpu.memory_space<vmem>>
      %dma_wait3A_463 = tpu.memref_squeeze %dma_wait3A_462 : memref<1x128xi32, #tpu.memory_space<vmem>> -> memref<128xi32, #tpu.memory_space<vmem>>
      %dma_wait3A_464 = arith.constant 0 : i32
      %dma_wait3A_465 = arith.constant 0 : i32
      %dma_wait3A_466 = tpu.memref_slice %arg2[%dma_wait3A_464, %dma_wait3A_465] : memref<10000x128xi32, #tpu.memory_space<hbm>> -> memref<10000x128xi32, #tpu.memory_space<hbm>>
      tpu.wait_indirect_dma semaphore(%arg18 : memref<!tpu.dma_semaphore, #tpu.memory_space<semaphore_mem>>) src(%dma_wait3A_466 : memref<10000x128xi32, #tpu.memory_space<hbm>>) dst(%arg11 : memref<128x128xi32, #tpu.memory_space<vmem>>)
      %dma_wait3A_467 = arith.constant 0 : i32
      %dma_wait3A_468 = tpu.memref_slice %arg9[%add3A_135, %dma_wait3A_467] : memref<79x128xi32, #tpu.memory_space<vmem>> -> memref<1x128xi32, #tpu.memory_space<vmem>>
      %dma_wait3A_469 = tpu.memref_squeeze %dma_wait3A_468 : memref<1x128xi32, #tpu.memory_space<vmem>> -> memref<128xi32, #tpu.memory_space<vmem>>
      %dma_wait3A_470 = arith.constant 0 : i32
      %dma_wait3A_471 = arith.constant 0 : i32
      %dma_wait3A_472 = tpu.memref_slice %arg3[%dma_wait3A_470, %dma_wait3A_471] : memref<10000x128xf32, #tpu.memory_space<hbm>> -> memref<10000x128xf32, #tpu.memory_space<hbm>>
      tpu.wait_indirect_dma semaphore(%arg20 : memref<!tpu.dma_semaphore, #tpu.memory_space<semaphore_mem>>) src(%dma_wait3A_472 : memref<10000x128xf32, #tpu.memory_space<hbm>>) dst(%arg13 : memref<128x128xf32, #tpu.memory_space<vmem>>)
      %gt3A_473 = arith.constant 0 : i32
      %gt3A_474 = arith.cmpi sgt, %while3A_130, %gt3A_473 : i32
      %convert_element_type3A_475 = arith.extui %gt3A_474 : i1 to i32
      %cond3A_476 = arith.constant 0 : i32
      %cond3A_477 = arith.cmpi ne, %convert_element_type3A_475, %cond3A_476 : i32
      scf.if %cond3A_477 {
        %sub3A_773 = arith.constant 2 : i32
        %sub3A_774 = arith.subi %add3A_135, %sub3A_773 : i32
        %mul3A_775 = arith.constant 128 : i32
        %mul3A_776 = arith.muli %sub3A_774, %mul3A_775 : i32
        %add3A_777 = arith.addi %mul3A_76, %mul3A_776 : i32
        %multiple_of3A_778 = tpu.assume_multiple %add3A_777, 128 : i32
        %dma_wait3A_779 = arith.constant 0 : i32
        %dma_wait3A_780 = tpu.memref_slice %arg7[%multiple_of3A_778, %dma_wait3A_779] : memref<320000x5xf32, #tpu.memory_space<hbm>> -> memref<128x5xf32, #tpu.memory_space<hbm>>
        %dma_wait3A_781 = arith.constant 0 : i32
        %dma_wait3A_782 = tpu.memref_slice %arg7[%multiple_of3A_778, %dma_wait3A_781] : memref<320000x5xf32, #tpu.memory_space<hbm>> -> memref<128x5xf32, #tpu.memory_space<hbm>>
        tpu.wait_dma2 semaphore(%arg22 : memref<!tpu.dma_semaphore, #tpu.memory_space<semaphore_mem>>) src(%arg16 : memref<128x5xf32, #tpu.memory_space<vmem>>) dst(%dma_wait3A_782 : memref<128x5xf32, #tpu.memory_space<hbm>>)
      } else {
      }
      %scan3A_478 = arith.constant 0 : i32
      %scan3A_479 = arith.constant 64 : i32
      %scan3A_480 = arith.addi %scan3A_478, %scan3A_479 : i32
      %scan3A_481 = arith.constant 1 : i32
      %scan3A_482:16 = scf.for %scan3A_773 = %scan3A_478 to %scan3A_480 step %scan3A_481 iter_args(%scan3A_774 = %broadcast_in_dim3A_50, %scan3A_775 = %broadcast_in_dim3A_50, %scan3A_776 = %broadcast_in_dim3A_50, %scan3A_777 = %broadcast_in_dim3A_50, %scan3A_778 = %broadcast_in_dim3A_50, %scan3A_779 = %broadcast_in_dim3A_50, %scan3A_780 = %broadcast_in_dim3A_50, %scan3A_781 = %broadcast_in_dim3A_50, %scan3A_782 = %broadcast_in_dim3A_50, %scan3A_783 = %broadcast_in_dim3A_50, %scan3A_784 = %broadcast_in_dim3A_50, %scan3A_785 = %broadcast_in_dim3A_50, %scan3A_786 = %broadcast_in_dim3A_50, %scan3A_787 = %broadcast_in_dim3A_50, %scan3A_788 = %broadcast_in_dim3A_50, %scan3A_789 = %broadcast_in_dim3A_50) -> (vector<16xf32>, vector<16xf32>, vector<16xf32>, vector<16xf32>, vector<16xf32>, vector<16xf32>, vector<16xf32>, vector<16xf32>, vector<16xf32>, vector<16xf32>, vector<16xf32>, vector<16xf32>, vector<16xf32>, vector<16xf32>, vector<16xf32>, vector<16xf32>)  : i32 {
        %add3A_790 = vector.broadcast %scan3A_773 : i32 to vector<16xi32>
        %add3A_791 = arith.addi %iota3A, %add3A_790 : vector<16xi32>
        %and3A_792 = arith.constant 63 : i32
        %and3A_793 = vector.broadcast %and3A_792 : i32 to vector<16xi32>
        %and3A_794 = arith.andi %add3A_791, %and3A_793 : vector<16xi32>
        %add3A_795 = arith.constant 64 : i32
        %add3A_796 = vector.broadcast %add3A_795 : i32 to vector<16xi32>
        %add3A_797 = arith.addi %and3A_794, %add3A_796 : vector<16xi32>
        %gather3A = tpu.vector_load_idx %arg11[%add3A_53, %and3A_794] : memref<128x128xi32, #tpu.memory_space<vmem>>[vector<16xi32>, vector<16xi32>], vector<16xi32>,
        %gather3A_798 = tpu.vector_load_idx %arg11[%add3A_53, %add3A_797] : memref<128x128xi32, #tpu.memory_space<vmem>>[vector<16xi32>, vector<16xi32>], vector<16xi32>,
        %gather3A_799 = tpu.vector_load_idx %arg13[%add3A_53, %and3A_794] : memref<128x128xf32, #tpu.memory_space<vmem>>[vector<16xi32>, vector<16xi32>], vector<16xf32>,
        %gather3A_800 = tpu.vector_load_idx %arg13[%add3A_53, %add3A_797] : memref<128x128xf32, #tpu.memory_space<vmem>>[vector<16xi32>, vector<16xi32>], vector<16xf32>,
        %bitcast3A = vector.bitcast %gather3A : vector<16xi32> to vector<32xbf16>
        %unpack3A = tpu.unpack_subelements %bitcast3A, 0 {pack_format = #tpu.pack_format<interleaved>} : vector<32xbf16> -> vector<16xf32>
        %unpack3A_801 = tpu.unpack_subelements %bitcast3A, 1 {pack_format = #tpu.pack_format<interleaved>} : vector<32xbf16> -> vector<16xf32>
        %bitcast3A_802 = vector.bitcast %gather3A_798 : vector<16xi32> to vector<32xbf16>
        %unpack3A_803 = tpu.unpack_subelements %bitcast3A_802, 0 {pack_format = #tpu.pack_format<interleaved>} : vector<32xbf16> -> vector<16xf32>
        %unpack3A_804 = tpu.unpack_subelements %bitcast3A_802, 1 {pack_format = #tpu.pack_format<interleaved>} : vector<32xbf16> -> vector<16xf32>
        %mul3A_805 = arith.mulf %unpack3A, %gather3A_799 : vector<16xf32>
        %add3A_806 = arith.addf %scan3A_774, %mul3A_805 : vector<16xf32>
        %mul3A_807 = arith.mulf %unpack3A_801, %gather3A_800 : vector<16xf32>
        %add3A_808 = arith.addf %add3A_806, %mul3A_807 : vector<16xf32>
        %mul3A_809 = arith.mulf %unpack3A_803, %gather3A_799 : vector<16xf32>
        %add3A_810 = arith.addf %scan3A_775, %mul3A_809 : vector<16xf32>
        %mul3A_811 = arith.mulf %unpack3A_804, %gather3A_800 : vector<16xf32>
        %add3A_812 = arith.addf %add3A_810, %mul3A_811 : vector<16xf32>
        %gather3A_813 = tpu.vector_load_idx %arg11[%add3A_56, %and3A_794] : memref<128x128xi32, #tpu.memory_space<vmem>>[vector<16xi32>, vector<16xi32>], vector<16xi32>,
        %gather3A_814 = tpu.vector_load_idx %arg11[%add3A_56, %add3A_797] : memref<128x128xi32, #tpu.memory_space<vmem>>[vector<16xi32>, vector<16xi32>], vector<16xi32>,
        %gather3A_815 = tpu.vector_load_idx %arg13[%add3A_56, %and3A_794] : memref<128x128xf32, #tpu.memory_space<vmem>>[vector<16xi32>, vector<16xi32>], vector<16xf32>,
        %gather3A_816 = tpu.vector_load_idx %arg13[%add3A_56, %add3A_797] : memref<128x128xf32, #tpu.memory_space<vmem>>[vector<16xi32>, vector<16xi32>], vector<16xf32>,
        %bitcast3A_817 = vector.bitcast %gather3A_813 : vector<16xi32> to vector<32xbf16>
        %unpack3A_818 = tpu.unpack_subelements %bitcast3A_817, 0 {pack_format = #tpu.pack_format<interleaved>} : vector<32xbf16> -> vector<16xf32>
        %unpack3A_819 = tpu.unpack_subelements %bitcast3A_817, 1 {pack_format = #tpu.pack_format<interleaved>} : vector<32xbf16> -> vector<16xf32>
        %bitcast3A_820 = vector.bitcast %gather3A_814 : vector<16xi32> to vector<32xbf16>
        %unpack3A_821 = tpu.unpack_subelements %bitcast3A_820, 0 {pack_format = #tpu.pack_format<interleaved>} : vector<32xbf16> -> vector<16xf32>
        %unpack3A_822 = tpu.unpack_subelements %bitcast3A_820, 1 {pack_format = #tpu.pack_format<interleaved>} : vector<32xbf16> -> vector<16xf32>
        %mul3A_823 = arith.mulf %unpack3A_818, %gather3A_815 : vector<16xf32>
        %add3A_824 = arith.addf %scan3A_776, %mul3A_823 : vector<16xf32>
        %mul3A_825 = arith.mulf %unpack3A_819, %gather3A_816 : vector<16xf32>
        %add3A_826 = arith.addf %add3A_824, %mul3A_825 : vector<16xf32>
        %mul3A_827 = arith.mulf %unpack3A_821, %gather3A_815 : vector<16xf32>
        %add3A_828 = arith.addf %scan3A_777, %mul3A_827 : vector<16xf32>
        %mul3A_829 = arith.mulf %unpack3A_822, %gather3A_816 : vector<16xf32>
        %add3A_830 = arith.addf %add3A_828, %mul3A_829 : vector<16xf32>
        %gather3A_831 = tpu.vector_load_idx %arg11[%add3A_59, %and3A_794] : memref<128x128xi32, #tpu.memory_space<vmem>>[vector<16xi32>, vector<16xi32>], vector<16xi32>,
        %gather3A_832 = tpu.vector_load_idx %arg11[%add3A_59, %add3A_797] : memref<128x128xi32, #tpu.memory_space<vmem>>[vector<16xi32>, vector<16xi32>], vector<16xi32>,
        %gather3A_833 = tpu.vector_load_idx %arg13[%add3A_59, %and3A_794] : memref<128x128xf32, #tpu.memory_space<vmem>>[vector<16xi32>, vector<16xi32>], vector<16xf32>,
        %gather3A_834 = tpu.vector_load_idx %arg13[%add3A_59, %add3A_797] : memref<128x128xf32, #tpu.memory_space<vmem>>[vector<16xi32>, vector<16xi32>], vector<16xf32>,
        %bitcast3A_835 = vector.bitcast %gather3A_831 : vector<16xi32> to vector<32xbf16>
        %unpack3A_836 = tpu.unpack_subelements %bitcast3A_835, 0 {pack_format = #tpu.pack_format<interleaved>} : vector<32xbf16> -> vector<16xf32>
        %unpack3A_837 = tpu.unpack_subelements %bitcast3A_835, 1 {pack_format = #tpu.pack_format<interleaved>} : vector<32xbf16> -> vector<16xf32>
        %bitcast3A_838 = vector.bitcast %gather3A_832 : vector<16xi32> to vector<32xbf16>
        %unpack3A_839 = tpu.unpack_subelements %bitcast3A_838, 0 {pack_format = #tpu.pack_format<interleaved>} : vector<32xbf16> -> vector<16xf32>
        %unpack3A_840 = tpu.unpack_subelements %bitcast3A_838, 1 {pack_format = #tpu.pack_format<interleaved>} : vector<32xbf16> -> vector<16xf32>
        %mul3A_841 = arith.mulf %unpack3A_836, %gather3A_833 : vector<16xf32>
        %add3A_842 = arith.addf %scan3A_778, %mul3A_841 : vector<16xf32>
        %mul3A_843 = arith.mulf %unpack3A_837, %gather3A_834 : vector<16xf32>
        %add3A_844 = arith.addf %add3A_842, %mul3A_843 : vector<16xf32>
        %mul3A_845 = arith.mulf %unpack3A_839, %gather3A_833 : vector<16xf32>
        %add3A_846 = arith.addf %scan3A_779, %mul3A_845 : vector<16xf32>
        %mul3A_847 = arith.mulf %unpack3A_840, %gather3A_834 : vector<16xf32>
        %add3A_848 = arith.addf %add3A_846, %mul3A_847 : vector<16xf32>
        %gather3A_849 = tpu.vector_load_idx %arg11[%add3A_62, %and3A_794] : memref<128x128xi32, #tpu.memory_space<vmem>>[vector<16xi32>, vector<16xi32>], vector<16xi32>,
        %gather3A_850 = tpu.vector_load_idx %arg11[%add3A_62, %add3A_797] : memref<128x128xi32, #tpu.memory_space<vmem>>[vector<16xi32>, vector<16xi32>], vector<16xi32>,
        %gather3A_851 = tpu.vector_load_idx %arg13[%add3A_62, %and3A_794] : memref<128x128xf32, #tpu.memory_space<vmem>>[vector<16xi32>, vector<16xi32>], vector<16xf32>,
        %gather3A_852 = tpu.vector_load_idx %arg13[%add3A_62, %add3A_797] : memref<128x128xf32, #tpu.memory_space<vmem>>[vector<16xi32>, vector<16xi32>], vector<16xf32>,
        %bitcast3A_853 = vector.bitcast %gather3A_849 : vector<16xi32> to vector<32xbf16>
        %unpack3A_854 = tpu.unpack_subelements %bitcast3A_853, 0 {pack_format = #tpu.pack_format<interleaved>} : vector<32xbf16> -> vector<16xf32>
        %unpack3A_855 = tpu.unpack_subelements %bitcast3A_853, 1 {pack_format = #tpu.pack_format<interleaved>} : vector<32xbf16> -> vector<16xf32>
        %bitcast3A_856 = vector.bitcast %gather3A_850 : vector<16xi32> to vector<32xbf16>
        %unpack3A_857 = tpu.unpack_subelements %bitcast3A_856, 0 {pack_format = #tpu.pack_format<interleaved>} : vector<32xbf16> -> vector<16xf32>
        %unpack3A_858 = tpu.unpack_subelements %bitcast3A_856, 1 {pack_format = #tpu.pack_format<interleaved>} : vector<32xbf16> -> vector<16xf32>
        %mul3A_859 = arith.mulf %unpack3A_854, %gather3A_851 : vector<16xf32>
        %add3A_860 = arith.addf %scan3A_780, %mul3A_859 : vector<16xf32>
        %mul3A_861 = arith.mulf %unpack3A_855, %gather3A_852 : vector<16xf32>
        %add3A_862 = arith.addf %add3A_860, %mul3A_861 : vector<16xf32>
        %mul3A_863 = arith.mulf %unpack3A_857, %gather3A_851 : vector<16xf32>
        %add3A_864 = arith.addf %scan3A_781, %mul3A_863 : vector<16xf32>
        %mul3A_865 = arith.mulf %unpack3A_858, %gather3A_852 : vector<16xf32>
        %add3A_866 = arith.addf %add3A_864, %mul3A_865 : vector<16xf32>
        %gather3A_867 = tpu.vector_load_idx %arg11[%add3A_65, %and3A_794] : memref<128x128xi32, #tpu.memory_space<vmem>>[vector<16xi32>, vector<16xi32>], vector<16xi32>,
        %gather3A_868 = tpu.vector_load_idx %arg11[%add3A_65, %add3A_797] : memref<128x128xi32, #tpu.memory_space<vmem>>[vector<16xi32>, vector<16xi32>], vector<16xi32>,
        %gather3A_869 = tpu.vector_load_idx %arg13[%add3A_65, %and3A_794] : memref<128x128xf32, #tpu.memory_space<vmem>>[vector<16xi32>, vector<16xi32>], vector<16xf32>,
        %gather3A_870 = tpu.vector_load_idx %arg13[%add3A_65, %add3A_797] : memref<128x128xf32, #tpu.memory_space<vmem>>[vector<16xi32>, vector<16xi32>], vector<16xf32>,
        %bitcast3A_871 = vector.bitcast %gather3A_867 : vector<16xi32> to vector<32xbf16>
        %unpack3A_872 = tpu.unpack_subelements %bitcast3A_871, 0 {pack_format = #tpu.pack_format<interleaved>} : vector<32xbf16> -> vector<16xf32>
        %unpack3A_873 = tpu.unpack_subelements %bitcast3A_871, 1 {pack_format = #tpu.pack_format<interleaved>} : vector<32xbf16> -> vector<16xf32>
        %bitcast3A_874 = vector.bitcast %gather3A_868 : vector<16xi32> to vector<32xbf16>
        %unpack3A_875 = tpu.unpack_subelements %bitcast3A_874, 0 {pack_format = #tpu.pack_format<interleaved>} : vector<32xbf16> -> vector<16xf32>
        %unpack3A_876 = tpu.unpack_subelements %bitcast3A_874, 1 {pack_format = #tpu.pack_format<interleaved>} : vector<32xbf16> -> vector<16xf32>
        %mul3A_877 = arith.mulf %unpack3A_872, %gather3A_869 : vector<16xf32>
        %add3A_878 = arith.addf %scan3A_782, %mul3A_877 : vector<16xf32>
        %mul3A_879 = arith.mulf %unpack3A_873, %gather3A_870 : vector<16xf32>
        %add3A_880 = arith.addf %add3A_878, %mul3A_879 : vector<16xf32>
        %mul3A_881 = arith.mulf %unpack3A_875, %gather3A_869 : vector<16xf32>
        %add3A_882 = arith.addf %scan3A_783, %mul3A_881 : vector<16xf32>
        %mul3A_883 = arith.mulf %unpack3A_876, %gather3A_870 : vector<16xf32>
        %add3A_884 = arith.addf %add3A_882, %mul3A_883 : vector<16xf32>
        %gather3A_885 = tpu.vector_load_idx %arg11[%add3A_68, %and3A_794] : memref<128x128xi32, #tpu.memory_space<vmem>>[vector<16xi32>, vector<16xi32>], vector<16xi32>,
        %gather3A_886 = tpu.vector_load_idx %arg11[%add3A_68, %add3A_797] : memref<128x128xi32, #tpu.memory_space<vmem>>[vector<16xi32>, vector<16xi32>], vector<16xi32>,
        %gather3A_887 = tpu.vector_load_idx %arg13[%add3A_68, %and3A_794] : memref<128x128xf32, #tpu.memory_space<vmem>>[vector<16xi32>, vector<16xi32>], vector<16xf32>,
        %gather3A_888 = tpu.vector_load_idx %arg13[%add3A_68, %add3A_797] : memref<128x128xf32, #tpu.memory_space<vmem>>[vector<16xi32>, vector<16xi32>], vector<16xf32>,
        %bitcast3A_889 = vector.bitcast %gather3A_885 : vector<16xi32> to vector<32xbf16>
        %unpack3A_890 = tpu.unpack_subelements %bitcast3A_889, 0 {pack_format = #tpu.pack_format<interleaved>} : vector<32xbf16> -> vector<16xf32>
        %unpack3A_891 = tpu.unpack_subelements %bitcast3A_889, 1 {pack_format = #tpu.pack_format<interleaved>} : vector<32xbf16> -> vector<16xf32>
        %bitcast3A_892 = vector.bitcast %gather3A_886 : vector<16xi32> to vector<32xbf16>
        %unpack3A_893 = tpu.unpack_subelements %bitcast3A_892, 0 {pack_format = #tpu.pack_format<interleaved>} : vector<32xbf16> -> vector<16xf32>
        %unpack3A_894 = tpu.unpack_subelements %bitcast3A_892, 1 {pack_format = #tpu.pack_format<interleaved>} : vector<32xbf16> -> vector<16xf32>
        %mul3A_895 = arith.mulf %unpack3A_890, %gather3A_887 : vector<16xf32>
        %add3A_896 = arith.addf %scan3A_784, %mul3A_895 : vector<16xf32>
        %mul3A_897 = arith.mulf %unpack3A_891, %gather3A_888 : vector<16xf32>
        %add3A_898 = arith.addf %add3A_896, %mul3A_897 : vector<16xf32>
        %mul3A_899 = arith.mulf %unpack3A_893, %gather3A_887 : vector<16xf32>
        %add3A_900 = arith.addf %scan3A_785, %mul3A_899 : vector<16xf32>
        %mul3A_901 = arith.mulf %unpack3A_894, %gather3A_888 : vector<16xf32>
        %add3A_902 = arith.addf %add3A_900, %mul3A_901 : vector<16xf32>
        %gather3A_903 = tpu.vector_load_idx %arg11[%add3A_71, %and3A_794] : memref<128x128xi32, #tpu.memory_space<vmem>>[vector<16xi32>, vector<16xi32>], vector<16xi32>,
        %gather3A_904 = tpu.vector_load_idx %arg11[%add3A_71, %add3A_797] : memref<128x128xi32, #tpu.memory_space<vmem>>[vector<16xi32>, vector<16xi32>], vector<16xi32>,
        %gather3A_905 = tpu.vector_load_idx %arg13[%add3A_71, %and3A_794] : memref<128x128xf32, #tpu.memory_space<vmem>>[vector<16xi32>, vector<16xi32>], vector<16xf32>,
        %gather3A_906 = tpu.vector_load_idx %arg13[%add3A_71, %add3A_797] : memref<128x128xf32, #tpu.memory_space<vmem>>[vector<16xi32>, vector<16xi32>], vector<16xf32>,
        %bitcast3A_907 = vector.bitcast %gather3A_903 : vector<16xi32> to vector<32xbf16>
        %unpack3A_908 = tpu.unpack_subelements %bitcast3A_907, 0 {pack_format = #tpu.pack_format<interleaved>} : vector<32xbf16> -> vector<16xf32>
        %unpack3A_909 = tpu.unpack_subelements %bitcast3A_907, 1 {pack_format = #tpu.pack_format<interleaved>} : vector<32xbf16> -> vector<16xf32>
        %bitcast3A_910 = vector.bitcast %gather3A_904 : vector<16xi32> to vector<32xbf16>
        %unpack3A_911 = tpu.unpack_subelements %bitcast3A_910, 0 {pack_format = #tpu.pack_format<interleaved>} : vector<32xbf16> -> vector<16xf32>
        %unpack3A_912 = tpu.unpack_subelements %bitcast3A_910, 1 {pack_format = #tpu.pack_format<interleaved>} : vector<32xbf16> -> vector<16xf32>
        %mul3A_913 = arith.mulf %unpack3A_908, %gather3A_905 : vector<16xf32>
        %add3A_914 = arith.addf %scan3A_786, %mul3A_913 : vector<16xf32>
        %mul3A_915 = arith.mulf %unpack3A_909, %gather3A_906 : vector<16xf32>
        %add3A_916 = arith.addf %add3A_914, %mul3A_915 : vector<16xf32>
        %mul3A_917 = arith.mulf %unpack3A_911, %gather3A_905 : vector<16xf32>
        %add3A_918 = arith.addf %scan3A_787, %mul3A_917 : vector<16xf32>
        %mul3A_919 = arith.mulf %unpack3A_912, %gather3A_906 : vector<16xf32>
        %add3A_920 = arith.addf %add3A_918, %mul3A_919 : vector<16xf32>
        %gather3A_921 = tpu.vector_load_idx %arg11[%add3A_74, %and3A_794] : memref<128x128xi32, #tpu.memory_space<vmem>>[vector<16xi32>, vector<16xi32>], vector<16xi32>,
        %gather3A_922 = tpu.vector_load_idx %arg11[%add3A_74, %add3A_797] : memref<128x128xi32, #tpu.memory_space<vmem>>[vector<16xi32>, vector<16xi32>], vector<16xi32>,
        %gather3A_923 = tpu.vector_load_idx %arg13[%add3A_74, %and3A_794] : memref<128x128xf32, #tpu.memory_space<vmem>>[vector<16xi32>, vector<16xi32>], vector<16xf32>,
        %gather3A_924 = tpu.vector_load_idx %arg13[%add3A_74, %add3A_797] : memref<128x128xf32, #tpu.memory_space<vmem>>[vector<16xi32>, vector<16xi32>], vector<16xf32>,
        %bitcast3A_925 = vector.bitcast %gather3A_921 : vector<16xi32> to vector<32xbf16>
        %unpack3A_926 = tpu.unpack_subelements %bitcast3A_925, 0 {pack_format = #tpu.pack_format<interleaved>} : vector<32xbf16> -> vector<16xf32>
        %unpack3A_927 = tpu.unpack_subelements %bitcast3A_925, 1 {pack_format = #tpu.pack_format<interleaved>} : vector<32xbf16> -> vector<16xf32>
        %bitcast3A_928 = vector.bitcast %gather3A_922 : vector<16xi32> to vector<32xbf16>
        %unpack3A_929 = tpu.unpack_subelements %bitcast3A_928, 0 {pack_format = #tpu.pack_format<interleaved>} : vector<32xbf16> -> vector<16xf32>
        %unpack3A_930 = tpu.unpack_subelements %bitcast3A_928, 1 {pack_format = #tpu.pack_format<interleaved>} : vector<32xbf16> -> vector<16xf32>
        %mul3A_931 = arith.mulf %unpack3A_926, %gather3A_923 : vector<16xf32>
        %add3A_932 = arith.addf %scan3A_788, %mul3A_931 : vector<16xf32>
        %mul3A_933 = arith.mulf %unpack3A_927, %gather3A_924 : vector<16xf32>
        %add3A_934 = arith.addf %add3A_932, %mul3A_933 : vector<16xf32>
        %mul3A_935 = arith.mulf %unpack3A_929, %gather3A_923 : vector<16xf32>
        %add3A_936 = arith.addf %scan3A_789, %mul3A_935 : vector<16xf32>
        %mul3A_937 = arith.mulf %unpack3A_930, %gather3A_924 : vector<16xf32>
        %add3A_938 = arith.addf %add3A_936, %mul3A_937 : vector<16xf32>
        scf.yield %add3A_808, %add3A_812, %add3A_826, %add3A_830, %add3A_844, %add3A_848, %add3A_862, %add3A_866, %add3A_880, %add3A_884, %add3A_898, %add3A_902, %add3A_916, %add3A_920, %add3A_934, %add3A_938 : vector<16xf32>, vector<16xf32>, vector<16xf32>, vector<16xf32>, vector<16xf32>, vector<16xf32>, vector<16xf32>, vector<16xf32>, vector<16xf32>, vector<16xf32>, vector<16xf32>, vector<16xf32>, vector<16xf32>, vector<16xf32>, vector<16xf32>, vector<16xf32>
      }
      %scan3A_483 = arith.constant 64 : i32
      %mul3A_484 = vector.broadcast %squeeze3A : f32 to vector<16xf32>
      %mul3A_485 = arith.mulf %mul3A_484, %scan3A_482#0 : vector<16xf32>
      %mul3A_486 = vector.broadcast %squeeze3A_41 : f32 to vector<16xf32>
      %mul3A_487 = arith.mulf %mul3A_486, %scan3A_482#1 : vector<16xf32>
      %add3A_488 = arith.addf %mul3A_485, %mul3A_487 : vector<16xf32>
      %broadcast_in_dim3A_489 = arith.constant 0 : i32
      %broadcast_in_dim3A_490 = vector.broadcast %broadcast_in_dim3A_489 : i32 to vector<16xi32>
      tpu.vector_store_idx %arg16[%add3A_53, %broadcast_in_dim3A_490], %add3A_488 : memref<128x5xf32, #tpu.memory_space<vmem>>[vector<16xi32>, vector<16xi32>], vector<16xf32>,
      %mul3A_491 = vector.broadcast %squeeze3A_33 : f32 to vector<16xf32>
      %mul3A_492 = arith.mulf %mul3A_491, %scan3A_482#0 : vector<16xf32>
      %mul3A_493 = vector.broadcast %squeeze3A_43 : f32 to vector<16xf32>
      %mul3A_494 = arith.mulf %mul3A_493, %scan3A_482#1 : vector<16xf32>
      %add3A_495 = arith.addf %mul3A_492, %mul3A_494 : vector<16xf32>
      %broadcast_in_dim3A_496 = arith.constant 1 : i32
      %broadcast_in_dim3A_497 = vector.broadcast %broadcast_in_dim3A_496 : i32 to vector<16xi32>
      tpu.vector_store_idx %arg16[%add3A_53, %broadcast_in_dim3A_497], %add3A_495 : memref<128x5xf32, #tpu.memory_space<vmem>>[vector<16xi32>, vector<16xi32>], vector<16xf32>,
      %mul3A_498 = vector.broadcast %squeeze3A_35 : f32 to vector<16xf32>
      %mul3A_499 = arith.mulf %mul3A_498, %scan3A_482#0 : vector<16xf32>
      %mul3A_500 = vector.broadcast %squeeze3A_45 : f32 to vector<16xf32>
      %mul3A_501 = arith.mulf %mul3A_500, %scan3A_482#1 : vector<16xf32>
      %add3A_502 = arith.addf %mul3A_499, %mul3A_501 : vector<16xf32>
      %broadcast_in_dim3A_503 = arith.constant 2 : i32
      %broadcast_in_dim3A_504 = vector.broadcast %broadcast_in_dim3A_503 : i32 to vector<16xi32>
      tpu.vector_store_idx %arg16[%add3A_53, %broadcast_in_dim3A_504], %add3A_502 : memref<128x5xf32, #tpu.memory_space<vmem>>[vector<16xi32>, vector<16xi32>], vector<16xf32>,
      %mul3A_505 = vector.broadcast %squeeze3A_37 : f32 to vector<16xf32>
      %mul3A_506 = arith.mulf %mul3A_505, %scan3A_482#0 : vector<16xf32>
      %mul3A_507 = vector.broadcast %squeeze3A_47 : f32 to vector<16xf32>
      %mul3A_508 = arith.mulf %mul3A_507, %scan3A_482#1 : vector<16xf32>
      %add3A_509 = arith.addf %mul3A_506, %mul3A_508 : vector<16xf32>
      %broadcast_in_dim3A_510 = arith.constant 3 : i32
      %broadcast_in_dim3A_511 = vector.broadcast %broadcast_in_dim3A_510 : i32 to vector<16xi32>
      tpu.vector_store_idx %arg16[%add3A_53, %broadcast_in_dim3A_511], %add3A_509 : memref<128x5xf32, #tpu.memory_space<vmem>>[vector<16xi32>, vector<16xi32>], vector<16xf32>,
      %mul3A_512 = vector.broadcast %squeeze3A_39 : f32 to vector<16xf32>
      %mul3A_513 = arith.mulf %mul3A_512, %scan3A_482#0 : vector<16xf32>
      %mul3A_514 = vector.broadcast %squeeze3A_49 : f32 to vector<16xf32>
      %mul3A_515 = arith.mulf %mul3A_514, %scan3A_482#1 : vector<16xf32>
      %add3A_516 = arith.addf %mul3A_513, %mul3A_515 : vector<16xf32>
      %broadcast_in_dim3A_517 = arith.constant 4 : i32
      %broadcast_in_dim3A_518 = vector.broadcast %broadcast_in_dim3A_517 : i32 to vector<16xi32>
      tpu.vector_store_idx %arg16[%add3A_53, %broadcast_in_dim3A_518], %add3A_516 : memref<128x5xf32, #tpu.memory_space<vmem>>[vector<16xi32>, vector<16xi32>], vector<16xf32>,
      %mul3A_519 = vector.broadcast %squeeze3A : f32 to vector<16xf32>
      %mul3A_520 = arith.mulf %mul3A_519, %scan3A_482#2 : vector<16xf32>
      %mul3A_521 = vector.broadcast %squeeze3A_41 : f32 to vector<16xf32>
      %mul3A_522 = arith.mulf %mul3A_521, %scan3A_482#3 : vector<16xf32>
      %add3A_523 = arith.addf %mul3A_520, %mul3A_522 : vector<16xf32>
      %broadcast_in_dim3A_524 = arith.constant 0 : i32
      %broadcast_in_dim3A_525 = vector.broadcast %broadcast_in_dim3A_524 : i32 to vector<16xi32>
      tpu.vector_store_idx %arg16[%add3A_56, %broadcast_in_dim3A_525], %add3A_523 : memref<128x5xf32, #tpu.memory_space<vmem>>[vector<16xi32>, vector<16xi32>], vector<16xf32>,
      %mul3A_526 = vector.broadcast %squeeze3A_33 : f32 to vector<16xf32>
      %mul3A_527 = arith.mulf %mul3A_526, %scan3A_482#2 : vector<16xf32>
      %mul3A_528 = vector.broadcast %squeeze3A_43 : f32 to vector<16xf32>
      %mul3A_529 = arith.mulf %mul3A_528, %scan3A_482#3 : vector<16xf32>
      %add3A_530 = arith.addf %mul3A_527, %mul3A_529 : vector<16xf32>
      %broadcast_in_dim3A_531 = arith.constant 1 : i32
      %broadcast_in_dim3A_532 = vector.broadcast %broadcast_in_dim3A_531 : i32 to vector<16xi32>
      tpu.vector_store_idx %arg16[%add3A_56, %broadcast_in_dim3A_532], %add3A_530 : memref<128x5xf32, #tpu.memory_space<vmem>>[vector<16xi32>, vector<16xi32>], vector<16xf32>,
      %mul3A_533 = vector.broadcast %squeeze3A_35 : f32 to vector<16xf32>
      %mul3A_534 = arith.mulf %mul3A_533, %scan3A_482#2 : vector<16xf32>
      %mul3A_535 = vector.broadcast %squeeze3A_45 : f32 to vector<16xf32>
      %mul3A_536 = arith.mulf %mul3A_535, %scan3A_482#3 : vector<16xf32>
      %add3A_537 = arith.addf %mul3A_534, %mul3A_536 : vector<16xf32>
      %broadcast_in_dim3A_538 = arith.constant 2 : i32
      %broadcast_in_dim3A_539 = vector.broadcast %broadcast_in_dim3A_538 : i32 to vector<16xi32>
      tpu.vector_store_idx %arg16[%add3A_56, %broadcast_in_dim3A_539], %add3A_537 : memref<128x5xf32, #tpu.memory_space<vmem>>[vector<16xi32>, vector<16xi32>], vector<16xf32>,
      %mul3A_540 = vector.broadcast %squeeze3A_37 : f32 to vector<16xf32>
      %mul3A_541 = arith.mulf %mul3A_540, %scan3A_482#2 : vector<16xf32>
      %mul3A_542 = vector.broadcast %squeeze3A_47 : f32 to vector<16xf32>
      %mul3A_543 = arith.mulf %mul3A_542, %scan3A_482#3 : vector<16xf32>
      %add3A_544 = arith.addf %mul3A_541, %mul3A_543 : vector<16xf32>
      %broadcast_in_dim3A_545 = arith.constant 3 : i32
      %broadcast_in_dim3A_546 = vector.broadcast %broadcast_in_dim3A_545 : i32 to vector<16xi32>
      tpu.vector_store_idx %arg16[%add3A_56, %broadcast_in_dim3A_546], %add3A_544 : memref<128x5xf32, #tpu.memory_space<vmem>>[vector<16xi32>, vector<16xi32>], vector<16xf32>,
      %mul3A_547 = vector.broadcast %squeeze3A_39 : f32 to vector<16xf32>
      %mul3A_548 = arith.mulf %mul3A_547, %scan3A_482#2 : vector<16xf32>
      %mul3A_549 = vector.broadcast %squeeze3A_49 : f32 to vector<16xf32>
      %mul3A_550 = arith.mulf %mul3A_549, %scan3A_482#3 : vector<16xf32>
      %add3A_551 = arith.addf %mul3A_548, %mul3A_550 : vector<16xf32>
      %broadcast_in_dim3A_552 = arith.constant 4 : i32
      %broadcast_in_dim3A_553 = vector.broadcast %broadcast_in_dim3A_552 : i32 to vector<16xi32>
      tpu.vector_store_idx %arg16[%add3A_56, %broadcast_in_dim3A_553], %add3A_551 : memref<128x5xf32, #tpu.memory_space<vmem>>[vector<16xi32>, vector<16xi32>], vector<16xf32>,
      %mul3A_554 = vector.broadcast %squeeze3A : f32 to vector<16xf32>
      %mul3A_555 = arith.mulf %mul3A_554, %scan3A_482#4 : vector<16xf32>
      %mul3A_556 = vector.broadcast %squeeze3A_41 : f32 to vector<16xf32>
      %mul3A_557 = arith.mulf %mul3A_556, %scan3A_482#5 : vector<16xf32>
      %add3A_558 = arith.addf %mul3A_555, %mul3A_557 : vector<16xf32>
      %broadcast_in_dim3A_559 = arith.constant 0 : i32
      %broadcast_in_dim3A_560 = vector.broadcast %broadcast_in_dim3A_559 : i32 to vector<16xi32>
      tpu.vector_store_idx %arg16[%add3A_59, %broadcast_in_dim3A_560], %add3A_558 : memref<128x5xf32, #tpu.memory_space<vmem>>[vector<16xi32>, vector<16xi32>], vector<16xf32>,
      %mul3A_561 = vector.broadcast %squeeze3A_33 : f32 to vector<16xf32>
      %mul3A_562 = arith.mulf %mul3A_561, %scan3A_482#4 : vector<16xf32>
      %mul3A_563 = vector.broadcast %squeeze3A_43 : f32 to vector<16xf32>
      %mul3A_564 = arith.mulf %mul3A_563, %scan3A_482#5 : vector<16xf32>
      %add3A_565 = arith.addf %mul3A_562, %mul3A_564 : vector<16xf32>
      %broadcast_in_dim3A_566 = arith.constant 1 : i32
      %broadcast_in_dim3A_567 = vector.broadcast %broadcast_in_dim3A_566 : i32 to vector<16xi32>
      tpu.vector_store_idx %arg16[%add3A_59, %broadcast_in_dim3A_567], %add3A_565 : memref<128x5xf32, #tpu.memory_space<vmem>>[vector<16xi32>, vector<16xi32>], vector<16xf32>,
      %mul3A_568 = vector.broadcast %squeeze3A_35 : f32 to vector<16xf32>
      %mul3A_569 = arith.mulf %mul3A_568, %scan3A_482#4 : vector<16xf32>
      %mul3A_570 = vector.broadcast %squeeze3A_45 : f32 to vector<16xf32>
      %mul3A_571 = arith.mulf %mul3A_570, %scan3A_482#5 : vector<16xf32>
      %add3A_572 = arith.addf %mul3A_569, %mul3A_571 : vector<16xf32>
      %broadcast_in_dim3A_573 = arith.constant 2 : i32
      %broadcast_in_dim3A_574 = vector.broadcast %broadcast_in_dim3A_573 : i32 to vector<16xi32>
      tpu.vector_store_idx %arg16[%add3A_59, %broadcast_in_dim3A_574], %add3A_572 : memref<128x5xf32, #tpu.memory_space<vmem>>[vector<16xi32>, vector<16xi32>], vector<16xf32>,
      %mul3A_575 = vector.broadcast %squeeze3A_37 : f32 to vector<16xf32>
      %mul3A_576 = arith.mulf %mul3A_575, %scan3A_482#4 : vector<16xf32>
      %mul3A_577 = vector.broadcast %squeeze3A_47 : f32 to vector<16xf32>
      %mul3A_578 = arith.mulf %mul3A_577, %scan3A_482#5 : vector<16xf32>
      %add3A_579 = arith.addf %mul3A_576, %mul3A_578 : vector<16xf32>
      %broadcast_in_dim3A_580 = arith.constant 3 : i32
      %broadcast_in_dim3A_581 = vector.broadcast %broadcast_in_dim3A_580 : i32 to vector<16xi32>
      tpu.vector_store_idx %arg16[%add3A_59, %broadcast_in_dim3A_581], %add3A_579 : memref<128x5xf32, #tpu.memory_space<vmem>>[vector<16xi32>, vector<16xi32>], vector<16xf32>,
      %mul3A_582 = vector.broadcast %squeeze3A_39 : f32 to vector<16xf32>
      %mul3A_583 = arith.mulf %mul3A_582, %scan3A_482#4 : vector<16xf32>
      %mul3A_584 = vector.broadcast %squeeze3A_49 : f32 to vector<16xf32>
      %mul3A_585 = arith.mulf %mul3A_584, %scan3A_482#5 : vector<16xf32>
      %add3A_586 = arith.addf %mul3A_583, %mul3A_585 : vector<16xf32>
      %broadcast_in_dim3A_587 = arith.constant 4 : i32
      %broadcast_in_dim3A_588 = vector.broadcast %broadcast_in_dim3A_587 : i32 to vector<16xi32>
      tpu.vector_store_idx %arg16[%add3A_59, %broadcast_in_dim3A_588], %add3A_586 : memref<128x5xf32, #tpu.memory_space<vmem>>[vector<16xi32>, vector<16xi32>], vector<16xf32>,
      %mul3A_589 = vector.broadcast %squeeze3A : f32 to vector<16xf32>
      %mul3A_590 = arith.mulf %mul3A_589, %scan3A_482#6 : vector<16xf32>
      %mul3A_591 = vector.broadcast %squeeze3A_41 : f32 to vector<16xf32>
      %mul3A_592 = arith.mulf %mul3A_591, %scan3A_482#7 : vector<16xf32>
      %add3A_593 = arith.addf %mul3A_590, %mul3A_592 : vector<16xf32>
      %broadcast_in_dim3A_594 = arith.constant 0 : i32
      %broadcast_in_dim3A_595 = vector.broadcast %broadcast_in_dim3A_594 : i32 to vector<16xi32>
      tpu.vector_store_idx %arg16[%add3A_62, %broadcast_in_dim3A_595], %add3A_593 : memref<128x5xf32, #tpu.memory_space<vmem>>[vector<16xi32>, vector<16xi32>], vector<16xf32>,
      %mul3A_596 = vector.broadcast %squeeze3A_33 : f32 to vector<16xf32>
      %mul3A_597 = arith.mulf %mul3A_596, %scan3A_482#6 : vector<16xf32>
      %mul3A_598 = vector.broadcast %squeeze3A_43 : f32 to vector<16xf32>
      %mul3A_599 = arith.mulf %mul3A_598, %scan3A_482#7 : vector<16xf32>
      %add3A_600 = arith.addf %mul3A_597, %mul3A_599 : vector<16xf32>
      %broadcast_in_dim3A_601 = arith.constant 1 : i32
      %broadcast_in_dim3A_602 = vector.broadcast %broadcast_in_dim3A_601 : i32 to vector<16xi32>
      tpu.vector_store_idx %arg16[%add3A_62, %broadcast_in_dim3A_602], %add3A_600 : memref<128x5xf32, #tpu.memory_space<vmem>>[vector<16xi32>, vector<16xi32>], vector<16xf32>,
      %mul3A_603 = vector.broadcast %squeeze3A_35 : f32 to vector<16xf32>
      %mul3A_604 = arith.mulf %mul3A_603, %scan3A_482#6 : vector<16xf32>
      %mul3A_605 = vector.broadcast %squeeze3A_45 : f32 to vector<16xf32>
      %mul3A_606 = arith.mulf %mul3A_605, %scan3A_482#7 : vector<16xf32>
      %add3A_607 = arith.addf %mul3A_604, %mul3A_606 : vector<16xf32>
      %broadcast_in_dim3A_608 = arith.constant 2 : i32
      %broadcast_in_dim3A_609 = vector.broadcast %broadcast_in_dim3A_608 : i32 to vector<16xi32>
      tpu.vector_store_idx %arg16[%add3A_62, %broadcast_in_dim3A_609], %add3A_607 : memref<128x5xf32, #tpu.memory_space<vmem>>[vector<16xi32>, vector<16xi32>], vector<16xf32>,
      %mul3A_610 = vector.broadcast %squeeze3A_37 : f32 to vector<16xf32>
      %mul3A_611 = arith.mulf %mul3A_610, %scan3A_482#6 : vector<16xf32>
      %mul3A_612 = vector.broadcast %squeeze3A_47 : f32 to vector<16xf32>
      %mul3A_613 = arith.mulf %mul3A_612, %scan3A_482#7 : vector<16xf32>
      %add3A_614 = arith.addf %mul3A_611, %mul3A_613 : vector<16xf32>
      %broadcast_in_dim3A_615 = arith.constant 3 : i32
      %broadcast_in_dim3A_616 = vector.broadcast %broadcast_in_dim3A_615 : i32 to vector<16xi32>
      tpu.vector_store_idx %arg16[%add3A_62, %broadcast_in_dim3A_616], %add3A_614 : memref<128x5xf32, #tpu.memory_space<vmem>>[vector<16xi32>, vector<16xi32>], vector<16xf32>,
      %mul3A_617 = vector.broadcast %squeeze3A_39 : f32 to vector<16xf32>
      %mul3A_618 = arith.mulf %mul3A_617, %scan3A_482#6 : vector<16xf32>
      %mul3A_619 = vector.broadcast %squeeze3A_49 : f32 to vector<16xf32>
      %mul3A_620 = arith.mulf %mul3A_619, %scan3A_482#7 : vector<16xf32>
      %add3A_621 = arith.addf %mul3A_618, %mul3A_620 : vector<16xf32>
      %broadcast_in_dim3A_622 = arith.constant 4 : i32
      %broadcast_in_dim3A_623 = vector.broadcast %broadcast_in_dim3A_622 : i32 to vector<16xi32>
      tpu.vector_store_idx %arg16[%add3A_62, %broadcast_in_dim3A_623], %add3A_621 : memref<128x5xf32, #tpu.memory_space<vmem>>[vector<16xi32>, vector<16xi32>], vector<16xf32>,
      %mul3A_624 = vector.broadcast %squeeze3A : f32 to vector<16xf32>
      %mul3A_625 = arith.mulf %mul3A_624, %scan3A_482#8 : vector<16xf32>
      %mul3A_626 = vector.broadcast %squeeze3A_41 : f32 to vector<16xf32>
      %mul3A_627 = arith.mulf %mul3A_626, %scan3A_482#9 : vector<16xf32>
      %add3A_628 = arith.addf %mul3A_625, %mul3A_627 : vector<16xf32>
      %broadcast_in_dim3A_629 = arith.constant 0 : i32
      %broadcast_in_dim3A_630 = vector.broadcast %broadcast_in_dim3A_629 : i32 to vector<16xi32>
      tpu.vector_store_idx %arg16[%add3A_65, %broadcast_in_dim3A_630], %add3A_628 : memref<128x5xf32, #tpu.memory_space<vmem>>[vector<16xi32>, vector<16xi32>], vector<16xf32>,
      %mul3A_631 = vector.broadcast %squeeze3A_33 : f32 to vector<16xf32>
      %mul3A_632 = arith.mulf %mul3A_631, %scan3A_482#8 : vector<16xf32>
      %mul3A_633 = vector.broadcast %squeeze3A_43 : f32 to vector<16xf32>
      %mul3A_634 = arith.mulf %mul3A_633, %scan3A_482#9 : vector<16xf32>
      %add3A_635 = arith.addf %mul3A_632, %mul3A_634 : vector<16xf32>
      %broadcast_in_dim3A_636 = arith.constant 1 : i32
      %broadcast_in_dim3A_637 = vector.broadcast %broadcast_in_dim3A_636 : i32 to vector<16xi32>
      tpu.vector_store_idx %arg16[%add3A_65, %broadcast_in_dim3A_637], %add3A_635 : memref<128x5xf32, #tpu.memory_space<vmem>>[vector<16xi32>, vector<16xi32>], vector<16xf32>,
      %mul3A_638 = vector.broadcast %squeeze3A_35 : f32 to vector<16xf32>
      %mul3A_639 = arith.mulf %mul3A_638, %scan3A_482#8 : vector<16xf32>
      %mul3A_640 = vector.broadcast %squeeze3A_45 : f32 to vector<16xf32>
      %mul3A_641 = arith.mulf %mul3A_640, %scan3A_482#9 : vector<16xf32>
      %add3A_642 = arith.addf %mul3A_639, %mul3A_641 : vector<16xf32>
      %broadcast_in_dim3A_643 = arith.constant 2 : i32
      %broadcast_in_dim3A_644 = vector.broadcast %broadcast_in_dim3A_643 : i32 to vector<16xi32>
      tpu.vector_store_idx %arg16[%add3A_65, %broadcast_in_dim3A_644], %add3A_642 : memref<128x5xf32, #tpu.memory_space<vmem>>[vector<16xi32>, vector<16xi32>], vector<16xf32>,
      %mul3A_645 = vector.broadcast %squeeze3A_37 : f32 to vector<16xf32>
      %mul3A_646 = arith.mulf %mul3A_645, %scan3A_482#8 : vector<16xf32>
      %mul3A_647 = vector.broadcast %squeeze3A_47 : f32 to vector<16xf32>
      %mul3A_648 = arith.mulf %mul3A_647, %scan3A_482#9 : vector<16xf32>
      %add3A_649 = arith.addf %mul3A_646, %mul3A_648 : vector<16xf32>
      %broadcast_in_dim3A_650 = arith.constant 3 : i32
      %broadcast_in_dim3A_651 = vector.broadcast %broadcast_in_dim3A_650 : i32 to vector<16xi32>
      tpu.vector_store_idx %arg16[%add3A_65, %broadcast_in_dim3A_651], %add3A_649 : memref<128x5xf32, #tpu.memory_space<vmem>>[vector<16xi32>, vector<16xi32>], vector<16xf32>,
      %mul3A_652 = vector.broadcast %squeeze3A_39 : f32 to vector<16xf32>
      %mul3A_653 = arith.mulf %mul3A_652, %scan3A_482#8 : vector<16xf32>
      %mul3A_654 = vector.broadcast %squeeze3A_49 : f32 to vector<16xf32>
      %mul3A_655 = arith.mulf %mul3A_654, %scan3A_482#9 : vector<16xf32>
      %add3A_656 = arith.addf %mul3A_653, %mul3A_655 : vector<16xf32>
      %broadcast_in_dim3A_657 = arith.constant 4 : i32
      %broadcast_in_dim3A_658 = vector.broadcast %broadcast_in_dim3A_657 : i32 to vector<16xi32>
      tpu.vector_store_idx %arg16[%add3A_65, %broadcast_in_dim3A_658], %add3A_656 : memref<128x5xf32, #tpu.memory_space<vmem>>[vector<16xi32>, vector<16xi32>], vector<16xf32>,
      %mul3A_659 = vector.broadcast %squeeze3A : f32 to vector<16xf32>
      %mul3A_660 = arith.mulf %mul3A_659, %scan3A_482#10 : vector<16xf32>
      %mul3A_661 = vector.broadcast %squeeze3A_41 : f32 to vector<16xf32>
      %mul3A_662 = arith.mulf %mul3A_661, %scan3A_482#11 : vector<16xf32>
      %add3A_663 = arith.addf %mul3A_660, %mul3A_662 : vector<16xf32>
      %broadcast_in_dim3A_664 = arith.constant 0 : i32
      %broadcast_in_dim3A_665 = vector.broadcast %broadcast_in_dim3A_664 : i32 to vector<16xi32>
      tpu.vector_store_idx %arg16[%add3A_68, %broadcast_in_dim3A_665], %add3A_663 : memref<128x5xf32, #tpu.memory_space<vmem>>[vector<16xi32>, vector<16xi32>], vector<16xf32>,
      %mul3A_666 = vector.broadcast %squeeze3A_33 : f32 to vector<16xf32>
      %mul3A_667 = arith.mulf %mul3A_666, %scan3A_482#10 : vector<16xf32>
      %mul3A_668 = vector.broadcast %squeeze3A_43 : f32 to vector<16xf32>
      %mul3A_669 = arith.mulf %mul3A_668, %scan3A_482#11 : vector<16xf32>
      %add3A_670 = arith.addf %mul3A_667, %mul3A_669 : vector<16xf32>
      %broadcast_in_dim3A_671 = arith.constant 1 : i32
      %broadcast_in_dim3A_672 = vector.broadcast %broadcast_in_dim3A_671 : i32 to vector<16xi32>
      tpu.vector_store_idx %arg16[%add3A_68, %broadcast_in_dim3A_672], %add3A_670 : memref<128x5xf32, #tpu.memory_space<vmem>>[vector<16xi32>, vector<16xi32>], vector<16xf32>,
      %mul3A_673 = vector.broadcast %squeeze3A_35 : f32 to vector<16xf32>
      %mul3A_674 = arith.mulf %mul3A_673, %scan3A_482#10 : vector<16xf32>
      %mul3A_675 = vector.broadcast %squeeze3A_45 : f32 to vector<16xf32>
      %mul3A_676 = arith.mulf %mul3A_675, %scan3A_482#11 : vector<16xf32>
      %add3A_677 = arith.addf %mul3A_674, %mul3A_676 : vector<16xf32>
      %broadcast_in_dim3A_678 = arith.constant 2 : i32
      %broadcast_in_dim3A_679 = vector.broadcast %broadcast_in_dim3A_678 : i32 to vector<16xi32>
      tpu.vector_store_idx %arg16[%add3A_68, %broadcast_in_dim3A_679], %add3A_677 : memref<128x5xf32, #tpu.memory_space<vmem>>[vector<16xi32>, vector<16xi32>], vector<16xf32>,
      %mul3A_680 = vector.broadcast %squeeze3A_37 : f32 to vector<16xf32>
      %mul3A_681 = arith.mulf %mul3A_680, %scan3A_482#10 : vector<16xf32>
      %mul3A_682 = vector.broadcast %squeeze3A_47 : f32 to vector<16xf32>
      %mul3A_683 = arith.mulf %mul3A_682, %scan3A_482#11 : vector<16xf32>
      %add3A_684 = arith.addf %mul3A_681, %mul3A_683 : vector<16xf32>
      %broadcast_in_dim3A_685 = arith.constant 3 : i32
      %broadcast_in_dim3A_686 = vector.broadcast %broadcast_in_dim3A_685 : i32 to vector<16xi32>
      tpu.vector_store_idx %arg16[%add3A_68, %broadcast_in_dim3A_686], %add3A_684 : memref<128x5xf32, #tpu.memory_space<vmem>>[vector<16xi32>, vector<16xi32>], vector<16xf32>,
      %mul3A_687 = vector.broadcast %squeeze3A_39 : f32 to vector<16xf32>
      %mul3A_688 = arith.mulf %mul3A_687, %scan3A_482#10 : vector<16xf32>
      %mul3A_689 = vector.broadcast %squeeze3A_49 : f32 to vector<16xf32>
      %mul3A_690 = arith.mulf %mul3A_689, %scan3A_482#11 : vector<16xf32>
      %add3A_691 = arith.addf %mul3A_688, %mul3A_690 : vector<16xf32>
      %broadcast_in_dim3A_692 = arith.constant 4 : i32
      %broadcast_in_dim3A_693 = vector.broadcast %broadcast_in_dim3A_692 : i32 to vector<16xi32>
      tpu.vector_store_idx %arg16[%add3A_68, %broadcast_in_dim3A_693], %add3A_691 : memref<128x5xf32, #tpu.memory_space<vmem>>[vector<16xi32>, vector<16xi32>], vector<16xf32>,
      %mul3A_694 = vector.broadcast %squeeze3A : f32 to vector<16xf32>
      %mul3A_695 = arith.mulf %mul3A_694, %scan3A_482#12 : vector<16xf32>
      %mul3A_696 = vector.broadcast %squeeze3A_41 : f32 to vector<16xf32>
      %mul3A_697 = arith.mulf %mul3A_696, %scan3A_482#13 : vector<16xf32>
      %add3A_698 = arith.addf %mul3A_695, %mul3A_697 : vector<16xf32>
      %broadcast_in_dim3A_699 = arith.constant 0 : i32
      %broadcast_in_dim3A_700 = vector.broadcast %broadcast_in_dim3A_699 : i32 to vector<16xi32>
      tpu.vector_store_idx %arg16[%add3A_71, %broadcast_in_dim3A_700], %add3A_698 : memref<128x5xf32, #tpu.memory_space<vmem>>[vector<16xi32>, vector<16xi32>], vector<16xf32>,
      %mul3A_701 = vector.broadcast %squeeze3A_33 : f32 to vector<16xf32>
      %mul3A_702 = arith.mulf %mul3A_701, %scan3A_482#12 : vector<16xf32>
      %mul3A_703 = vector.broadcast %squeeze3A_43 : f32 to vector<16xf32>
      %mul3A_704 = arith.mulf %mul3A_703, %scan3A_482#13 : vector<16xf32>
      %add3A_705 = arith.addf %mul3A_702, %mul3A_704 : vector<16xf32>
      %broadcast_in_dim3A_706 = arith.constant 1 : i32
      %broadcast_in_dim3A_707 = vector.broadcast %broadcast_in_dim3A_706 : i32 to vector<16xi32>
      tpu.vector_store_idx %arg16[%add3A_71, %broadcast_in_dim3A_707], %add3A_705 : memref<128x5xf32, #tpu.memory_space<vmem>>[vector<16xi32>, vector<16xi32>], vector<16xf32>,
      %mul3A_708 = vector.broadcast %squeeze3A_35 : f32 to vector<16xf32>
      %mul3A_709 = arith.mulf %mul3A_708, %scan3A_482#12 : vector<16xf32>
      %mul3A_710 = vector.broadcast %squeeze3A_45 : f32 to vector<16xf32>
      %mul3A_711 = arith.mulf %mul3A_710, %scan3A_482#13 : vector<16xf32>
      %add3A_712 = arith.addf %mul3A_709, %mul3A_711 : vector<16xf32>
      %broadcast_in_dim3A_713 = arith.constant 2 : i32
      %broadcast_in_dim3A_714 = vector.broadcast %broadcast_in_dim3A_713 : i32 to vector<16xi32>
      tpu.vector_store_idx %arg16[%add3A_71, %broadcast_in_dim3A_714], %add3A_712 : memref<128x5xf32, #tpu.memory_space<vmem>>[vector<16xi32>, vector<16xi32>], vector<16xf32>,
      %mul3A_715 = vector.broadcast %squeeze3A_37 : f32 to vector<16xf32>
      %mul3A_716 = arith.mulf %mul3A_715, %scan3A_482#12 : vector<16xf32>
      %mul3A_717 = vector.broadcast %squeeze3A_47 : f32 to vector<16xf32>
      %mul3A_718 = arith.mulf %mul3A_717, %scan3A_482#13 : vector<16xf32>
      %add3A_719 = arith.addf %mul3A_716, %mul3A_718 : vector<16xf32>
      %broadcast_in_dim3A_720 = arith.constant 3 : i32
      %broadcast_in_dim3A_721 = vector.broadcast %broadcast_in_dim3A_720 : i32 to vector<16xi32>
      tpu.vector_store_idx %arg16[%add3A_71, %broadcast_in_dim3A_721], %add3A_719 : memref<128x5xf32, #tpu.memory_space<vmem>>[vector<16xi32>, vector<16xi32>], vector<16xf32>,
      %mul3A_722 = vector.broadcast %squeeze3A_39 : f32 to vector<16xf32>
      %mul3A_723 = arith.mulf %mul3A_722, %scan3A_482#12 : vector<16xf32>
      %mul3A_724 = vector.broadcast %squeeze3A_49 : f32 to vector<16xf32>
      %mul3A_725 = arith.mulf %mul3A_724, %scan3A_482#13 : vector<16xf32>
      %add3A_726 = arith.addf %mul3A_723, %mul3A_725 : vector<16xf32>
      %broadcast_in_dim3A_727 = arith.constant 4 : i32
      %broadcast_in_dim3A_728 = vector.broadcast %broadcast_in_dim3A_727 : i32 to vector<16xi32>
      tpu.vector_store_idx %arg16[%add3A_71, %broadcast_in_dim3A_728], %add3A_726 : memref<128x5xf32, #tpu.memory_space<vmem>>[vector<16xi32>, vector<16xi32>], vector<16xf32>,
      %mul3A_729 = vector.broadcast %squeeze3A : f32 to vector<16xf32>
      %mul3A_730 = arith.mulf %mul3A_729, %scan3A_482#14 : vector<16xf32>
      %mul3A_731 = vector.broadcast %squeeze3A_41 : f32 to vector<16xf32>
      %mul3A_732 = arith.mulf %mul3A_731, %scan3A_482#15 : vector<16xf32>
      %add3A_733 = arith.addf %mul3A_730, %mul3A_732 : vector<16xf32>
      %broadcast_in_dim3A_734 = arith.constant 0 : i32
      %broadcast_in_dim3A_735 = vector.broadcast %broadcast_in_dim3A_734 : i32 to vector<16xi32>
      tpu.vector_store_idx %arg16[%add3A_74, %broadcast_in_dim3A_735], %add3A_733 : memref<128x5xf32, #tpu.memory_space<vmem>>[vector<16xi32>, vector<16xi32>], vector<16xf32>,
      %mul3A_736 = vector.broadcast %squeeze3A_33 : f32 to vector<16xf32>
      %mul3A_737 = arith.mulf %mul3A_736, %scan3A_482#14 : vector<16xf32>
      %mul3A_738 = vector.broadcast %squeeze3A_43 : f32 to vector<16xf32>
      %mul3A_739 = arith.mulf %mul3A_738, %scan3A_482#15 : vector<16xf32>
      %add3A_740 = arith.addf %mul3A_737, %mul3A_739 : vector<16xf32>
      %broadcast_in_dim3A_741 = arith.constant 1 : i32
      %broadcast_in_dim3A_742 = vector.broadcast %broadcast_in_dim3A_741 : i32 to vector<16xi32>
      tpu.vector_store_idx %arg16[%add3A_74, %broadcast_in_dim3A_742], %add3A_740 : memref<128x5xf32, #tpu.memory_space<vmem>>[vector<16xi32>, vector<16xi32>], vector<16xf32>,
      %mul3A_743 = vector.broadcast %squeeze3A_35 : f32 to vector<16xf32>
      %mul3A_744 = arith.mulf %mul3A_743, %scan3A_482#14 : vector<16xf32>
      %mul3A_745 = vector.broadcast %squeeze3A_45 : f32 to vector<16xf32>
      %mul3A_746 = arith.mulf %mul3A_745, %scan3A_482#15 : vector<16xf32>
      %add3A_747 = arith.addf %mul3A_744, %mul3A_746 : vector<16xf32>
      %broadcast_in_dim3A_748 = arith.constant 2 : i32
      %broadcast_in_dim3A_749 = vector.broadcast %broadcast_in_dim3A_748 : i32 to vector<16xi32>
      tpu.vector_store_idx %arg16[%add3A_74, %broadcast_in_dim3A_749], %add3A_747 : memref<128x5xf32, #tpu.memory_space<vmem>>[vector<16xi32>, vector<16xi32>], vector<16xf32>,
      %mul3A_750 = vector.broadcast %squeeze3A_37 : f32 to vector<16xf32>
      %mul3A_751 = arith.mulf %mul3A_750, %scan3A_482#14 : vector<16xf32>
      %mul3A_752 = vector.broadcast %squeeze3A_47 : f32 to vector<16xf32>
      %mul3A_753 = arith.mulf %mul3A_752, %scan3A_482#15 : vector<16xf32>
      %add3A_754 = arith.addf %mul3A_751, %mul3A_753 : vector<16xf32>
      %broadcast_in_dim3A_755 = arith.constant 3 : i32
      %broadcast_in_dim3A_756 = vector.broadcast %broadcast_in_dim3A_755 : i32 to vector<16xi32>
      tpu.vector_store_idx %arg16[%add3A_74, %broadcast_in_dim3A_756], %add3A_754 : memref<128x5xf32, #tpu.memory_space<vmem>>[vector<16xi32>, vector<16xi32>], vector<16xf32>,
      %mul3A_757 = vector.broadcast %squeeze3A_39 : f32 to vector<16xf32>
      %mul3A_758 = arith.mulf %mul3A_757, %scan3A_482#14 : vector<16xf32>
      %mul3A_759 = vector.broadcast %squeeze3A_49 : f32 to vector<16xf32>
      %mul3A_760 = arith.mulf %mul3A_759, %scan3A_482#15 : vector<16xf32>
      %add3A_761 = arith.addf %mul3A_758, %mul3A_760 : vector<16xf32>
      %broadcast_in_dim3A_762 = arith.constant 4 : i32
      %broadcast_in_dim3A_763 = vector.broadcast %broadcast_in_dim3A_762 : i32 to vector<16xi32>
      tpu.vector_store_idx %arg16[%add3A_74, %broadcast_in_dim3A_763], %add3A_761 : memref<128x5xf32, #tpu.memory_space<vmem>>[vector<16xi32>, vector<16xi32>], vector<16xf32>,
      %mul3A_764 = arith.constant 128 : i32
      %mul3A_765 = arith.muli %add3A_135, %mul3A_764 : i32
      %add3A_766 = arith.addi %mul3A_76, %mul3A_765 : i32
      %multiple_of3A_767 = tpu.assume_multiple %add3A_766, 128 : i32
      %dma_start3A_768 = arith.constant 0 : i32
      %dma_start3A_769 = tpu.memref_slice %arg7[%multiple_of3A_767, %dma_start3A_768] : memref<320000x5xf32, #tpu.memory_space<hbm>> -> memref<128x5xf32, #tpu.memory_space<hbm>>
      %dma_start3A_770 = arith.constant 0 : i32
      %dma_start3A_771 = tpu.memref_slice %arg7[%multiple_of3A_767, %dma_start3A_770] : memref<320000x5xf32, #tpu.memory_space<hbm>> -> memref<128x5xf32, #tpu.memory_space<hbm>>
      tpu.enqueue_dma source(%arg16 : memref<128x5xf32, #tpu.memory_space<vmem>>) target(%dma_start3A_771 : memref<128x5xf32, #tpu.memory_space<hbm>>) target_semaphore(%arg22 : memref<!tpu.dma_semaphore, #tpu.memory_space<semaphore_mem>>)
      %while3A_772 = arith.constant 0 : i32
      scf.yield %while3A_772 : i32
    }
    %while3A_116 = arith.constant 1 : i32
    %while3A_117 = scf.for %while3A_130 = %while3A_113 to %while3A_109 step %while3A_116 iter_args(%while3A_131 = %while3A_115) -> (i32)  : i32 {
      %mul3A_132 = arith.constant 2 : i32
      %mul3A_133 = arith.muli %mul3A_132, %while3A_130 : i32
      %add3A_134 = arith.constant 1 : i32
      %add3A_135 = arith.addi %mul3A_133, %add3A_134 : i32
      %dma_start3A_136 = arith.constant 0 : i32
      %dma_start3A_137 = tpu.memref_slice %arg8[%add3A_135, %dma_start3A_136] : memref<79x128xi32, #tpu.memory_space<vmem>> -> memref<1x128xi32, #tpu.memory_space<vmem>>
      %dma_start3A_138 = tpu.memref_squeeze %dma_start3A_137 : memref<1x128xi32, #tpu.memory_space<vmem>> -> memref<128xi32, #tpu.memory_space<vmem>>
      %dma_start3A_139 = arith.constant 0 : i32
      %dma_start3A_140 = arith.constant 0 : i32
      %dma_start3A_141 = tpu.memref_slice %arg2[%dma_start3A_139, %dma_start3A_140] : memref<10000x128xi32, #tpu.memory_space<hbm>> -> memref<10000x128xi32, #tpu.memory_space<hbm>>
      tpu.enqueue_indirect_dma source(%dma_start3A_141 : memref<10000x128xi32, #tpu.memory_space<hbm>>) target(%arg11 : memref<128x128xi32, #tpu.memory_space<vmem>>) offsets(%dma_start3A_138 : memref<128xi32, #tpu.memory_space<vmem>>) semaphore(%arg18 : memref<!tpu.dma_semaphore, #tpu.memory_space<semaphore_mem>>)
      %dma_start3A_142 = arith.constant 0 : i32
      %dma_start3A_143 = tpu.memref_slice %arg9[%add3A_135, %dma_start3A_142] : memref<79x128xi32, #tpu.memory_space<vmem>> -> memref<1x128xi32, #tpu.memory_space<vmem>>
      %dma_start3A_144 = tpu.memref_squeeze %dma_start3A_143 : memref<1x128xi32, #tpu.memory_space<vmem>> -> memref<128xi32, #tpu.memory_space<vmem>>
      %dma_start3A_145 = arith.constant 0 : i32
      %dma_start3A_146 = arith.constant 0 : i32
      %dma_start3A_147 = tpu.memref_slice %arg3[%dma_start3A_145, %dma_start3A_146] : memref<10000x128xf32, #tpu.memory_space<hbm>> -> memref<10000x128xf32, #tpu.memory_space<hbm>>
      tpu.enqueue_indirect_dma source(%dma_start3A_147 : memref<10000x128xf32, #tpu.memory_space<hbm>>) target(%arg13 : memref<128x128xf32, #tpu.memory_space<vmem>>) offsets(%dma_start3A_144 : memref<128xi32, #tpu.memory_space<vmem>>) semaphore(%arg20 : memref<!tpu.dma_semaphore, #tpu.memory_space<semaphore_mem>>)
      %dma_wait3A = arith.constant 0 : i32
      %dma_wait3A_148 = tpu.memref_slice %arg8[%mul3A_133, %dma_wait3A] : memref<79x128xi32, #tpu.memory_space<vmem>> -> memref<1x128xi32, #tpu.memory_space<vmem>>
      %dma_wait3A_149 = tpu.memref_squeeze %dma_wait3A_148 : memref<1x128xi32, #tpu.memory_space<vmem>> -> memref<128xi32, #tpu.memory_space<vmem>>
      %dma_wait3A_150 = arith.constant 0 : i32
      %dma_wait3A_151 = arith.constant 0 : i32
      %dma_wait3A_152 = tpu.memref_slice %arg2[%dma_wait3A_150, %dma_wait3A_151] : memref<10000x128xi32, #tpu.memory_space<hbm>> -> memref<10000x128xi32, #tpu.memory_space<hbm>>
      tpu.wait_indirect_dma semaphore(%arg17 : memref<!tpu.dma_semaphore, #tpu.memory_space<semaphore_mem>>) src(%dma_wait3A_152 : memref<10000x128xi32, #tpu.memory_space<hbm>>) dst(%arg10 : memref<128x128xi32, #tpu.memory_space<vmem>>)
      %dma_wait3A_153 = arith.constant 0 : i32
      %dma_wait3A_154 = tpu.memref_slice %arg9[%mul3A_133, %dma_wait3A_153] : memref<79x128xi32, #tpu.memory_space<vmem>> -> memref<1x128xi32, #tpu.memory_space<vmem>>
      %dma_wait3A_155 = tpu.memref_squeeze %dma_wait3A_154 : memref<1x128xi32, #tpu.memory_space<vmem>> -> memref<128xi32, #tpu.memory_space<vmem>>
      %dma_wait3A_156 = arith.constant 0 : i32
      %dma_wait3A_157 = arith.constant 0 : i32
      %dma_wait3A_158 = tpu.memref_slice %arg3[%dma_wait3A_156, %dma_wait3A_157] : memref<10000x128xf32, #tpu.memory_space<hbm>> -> memref<10000x128xf32, #tpu.memory_space<hbm>>
      tpu.wait_indirect_dma semaphore(%arg19 : memref<!tpu.dma_semaphore, #tpu.memory_space<semaphore_mem>>) src(%dma_wait3A_158 : memref<10000x128xf32, #tpu.memory_space<hbm>>) dst(%arg12 : memref<128x128xf32, #tpu.memory_space<vmem>>)
      %gt3A = arith.constant 0 : i32
      %gt3A_159 = arith.cmpi sgt, %while3A_130, %gt3A : i32
      %convert_element_type3A_160 = arith.extui %gt3A_159 : i1 to i32
      %cond3A_161 = arith.constant 0 : i32
      %cond3A_162 = arith.cmpi ne, %convert_element_type3A_160, %cond3A_161 : i32
      scf.if %cond3A_162 {
        %sub3A_773 = arith.constant 2 : i32
        %sub3A_774 = arith.subi %mul3A_133, %sub3A_773 : i32
        %mul3A_775 = arith.constant 128 : i32
        %mul3A_776 = arith.muli %sub3A_774, %mul3A_775 : i32
        %add3A_777 = arith.addi %mul3A_76, %mul3A_776 : i32
        %multiple_of3A_778 = tpu.assume_multiple %add3A_777, 128 : i32
        %dma_wait3A_779 = arith.constant 0 : i32
        %dma_wait3A_780 = tpu.memref_slice %arg7[%multiple_of3A_778, %dma_wait3A_779] : memref<320000x5xf32, #tpu.memory_space<hbm>> -> memref<128x5xf32, #tpu.memory_space<hbm>>
        %dma_wait3A_781 = arith.constant 0 : i32
        %dma_wait3A_782 = tpu.memref_slice %arg7[%multiple_of3A_778, %dma_wait3A_781] : memref<320000x5xf32, #tpu.memory_space<hbm>> -> memref<128x5xf32, #tpu.memory_space<hbm>>
        tpu.wait_dma2 semaphore(%arg21 : memref<!tpu.dma_semaphore, #tpu.memory_space<semaphore_mem>>) src(%arg15 : memref<128x5xf32, #tpu.memory_space<vmem>>) dst(%dma_wait3A_782 : memref<128x5xf32, #tpu.memory_space<hbm>>)
      } else {
      }
      %scan3A = arith.constant 0 : i32
      %scan3A_163 = arith.constant 64 : i32
      %scan3A_164 = arith.addi %scan3A, %scan3A_163 : i32
      %scan3A_165 = arith.constant 1 : i32
      %scan3A_166:16 = scf.for %scan3A_773 = %scan3A to %scan3A_164 step %scan3A_165 iter_args(%scan3A_774 = %broadcast_in_dim3A_50, %scan3A_775 = %broadcast_in_dim3A_50, %scan3A_776 = %broadcast_in_dim3A_50, %scan3A_777 = %broadcast_in_dim3A_50, %scan3A_778 = %broadcast_in_dim3A_50, %scan3A_779 = %broadcast_in_dim3A_50, %scan3A_780 = %broadcast_in_dim3A_50, %scan3A_781 = %broadcast_in_dim3A_50, %scan3A_782 = %broadcast_in_dim3A_50, %scan3A_783 = %broadcast_in_dim3A_50, %scan3A_784 = %broadcast_in_dim3A_50, %scan3A_785 = %broadcast_in_dim3A_50, %scan3A_786 = %broadcast_in_dim3A_50, %scan3A_787 = %broadcast_in_dim3A_50, %scan3A_788 = %broadcast_in_dim3A_50, %scan3A_789 = %broadcast_in_dim3A_50) -> (vector<16xf32>, vector<16xf32>, vector<16xf32>, vector<16xf32>, vector<16xf32>, vector<16xf32>, vector<16xf32>, vector<16xf32>, vector<16xf32>, vector<16xf32>, vector<16xf32>, vector<16xf32>, vector<16xf32>, vector<16xf32>, vector<16xf32>, vector<16xf32>)  : i32 {
        %add3A_790 = vector.broadcast %scan3A_773 : i32 to vector<16xi32>
        %add3A_791 = arith.addi %iota3A, %add3A_790 : vector<16xi32>
        %and3A_792 = arith.constant 63 : i32
        %and3A_793 = vector.broadcast %and3A_792 : i32 to vector<16xi32>
        %and3A_794 = arith.andi %add3A_791, %and3A_793 : vector<16xi32>
        %add3A_795 = arith.constant 64 : i32
        %add3A_796 = vector.broadcast %add3A_795 : i32 to vector<16xi32>
        %add3A_797 = arith.addi %and3A_794, %add3A_796 : vector<16xi32>
        %gather3A = tpu.vector_load_idx %arg10[%add3A_53, %and3A_794] : memref<128x128xi32, #tpu.memory_space<vmem>>[vector<16xi32>, vector<16xi32>], vector<16xi32>,
        %gather3A_798 = tpu.vector_load_idx %arg10[%add3A_53, %add3A_797] : memref<128x128xi32, #tpu.memory_space<vmem>>[vector<16xi32>, vector<16xi32>], vector<16xi32>,
        %gather3A_799 = tpu.vector_load_idx %arg12[%add3A_53, %and3A_794] : memref<128x128xf32, #tpu.memory_space<vmem>>[vector<16xi32>, vector<16xi32>], vector<16xf32>,
        %gather3A_800 = tpu.vector_load_idx %arg12[%add3A_53, %add3A_797] : memref<128x128xf32, #tpu.memory_space<vmem>>[vector<16xi32>, vector<16xi32>], vector<16xf32>,
        %bitcast3A = vector.bitcast %gather3A : vector<16xi32> to vector<32xbf16>
        %unpack3A = tpu.unpack_subelements %bitcast3A, 0 {pack_format = #tpu.pack_format<interleaved>} : vector<32xbf16> -> vector<16xf32>
        %unpack3A_801 = tpu.unpack_subelements %bitcast3A, 1 {pack_format = #tpu.pack_format<interleaved>} : vector<32xbf16> -> vector<16xf32>
        %bitcast3A_802 = vector.bitcast %gather3A_798 : vector<16xi32> to vector<32xbf16>
        %unpack3A_803 = tpu.unpack_subelements %bitcast3A_802, 0 {pack_format = #tpu.pack_format<interleaved>} : vector<32xbf16> -> vector<16xf32>
        %unpack3A_804 = tpu.unpack_subelements %bitcast3A_802, 1 {pack_format = #tpu.pack_format<interleaved>} : vector<32xbf16> -> vector<16xf32>
        %mul3A_805 = arith.mulf %unpack3A, %gather3A_799 : vector<16xf32>
        %add3A_806 = arith.addf %scan3A_774, %mul3A_805 : vector<16xf32>
        %mul3A_807 = arith.mulf %unpack3A_801, %gather3A_800 : vector<16xf32>
        %add3A_808 = arith.addf %add3A_806, %mul3A_807 : vector<16xf32>
        %mul3A_809 = arith.mulf %unpack3A_803, %gather3A_799 : vector<16xf32>
        %add3A_810 = arith.addf %scan3A_775, %mul3A_809 : vector<16xf32>
        %mul3A_811 = arith.mulf %unpack3A_804, %gather3A_800 : vector<16xf32>
        %add3A_812 = arith.addf %add3A_810, %mul3A_811 : vector<16xf32>
        %gather3A_813 = tpu.vector_load_idx %arg10[%add3A_56, %and3A_794] : memref<128x128xi32, #tpu.memory_space<vmem>>[vector<16xi32>, vector<16xi32>], vector<16xi32>,
        %gather3A_814 = tpu.vector_load_idx %arg10[%add3A_56, %add3A_797] : memref<128x128xi32, #tpu.memory_space<vmem>>[vector<16xi32>, vector<16xi32>], vector<16xi32>,
        %gather3A_815 = tpu.vector_load_idx %arg12[%add3A_56, %and3A_794] : memref<128x128xf32, #tpu.memory_space<vmem>>[vector<16xi32>, vector<16xi32>], vector<16xf32>,
        %gather3A_816 = tpu.vector_load_idx %arg12[%add3A_56, %add3A_797] : memref<128x128xf32, #tpu.memory_space<vmem>>[vector<16xi32>, vector<16xi32>], vector<16xf32>,
        %bitcast3A_817 = vector.bitcast %gather3A_813 : vector<16xi32> to vector<32xbf16>
        %unpack3A_818 = tpu.unpack_subelements %bitcast3A_817, 0 {pack_format = #tpu.pack_format<interleaved>} : vector<32xbf16> -> vector<16xf32>
        %unpack3A_819 = tpu.unpack_subelements %bitcast3A_817, 1 {pack_format = #tpu.pack_format<interleaved>} : vector<32xbf16> -> vector<16xf32>
        %bitcast3A_820 = vector.bitcast %gather3A_814 : vector<16xi32> to vector<32xbf16>
        %unpack3A_821 = tpu.unpack_subelements %bitcast3A_820, 0 {pack_format = #tpu.pack_format<interleaved>} : vector<32xbf16> -> vector<16xf32>
        %unpack3A_822 = tpu.unpack_subelements %bitcast3A_820, 1 {pack_format = #tpu.pack_format<interleaved>} : vector<32xbf16> -> vector<16xf32>
        %mul3A_823 = arith.mulf %unpack3A_818, %gather3A_815 : vector<16xf32>
        %add3A_824 = arith.addf %scan3A_776, %mul3A_823 : vector<16xf32>
        %mul3A_825 = arith.mulf %unpack3A_819, %gather3A_816 : vector<16xf32>
        %add3A_826 = arith.addf %add3A_824, %mul3A_825 : vector<16xf32>
        %mul3A_827 = arith.mulf %unpack3A_821, %gather3A_815 : vector<16xf32>
        %add3A_828 = arith.addf %scan3A_777, %mul3A_827 : vector<16xf32>
        %mul3A_829 = arith.mulf %unpack3A_822, %gather3A_816 : vector<16xf32>
        %add3A_830 = arith.addf %add3A_828, %mul3A_829 : vector<16xf32>
        %gather3A_831 = tpu.vector_load_idx %arg10[%add3A_59, %and3A_794] : memref<128x128xi32, #tpu.memory_space<vmem>>[vector<16xi32>, vector<16xi32>], vector<16xi32>,
        %gather3A_832 = tpu.vector_load_idx %arg10[%add3A_59, %add3A_797] : memref<128x128xi32, #tpu.memory_space<vmem>>[vector<16xi32>, vector<16xi32>], vector<16xi32>,
        %gather3A_833 = tpu.vector_load_idx %arg12[%add3A_59, %and3A_794] : memref<128x128xf32, #tpu.memory_space<vmem>>[vector<16xi32>, vector<16xi32>], vector<16xf32>,
        %gather3A_834 = tpu.vector_load_idx %arg12[%add3A_59, %add3A_797] : memref<128x128xf32, #tpu.memory_space<vmem>>[vector<16xi32>, vector<16xi32>], vector<16xf32>,
        %bitcast3A_835 = vector.bitcast %gather3A_831 : vector<16xi32> to vector<32xbf16>
        %unpack3A_836 = tpu.unpack_subelements %bitcast3A_835, 0 {pack_format = #tpu.pack_format<interleaved>} : vector<32xbf16> -> vector<16xf32>
        %unpack3A_837 = tpu.unpack_subelements %bitcast3A_835, 1 {pack_format = #tpu.pack_format<interleaved>} : vector<32xbf16> -> vector<16xf32>
        %bitcast3A_838 = vector.bitcast %gather3A_832 : vector<16xi32> to vector<32xbf16>
        %unpack3A_839 = tpu.unpack_subelements %bitcast3A_838, 0 {pack_format = #tpu.pack_format<interleaved>} : vector<32xbf16> -> vector<16xf32>
        %unpack3A_840 = tpu.unpack_subelements %bitcast3A_838, 1 {pack_format = #tpu.pack_format<interleaved>} : vector<32xbf16> -> vector<16xf32>
        %mul3A_841 = arith.mulf %unpack3A_836, %gather3A_833 : vector<16xf32>
        %add3A_842 = arith.addf %scan3A_778, %mul3A_841 : vector<16xf32>
        %mul3A_843 = arith.mulf %unpack3A_837, %gather3A_834 : vector<16xf32>
        %add3A_844 = arith.addf %add3A_842, %mul3A_843 : vector<16xf32>
        %mul3A_845 = arith.mulf %unpack3A_839, %gather3A_833 : vector<16xf32>
        %add3A_846 = arith.addf %scan3A_779, %mul3A_845 : vector<16xf32>
        %mul3A_847 = arith.mulf %unpack3A_840, %gather3A_834 : vector<16xf32>
        %add3A_848 = arith.addf %add3A_846, %mul3A_847 : vector<16xf32>
        %gather3A_849 = tpu.vector_load_idx %arg10[%add3A_62, %and3A_794] : memref<128x128xi32, #tpu.memory_space<vmem>>[vector<16xi32>, vector<16xi32>], vector<16xi32>,
        %gather3A_850 = tpu.vector_load_idx %arg10[%add3A_62, %add3A_797] : memref<128x128xi32, #tpu.memory_space<vmem>>[vector<16xi32>, vector<16xi32>], vector<16xi32>,
        %gather3A_851 = tpu.vector_load_idx %arg12[%add3A_62, %and3A_794] : memref<128x128xf32, #tpu.memory_space<vmem>>[vector<16xi32>, vector<16xi32>], vector<16xf32>,
        %gather3A_852 = tpu.vector_load_idx %arg12[%add3A_62, %add3A_797] : memref<128x128xf32, #tpu.memory_space<vmem>>[vector<16xi32>, vector<16xi32>], vector<16xf32>,
        %bitcast3A_853 = vector.bitcast %gather3A_849 : vector<16xi32> to vector<32xbf16>
        %unpack3A_854 = tpu.unpack_subelements %bitcast3A_853, 0 {pack_format = #tpu.pack_format<interleaved>} : vector<32xbf16> -> vector<16xf32>
        %unpack3A_855 = tpu.unpack_subelements %bitcast3A_853, 1 {pack_format = #tpu.pack_format<interleaved>} : vector<32xbf16> -> vector<16xf32>
        %bitcast3A_856 = vector.bitcast %gather3A_850 : vector<16xi32> to vector<32xbf16>
        %unpack3A_857 = tpu.unpack_subelements %bitcast3A_856, 0 {pack_format = #tpu.pack_format<interleaved>} : vector<32xbf16> -> vector<16xf32>
        %unpack3A_858 = tpu.unpack_subelements %bitcast3A_856, 1 {pack_format = #tpu.pack_format<interleaved>} : vector<32xbf16> -> vector<16xf32>
        %mul3A_859 = arith.mulf %unpack3A_854, %gather3A_851 : vector<16xf32>
        %add3A_860 = arith.addf %scan3A_780, %mul3A_859 : vector<16xf32>
        %mul3A_861 = arith.mulf %unpack3A_855, %gather3A_852 : vector<16xf32>
        %add3A_862 = arith.addf %add3A_860, %mul3A_861 : vector<16xf32>
        %mul3A_863 = arith.mulf %unpack3A_857, %gather3A_851 : vector<16xf32>
        %add3A_864 = arith.addf %scan3A_781, %mul3A_863 : vector<16xf32>
        %mul3A_865 = arith.mulf %unpack3A_858, %gather3A_852 : vector<16xf32>
        %add3A_866 = arith.addf %add3A_864, %mul3A_865 : vector<16xf32>
        %gather3A_867 = tpu.vector_load_idx %arg10[%add3A_65, %and3A_794] : memref<128x128xi32, #tpu.memory_space<vmem>>[vector<16xi32>, vector<16xi32>], vector<16xi32>,
        %gather3A_868 = tpu.vector_load_idx %arg10[%add3A_65, %add3A_797] : memref<128x128xi32, #tpu.memory_space<vmem>>[vector<16xi32>, vector<16xi32>], vector<16xi32>,
        %gather3A_869 = tpu.vector_load_idx %arg12[%add3A_65, %and3A_794] : memref<128x128xf32, #tpu.memory_space<vmem>>[vector<16xi32>, vector<16xi32>], vector<16xf32>,
        %gather3A_870 = tpu.vector_load_idx %arg12[%add3A_65, %add3A_797] : memref<128x128xf32, #tpu.memory_space<vmem>>[vector<16xi32>, vector<16xi32>], vector<16xf32>,
        %bitcast3A_871 = vector.bitcast %gather3A_867 : vector<16xi32> to vector<32xbf16>
        %unpack3A_872 = tpu.unpack_subelements %bitcast3A_871, 0 {pack_format = #tpu.pack_format<interleaved>} : vector<32xbf16> -> vector<16xf32>
        %unpack3A_873 = tpu.unpack_subelements %bitcast3A_871, 1 {pack_format = #tpu.pack_format<interleaved>} : vector<32xbf16> -> vector<16xf32>
        %bitcast3A_874 = vector.bitcast %gather3A_868 : vector<16xi32> to vector<32xbf16>
        %unpack3A_875 = tpu.unpack_subelements %bitcast3A_874, 0 {pack_format = #tpu.pack_format<interleaved>} : vector<32xbf16> -> vector<16xf32>
        %unpack3A_876 = tpu.unpack_subelements %bitcast3A_874, 1 {pack_format = #tpu.pack_format<interleaved>} : vector<32xbf16> -> vector<16xf32>
        %mul3A_877 = arith.mulf %unpack3A_872, %gather3A_869 : vector<16xf32>
        %add3A_878 = arith.addf %scan3A_782, %mul3A_877 : vector<16xf32>
        %mul3A_879 = arith.mulf %unpack3A_873, %gather3A_870 : vector<16xf32>
        %add3A_880 = arith.addf %add3A_878, %mul3A_879 : vector<16xf32>
        %mul3A_881 = arith.mulf %unpack3A_875, %gather3A_869 : vector<16xf32>
        %add3A_882 = arith.addf %scan3A_783, %mul3A_881 : vector<16xf32>
        %mul3A_883 = arith.mulf %unpack3A_876, %gather3A_870 : vector<16xf32>
        %add3A_884 = arith.addf %add3A_882, %mul3A_883 : vector<16xf32>
        %gather3A_885 = tpu.vector_load_idx %arg10[%add3A_68, %and3A_794] : memref<128x128xi32, #tpu.memory_space<vmem>>[vector<16xi32>, vector<16xi32>], vector<16xi32>,
        %gather3A_886 = tpu.vector_load_idx %arg10[%add3A_68, %add3A_797] : memref<128x128xi32, #tpu.memory_space<vmem>>[vector<16xi32>, vector<16xi32>], vector<16xi32>,
        %gather3A_887 = tpu.vector_load_idx %arg12[%add3A_68, %and3A_794] : memref<128x128xf32, #tpu.memory_space<vmem>>[vector<16xi32>, vector<16xi32>], vector<16xf32>,
        %gather3A_888 = tpu.vector_load_idx %arg12[%add3A_68, %add3A_797] : memref<128x128xf32, #tpu.memory_space<vmem>>[vector<16xi32>, vector<16xi32>], vector<16xf32>,
        %bitcast3A_889 = vector.bitcast %gather3A_885 : vector<16xi32> to vector<32xbf16>
        %unpack3A_890 = tpu.unpack_subelements %bitcast3A_889, 0 {pack_format = #tpu.pack_format<interleaved>} : vector<32xbf16> -> vector<16xf32>
        %unpack3A_891 = tpu.unpack_subelements %bitcast3A_889, 1 {pack_format = #tpu.pack_format<interleaved>} : vector<32xbf16> -> vector<16xf32>
        %bitcast3A_892 = vector.bitcast %gather3A_886 : vector<16xi32> to vector<32xbf16>
        %unpack3A_893 = tpu.unpack_subelements %bitcast3A_892, 0 {pack_format = #tpu.pack_format<interleaved>} : vector<32xbf16> -> vector<16xf32>
        %unpack3A_894 = tpu.unpack_subelements %bitcast3A_892, 1 {pack_format = #tpu.pack_format<interleaved>} : vector<32xbf16> -> vector<16xf32>
        %mul3A_895 = arith.mulf %unpack3A_890, %gather3A_887 : vector<16xf32>
        %add3A_896 = arith.addf %scan3A_784, %mul3A_895 : vector<16xf32>
        %mul3A_897 = arith.mulf %unpack3A_891, %gather3A_888 : vector<16xf32>
        %add3A_898 = arith.addf %add3A_896, %mul3A_897 : vector<16xf32>
        %mul3A_899 = arith.mulf %unpack3A_893, %gather3A_887 : vector<16xf32>
        %add3A_900 = arith.addf %scan3A_785, %mul3A_899 : vector<16xf32>
        %mul3A_901 = arith.mulf %unpack3A_894, %gather3A_888 : vector<16xf32>
        %add3A_902 = arith.addf %add3A_900, %mul3A_901 : vector<16xf32>
        %gather3A_903 = tpu.vector_load_idx %arg10[%add3A_71, %and3A_794] : memref<128x128xi32, #tpu.memory_space<vmem>>[vector<16xi32>, vector<16xi32>], vector<16xi32>,
        %gather3A_904 = tpu.vector_load_idx %arg10[%add3A_71, %add3A_797] : memref<128x128xi32, #tpu.memory_space<vmem>>[vector<16xi32>, vector<16xi32>], vector<16xi32>,
        %gather3A_905 = tpu.vector_load_idx %arg12[%add3A_71, %and3A_794] : memref<128x128xf32, #tpu.memory_space<vmem>>[vector<16xi32>, vector<16xi32>], vector<16xf32>,
        %gather3A_906 = tpu.vector_load_idx %arg12[%add3A_71, %add3A_797] : memref<128x128xf32, #tpu.memory_space<vmem>>[vector<16xi32>, vector<16xi32>], vector<16xf32>,
        %bitcast3A_907 = vector.bitcast %gather3A_903 : vector<16xi32> to vector<32xbf16>
        %unpack3A_908 = tpu.unpack_subelements %bitcast3A_907, 0 {pack_format = #tpu.pack_format<interleaved>} : vector<32xbf16> -> vector<16xf32>
        %unpack3A_909 = tpu.unpack_subelements %bitcast3A_907, 1 {pack_format = #tpu.pack_format<interleaved>} : vector<32xbf16> -> vector<16xf32>
        %bitcast3A_910 = vector.bitcast %gather3A_904 : vector<16xi32> to vector<32xbf16>
        %unpack3A_911 = tpu.unpack_subelements %bitcast3A_910, 0 {pack_format = #tpu.pack_format<interleaved>} : vector<32xbf16> -> vector<16xf32>
        %unpack3A_912 = tpu.unpack_subelements %bitcast3A_910, 1 {pack_format = #tpu.pack_format<interleaved>} : vector<32xbf16> -> vector<16xf32>
        %mul3A_913 = arith.mulf %unpack3A_908, %gather3A_905 : vector<16xf32>
        %add3A_914 = arith.addf %scan3A_786, %mul3A_913 : vector<16xf32>
        %mul3A_915 = arith.mulf %unpack3A_909, %gather3A_906 : vector<16xf32>
        %add3A_916 = arith.addf %add3A_914, %mul3A_915 : vector<16xf32>
        %mul3A_917 = arith.mulf %unpack3A_911, %gather3A_905 : vector<16xf32>
        %add3A_918 = arith.addf %scan3A_787, %mul3A_917 : vector<16xf32>
        %mul3A_919 = arith.mulf %unpack3A_912, %gather3A_906 : vector<16xf32>
        %add3A_920 = arith.addf %add3A_918, %mul3A_919 : vector<16xf32>
        %gather3A_921 = tpu.vector_load_idx %arg10[%add3A_74, %and3A_794] : memref<128x128xi32, #tpu.memory_space<vmem>>[vector<16xi32>, vector<16xi32>], vector<16xi32>,
        %gather3A_922 = tpu.vector_load_idx %arg10[%add3A_74, %add3A_797] : memref<128x128xi32, #tpu.memory_space<vmem>>[vector<16xi32>, vector<16xi32>], vector<16xi32>,
        %gather3A_923 = tpu.vector_load_idx %arg12[%add3A_74, %and3A_794] : memref<128x128xf32, #tpu.memory_space<vmem>>[vector<16xi32>, vector<16xi32>], vector<16xf32>,
        %gather3A_924 = tpu.vector_load_idx %arg12[%add3A_74, %add3A_797] : memref<128x128xf32, #tpu.memory_space<vmem>>[vector<16xi32>, vector<16xi32>], vector<16xf32>,
        %bitcast3A_925 = vector.bitcast %gather3A_921 : vector<16xi32> to vector<32xbf16>
        %unpack3A_926 = tpu.unpack_subelements %bitcast3A_925, 0 {pack_format = #tpu.pack_format<interleaved>} : vector<32xbf16> -> vector<16xf32>
        %unpack3A_927 = tpu.unpack_subelements %bitcast3A_925, 1 {pack_format = #tpu.pack_format<interleaved>} : vector<32xbf16> -> vector<16xf32>
        %bitcast3A_928 = vector.bitcast %gather3A_922 : vector<16xi32> to vector<32xbf16>
        %unpack3A_929 = tpu.unpack_subelements %bitcast3A_928, 0 {pack_format = #tpu.pack_format<interleaved>} : vector<32xbf16> -> vector<16xf32>
        %unpack3A_930 = tpu.unpack_subelements %bitcast3A_928, 1 {pack_format = #tpu.pack_format<interleaved>} : vector<32xbf16> -> vector<16xf32>
        %mul3A_931 = arith.mulf %unpack3A_926, %gather3A_923 : vector<16xf32>
        %add3A_932 = arith.addf %scan3A_788, %mul3A_931 : vector<16xf32>
        %mul3A_933 = arith.mulf %unpack3A_927, %gather3A_924 : vector<16xf32>
        %add3A_934 = arith.addf %add3A_932, %mul3A_933 : vector<16xf32>
        %mul3A_935 = arith.mulf %unpack3A_929, %gather3A_923 : vector<16xf32>
        %add3A_936 = arith.addf %scan3A_789, %mul3A_935 : vector<16xf32>
        %mul3A_937 = arith.mulf %unpack3A_930, %gather3A_924 : vector<16xf32>
        %add3A_938 = arith.addf %add3A_936, %mul3A_937 : vector<16xf32>
        scf.yield %add3A_808, %add3A_812, %add3A_826, %add3A_830, %add3A_844, %add3A_848, %add3A_862, %add3A_866, %add3A_880, %add3A_884, %add3A_898, %add3A_902, %add3A_916, %add3A_920, %add3A_934, %add3A_938 : vector<16xf32>, vector<16xf32>, vector<16xf32>, vector<16xf32>, vector<16xf32>, vector<16xf32>, vector<16xf32>, vector<16xf32>, vector<16xf32>, vector<16xf32>, vector<16xf32>, vector<16xf32>, vector<16xf32>, vector<16xf32>, vector<16xf32>, vector<16xf32>
      }
      %scan3A_167 = arith.constant 64 : i32
      %mul3A_168 = vector.broadcast %squeeze3A : f32 to vector<16xf32>
      %mul3A_169 = arith.mulf %mul3A_168, %scan3A_166#0 : vector<16xf32>
      %mul3A_170 = vector.broadcast %squeeze3A_41 : f32 to vector<16xf32>
      %mul3A_171 = arith.mulf %mul3A_170, %scan3A_166#1 : vector<16xf32>
      %add3A_172 = arith.addf %mul3A_169, %mul3A_171 : vector<16xf32>
      %broadcast_in_dim3A_173 = arith.constant 0 : i32
      %broadcast_in_dim3A_174 = vector.broadcast %broadcast_in_dim3A_173 : i32 to vector<16xi32>
      tpu.vector_store_idx %arg15[%add3A_53, %broadcast_in_dim3A_174], %add3A_172 : memref<128x5xf32, #tpu.memory_space<vmem>>[vector<16xi32>, vector<16xi32>], vector<16xf32>,
      %mul3A_175 = vector.broadcast %squeeze3A_33 : f32 to vector<16xf32>
      %mul3A_176 = arith.mulf %mul3A_175, %scan3A_166#0 : vector<16xf32>
      %mul3A_177 = vector.broadcast %squeeze3A_43 : f32 to vector<16xf32>
      %mul3A_178 = arith.mulf %mul3A_177, %scan3A_166#1 : vector<16xf32>
      %add3A_179 = arith.addf %mul3A_176, %mul3A_178 : vector<16xf32>
      %broadcast_in_dim3A_180 = arith.constant 1 : i32
      %broadcast_in_dim3A_181 = vector.broadcast %broadcast_in_dim3A_180 : i32 to vector<16xi32>
      tpu.vector_store_idx %arg15[%add3A_53, %broadcast_in_dim3A_181], %add3A_179 : memref<128x5xf32, #tpu.memory_space<vmem>>[vector<16xi32>, vector<16xi32>], vector<16xf32>,
      %mul3A_182 = vector.broadcast %squeeze3A_35 : f32 to vector<16xf32>
      %mul3A_183 = arith.mulf %mul3A_182, %scan3A_166#0 : vector<16xf32>
      %mul3A_184 = vector.broadcast %squeeze3A_45 : f32 to vector<16xf32>
      %mul3A_185 = arith.mulf %mul3A_184, %scan3A_166#1 : vector<16xf32>
      %add3A_186 = arith.addf %mul3A_183, %mul3A_185 : vector<16xf32>
      %broadcast_in_dim3A_187 = arith.constant 2 : i32
      %broadcast_in_dim3A_188 = vector.broadcast %broadcast_in_dim3A_187 : i32 to vector<16xi32>
      tpu.vector_store_idx %arg15[%add3A_53, %broadcast_in_dim3A_188], %add3A_186 : memref<128x5xf32, #tpu.memory_space<vmem>>[vector<16xi32>, vector<16xi32>], vector<16xf32>,
      %mul3A_189 = vector.broadcast %squeeze3A_37 : f32 to vector<16xf32>
      %mul3A_190 = arith.mulf %mul3A_189, %scan3A_166#0 : vector<16xf32>
      %mul3A_191 = vector.broadcast %squeeze3A_47 : f32 to vector<16xf32>
      %mul3A_192 = arith.mulf %mul3A_191, %scan3A_166#1 : vector<16xf32>
      %add3A_193 = arith.addf %mul3A_190, %mul3A_192 : vector<16xf32>
      %broadcast_in_dim3A_194 = arith.constant 3 : i32
      %broadcast_in_dim3A_195 = vector.broadcast %broadcast_in_dim3A_194 : i32 to vector<16xi32>
      tpu.vector_store_idx %arg15[%add3A_53, %broadcast_in_dim3A_195], %add3A_193 : memref<128x5xf32, #tpu.memory_space<vmem>>[vector<16xi32>, vector<16xi32>], vector<16xf32>,
      %mul3A_196 = vector.broadcast %squeeze3A_39 : f32 to vector<16xf32>
      %mul3A_197 = arith.mulf %mul3A_196, %scan3A_166#0 : vector<16xf32>
      %mul3A_198 = vector.broadcast %squeeze3A_49 : f32 to vector<16xf32>
      %mul3A_199 = arith.mulf %mul3A_198, %scan3A_166#1 : vector<16xf32>
      %add3A_200 = arith.addf %mul3A_197, %mul3A_199 : vector<16xf32>
      %broadcast_in_dim3A_201 = arith.constant 4 : i32
      %broadcast_in_dim3A_202 = vector.broadcast %broadcast_in_dim3A_201 : i32 to vector<16xi32>
      tpu.vector_store_idx %arg15[%add3A_53, %broadcast_in_dim3A_202], %add3A_200 : memref<128x5xf32, #tpu.memory_space<vmem>>[vector<16xi32>, vector<16xi32>], vector<16xf32>,
      %mul3A_203 = vector.broadcast %squeeze3A : f32 to vector<16xf32>
      %mul3A_204 = arith.mulf %mul3A_203, %scan3A_166#2 : vector<16xf32>
      %mul3A_205 = vector.broadcast %squeeze3A_41 : f32 to vector<16xf32>
      %mul3A_206 = arith.mulf %mul3A_205, %scan3A_166#3 : vector<16xf32>
      %add3A_207 = arith.addf %mul3A_204, %mul3A_206 : vector<16xf32>
      %broadcast_in_dim3A_208 = arith.constant 0 : i32
      %broadcast_in_dim3A_209 = vector.broadcast %broadcast_in_dim3A_208 : i32 to vector<16xi32>
      tpu.vector_store_idx %arg15[%add3A_56, %broadcast_in_dim3A_209], %add3A_207 : memref<128x5xf32, #tpu.memory_space<vmem>>[vector<16xi32>, vector<16xi32>], vector<16xf32>,
      %mul3A_210 = vector.broadcast %squeeze3A_33 : f32 to vector<16xf32>
      %mul3A_211 = arith.mulf %mul3A_210, %scan3A_166#2 : vector<16xf32>
      %mul3A_212 = vector.broadcast %squeeze3A_43 : f32 to vector<16xf32>
      %mul3A_213 = arith.mulf %mul3A_212, %scan3A_166#3 : vector<16xf32>
      %add3A_214 = arith.addf %mul3A_211, %mul3A_213 : vector<16xf32>
      %broadcast_in_dim3A_215 = arith.constant 1 : i32
      %broadcast_in_dim3A_216 = vector.broadcast %broadcast_in_dim3A_215 : i32 to vector<16xi32>
      tpu.vector_store_idx %arg15[%add3A_56, %broadcast_in_dim3A_216], %add3A_214 : memref<128x5xf32, #tpu.memory_space<vmem>>[vector<16xi32>, vector<16xi32>], vector<16xf32>,
      %mul3A_217 = vector.broadcast %squeeze3A_35 : f32 to vector<16xf32>
      %mul3A_218 = arith.mulf %mul3A_217, %scan3A_166#2 : vector<16xf32>
      %mul3A_219 = vector.broadcast %squeeze3A_45 : f32 to vector<16xf32>
      %mul3A_220 = arith.mulf %mul3A_219, %scan3A_166#3 : vector<16xf32>
      %add3A_221 = arith.addf %mul3A_218, %mul3A_220 : vector<16xf32>
      %broadcast_in_dim3A_222 = arith.constant 2 : i32
      %broadcast_in_dim3A_223 = vector.broadcast %broadcast_in_dim3A_222 : i32 to vector<16xi32>
      tpu.vector_store_idx %arg15[%add3A_56, %broadcast_in_dim3A_223], %add3A_221 : memref<128x5xf32, #tpu.memory_space<vmem>>[vector<16xi32>, vector<16xi32>], vector<16xf32>,
      %mul3A_224 = vector.broadcast %squeeze3A_37 : f32 to vector<16xf32>
      %mul3A_225 = arith.mulf %mul3A_224, %scan3A_166#2 : vector<16xf32>
      %mul3A_226 = vector.broadcast %squeeze3A_47 : f32 to vector<16xf32>
      %mul3A_227 = arith.mulf %mul3A_226, %scan3A_166#3 : vector<16xf32>
      %add3A_228 = arith.addf %mul3A_225, %mul3A_227 : vector<16xf32>
      %broadcast_in_dim3A_229 = arith.constant 3 : i32
      %broadcast_in_dim3A_230 = vector.broadcast %broadcast_in_dim3A_229 : i32 to vector<16xi32>
      tpu.vector_store_idx %arg15[%add3A_56, %broadcast_in_dim3A_230], %add3A_228 : memref<128x5xf32, #tpu.memory_space<vmem>>[vector<16xi32>, vector<16xi32>], vector<16xf32>,
      %mul3A_231 = vector.broadcast %squeeze3A_39 : f32 to vector<16xf32>
      %mul3A_232 = arith.mulf %mul3A_231, %scan3A_166#2 : vector<16xf32>
      %mul3A_233 = vector.broadcast %squeeze3A_49 : f32 to vector<16xf32>
      %mul3A_234 = arith.mulf %mul3A_233, %scan3A_166#3 : vector<16xf32>
      %add3A_235 = arith.addf %mul3A_232, %mul3A_234 : vector<16xf32>
      %broadcast_in_dim3A_236 = arith.constant 4 : i32
      %broadcast_in_dim3A_237 = vector.broadcast %broadcast_in_dim3A_236 : i32 to vector<16xi32>
      tpu.vector_store_idx %arg15[%add3A_56, %broadcast_in_dim3A_237], %add3A_235 : memref<128x5xf32, #tpu.memory_space<vmem>>[vector<16xi32>, vector<16xi32>], vector<16xf32>,
      %mul3A_238 = vector.broadcast %squeeze3A : f32 to vector<16xf32>
      %mul3A_239 = arith.mulf %mul3A_238, %scan3A_166#4 : vector<16xf32>
      %mul3A_240 = vector.broadcast %squeeze3A_41 : f32 to vector<16xf32>
      %mul3A_241 = arith.mulf %mul3A_240, %scan3A_166#5 : vector<16xf32>
      %add3A_242 = arith.addf %mul3A_239, %mul3A_241 : vector<16xf32>
      %broadcast_in_dim3A_243 = arith.constant 0 : i32
      %broadcast_in_dim3A_244 = vector.broadcast %broadcast_in_dim3A_243 : i32 to vector<16xi32>
      tpu.vector_store_idx %arg15[%add3A_59, %broadcast_in_dim3A_244], %add3A_242 : memref<128x5xf32, #tpu.memory_space<vmem>>[vector<16xi32>, vector<16xi32>], vector<16xf32>,
      %mul3A_245 = vector.broadcast %squeeze3A_33 : f32 to vector<16xf32>
      %mul3A_246 = arith.mulf %mul3A_245, %scan3A_166#4 : vector<16xf32>
      %mul3A_247 = vector.broadcast %squeeze3A_43 : f32 to vector<16xf32>
      %mul3A_248 = arith.mulf %mul3A_247, %scan3A_166#5 : vector<16xf32>
      %add3A_249 = arith.addf %mul3A_246, %mul3A_248 : vector<16xf32>
      %broadcast_in_dim3A_250 = arith.constant 1 : i32
      %broadcast_in_dim3A_251 = vector.broadcast %broadcast_in_dim3A_250 : i32 to vector<16xi32>
      tpu.vector_store_idx %arg15[%add3A_59, %broadcast_in_dim3A_251], %add3A_249 : memref<128x5xf32, #tpu.memory_space<vmem>>[vector<16xi32>, vector<16xi32>], vector<16xf32>,
      %mul3A_252 = vector.broadcast %squeeze3A_35 : f32 to vector<16xf32>
      %mul3A_253 = arith.mulf %mul3A_252, %scan3A_166#4 : vector<16xf32>
      %mul3A_254 = vector.broadcast %squeeze3A_45 : f32 to vector<16xf32>
      %mul3A_255 = arith.mulf %mul3A_254, %scan3A_166#5 : vector<16xf32>
      %add3A_256 = arith.addf %mul3A_253, %mul3A_255 : vector<16xf32>
      %broadcast_in_dim3A_257 = arith.constant 2 : i32
      %broadcast_in_dim3A_258 = vector.broadcast %broadcast_in_dim3A_257 : i32 to vector<16xi32>
      tpu.vector_store_idx %arg15[%add3A_59, %broadcast_in_dim3A_258], %add3A_256 : memref<128x5xf32, #tpu.memory_space<vmem>>[vector<16xi32>, vector<16xi32>], vector<16xf32>,
      %mul3A_259 = vector.broadcast %squeeze3A_37 : f32 to vector<16xf32>
      %mul3A_260 = arith.mulf %mul3A_259, %scan3A_166#4 : vector<16xf32>
      %mul3A_261 = vector.broadcast %squeeze3A_47 : f32 to vector<16xf32>
      %mul3A_262 = arith.mulf %mul3A_261, %scan3A_166#5 : vector<16xf32>
      %add3A_263 = arith.addf %mul3A_260, %mul3A_262 : vector<16xf32>
      %broadcast_in_dim3A_264 = arith.constant 3 : i32
      %broadcast_in_dim3A_265 = vector.broadcast %broadcast_in_dim3A_264 : i32 to vector<16xi32>
      tpu.vector_store_idx %arg15[%add3A_59, %broadcast_in_dim3A_265], %add3A_263 : memref<128x5xf32, #tpu.memory_space<vmem>>[vector<16xi32>, vector<16xi32>], vector<16xf32>,
      %mul3A_266 = vector.broadcast %squeeze3A_39 : f32 to vector<16xf32>
      %mul3A_267 = arith.mulf %mul3A_266, %scan3A_166#4 : vector<16xf32>
      %mul3A_268 = vector.broadcast %squeeze3A_49 : f32 to vector<16xf32>
      %mul3A_269 = arith.mulf %mul3A_268, %scan3A_166#5 : vector<16xf32>
      %add3A_270 = arith.addf %mul3A_267, %mul3A_269 : vector<16xf32>
      %broadcast_in_dim3A_271 = arith.constant 4 : i32
      %broadcast_in_dim3A_272 = vector.broadcast %broadcast_in_dim3A_271 : i32 to vector<16xi32>
      tpu.vector_store_idx %arg15[%add3A_59, %broadcast_in_dim3A_272], %add3A_270 : memref<128x5xf32, #tpu.memory_space<vmem>>[vector<16xi32>, vector<16xi32>], vector<16xf32>,
      %mul3A_273 = vector.broadcast %squeeze3A : f32 to vector<16xf32>
      %mul3A_274 = arith.mulf %mul3A_273, %scan3A_166#6 : vector<16xf32>
      %mul3A_275 = vector.broadcast %squeeze3A_41 : f32 to vector<16xf32>
      %mul3A_276 = arith.mulf %mul3A_275, %scan3A_166#7 : vector<16xf32>
      %add3A_277 = arith.addf %mul3A_274, %mul3A_276 : vector<16xf32>
      %broadcast_in_dim3A_278 = arith.constant 0 : i32
      %broadcast_in_dim3A_279 = vector.broadcast %broadcast_in_dim3A_278 : i32 to vector<16xi32>
      tpu.vector_store_idx %arg15[%add3A_62, %broadcast_in_dim3A_279], %add3A_277 : memref<128x5xf32, #tpu.memory_space<vmem>>[vector<16xi32>, vector<16xi32>], vector<16xf32>,
      %mul3A_280 = vector.broadcast %squeeze3A_33 : f32 to vector<16xf32>
      %mul3A_281 = arith.mulf %mul3A_280, %scan3A_166#6 : vector<16xf32>
      %mul3A_282 = vector.broadcast %squeeze3A_43 : f32 to vector<16xf32>
      %mul3A_283 = arith.mulf %mul3A_282, %scan3A_166#7 : vector<16xf32>
      %add3A_284 = arith.addf %mul3A_281, %mul3A_283 : vector<16xf32>
      %broadcast_in_dim3A_285 = arith.constant 1 : i32
      %broadcast_in_dim3A_286 = vector.broadcast %broadcast_in_dim3A_285 : i32 to vector<16xi32>
      tpu.vector_store_idx %arg15[%add3A_62, %broadcast_in_dim3A_286], %add3A_284 : memref<128x5xf32, #tpu.memory_space<vmem>>[vector<16xi32>, vector<16xi32>], vector<16xf32>,
      %mul3A_287 = vector.broadcast %squeeze3A_35 : f32 to vector<16xf32>
      %mul3A_288 = arith.mulf %mul3A_287, %scan3A_166#6 : vector<16xf32>
      %mul3A_289 = vector.broadcast %squeeze3A_45 : f32 to vector<16xf32>
      %mul3A_290 = arith.mulf %mul3A_289, %scan3A_166#7 : vector<16xf32>
      %add3A_291 = arith.addf %mul3A_288, %mul3A_290 : vector<16xf32>
      %broadcast_in_dim3A_292 = arith.constant 2 : i32
      %broadcast_in_dim3A_293 = vector.broadcast %broadcast_in_dim3A_292 : i32 to vector<16xi32>
      tpu.vector_store_idx %arg15[%add3A_62, %broadcast_in_dim3A_293], %add3A_291 : memref<128x5xf32, #tpu.memory_space<vmem>>[vector<16xi32>, vector<16xi32>], vector<16xf32>,
      %mul3A_294 = vector.broadcast %squeeze3A_37 : f32 to vector<16xf32>
      %mul3A_295 = arith.mulf %mul3A_294, %scan3A_166#6 : vector<16xf32>
      %mul3A_296 = vector.broadcast %squeeze3A_47 : f32 to vector<16xf32>
      %mul3A_297 = arith.mulf %mul3A_296, %scan3A_166#7 : vector<16xf32>
      %add3A_298 = arith.addf %mul3A_295, %mul3A_297 : vector<16xf32>
      %broadcast_in_dim3A_299 = arith.constant 3 : i32
      %broadcast_in_dim3A_300 = vector.broadcast %broadcast_in_dim3A_299 : i32 to vector<16xi32>
      tpu.vector_store_idx %arg15[%add3A_62, %broadcast_in_dim3A_300], %add3A_298 : memref<128x5xf32, #tpu.memory_space<vmem>>[vector<16xi32>, vector<16xi32>], vector<16xf32>,
      %mul3A_301 = vector.broadcast %squeeze3A_39 : f32 to vector<16xf32>
      %mul3A_302 = arith.mulf %mul3A_301, %scan3A_166#6 : vector<16xf32>
      %mul3A_303 = vector.broadcast %squeeze3A_49 : f32 to vector<16xf32>
      %mul3A_304 = arith.mulf %mul3A_303, %scan3A_166#7 : vector<16xf32>
      %add3A_305 = arith.addf %mul3A_302, %mul3A_304 : vector<16xf32>
      %broadcast_in_dim3A_306 = arith.constant 4 : i32
      %broadcast_in_dim3A_307 = vector.broadcast %broadcast_in_dim3A_306 : i32 to vector<16xi32>
      tpu.vector_store_idx %arg15[%add3A_62, %broadcast_in_dim3A_307], %add3A_305 : memref<128x5xf32, #tpu.memory_space<vmem>>[vector<16xi32>, vector<16xi32>], vector<16xf32>,
      %mul3A_308 = vector.broadcast %squeeze3A : f32 to vector<16xf32>
      %mul3A_309 = arith.mulf %mul3A_308, %scan3A_166#8 : vector<16xf32>
      %mul3A_310 = vector.broadcast %squeeze3A_41 : f32 to vector<16xf32>
      %mul3A_311 = arith.mulf %mul3A_310, %scan3A_166#9 : vector<16xf32>
      %add3A_312 = arith.addf %mul3A_309, %mul3A_311 : vector<16xf32>
      %broadcast_in_dim3A_313 = arith.constant 0 : i32
      %broadcast_in_dim3A_314 = vector.broadcast %broadcast_in_dim3A_313 : i32 to vector<16xi32>
      tpu.vector_store_idx %arg15[%add3A_65, %broadcast_in_dim3A_314], %add3A_312 : memref<128x5xf32, #tpu.memory_space<vmem>>[vector<16xi32>, vector<16xi32>], vector<16xf32>,
      %mul3A_315 = vector.broadcast %squeeze3A_33 : f32 to vector<16xf32>
      %mul3A_316 = arith.mulf %mul3A_315, %scan3A_166#8 : vector<16xf32>
      %mul3A_317 = vector.broadcast %squeeze3A_43 : f32 to vector<16xf32>
      %mul3A_318 = arith.mulf %mul3A_317, %scan3A_166#9 : vector<16xf32>
      %add3A_319 = arith.addf %mul3A_316, %mul3A_318 : vector<16xf32>
      %broadcast_in_dim3A_320 = arith.constant 1 : i32
      %broadcast_in_dim3A_321 = vector.broadcast %broadcast_in_dim3A_320 : i32 to vector<16xi32>
      tpu.vector_store_idx %arg15[%add3A_65, %broadcast_in_dim3A_321], %add3A_319 : memref<128x5xf32, #tpu.memory_space<vmem>>[vector<16xi32>, vector<16xi32>], vector<16xf32>,
      %mul3A_322 = vector.broadcast %squeeze3A_35 : f32 to vector<16xf32>
      %mul3A_323 = arith.mulf %mul3A_322, %scan3A_166#8 : vector<16xf32>
      %mul3A_324 = vector.broadcast %squeeze3A_45 : f32 to vector<16xf32>
      %mul3A_325 = arith.mulf %mul3A_324, %scan3A_166#9 : vector<16xf32>
      %add3A_326 = arith.addf %mul3A_323, %mul3A_325 : vector<16xf32>
      %broadcast_in_dim3A_327 = arith.constant 2 : i32
      %broadcast_in_dim3A_328 = vector.broadcast %broadcast_in_dim3A_327 : i32 to vector<16xi32>
      tpu.vector_store_idx %arg15[%add3A_65, %broadcast_in_dim3A_328], %add3A_326 : memref<128x5xf32, #tpu.memory_space<vmem>>[vector<16xi32>, vector<16xi32>], vector<16xf32>,
      %mul3A_329 = vector.broadcast %squeeze3A_37 : f32 to vector<16xf32>
      %mul3A_330 = arith.mulf %mul3A_329, %scan3A_166#8 : vector<16xf32>
      %mul3A_331 = vector.broadcast %squeeze3A_47 : f32 to vector<16xf32>
      %mul3A_332 = arith.mulf %mul3A_331, %scan3A_166#9 : vector<16xf32>
      %add3A_333 = arith.addf %mul3A_330, %mul3A_332 : vector<16xf32>
      %broadcast_in_dim3A_334 = arith.constant 3 : i32
      %broadcast_in_dim3A_335 = vector.broadcast %broadcast_in_dim3A_334 : i32 to vector<16xi32>
      tpu.vector_store_idx %arg15[%add3A_65, %broadcast_in_dim3A_335], %add3A_333 : memref<128x5xf32, #tpu.memory_space<vmem>>[vector<16xi32>, vector<16xi32>], vector<16xf32>,
      %mul3A_336 = vector.broadcast %squeeze3A_39 : f32 to vector<16xf32>
      %mul3A_337 = arith.mulf %mul3A_336, %scan3A_166#8 : vector<16xf32>
      %mul3A_338 = vector.broadcast %squeeze3A_49 : f32 to vector<16xf32>
      %mul3A_339 = arith.mulf %mul3A_338, %scan3A_166#9 : vector<16xf32>
      %add3A_340 = arith.addf %mul3A_337, %mul3A_339 : vector<16xf32>
      %broadcast_in_dim3A_341 = arith.constant 4 : i32
      %broadcast_in_dim3A_342 = vector.broadcast %broadcast_in_dim3A_341 : i32 to vector<16xi32>
      tpu.vector_store_idx %arg15[%add3A_65, %broadcast_in_dim3A_342], %add3A_340 : memref<128x5xf32, #tpu.memory_space<vmem>>[vector<16xi32>, vector<16xi32>], vector<16xf32>,
      %mul3A_343 = vector.broadcast %squeeze3A : f32 to vector<16xf32>
      %mul3A_344 = arith.mulf %mul3A_343, %scan3A_166#10 : vector<16xf32>
      %mul3A_345 = vector.broadcast %squeeze3A_41 : f32 to vector<16xf32>
      %mul3A_346 = arith.mulf %mul3A_345, %scan3A_166#11 : vector<16xf32>
      %add3A_347 = arith.addf %mul3A_344, %mul3A_346 : vector<16xf32>
      %broadcast_in_dim3A_348 = arith.constant 0 : i32
      %broadcast_in_dim3A_349 = vector.broadcast %broadcast_in_dim3A_348 : i32 to vector<16xi32>
      tpu.vector_store_idx %arg15[%add3A_68, %broadcast_in_dim3A_349], %add3A_347 : memref<128x5xf32, #tpu.memory_space<vmem>>[vector<16xi32>, vector<16xi32>], vector<16xf32>,
      %mul3A_350 = vector.broadcast %squeeze3A_33 : f32 to vector<16xf32>
      %mul3A_351 = arith.mulf %mul3A_350, %scan3A_166#10 : vector<16xf32>
      %mul3A_352 = vector.broadcast %squeeze3A_43 : f32 to vector<16xf32>
      %mul3A_353 = arith.mulf %mul3A_352, %scan3A_166#11 : vector<16xf32>
      %add3A_354 = arith.addf %mul3A_351, %mul3A_353 : vector<16xf32>
      %broadcast_in_dim3A_355 = arith.constant 1 : i32
      %broadcast_in_dim3A_356 = vector.broadcast %broadcast_in_dim3A_355 : i32 to vector<16xi32>
      tpu.vector_store_idx %arg15[%add3A_68, %broadcast_in_dim3A_356], %add3A_354 : memref<128x5xf32, #tpu.memory_space<vmem>>[vector<16xi32>, vector<16xi32>], vector<16xf32>,
      %mul3A_357 = vector.broadcast %squeeze3A_35 : f32 to vector<16xf32>
      %mul3A_358 = arith.mulf %mul3A_357, %scan3A_166#10 : vector<16xf32>
      %mul3A_359 = vector.broadcast %squeeze3A_45 : f32 to vector<16xf32>
      %mul3A_360 = arith.mulf %mul3A_359, %scan3A_166#11 : vector<16xf32>
      %add3A_361 = arith.addf %mul3A_358, %mul3A_360 : vector<16xf32>
      %broadcast_in_dim3A_362 = arith.constant 2 : i32
      %broadcast_in_dim3A_363 = vector.broadcast %broadcast_in_dim3A_362 : i32 to vector<16xi32>
      tpu.vector_store_idx %arg15[%add3A_68, %broadcast_in_dim3A_363], %add3A_361 : memref<128x5xf32, #tpu.memory_space<vmem>>[vector<16xi32>, vector<16xi32>], vector<16xf32>,
      %mul3A_364 = vector.broadcast %squeeze3A_37 : f32 to vector<16xf32>
      %mul3A_365 = arith.mulf %mul3A_364, %scan3A_166#10 : vector<16xf32>
      %mul3A_366 = vector.broadcast %squeeze3A_47 : f32 to vector<16xf32>
      %mul3A_367 = arith.mulf %mul3A_366, %scan3A_166#11 : vector<16xf32>
      %add3A_368 = arith.addf %mul3A_365, %mul3A_367 : vector<16xf32>
      %broadcast_in_dim3A_369 = arith.constant 3 : i32
      %broadcast_in_dim3A_370 = vector.broadcast %broadcast_in_dim3A_369 : i32 to vector<16xi32>
      tpu.vector_store_idx %arg15[%add3A_68, %broadcast_in_dim3A_370], %add3A_368 : memref<128x5xf32, #tpu.memory_space<vmem>>[vector<16xi32>, vector<16xi32>], vector<16xf32>,
      %mul3A_371 = vector.broadcast %squeeze3A_39 : f32 to vector<16xf32>
      %mul3A_372 = arith.mulf %mul3A_371, %scan3A_166#10 : vector<16xf32>
      %mul3A_373 = vector.broadcast %squeeze3A_49 : f32 to vector<16xf32>
      %mul3A_374 = arith.mulf %mul3A_373, %scan3A_166#11 : vector<16xf32>
      %add3A_375 = arith.addf %mul3A_372, %mul3A_374 : vector<16xf32>
      %broadcast_in_dim3A_376 = arith.constant 4 : i32
      %broadcast_in_dim3A_377 = vector.broadcast %broadcast_in_dim3A_376 : i32 to vector<16xi32>
      tpu.vector_store_idx %arg15[%add3A_68, %broadcast_in_dim3A_377], %add3A_375 : memref<128x5xf32, #tpu.memory_space<vmem>>[vector<16xi32>, vector<16xi32>], vector<16xf32>,
      %mul3A_378 = vector.broadcast %squeeze3A : f32 to vector<16xf32>
      %mul3A_379 = arith.mulf %mul3A_378, %scan3A_166#12 : vector<16xf32>
      %mul3A_380 = vector.broadcast %squeeze3A_41 : f32 to vector<16xf32>
      %mul3A_381 = arith.mulf %mul3A_380, %scan3A_166#13 : vector<16xf32>
      %add3A_382 = arith.addf %mul3A_379, %mul3A_381 : vector<16xf32>
      %broadcast_in_dim3A_383 = arith.constant 0 : i32
      %broadcast_in_dim3A_384 = vector.broadcast %broadcast_in_dim3A_383 : i32 to vector<16xi32>
      tpu.vector_store_idx %arg15[%add3A_71, %broadcast_in_dim3A_384], %add3A_382 : memref<128x5xf32, #tpu.memory_space<vmem>>[vector<16xi32>, vector<16xi32>], vector<16xf32>,
      %mul3A_385 = vector.broadcast %squeeze3A_33 : f32 to vector<16xf32>
      %mul3A_386 = arith.mulf %mul3A_385, %scan3A_166#12 : vector<16xf32>
      %mul3A_387 = vector.broadcast %squeeze3A_43 : f32 to vector<16xf32>
      %mul3A_388 = arith.mulf %mul3A_387, %scan3A_166#13 : vector<16xf32>
      %add3A_389 = arith.addf %mul3A_386, %mul3A_388 : vector<16xf32>
      %broadcast_in_dim3A_390 = arith.constant 1 : i32
      %broadcast_in_dim3A_391 = vector.broadcast %broadcast_in_dim3A_390 : i32 to vector<16xi32>
      tpu.vector_store_idx %arg15[%add3A_71, %broadcast_in_dim3A_391], %add3A_389 : memref<128x5xf32, #tpu.memory_space<vmem>>[vector<16xi32>, vector<16xi32>], vector<16xf32>,
      %mul3A_392 = vector.broadcast %squeeze3A_35 : f32 to vector<16xf32>
      %mul3A_393 = arith.mulf %mul3A_392, %scan3A_166#12 : vector<16xf32>
      %mul3A_394 = vector.broadcast %squeeze3A_45 : f32 to vector<16xf32>
      %mul3A_395 = arith.mulf %mul3A_394, %scan3A_166#13 : vector<16xf32>
      %add3A_396 = arith.addf %mul3A_393, %mul3A_395 : vector<16xf32>
      %broadcast_in_dim3A_397 = arith.constant 2 : i32
      %broadcast_in_dim3A_398 = vector.broadcast %broadcast_in_dim3A_397 : i32 to vector<16xi32>
      tpu.vector_store_idx %arg15[%add3A_71, %broadcast_in_dim3A_398], %add3A_396 : memref<128x5xf32, #tpu.memory_space<vmem>>[vector<16xi32>, vector<16xi32>], vector<16xf32>,
      %mul3A_399 = vector.broadcast %squeeze3A_37 : f32 to vector<16xf32>
      %mul3A_400 = arith.mulf %mul3A_399, %scan3A_166#12 : vector<16xf32>
      %mul3A_401 = vector.broadcast %squeeze3A_47 : f32 to vector<16xf32>
      %mul3A_402 = arith.mulf %mul3A_401, %scan3A_166#13 : vector<16xf32>
      %add3A_403 = arith.addf %mul3A_400, %mul3A_402 : vector<16xf32>
      %broadcast_in_dim3A_404 = arith.constant 3 : i32
      %broadcast_in_dim3A_405 = vector.broadcast %broadcast_in_dim3A_404 : i32 to vector<16xi32>
      tpu.vector_store_idx %arg15[%add3A_71, %broadcast_in_dim3A_405], %add3A_403 : memref<128x5xf32, #tpu.memory_space<vmem>>[vector<16xi32>, vector<16xi32>], vector<16xf32>,
      %mul3A_406 = vector.broadcast %squeeze3A_39 : f32 to vector<16xf32>
      %mul3A_407 = arith.mulf %mul3A_406, %scan3A_166#12 : vector<16xf32>
      %mul3A_408 = vector.broadcast %squeeze3A_49 : f32 to vector<16xf32>
      %mul3A_409 = arith.mulf %mul3A_408, %scan3A_166#13 : vector<16xf32>
      %add3A_410 = arith.addf %mul3A_407, %mul3A_409 : vector<16xf32>
      %broadcast_in_dim3A_411 = arith.constant 4 : i32
      %broadcast_in_dim3A_412 = vector.broadcast %broadcast_in_dim3A_411 : i32 to vector<16xi32>
      tpu.vector_store_idx %arg15[%add3A_71, %broadcast_in_dim3A_412], %add3A_410 : memref<128x5xf32, #tpu.memory_space<vmem>>[vector<16xi32>, vector<16xi32>], vector<16xf32>,
      %mul3A_413 = vector.broadcast %squeeze3A : f32 to vector<16xf32>
      %mul3A_414 = arith.mulf %mul3A_413, %scan3A_166#14 : vector<16xf32>
      %mul3A_415 = vector.broadcast %squeeze3A_41 : f32 to vector<16xf32>
      %mul3A_416 = arith.mulf %mul3A_415, %scan3A_166#15 : vector<16xf32>
      %add3A_417 = arith.addf %mul3A_414, %mul3A_416 : vector<16xf32>
      %broadcast_in_dim3A_418 = arith.constant 0 : i32
      %broadcast_in_dim3A_419 = vector.broadcast %broadcast_in_dim3A_418 : i32 to vector<16xi32>
      tpu.vector_store_idx %arg15[%add3A_74, %broadcast_in_dim3A_419], %add3A_417 : memref<128x5xf32, #tpu.memory_space<vmem>>[vector<16xi32>, vector<16xi32>], vector<16xf32>,
      %mul3A_420 = vector.broadcast %squeeze3A_33 : f32 to vector<16xf32>
      %mul3A_421 = arith.mulf %mul3A_420, %scan3A_166#14 : vector<16xf32>
      %mul3A_422 = vector.broadcast %squeeze3A_43 : f32 to vector<16xf32>
      %mul3A_423 = arith.mulf %mul3A_422, %scan3A_166#15 : vector<16xf32>
      %add3A_424 = arith.addf %mul3A_421, %mul3A_423 : vector<16xf32>
      %broadcast_in_dim3A_425 = arith.constant 1 : i32
      %broadcast_in_dim3A_426 = vector.broadcast %broadcast_in_dim3A_425 : i32 to vector<16xi32>
      tpu.vector_store_idx %arg15[%add3A_74, %broadcast_in_dim3A_426], %add3A_424 : memref<128x5xf32, #tpu.memory_space<vmem>>[vector<16xi32>, vector<16xi32>], vector<16xf32>,
      %mul3A_427 = vector.broadcast %squeeze3A_35 : f32 to vector<16xf32>
      %mul3A_428 = arith.mulf %mul3A_427, %scan3A_166#14 : vector<16xf32>
      %mul3A_429 = vector.broadcast %squeeze3A_45 : f32 to vector<16xf32>
      %mul3A_430 = arith.mulf %mul3A_429, %scan3A_166#15 : vector<16xf32>
      %add3A_431 = arith.addf %mul3A_428, %mul3A_430 : vector<16xf32>
      %broadcast_in_dim3A_432 = arith.constant 2 : i32
      %broadcast_in_dim3A_433 = vector.broadcast %broadcast_in_dim3A_432 : i32 to vector<16xi32>
      tpu.vector_store_idx %arg15[%add3A_74, %broadcast_in_dim3A_433], %add3A_431 : memref<128x5xf32, #tpu.memory_space<vmem>>[vector<16xi32>, vector<16xi32>], vector<16xf32>,
      %mul3A_434 = vector.broadcast %squeeze3A_37 : f32 to vector<16xf32>
      %mul3A_435 = arith.mulf %mul3A_434, %scan3A_166#14 : vector<16xf32>
      %mul3A_436 = vector.broadcast %squeeze3A_47 : f32 to vector<16xf32>
      %mul3A_437 = arith.mulf %mul3A_436, %scan3A_166#15 : vector<16xf32>
      %add3A_438 = arith.addf %mul3A_435, %mul3A_437 : vector<16xf32>
      %broadcast_in_dim3A_439 = arith.constant 3 : i32
      %broadcast_in_dim3A_440 = vector.broadcast %broadcast_in_dim3A_439 : i32 to vector<16xi32>
      tpu.vector_store_idx %arg15[%add3A_74, %broadcast_in_dim3A_440], %add3A_438 : memref<128x5xf32, #tpu.memory_space<vmem>>[vector<16xi32>, vector<16xi32>], vector<16xf32>,
      %mul3A_441 = vector.broadcast %squeeze3A_39 : f32 to vector<16xf32>
      %mul3A_442 = arith.mulf %mul3A_441, %scan3A_166#14 : vector<16xf32>
      %mul3A_443 = vector.broadcast %squeeze3A_49 : f32 to vector<16xf32>
      %mul3A_444 = arith.mulf %mul3A_443, %scan3A_166#15 : vector<16xf32>
      %add3A_445 = arith.addf %mul3A_442, %mul3A_444 : vector<16xf32>
      %broadcast_in_dim3A_446 = arith.constant 4 : i32
      %broadcast_in_dim3A_447 = vector.broadcast %broadcast_in_dim3A_446 : i32 to vector<16xi32>
      tpu.vector_store_idx %arg15[%add3A_74, %broadcast_in_dim3A_447], %add3A_445 : memref<128x5xf32, #tpu.memory_space<vmem>>[vector<16xi32>, vector<16xi32>], vector<16xf32>,
      %mul3A_448 = arith.constant 128 : i32
      %mul3A_449 = arith.muli %mul3A_133, %mul3A_448 : i32
      %add3A_450 = arith.addi %mul3A_76, %mul3A_449 : i32
      %multiple_of3A = tpu.assume_multiple %add3A_450, 128 : i32
      %dma_start3A_451 = arith.constant 0 : i32
      %dma_start3A_452 = tpu.memref_slice %arg7[%multiple_of3A, %dma_start3A_451] : memref<320000x5xf32, #tpu.memory_space<hbm>> -> memref<128x5xf32, #tpu.memory_space<hbm>>
      %dma_start3A_453 = arith.constant 0 : i32
      %dma_start3A_454 = tpu.memref_slice %arg7[%multiple_of3A, %dma_start3A_453] : memref<320000x5xf32, #tpu.memory_space<hbm>> -> memref<128x5xf32, #tpu.memory_space<hbm>>
      tpu.enqueue_dma source(%arg15 : memref<128x5xf32, #tpu.memory_space<vmem>>) target(%dma_start3A_454 : memref<128x5xf32, #tpu.memory_space<hbm>>) target_semaphore(%arg21 : memref<!tpu.dma_semaphore, #tpu.memory_space<semaphore_mem>>)
      %add3A_455 = arith.constant 1 : i32
      %add3A_456 = arith.addi %add3A_135, %add3A_455 : i32
      %lt3A_457 = arith.cmpi slt, %add3A_456, %select_n3A_18 : i32
      %convert_element_type3A_458 = arith.extui %lt3A_457 : i1 to i32
      %cond3A_459 = arith.constant 0 : i32
      %cond3A_460 = arith.cmpi ne, %convert_element_type3A_458, %cond3A_459 : i32
      scf.if %cond3A_460 {
        %add3A_773 = arith.constant 1 : i32
        %add3A_774 = arith.addi %add3A_135, %add3A_773 : i32
        %dma_start3A_775 = arith.constant 0 : i32
        %dma_start3A_776 = tpu.memref_slice %arg8[%add3A_774, %dma_start3A_775] : memref<79x128xi32, #tpu.memory_space<vmem>> -> memref<1x128xi32, #tpu.memory_space<vmem>>
        %dma_start3A_777 = tpu.memref_squeeze %dma_start3A_776 : memref<1x128xi32, #tpu.memory_space<vmem>> -> memref<128xi32, #tpu.memory_space<vmem>>
        %dma_start3A_778 = arith.constant 0 : i32
        %dma_start3A_779 = arith.constant 0 : i32
        %dma_start3A_780 = tpu.memref_slice %arg2[%dma_start3A_778, %dma_start3A_779] : memref<10000x128xi32, #tpu.memory_space<hbm>> -> memref<10000x128xi32, #tpu.memory_space<hbm>>
        tpu.enqueue_indirect_dma source(%dma_start3A_780 : memref<10000x128xi32, #tpu.memory_space<hbm>>) target(%arg10 : memref<128x128xi32, #tpu.memory_space<vmem>>) offsets(%dma_start3A_777 : memref<128xi32, #tpu.memory_space<vmem>>) semaphore(%arg17 : memref<!tpu.dma_semaphore, #tpu.memory_space<semaphore_mem>>)
        %dma_start3A_781 = arith.constant 0 : i32
        %dma_start3A_782 = tpu.memref_slice %arg9[%add3A_774, %dma_start3A_781] : memref<79x128xi32, #tpu.memory_space<vmem>> -> memref<1x128xi32, #tpu.memory_space<vmem>>
        %dma_start3A_783 = tpu.memref_squeeze %dma_start3A_782 : memref<1x128xi32, #tpu.memory_space<vmem>> -> memref<128xi32, #tpu.memory_space<vmem>>
        %dma_start3A_784 = arith.constant 0 : i32
        %dma_start3A_785 = arith.constant 0 : i32
        %dma_start3A_786 = tpu.memref_slice %arg3[%dma_start3A_784, %dma_start3A_785] : memref<10000x128xf32, #tpu.memory_space<hbm>> -> memref<10000x128xf32, #tpu.memory_space<hbm>>
        tpu.enqueue_indirect_dma source(%dma_start3A_786 : memref<10000x128xf32, #tpu.memory_space<hbm>>) target(%arg12 : memref<128x128xf32, #tpu.memory_space<vmem>>) offsets(%dma_start3A_783 : memref<128xi32, #tpu.memory_space<vmem>>) semaphore(%arg19 : memref<!tpu.dma_semaphore, #tpu.memory_space<semaphore_mem>>)
      } else {
      }
      %dma_wait3A_461 = arith.constant 0 : i32
      %dma_wait3A_462 = tpu.memref_slice %arg8[%add3A_135, %dma_wait3A_461] : memref<79x128xi32, #tpu.memory_space<vmem>> -> memref<1x128xi32, #tpu.memory_space<vmem>>
      %dma_wait3A_463 = tpu.memref_squeeze %dma_wait3A_462 : memref<1x128xi32, #tpu.memory_space<vmem>> -> memref<128xi32, #tpu.memory_space<vmem>>
      %dma_wait3A_464 = arith.constant 0 : i32
      %dma_wait3A_465 = arith.constant 0 : i32
      %dma_wait3A_466 = tpu.memref_slice %arg2[%dma_wait3A_464, %dma_wait3A_465] : memref<10000x128xi32, #tpu.memory_space<hbm>> -> memref<10000x128xi32, #tpu.memory_space<hbm>>
      tpu.wait_indirect_dma semaphore(%arg18 : memref<!tpu.dma_semaphore, #tpu.memory_space<semaphore_mem>>) src(%dma_wait3A_466 : memref<10000x128xi32, #tpu.memory_space<hbm>>) dst(%arg11 : memref<128x128xi32, #tpu.memory_space<vmem>>)
      %dma_wait3A_467 = arith.constant 0 : i32
      %dma_wait3A_468 = tpu.memref_slice %arg9[%add3A_135, %dma_wait3A_467] : memref<79x128xi32, #tpu.memory_space<vmem>> -> memref<1x128xi32, #tpu.memory_space<vmem>>
      %dma_wait3A_469 = tpu.memref_squeeze %dma_wait3A_468 : memref<1x128xi32, #tpu.memory_space<vmem>> -> memref<128xi32, #tpu.memory_space<vmem>>
      %dma_wait3A_470 = arith.constant 0 : i32
      %dma_wait3A_471 = arith.constant 0 : i32
      %dma_wait3A_472 = tpu.memref_slice %arg3[%dma_wait3A_470, %dma_wait3A_471] : memref<10000x128xf32, #tpu.memory_space<hbm>> -> memref<10000x128xf32, #tpu.memory_space<hbm>>
      tpu.wait_indirect_dma semaphore(%arg20 : memref<!tpu.dma_semaphore, #tpu.memory_space<semaphore_mem>>) src(%dma_wait3A_472 : memref<10000x128xf32, #tpu.memory_space<hbm>>) dst(%arg13 : memref<128x128xf32, #tpu.memory_space<vmem>>)
      %gt3A_473 = arith.constant 0 : i32
      %gt3A_474 = arith.cmpi sgt, %while3A_130, %gt3A_473 : i32
      %convert_element_type3A_475 = arith.extui %gt3A_474 : i1 to i32
      %cond3A_476 = arith.constant 0 : i32
      %cond3A_477 = arith.cmpi ne, %convert_element_type3A_475, %cond3A_476 : i32
      scf.if %cond3A_477 {
        %sub3A_773 = arith.constant 2 : i32
        %sub3A_774 = arith.subi %add3A_135, %sub3A_773 : i32
        %mul3A_775 = arith.constant 128 : i32
        %mul3A_776 = arith.muli %sub3A_774, %mul3A_775 : i32
        %add3A_777 = arith.addi %mul3A_76, %mul3A_776 : i32
        %multiple_of3A_778 = tpu.assume_multiple %add3A_777, 128 : i32
        %dma_wait3A_779 = arith.constant 0 : i32
        %dma_wait3A_780 = tpu.memref_slice %arg7[%multiple_of3A_778, %dma_wait3A_779] : memref<320000x5xf32, #tpu.memory_space<hbm>> -> memref<128x5xf32, #tpu.memory_space<hbm>>
        %dma_wait3A_781 = arith.constant 0 : i32
        %dma_wait3A_782 = tpu.memref_slice %arg7[%multiple_of3A_778, %dma_wait3A_781] : memref<320000x5xf32, #tpu.memory_space<hbm>> -> memref<128x5xf32, #tpu.memory_space<hbm>>
        tpu.wait_dma2 semaphore(%arg22 : memref<!tpu.dma_semaphore, #tpu.memory_space<semaphore_mem>>) src(%arg16 : memref<128x5xf32, #tpu.memory_space<vmem>>) dst(%dma_wait3A_782 : memref<128x5xf32, #tpu.memory_space<hbm>>)
      } else {
      }
      %scan3A_478 = arith.constant 0 : i32
      %scan3A_479 = arith.constant 64 : i32
      %scan3A_480 = arith.addi %scan3A_478, %scan3A_479 : i32
      %scan3A_481 = arith.constant 1 : i32
      %scan3A_482:16 = scf.for %scan3A_773 = %scan3A_478 to %scan3A_480 step %scan3A_481 iter_args(%scan3A_774 = %broadcast_in_dim3A_50, %scan3A_775 = %broadcast_in_dim3A_50, %scan3A_776 = %broadcast_in_dim3A_50, %scan3A_777 = %broadcast_in_dim3A_50, %scan3A_778 = %broadcast_in_dim3A_50, %scan3A_779 = %broadcast_in_dim3A_50, %scan3A_780 = %broadcast_in_dim3A_50, %scan3A_781 = %broadcast_in_dim3A_50, %scan3A_782 = %broadcast_in_dim3A_50, %scan3A_783 = %broadcast_in_dim3A_50, %scan3A_784 = %broadcast_in_dim3A_50, %scan3A_785 = %broadcast_in_dim3A_50, %scan3A_786 = %broadcast_in_dim3A_50, %scan3A_787 = %broadcast_in_dim3A_50, %scan3A_788 = %broadcast_in_dim3A_50, %scan3A_789 = %broadcast_in_dim3A_50) -> (vector<16xf32>, vector<16xf32>, vector<16xf32>, vector<16xf32>, vector<16xf32>, vector<16xf32>, vector<16xf32>, vector<16xf32>, vector<16xf32>, vector<16xf32>, vector<16xf32>, vector<16xf32>, vector<16xf32>, vector<16xf32>, vector<16xf32>, vector<16xf32>)  : i32 {
        %add3A_790 = vector.broadcast %scan3A_773 : i32 to vector<16xi32>
        %add3A_791 = arith.addi %iota3A, %add3A_790 : vector<16xi32>
        %and3A_792 = arith.constant 63 : i32
        %and3A_793 = vector.broadcast %and3A_792 : i32 to vector<16xi32>
        %and3A_794 = arith.andi %add3A_791, %and3A_793 : vector<16xi32>
        %add3A_795 = arith.constant 64 : i32
        %add3A_796 = vector.broadcast %add3A_795 : i32 to vector<16xi32>
        %add3A_797 = arith.addi %and3A_794, %add3A_796 : vector<16xi32>
        %gather3A = tpu.vector_load_idx %arg11[%add3A_53, %and3A_794] : memref<128x128xi32, #tpu.memory_space<vmem>>[vector<16xi32>, vector<16xi32>], vector<16xi32>,
        %gather3A_798 = tpu.vector_load_idx %arg11[%add3A_53, %add3A_797] : memref<128x128xi32, #tpu.memory_space<vmem>>[vector<16xi32>, vector<16xi32>], vector<16xi32>,
        %gather3A_799 = tpu.vector_load_idx %arg13[%add3A_53, %and3A_794] : memref<128x128xf32, #tpu.memory_space<vmem>>[vector<16xi32>, vector<16xi32>], vector<16xf32>,
        %gather3A_800 = tpu.vector_load_idx %arg13[%add3A_53, %add3A_797] : memref<128x128xf32, #tpu.memory_space<vmem>>[vector<16xi32>, vector<16xi32>], vector<16xf32>,
        %bitcast3A = vector.bitcast %gather3A : vector<16xi32> to vector<32xbf16>
        %unpack3A = tpu.unpack_subelements %bitcast3A, 0 {pack_format = #tpu.pack_format<interleaved>} : vector<32xbf16> -> vector<16xf32>
        %unpack3A_801 = tpu.unpack_subelements %bitcast3A, 1 {pack_format = #tpu.pack_format<interleaved>} : vector<32xbf16> -> vector<16xf32>
        %bitcast3A_802 = vector.bitcast %gather3A_798 : vector<16xi32> to vector<32xbf16>
        %unpack3A_803 = tpu.unpack_subelements %bitcast3A_802, 0 {pack_format = #tpu.pack_format<interleaved>} : vector<32xbf16> -> vector<16xf32>
        %unpack3A_804 = tpu.unpack_subelements %bitcast3A_802, 1 {pack_format = #tpu.pack_format<interleaved>} : vector<32xbf16> -> vector<16xf32>
        %mul3A_805 = arith.mulf %unpack3A, %gather3A_799 : vector<16xf32>
        %add3A_806 = arith.addf %scan3A_774, %mul3A_805 : vector<16xf32>
        %mul3A_807 = arith.mulf %unpack3A_801, %gather3A_800 : vector<16xf32>
        %add3A_808 = arith.addf %add3A_806, %mul3A_807 : vector<16xf32>
        %mul3A_809 = arith.mulf %unpack3A_803, %gather3A_799 : vector<16xf32>
        %add3A_810 = arith.addf %scan3A_775, %mul3A_809 : vector<16xf32>
        %mul3A_811 = arith.mulf %unpack3A_804, %gather3A_800 : vector<16xf32>
        %add3A_812 = arith.addf %add3A_810, %mul3A_811 : vector<16xf32>
        %gather3A_813 = tpu.vector_load_idx %arg11[%add3A_56, %and3A_794] : memref<128x128xi32, #tpu.memory_space<vmem>>[vector<16xi32>, vector<16xi32>], vector<16xi32>,
        %gather3A_814 = tpu.vector_load_idx %arg11[%add3A_56, %add3A_797] : memref<128x128xi32, #tpu.memory_space<vmem>>[vector<16xi32>, vector<16xi32>], vector<16xi32>,
        %gather3A_815 = tpu.vector_load_idx %arg13[%add3A_56, %and3A_794] : memref<128x128xf32, #tpu.memory_space<vmem>>[vector<16xi32>, vector<16xi32>], vector<16xf32>,
        %gather3A_816 = tpu.vector_load_idx %arg13[%add3A_56, %add3A_797] : memref<128x128xf32, #tpu.memory_space<vmem>>[vector<16xi32>, vector<16xi32>], vector<16xf32>,
        %bitcast3A_817 = vector.bitcast %gather3A_813 : vector<16xi32> to vector<32xbf16>
        %unpack3A_818 = tpu.unpack_subelements %bitcast3A_817, 0 {pack_format = #tpu.pack_format<interleaved>} : vector<32xbf16> -> vector<16xf32>
        %unpack3A_819 = tpu.unpack_subelements %bitcast3A_817, 1 {pack_format = #tpu.pack_format<interleaved>} : vector<32xbf16> -> vector<16xf32>
        %bitcast3A_820 = vector.bitcast %gather3A_814 : vector<16xi32> to vector<32xbf16>
        %unpack3A_821 = tpu.unpack_subelements %bitcast3A_820, 0 {pack_format = #tpu.pack_format<interleaved>} : vector<32xbf16> -> vector<16xf32>
        %unpack3A_822 = tpu.unpack_subelements %bitcast3A_820, 1 {pack_format = #tpu.pack_format<interleaved>} : vector<32xbf16> -> vector<16xf32>
        %mul3A_823 = arith.mulf %unpack3A_818, %gather3A_815 : vector<16xf32>
        %add3A_824 = arith.addf %scan3A_776, %mul3A_823 : vector<16xf32>
        %mul3A_825 = arith.mulf %unpack3A_819, %gather3A_816 : vector<16xf32>
        %add3A_826 = arith.addf %add3A_824, %mul3A_825 : vector<16xf32>
        %mul3A_827 = arith.mulf %unpack3A_821, %gather3A_815 : vector<16xf32>
        %add3A_828 = arith.addf %scan3A_777, %mul3A_827 : vector<16xf32>
        %mul3A_829 = arith.mulf %unpack3A_822, %gather3A_816 : vector<16xf32>
        %add3A_830 = arith.addf %add3A_828, %mul3A_829 : vector<16xf32>
        %gather3A_831 = tpu.vector_load_idx %arg11[%add3A_59, %and3A_794] : memref<128x128xi32, #tpu.memory_space<vmem>>[vector<16xi32>, vector<16xi32>], vector<16xi32>,
        %gather3A_832 = tpu.vector_load_idx %arg11[%add3A_59, %add3A_797] : memref<128x128xi32, #tpu.memory_space<vmem>>[vector<16xi32>, vector<16xi32>], vector<16xi32>,
        %gather3A_833 = tpu.vector_load_idx %arg13[%add3A_59, %and3A_794] : memref<128x128xf32, #tpu.memory_space<vmem>>[vector<16xi32>, vector<16xi32>], vector<16xf32>,
        %gather3A_834 = tpu.vector_load_idx %arg13[%add3A_59, %add3A_797] : memref<128x128xf32, #tpu.memory_space<vmem>>[vector<16xi32>, vector<16xi32>], vector<16xf32>,
        %bitcast3A_835 = vector.bitcast %gather3A_831 : vector<16xi32> to vector<32xbf16>
        %unpack3A_836 = tpu.unpack_subelements %bitcast3A_835, 0 {pack_format = #tpu.pack_format<interleaved>} : vector<32xbf16> -> vector<16xf32>
        %unpack3A_837 = tpu.unpack_subelements %bitcast3A_835, 1 {pack_format = #tpu.pack_format<interleaved>} : vector<32xbf16> -> vector<16xf32>
        %bitcast3A_838 = vector.bitcast %gather3A_832 : vector<16xi32> to vector<32xbf16>
        %unpack3A_839 = tpu.unpack_subelements %bitcast3A_838, 0 {pack_format = #tpu.pack_format<interleaved>} : vector<32xbf16> -> vector<16xf32>
        %unpack3A_840 = tpu.unpack_subelements %bitcast3A_838, 1 {pack_format = #tpu.pack_format<interleaved>} : vector<32xbf16> -> vector<16xf32>
        %mul3A_841 = arith.mulf %unpack3A_836, %gather3A_833 : vector<16xf32>
        %add3A_842 = arith.addf %scan3A_778, %mul3A_841 : vector<16xf32>
        %mul3A_843 = arith.mulf %unpack3A_837, %gather3A_834 : vector<16xf32>
        %add3A_844 = arith.addf %add3A_842, %mul3A_843 : vector<16xf32>
        %mul3A_845 = arith.mulf %unpack3A_839, %gather3A_833 : vector<16xf32>
        %add3A_846 = arith.addf %scan3A_779, %mul3A_845 : vector<16xf32>
        %mul3A_847 = arith.mulf %unpack3A_840, %gather3A_834 : vector<16xf32>
        %add3A_848 = arith.addf %add3A_846, %mul3A_847 : vector<16xf32>
        %gather3A_849 = tpu.vector_load_idx %arg11[%add3A_62, %and3A_794] : memref<128x128xi32, #tpu.memory_space<vmem>>[vector<16xi32>, vector<16xi32>], vector<16xi32>,
        %gather3A_850 = tpu.vector_load_idx %arg11[%add3A_62, %add3A_797] : memref<128x128xi32, #tpu.memory_space<vmem>>[vector<16xi32>, vector<16xi32>], vector<16xi32>,
        %gather3A_851 = tpu.vector_load_idx %arg13[%add3A_62, %and3A_794] : memref<128x128xf32, #tpu.memory_space<vmem>>[vector<16xi32>, vector<16xi32>], vector<16xf32>,
        %gather3A_852 = tpu.vector_load_idx %arg13[%add3A_62, %add3A_797] : memref<128x128xf32, #tpu.memory_space<vmem>>[vector<16xi32>, vector<16xi32>], vector<16xf32>,
        %bitcast3A_853 = vector.bitcast %gather3A_849 : vector<16xi32> to vector<32xbf16>
        %unpack3A_854 = tpu.unpack_subelements %bitcast3A_853, 0 {pack_format = #tpu.pack_format<interleaved>} : vector<32xbf16> -> vector<16xf32>
        %unpack3A_855 = tpu.unpack_subelements %bitcast3A_853, 1 {pack_format = #tpu.pack_format<interleaved>} : vector<32xbf16> -> vector<16xf32>
        %bitcast3A_856 = vector.bitcast %gather3A_850 : vector<16xi32> to vector<32xbf16>
        %unpack3A_857 = tpu.unpack_subelements %bitcast3A_856, 0 {pack_format = #tpu.pack_format<interleaved>} : vector<32xbf16> -> vector<16xf32>
        %unpack3A_858 = tpu.unpack_subelements %bitcast3A_856, 1 {pack_format = #tpu.pack_format<interleaved>} : vector<32xbf16> -> vector<16xf32>
        %mul3A_859 = arith.mulf %unpack3A_854, %gather3A_851 : vector<16xf32>
        %add3A_860 = arith.addf %scan3A_780, %mul3A_859 : vector<16xf32>
        %mul3A_861 = arith.mulf %unpack3A_855, %gather3A_852 : vector<16xf32>
        %add3A_862 = arith.addf %add3A_860, %mul3A_861 : vector<16xf32>
        %mul3A_863 = arith.mulf %unpack3A_857, %gather3A_851 : vector<16xf32>
        %add3A_864 = arith.addf %scan3A_781, %mul3A_863 : vector<16xf32>
        %mul3A_865 = arith.mulf %unpack3A_858, %gather3A_852 : vector<16xf32>
        %add3A_866 = arith.addf %add3A_864, %mul3A_865 : vector<16xf32>
        %gather3A_867 = tpu.vector_load_idx %arg11[%add3A_65, %and3A_794] : memref<128x128xi32, #tpu.memory_space<vmem>>[vector<16xi32>, vector<16xi32>], vector<16xi32>,
        %gather3A_868 = tpu.vector_load_idx %arg11[%add3A_65, %add3A_797] : memref<128x128xi32, #tpu.memory_space<vmem>>[vector<16xi32>, vector<16xi32>], vector<16xi32>,
        %gather3A_869 = tpu.vector_load_idx %arg13[%add3A_65, %and3A_794] : memref<128x128xf32, #tpu.memory_space<vmem>>[vector<16xi32>, vector<16xi32>], vector<16xf32>,
        %gather3A_870 = tpu.vector_load_idx %arg13[%add3A_65, %add3A_797] : memref<128x128xf32, #tpu.memory_space<vmem>>[vector<16xi32>, vector<16xi32>], vector<16xf32>,
        %bitcast3A_871 = vector.bitcast %gather3A_867 : vector<16xi32> to vector<32xbf16>
        %unpack3A_872 = tpu.unpack_subelements %bitcast3A_871, 0 {pack_format = #tpu.pack_format<interleaved>} : vector<32xbf16> -> vector<16xf32>
        %unpack3A_873 = tpu.unpack_subelements %bitcast3A_871, 1 {pack_format = #tpu.pack_format<interleaved>} : vector<32xbf16> -> vector<16xf32>
        %bitcast3A_874 = vector.bitcast %gather3A_868 : vector<16xi32> to vector<32xbf16>
        %unpack3A_875 = tpu.unpack_subelements %bitcast3A_874, 0 {pack_format = #tpu.pack_format<interleaved>} : vector<32xbf16> -> vector<16xf32>
        %unpack3A_876 = tpu.unpack_subelements %bitcast3A_874, 1 {pack_format = #tpu.pack_format<interleaved>} : vector<32xbf16> -> vector<16xf32>
        %mul3A_877 = arith.mulf %unpack3A_872, %gather3A_869 : vector<16xf32>
        %add3A_878 = arith.addf %scan3A_782, %mul3A_877 : vector<16xf32>
        %mul3A_879 = arith.mulf %unpack3A_873, %gather3A_870 : vector<16xf32>
        %add3A_880 = arith.addf %add3A_878, %mul3A_879 : vector<16xf32>
        %mul3A_881 = arith.mulf %unpack3A_875, %gather3A_869 : vector<16xf32>
        %add3A_882 = arith.addf %scan3A_783, %mul3A_881 : vector<16xf32>
        %mul3A_883 = arith.mulf %unpack3A_876, %gather3A_870 : vector<16xf32>
        %add3A_884 = arith.addf %add3A_882, %mul3A_883 : vector<16xf32>
        %gather3A_885 = tpu.vector_load_idx %arg11[%add3A_68, %and3A_794] : memref<128x128xi32, #tpu.memory_space<vmem>>[vector<16xi32>, vector<16xi32>], vector<16xi32>,
        %gather3A_886 = tpu.vector_load_idx %arg11[%add3A_68, %add3A_797] : memref<128x128xi32, #tpu.memory_space<vmem>>[vector<16xi32>, vector<16xi32>], vector<16xi32>,
        %gather3A_887 = tpu.vector_load_idx %arg13[%add3A_68, %and3A_794] : memref<128x128xf32, #tpu.memory_space<vmem>>[vector<16xi32>, vector<16xi32>], vector<16xf32>,
        %gather3A_888 = tpu.vector_load_idx %arg13[%add3A_68, %add3A_797] : memref<128x128xf32, #tpu.memory_space<vmem>>[vector<16xi32>, vector<16xi32>], vector<16xf32>,
        %bitcast3A_889 = vector.bitcast %gather3A_885 : vector<16xi32> to vector<32xbf16>
        %unpack3A_890 = tpu.unpack_subelements %bitcast3A_889, 0 {pack_format = #tpu.pack_format<interleaved>} : vector<32xbf16> -> vector<16xf32>
        %unpack3A_891 = tpu.unpack_subelements %bitcast3A_889, 1 {pack_format = #tpu.pack_format<interleaved>} : vector<32xbf16> -> vector<16xf32>
        %bitcast3A_892 = vector.bitcast %gather3A_886 : vector<16xi32> to vector<32xbf16>
        %unpack3A_893 = tpu.unpack_subelements %bitcast3A_892, 0 {pack_format = #tpu.pack_format<interleaved>} : vector<32xbf16> -> vector<16xf32>
        %unpack3A_894 = tpu.unpack_subelements %bitcast3A_892, 1 {pack_format = #tpu.pack_format<interleaved>} : vector<32xbf16> -> vector<16xf32>
        %mul3A_895 = arith.mulf %unpack3A_890, %gather3A_887 : vector<16xf32>
        %add3A_896 = arith.addf %scan3A_784, %mul3A_895 : vector<16xf32>
        %mul3A_897 = arith.mulf %unpack3A_891, %gather3A_888 : vector<16xf32>
        %add3A_898 = arith.addf %add3A_896, %mul3A_897 : vector<16xf32>
        %mul3A_899 = arith.mulf %unpack3A_893, %gather3A_887 : vector<16xf32>
        %add3A_900 = arith.addf %scan3A_785, %mul3A_899 : vector<16xf32>
        %mul3A_901 = arith.mulf %unpack3A_894, %gather3A_888 : vector<16xf32>
        %add3A_902 = arith.addf %add3A_900, %mul3A_901 : vector<16xf32>
        %gather3A_903 = tpu.vector_load_idx %arg11[%add3A_71, %and3A_794] : memref<128x128xi32, #tpu.memory_space<vmem>>[vector<16xi32>, vector<16xi32>], vector<16xi32>,
        %gather3A_904 = tpu.vector_load_idx %arg11[%add3A_71, %add3A_797] : memref<128x128xi32, #tpu.memory_space<vmem>>[vector<16xi32>, vector<16xi32>], vector<16xi32>,
        %gather3A_905 = tpu.vector_load_idx %arg13[%add3A_71, %and3A_794] : memref<128x128xf32, #tpu.memory_space<vmem>>[vector<16xi32>, vector<16xi32>], vector<16xf32>,
        %gather3A_906 = tpu.vector_load_idx %arg13[%add3A_71, %add3A_797] : memref<128x128xf32, #tpu.memory_space<vmem>>[vector<16xi32>, vector<16xi32>], vector<16xf32>,
        %bitcast3A_907 = vector.bitcast %gather3A_903 : vector<16xi32> to vector<32xbf16>
        %unpack3A_908 = tpu.unpack_subelements %bitcast3A_907, 0 {pack_format = #tpu.pack_format<interleaved>} : vector<32xbf16> -> vector<16xf32>
        %unpack3A_909 = tpu.unpack_subelements %bitcast3A_907, 1 {pack_format = #tpu.pack_format<interleaved>} : vector<32xbf16> -> vector<16xf32>
        %bitcast3A_910 = vector.bitcast %gather3A_904 : vector<16xi32> to vector<32xbf16>
        %unpack3A_911 = tpu.unpack_subelements %bitcast3A_910, 0 {pack_format = #tpu.pack_format<interleaved>} : vector<32xbf16> -> vector<16xf32>
        %unpack3A_912 = tpu.unpack_subelements %bitcast3A_910, 1 {pack_format = #tpu.pack_format<interleaved>} : vector<32xbf16> -> vector<16xf32>
        %mul3A_913 = arith.mulf %unpack3A_908, %gather3A_905 : vector<16xf32>
        %add3A_914 = arith.addf %scan3A_786, %mul3A_913 : vector<16xf32>
        %mul3A_915 = arith.mulf %unpack3A_909, %gather3A_906 : vector<16xf32>
        %add3A_916 = arith.addf %add3A_914, %mul3A_915 : vector<16xf32>
        %mul3A_917 = arith.mulf %unpack3A_911, %gather3A_905 : vector<16xf32>
        %add3A_918 = arith.addf %scan3A_787, %mul3A_917 : vector<16xf32>
        %mul3A_919 = arith.mulf %unpack3A_912, %gather3A_906 : vector<16xf32>
        %add3A_920 = arith.addf %add3A_918, %mul3A_919 : vector<16xf32>
        %gather3A_921 = tpu.vector_load_idx %arg11[%add3A_74, %and3A_794] : memref<128x128xi32, #tpu.memory_space<vmem>>[vector<16xi32>, vector<16xi32>], vector<16xi32>,
        %gather3A_922 = tpu.vector_load_idx %arg11[%add3A_74, %add3A_797] : memref<128x128xi32, #tpu.memory_space<vmem>>[vector<16xi32>, vector<16xi32>], vector<16xi32>,
        %gather3A_923 = tpu.vector_load_idx %arg13[%add3A_74, %and3A_794] : memref<128x128xf32, #tpu.memory_space<vmem>>[vector<16xi32>, vector<16xi32>], vector<16xf32>,
        %gather3A_924 = tpu.vector_load_idx %arg13[%add3A_74, %add3A_797] : memref<128x128xf32, #tpu.memory_space<vmem>>[vector<16xi32>, vector<16xi32>], vector<16xf32>,
        %bitcast3A_925 = vector.bitcast %gather3A_921 : vector<16xi32> to vector<32xbf16>
        %unpack3A_926 = tpu.unpack_subelements %bitcast3A_925, 0 {pack_format = #tpu.pack_format<interleaved>} : vector<32xbf16> -> vector<16xf32>
        %unpack3A_927 = tpu.unpack_subelements %bitcast3A_925, 1 {pack_format = #tpu.pack_format<interleaved>} : vector<32xbf16> -> vector<16xf32>
        %bitcast3A_928 = vector.bitcast %gather3A_922 : vector<16xi32> to vector<32xbf16>
        %unpack3A_929 = tpu.unpack_subelements %bitcast3A_928, 0 {pack_format = #tpu.pack_format<interleaved>} : vector<32xbf16> -> vector<16xf32>
        %unpack3A_930 = tpu.unpack_subelements %bitcast3A_928, 1 {pack_format = #tpu.pack_format<interleaved>} : vector<32xbf16> -> vector<16xf32>
        %mul3A_931 = arith.mulf %unpack3A_926, %gather3A_923 : vector<16xf32>
        %add3A_932 = arith.addf %scan3A_788, %mul3A_931 : vector<16xf32>
        %mul3A_933 = arith.mulf %unpack3A_927, %gather3A_924 : vector<16xf32>
        %add3A_934 = arith.addf %add3A_932, %mul3A_933 : vector<16xf32>
        %mul3A_935 = arith.mulf %unpack3A_929, %gather3A_923 : vector<16xf32>
        %add3A_936 = arith.addf %scan3A_789, %mul3A_935 : vector<16xf32>
        %mul3A_937 = arith.mulf %unpack3A_930, %gather3A_924 : vector<16xf32>
        %add3A_938 = arith.addf %add3A_936, %mul3A_937 : vector<16xf32>
        scf.yield %add3A_808, %add3A_812, %add3A_826, %add3A_830, %add3A_844, %add3A_848, %add3A_862, %add3A_866, %add3A_880, %add3A_884, %add3A_898, %add3A_902, %add3A_916, %add3A_920, %add3A_934, %add3A_938 : vector<16xf32>, vector<16xf32>, vector<16xf32>, vector<16xf32>, vector<16xf32>, vector<16xf32>, vector<16xf32>, vector<16xf32>, vector<16xf32>, vector<16xf32>, vector<16xf32>, vector<16xf32>, vector<16xf32>, vector<16xf32>, vector<16xf32>, vector<16xf32>
      }
      %scan3A_483 = arith.constant 64 : i32
      %mul3A_484 = vector.broadcast %squeeze3A : f32 to vector<16xf32>
      %mul3A_485 = arith.mulf %mul3A_484, %scan3A_482#0 : vector<16xf32>
      %mul3A_486 = vector.broadcast %squeeze3A_41 : f32 to vector<16xf32>
      %mul3A_487 = arith.mulf %mul3A_486, %scan3A_482#1 : vector<16xf32>
      %add3A_488 = arith.addf %mul3A_485, %mul3A_487 : vector<16xf32>
      %broadcast_in_dim3A_489 = arith.constant 0 : i32
      %broadcast_in_dim3A_490 = vector.broadcast %broadcast_in_dim3A_489 : i32 to vector<16xi32>
      tpu.vector_store_idx %arg16[%add3A_53, %broadcast_in_dim3A_490], %add3A_488 : memref<128x5xf32, #tpu.memory_space<vmem>>[vector<16xi32>, vector<16xi32>], vector<16xf32>,
      %mul3A_491 = vector.broadcast %squeeze3A_33 : f32 to vector<16xf32>
      %mul3A_492 = arith.mulf %mul3A_491, %scan3A_482#0 : vector<16xf32>
      %mul3A_493 = vector.broadcast %squeeze3A_43 : f32 to vector<16xf32>
      %mul3A_494 = arith.mulf %mul3A_493, %scan3A_482#1 : vector<16xf32>
      %add3A_495 = arith.addf %mul3A_492, %mul3A_494 : vector<16xf32>
      %broadcast_in_dim3A_496 = arith.constant 1 : i32
      %broadcast_in_dim3A_497 = vector.broadcast %broadcast_in_dim3A_496 : i32 to vector<16xi32>
      tpu.vector_store_idx %arg16[%add3A_53, %broadcast_in_dim3A_497], %add3A_495 : memref<128x5xf32, #tpu.memory_space<vmem>>[vector<16xi32>, vector<16xi32>], vector<16xf32>,
      %mul3A_498 = vector.broadcast %squeeze3A_35 : f32 to vector<16xf32>
      %mul3A_499 = arith.mulf %mul3A_498, %scan3A_482#0 : vector<16xf32>
      %mul3A_500 = vector.broadcast %squeeze3A_45 : f32 to vector<16xf32>
      %mul3A_501 = arith.mulf %mul3A_500, %scan3A_482#1 : vector<16xf32>
      %add3A_502 = arith.addf %mul3A_499, %mul3A_501 : vector<16xf32>
      %broadcast_in_dim3A_503 = arith.constant 2 : i32
      %broadcast_in_dim3A_504 = vector.broadcast %broadcast_in_dim3A_503 : i32 to vector<16xi32>
      tpu.vector_store_idx %arg16[%add3A_53, %broadcast_in_dim3A_504], %add3A_502 : memref<128x5xf32, #tpu.memory_space<vmem>>[vector<16xi32>, vector<16xi32>], vector<16xf32>,
      %mul3A_505 = vector.broadcast %squeeze3A_37 : f32 to vector<16xf32>
      %mul3A_506 = arith.mulf %mul3A_505, %scan3A_482#0 : vector<16xf32>
      %mul3A_507 = vector.broadcast %squeeze3A_47 : f32 to vector<16xf32>
      %mul3A_508 = arith.mulf %mul3A_507, %scan3A_482#1 : vector<16xf32>
      %add3A_509 = arith.addf %mul3A_506, %mul3A_508 : vector<16xf32>
      %broadcast_in_dim3A_510 = arith.constant 3 : i32
      %broadcast_in_dim3A_511 = vector.broadcast %broadcast_in_dim3A_510 : i32 to vector<16xi32>
      tpu.vector_store_idx %arg16[%add3A_53, %broadcast_in_dim3A_511], %add3A_509 : memref<128x5xf32, #tpu.memory_space<vmem>>[vector<16xi32>, vector<16xi32>], vector<16xf32>,
      %mul3A_512 = vector.broadcast %squeeze3A_39 : f32 to vector<16xf32>
      %mul3A_513 = arith.mulf %mul3A_512, %scan3A_482#0 : vector<16xf32>
      %mul3A_514 = vector.broadcast %squeeze3A_49 : f32 to vector<16xf32>
      %mul3A_515 = arith.mulf %mul3A_514, %scan3A_482#1 : vector<16xf32>
      %add3A_516 = arith.addf %mul3A_513, %mul3A_515 : vector<16xf32>
      %broadcast_in_dim3A_517 = arith.constant 4 : i32
      %broadcast_in_dim3A_518 = vector.broadcast %broadcast_in_dim3A_517 : i32 to vector<16xi32>
      tpu.vector_store_idx %arg16[%add3A_53, %broadcast_in_dim3A_518], %add3A_516 : memref<128x5xf32, #tpu.memory_space<vmem>>[vector<16xi32>, vector<16xi32>], vector<16xf32>,
      %mul3A_519 = vector.broadcast %squeeze3A : f32 to vector<16xf32>
      %mul3A_520 = arith.mulf %mul3A_519, %scan3A_482#2 : vector<16xf32>
      %mul3A_521 = vector.broadcast %squeeze3A_41 : f32 to vector<16xf32>
      %mul3A_522 = arith.mulf %mul3A_521, %scan3A_482#3 : vector<16xf32>
      %add3A_523 = arith.addf %mul3A_520, %mul3A_522 : vector<16xf32>
      %broadcast_in_dim3A_524 = arith.constant 0 : i32
      %broadcast_in_dim3A_525 = vector.broadcast %broadcast_in_dim3A_524 : i32 to vector<16xi32>
      tpu.vector_store_idx %arg16[%add3A_56, %broadcast_in_dim3A_525], %add3A_523 : memref<128x5xf32, #tpu.memory_space<vmem>>[vector<16xi32>, vector<16xi32>], vector<16xf32>,
      %mul3A_526 = vector.broadcast %squeeze3A_33 : f32 to vector<16xf32>
      %mul3A_527 = arith.mulf %mul3A_526, %scan3A_482#2 : vector<16xf32>
      %mul3A_528 = vector.broadcast %squeeze3A_43 : f32 to vector<16xf32>
      %mul3A_529 = arith.mulf %mul3A_528, %scan3A_482#3 : vector<16xf32>
      %add3A_530 = arith.addf %mul3A_527, %mul3A_529 : vector<16xf32>
      %broadcast_in_dim3A_531 = arith.constant 1 : i32
      %broadcast_in_dim3A_532 = vector.broadcast %broadcast_in_dim3A_531 : i32 to vector<16xi32>
      tpu.vector_store_idx %arg16[%add3A_56, %broadcast_in_dim3A_532], %add3A_530 : memref<128x5xf32, #tpu.memory_space<vmem>>[vector<16xi32>, vector<16xi32>], vector<16xf32>,
      %mul3A_533 = vector.broadcast %squeeze3A_35 : f32 to vector<16xf32>
      %mul3A_534 = arith.mulf %mul3A_533, %scan3A_482#2 : vector<16xf32>
      %mul3A_535 = vector.broadcast %squeeze3A_45 : f32 to vector<16xf32>
      %mul3A_536 = arith.mulf %mul3A_535, %scan3A_482#3 : vector<16xf32>
      %add3A_537 = arith.addf %mul3A_534, %mul3A_536 : vector<16xf32>
      %broadcast_in_dim3A_538 = arith.constant 2 : i32
      %broadcast_in_dim3A_539 = vector.broadcast %broadcast_in_dim3A_538 : i32 to vector<16xi32>
      tpu.vector_store_idx %arg16[%add3A_56, %broadcast_in_dim3A_539], %add3A_537 : memref<128x5xf32, #tpu.memory_space<vmem>>[vector<16xi32>, vector<16xi32>], vector<16xf32>,
      %mul3A_540 = vector.broadcast %squeeze3A_37 : f32 to vector<16xf32>
      %mul3A_541 = arith.mulf %mul3A_540, %scan3A_482#2 : vector<16xf32>
      %mul3A_542 = vector.broadcast %squeeze3A_47 : f32 to vector<16xf32>
      %mul3A_543 = arith.mulf %mul3A_542, %scan3A_482#3 : vector<16xf32>
      %add3A_544 = arith.addf %mul3A_541, %mul3A_543 : vector<16xf32>
      %broadcast_in_dim3A_545 = arith.constant 3 : i32
      %broadcast_in_dim3A_546 = vector.broadcast %broadcast_in_dim3A_545 : i32 to vector<16xi32>
      tpu.vector_store_idx %arg16[%add3A_56, %broadcast_in_dim3A_546], %add3A_544 : memref<128x5xf32, #tpu.memory_space<vmem>>[vector<16xi32>, vector<16xi32>], vector<16xf32>,
      %mul3A_547 = vector.broadcast %squeeze3A_39 : f32 to vector<16xf32>
      %mul3A_548 = arith.mulf %mul3A_547, %scan3A_482#2 : vector<16xf32>
      %mul3A_549 = vector.broadcast %squeeze3A_49 : f32 to vector<16xf32>
      %mul3A_550 = arith.mulf %mul3A_549, %scan3A_482#3 : vector<16xf32>
      %add3A_551 = arith.addf %mul3A_548, %mul3A_550 : vector<16xf32>
      %broadcast_in_dim3A_552 = arith.constant 4 : i32
      %broadcast_in_dim3A_553 = vector.broadcast %broadcast_in_dim3A_552 : i32 to vector<16xi32>
      tpu.vector_store_idx %arg16[%add3A_56, %broadcast_in_dim3A_553], %add3A_551 : memref<128x5xf32, #tpu.memory_space<vmem>>[vector<16xi32>, vector<16xi32>], vector<16xf32>,
      %mul3A_554 = vector.broadcast %squeeze3A : f32 to vector<16xf32>
      %mul3A_555 = arith.mulf %mul3A_554, %scan3A_482#4 : vector<16xf32>
      %mul3A_556 = vector.broadcast %squeeze3A_41 : f32 to vector<16xf32>
      %mul3A_557 = arith.mulf %mul3A_556, %scan3A_482#5 : vector<16xf32>
      %add3A_558 = arith.addf %mul3A_555, %mul3A_557 : vector<16xf32>
      %broadcast_in_dim3A_559 = arith.constant 0 : i32
      %broadcast_in_dim3A_560 = vector.broadcast %broadcast_in_dim3A_559 : i32 to vector<16xi32>
      tpu.vector_store_idx %arg16[%add3A_59, %broadcast_in_dim3A_560], %add3A_558 : memref<128x5xf32, #tpu.memory_space<vmem>>[vector<16xi32>, vector<16xi32>], vector<16xf32>,
      %mul3A_561 = vector.broadcast %squeeze3A_33 : f32 to vector<16xf32>
      %mul3A_562 = arith.mulf %mul3A_561, %scan3A_482#4 : vector<16xf32>
      %mul3A_563 = vector.broadcast %squeeze3A_43 : f32 to vector<16xf32>
      %mul3A_564 = arith.mulf %mul3A_563, %scan3A_482#5 : vector<16xf32>
      %add3A_565 = arith.addf %mul3A_562, %mul3A_564 : vector<16xf32>
      %broadcast_in_dim3A_566 = arith.constant 1 : i32
      %broadcast_in_dim3A_567 = vector.broadcast %broadcast_in_dim3A_566 : i32 to vector<16xi32>
      tpu.vector_store_idx %arg16[%add3A_59, %broadcast_in_dim3A_567], %add3A_565 : memref<128x5xf32, #tpu.memory_space<vmem>>[vector<16xi32>, vector<16xi32>], vector<16xf32>,
      %mul3A_568 = vector.broadcast %squeeze3A_35 : f32 to vector<16xf32>
      %mul3A_569 = arith.mulf %mul3A_568, %scan3A_482#4 : vector<16xf32>
      %mul3A_570 = vector.broadcast %squeeze3A_45 : f32 to vector<16xf32>
      %mul3A_571 = arith.mulf %mul3A_570, %scan3A_482#5 : vector<16xf32>
      %add3A_572 = arith.addf %mul3A_569, %mul3A_571 : vector<16xf32>
      %broadcast_in_dim3A_573 = arith.constant 2 : i32
      %broadcast_in_dim3A_574 = vector.broadcast %broadcast_in_dim3A_573 : i32 to vector<16xi32>
      tpu.vector_store_idx %arg16[%add3A_59, %broadcast_in_dim3A_574], %add3A_572 : memref<128x5xf32, #tpu.memory_space<vmem>>[vector<16xi32>, vector<16xi32>], vector<16xf32>,
      %mul3A_575 = vector.broadcast %squeeze3A_37 : f32 to vector<16xf32>
      %mul3A_576 = arith.mulf %mul3A_575, %scan3A_482#4 : vector<16xf32>
      %mul3A_577 = vector.broadcast %squeeze3A_47 : f32 to vector<16xf32>
      %mul3A_578 = arith.mulf %mul3A_577, %scan3A_482#5 : vector<16xf32>
      %add3A_579 = arith.addf %mul3A_576, %mul3A_578 : vector<16xf32>
      %broadcast_in_dim3A_580 = arith.constant 3 : i32
      %broadcast_in_dim3A_581 = vector.broadcast %broadcast_in_dim3A_580 : i32 to vector<16xi32>
      tpu.vector_store_idx %arg16[%add3A_59, %broadcast_in_dim3A_581], %add3A_579 : memref<128x5xf32, #tpu.memory_space<vmem>>[vector<16xi32>, vector<16xi32>], vector<16xf32>,
      %mul3A_582 = vector.broadcast %squeeze3A_39 : f32 to vector<16xf32>
      %mul3A_583 = arith.mulf %mul3A_582, %scan3A_482#4 : vector<16xf32>
      %mul3A_584 = vector.broadcast %squeeze3A_49 : f32 to vector<16xf32>
      %mul3A_585 = arith.mulf %mul3A_584, %scan3A_482#5 : vector<16xf32>
      %add3A_586 = arith.addf %mul3A_583, %mul3A_585 : vector<16xf32>
      %broadcast_in_dim3A_587 = arith.constant 4 : i32
      %broadcast_in_dim3A_588 = vector.broadcast %broadcast_in_dim3A_587 : i32 to vector<16xi32>
      tpu.vector_store_idx %arg16[%add3A_59, %broadcast_in_dim3A_588], %add3A_586 : memref<128x5xf32, #tpu.memory_space<vmem>>[vector<16xi32>, vector<16xi32>], vector<16xf32>,
      %mul3A_589 = vector.broadcast %squeeze3A : f32 to vector<16xf32>
      %mul3A_590 = arith.mulf %mul3A_589, %scan3A_482#6 : vector<16xf32>
      %mul3A_591 = vector.broadcast %squeeze3A_41 : f32 to vector<16xf32>
      %mul3A_592 = arith.mulf %mul3A_591, %scan3A_482#7 : vector<16xf32>
      %add3A_593 = arith.addf %mul3A_590, %mul3A_592 : vector<16xf32>
      %broadcast_in_dim3A_594 = arith.constant 0 : i32
      %broadcast_in_dim3A_595 = vector.broadcast %broadcast_in_dim3A_594 : i32 to vector<16xi32>
      tpu.vector_store_idx %arg16[%add3A_62, %broadcast_in_dim3A_595], %add3A_593 : memref<128x5xf32, #tpu.memory_space<vmem>>[vector<16xi32>, vector<16xi32>], vector<16xf32>,
      %mul3A_596 = vector.broadcast %squeeze3A_33 : f32 to vector<16xf32>
      %mul3A_597 = arith.mulf %mul3A_596, %scan3A_482#6 : vector<16xf32>
      %mul3A_598 = vector.broadcast %squeeze3A_43 : f32 to vector<16xf32>
      %mul3A_599 = arith.mulf %mul3A_598, %scan3A_482#7 : vector<16xf32>
      %add3A_600 = arith.addf %mul3A_597, %mul3A_599 : vector<16xf32>
      %broadcast_in_dim3A_601 = arith.constant 1 : i32
      %broadcast_in_dim3A_602 = vector.broadcast %broadcast_in_dim3A_601 : i32 to vector<16xi32>
      tpu.vector_store_idx %arg16[%add3A_62, %broadcast_in_dim3A_602], %add3A_600 : memref<128x5xf32, #tpu.memory_space<vmem>>[vector<16xi32>, vector<16xi32>], vector<16xf32>,
      %mul3A_603 = vector.broadcast %squeeze3A_35 : f32 to vector<16xf32>
      %mul3A_604 = arith.mulf %mul3A_603, %scan3A_482#6 : vector<16xf32>
      %mul3A_605 = vector.broadcast %squeeze3A_45 : f32 to vector<16xf32>
      %mul3A_606 = arith.mulf %mul3A_605, %scan3A_482#7 : vector<16xf32>
      %add3A_607 = arith.addf %mul3A_604, %mul3A_606 : vector<16xf32>
      %broadcast_in_dim3A_608 = arith.constant 2 : i32
      %broadcast_in_dim3A_609 = vector.broadcast %broadcast_in_dim3A_608 : i32 to vector<16xi32>
      tpu.vector_store_idx %arg16[%add3A_62, %broadcast_in_dim3A_609], %add3A_607 : memref<128x5xf32, #tpu.memory_space<vmem>>[vector<16xi32>, vector<16xi32>], vector<16xf32>,
      %mul3A_610 = vector.broadcast %squeeze3A_37 : f32 to vector<16xf32>
      %mul3A_611 = arith.mulf %mul3A_610, %scan3A_482#6 : vector<16xf32>
      %mul3A_612 = vector.broadcast %squeeze3A_47 : f32 to vector<16xf32>
      %mul3A_613 = arith.mulf %mul3A_612, %scan3A_482#7 : vector<16xf32>
      %add3A_614 = arith.addf %mul3A_611, %mul3A_613 : vector<16xf32>
      %broadcast_in_dim3A_615 = arith.constant 3 : i32
      %broadcast_in_dim3A_616 = vector.broadcast %broadcast_in_dim3A_615 : i32 to vector<16xi32>
      tpu.vector_store_idx %arg16[%add3A_62, %broadcast_in_dim3A_616], %add3A_614 : memref<128x5xf32, #tpu.memory_space<vmem>>[vector<16xi32>, vector<16xi32>], vector<16xf32>,
      %mul3A_617 = vector.broadcast %squeeze3A_39 : f32 to vector<16xf32>
      %mul3A_618 = arith.mulf %mul3A_617, %scan3A_482#6 : vector<16xf32>
      %mul3A_619 = vector.broadcast %squeeze3A_49 : f32 to vector<16xf32>
      %mul3A_620 = arith.mulf %mul3A_619, %scan3A_482#7 : vector<16xf32>
      %add3A_621 = arith.addf %mul3A_618, %mul3A_620 : vector<16xf32>
      %broadcast_in_dim3A_622 = arith.constant 4 : i32
      %broadcast_in_dim3A_623 = vector.broadcast %broadcast_in_dim3A_622 : i32 to vector<16xi32>
      tpu.vector_store_idx %arg16[%add3A_62, %broadcast_in_dim3A_623], %add3A_621 : memref<128x5xf32, #tpu.memory_space<vmem>>[vector<16xi32>, vector<16xi32>], vector<16xf32>,
      %mul3A_624 = vector.broadcast %squeeze3A : f32 to vector<16xf32>
      %mul3A_625 = arith.mulf %mul3A_624, %scan3A_482#8 : vector<16xf32>
      %mul3A_626 = vector.broadcast %squeeze3A_41 : f32 to vector<16xf32>
      %mul3A_627 = arith.mulf %mul3A_626, %scan3A_482#9 : vector<16xf32>
      %add3A_628 = arith.addf %mul3A_625, %mul3A_627 : vector<16xf32>
      %broadcast_in_dim3A_629 = arith.constant 0 : i32
      %broadcast_in_dim3A_630 = vector.broadcast %broadcast_in_dim3A_629 : i32 to vector<16xi32>
      tpu.vector_store_idx %arg16[%add3A_65, %broadcast_in_dim3A_630], %add3A_628 : memref<128x5xf32, #tpu.memory_space<vmem>>[vector<16xi32>, vector<16xi32>], vector<16xf32>,
      %mul3A_631 = vector.broadcast %squeeze3A_33 : f32 to vector<16xf32>
      %mul3A_632 = arith.mulf %mul3A_631, %scan3A_482#8 : vector<16xf32>
      %mul3A_633 = vector.broadcast %squeeze3A_43 : f32 to vector<16xf32>
      %mul3A_634 = arith.mulf %mul3A_633, %scan3A_482#9 : vector<16xf32>
      %add3A_635 = arith.addf %mul3A_632, %mul3A_634 : vector<16xf32>
      %broadcast_in_dim3A_636 = arith.constant 1 : i32
      %broadcast_in_dim3A_637 = vector.broadcast %broadcast_in_dim3A_636 : i32 to vector<16xi32>
      tpu.vector_store_idx %arg16[%add3A_65, %broadcast_in_dim3A_637], %add3A_635 : memref<128x5xf32, #tpu.memory_space<vmem>>[vector<16xi32>, vector<16xi32>], vector<16xf32>,
      %mul3A_638 = vector.broadcast %squeeze3A_35 : f32 to vector<16xf32>
      %mul3A_639 = arith.mulf %mul3A_638, %scan3A_482#8 : vector<16xf32>
      %mul3A_640 = vector.broadcast %squeeze3A_45 : f32 to vector<16xf32>
      %mul3A_641 = arith.mulf %mul3A_640, %scan3A_482#9 : vector<16xf32>
      %add3A_642 = arith.addf %mul3A_639, %mul3A_641 : vector<16xf32>
      %broadcast_in_dim3A_643 = arith.constant 2 : i32
      %broadcast_in_dim3A_644 = vector.broadcast %broadcast_in_dim3A_643 : i32 to vector<16xi32>
      tpu.vector_store_idx %arg16[%add3A_65, %broadcast_in_dim3A_644], %add3A_642 : memref<128x5xf32, #tpu.memory_space<vmem>>[vector<16xi32>, vector<16xi32>], vector<16xf32>,
      %mul3A_645 = vector.broadcast %squeeze3A_37 : f32 to vector<16xf32>
      %mul3A_646 = arith.mulf %mul3A_645, %scan3A_482#8 : vector<16xf32>
      %mul3A_647 = vector.broadcast %squeeze3A_47 : f32 to vector<16xf32>
      %mul3A_648 = arith.mulf %mul3A_647, %scan3A_482#9 : vector<16xf32>
      %add3A_649 = arith.addf %mul3A_646, %mul3A_648 : vector<16xf32>
      %broadcast_in_dim3A_650 = arith.constant 3 : i32
      %broadcast_in_dim3A_651 = vector.broadcast %broadcast_in_dim3A_650 : i32 to vector<16xi32>
      tpu.vector_store_idx %arg16[%add3A_65, %broadcast_in_dim3A_651], %add3A_649 : memref<128x5xf32, #tpu.memory_space<vmem>>[vector<16xi32>, vector<16xi32>], vector<16xf32>,
      %mul3A_652 = vector.broadcast %squeeze3A_39 : f32 to vector<16xf32>
      %mul3A_653 = arith.mulf %mul3A_652, %scan3A_482#8 : vector<16xf32>
      %mul3A_654 = vector.broadcast %squeeze3A_49 : f32 to vector<16xf32>
      %mul3A_655 = arith.mulf %mul3A_654, %scan3A_482#9 : vector<16xf32>
      %add3A_656 = arith.addf %mul3A_653, %mul3A_655 : vector<16xf32>
      %broadcast_in_dim3A_657 = arith.constant 4 : i32
      %broadcast_in_dim3A_658 = vector.broadcast %broadcast_in_dim3A_657 : i32 to vector<16xi32>
      tpu.vector_store_idx %arg16[%add3A_65, %broadcast_in_dim3A_658], %add3A_656 : memref<128x5xf32, #tpu.memory_space<vmem>>[vector<16xi32>, vector<16xi32>], vector<16xf32>,
      %mul3A_659 = vector.broadcast %squeeze3A : f32 to vector<16xf32>
      %mul3A_660 = arith.mulf %mul3A_659, %scan3A_482#10 : vector<16xf32>
      %mul3A_661 = vector.broadcast %squeeze3A_41 : f32 to vector<16xf32>
      %mul3A_662 = arith.mulf %mul3A_661, %scan3A_482#11 : vector<16xf32>
      %add3A_663 = arith.addf %mul3A_660, %mul3A_662 : vector<16xf32>
      %broadcast_in_dim3A_664 = arith.constant 0 : i32
      %broadcast_in_dim3A_665 = vector.broadcast %broadcast_in_dim3A_664 : i32 to vector<16xi32>
      tpu.vector_store_idx %arg16[%add3A_68, %broadcast_in_dim3A_665], %add3A_663 : memref<128x5xf32, #tpu.memory_space<vmem>>[vector<16xi32>, vector<16xi32>], vector<16xf32>,
      %mul3A_666 = vector.broadcast %squeeze3A_33 : f32 to vector<16xf32>
      %mul3A_667 = arith.mulf %mul3A_666, %scan3A_482#10 : vector<16xf32>
      %mul3A_668 = vector.broadcast %squeeze3A_43 : f32 to vector<16xf32>
      %mul3A_669 = arith.mulf %mul3A_668, %scan3A_482#11 : vector<16xf32>
      %add3A_670 = arith.addf %mul3A_667, %mul3A_669 : vector<16xf32>
      %broadcast_in_dim3A_671 = arith.constant 1 : i32
      %broadcast_in_dim3A_672 = vector.broadcast %broadcast_in_dim3A_671 : i32 to vector<16xi32>
      tpu.vector_store_idx %arg16[%add3A_68, %broadcast_in_dim3A_672], %add3A_670 : memref<128x5xf32, #tpu.memory_space<vmem>>[vector<16xi32>, vector<16xi32>], vector<16xf32>,
      %mul3A_673 = vector.broadcast %squeeze3A_35 : f32 to vector<16xf32>
      %mul3A_674 = arith.mulf %mul3A_673, %scan3A_482#10 : vector<16xf32>
      %mul3A_675 = vector.broadcast %squeeze3A_45 : f32 to vector<16xf32>
      %mul3A_676 = arith.mulf %mul3A_675, %scan3A_482#11 : vector<16xf32>
      %add3A_677 = arith.addf %mul3A_674, %mul3A_676 : vector<16xf32>
      %broadcast_in_dim3A_678 = arith.constant 2 : i32
      %broadcast_in_dim3A_679 = vector.broadcast %broadcast_in_dim3A_678 : i32 to vector<16xi32>
      tpu.vector_store_idx %arg16[%add3A_68, %broadcast_in_dim3A_679], %add3A_677 : memref<128x5xf32, #tpu.memory_space<vmem>>[vector<16xi32>, vector<16xi32>], vector<16xf32>,
      %mul3A_680 = vector.broadcast %squeeze3A_37 : f32 to vector<16xf32>
      %mul3A_681 = arith.mulf %mul3A_680, %scan3A_482#10 : vector<16xf32>
      %mul3A_682 = vector.broadcast %squeeze3A_47 : f32 to vector<16xf32>
      %mul3A_683 = arith.mulf %mul3A_682, %scan3A_482#11 : vector<16xf32>
      %add3A_684 = arith.addf %mul3A_681, %mul3A_683 : vector<16xf32>
      %broadcast_in_dim3A_685 = arith.constant 3 : i32
      %broadcast_in_dim3A_686 = vector.broadcast %broadcast_in_dim3A_685 : i32 to vector<16xi32>
      tpu.vector_store_idx %arg16[%add3A_68, %broadcast_in_dim3A_686], %add3A_684 : memref<128x5xf32, #tpu.memory_space<vmem>>[vector<16xi32>, vector<16xi32>], vector<16xf32>,
      %mul3A_687 = vector.broadcast %squeeze3A_39 : f32 to vector<16xf32>
      %mul3A_688 = arith.mulf %mul3A_687, %scan3A_482#10 : vector<16xf32>
      %mul3A_689 = vector.broadcast %squeeze3A_49 : f32 to vector<16xf32>
      %mul3A_690 = arith.mulf %mul3A_689, %scan3A_482#11 : vector<16xf32>
      %add3A_691 = arith.addf %mul3A_688, %mul3A_690 : vector<16xf32>
      %broadcast_in_dim3A_692 = arith.constant 4 : i32
      %broadcast_in_dim3A_693 = vector.broadcast %broadcast_in_dim3A_692 : i32 to vector<16xi32>
      tpu.vector_store_idx %arg16[%add3A_68, %broadcast_in_dim3A_693], %add3A_691 : memref<128x5xf32, #tpu.memory_space<vmem>>[vector<16xi32>, vector<16xi32>], vector<16xf32>,
      %mul3A_694 = vector.broadcast %squeeze3A : f32 to vector<16xf32>
      %mul3A_695 = arith.mulf %mul3A_694, %scan3A_482#12 : vector<16xf32>
      %mul3A_696 = vector.broadcast %squeeze3A_41 : f32 to vector<16xf32>
      %mul3A_697 = arith.mulf %mul3A_696, %scan3A_482#13 : vector<16xf32>
      %add3A_698 = arith.addf %mul3A_695, %mul3A_697 : vector<16xf32>
      %broadcast_in_dim3A_699 = arith.constant 0 : i32
      %broadcast_in_dim3A_700 = vector.broadcast %broadcast_in_dim3A_699 : i32 to vector<16xi32>
      tpu.vector_store_idx %arg16[%add3A_71, %broadcast_in_dim3A_700], %add3A_698 : memref<128x5xf32, #tpu.memory_space<vmem>>[vector<16xi32>, vector<16xi32>], vector<16xf32>,
      %mul3A_701 = vector.broadcast %squeeze3A_33 : f32 to vector<16xf32>
      %mul3A_702 = arith.mulf %mul3A_701, %scan3A_482#12 : vector<16xf32>
      %mul3A_703 = vector.broadcast %squeeze3A_43 : f32 to vector<16xf32>
      %mul3A_704 = arith.mulf %mul3A_703, %scan3A_482#13 : vector<16xf32>
      %add3A_705 = arith.addf %mul3A_702, %mul3A_704 : vector<16xf32>
      %broadcast_in_dim3A_706 = arith.constant 1 : i32
      %broadcast_in_dim3A_707 = vector.broadcast %broadcast_in_dim3A_706 : i32 to vector<16xi32>
      tpu.vector_store_idx %arg16[%add3A_71, %broadcast_in_dim3A_707], %add3A_705 : memref<128x5xf32, #tpu.memory_space<vmem>>[vector<16xi32>, vector<16xi32>], vector<16xf32>,
      %mul3A_708 = vector.broadcast %squeeze3A_35 : f32 to vector<16xf32>
      %mul3A_709 = arith.mulf %mul3A_708, %scan3A_482#12 : vector<16xf32>
      %mul3A_710 = vector.broadcast %squeeze3A_45 : f32 to vector<16xf32>
      %mul3A_711 = arith.mulf %mul3A_710, %scan3A_482#13 : vector<16xf32>
      %add3A_712 = arith.addf %mul3A_709, %mul3A_711 : vector<16xf32>
      %broadcast_in_dim3A_713 = arith.constant 2 : i32
      %broadcast_in_dim3A_714 = vector.broadcast %broadcast_in_dim3A_713 : i32 to vector<16xi32>
      tpu.vector_store_idx %arg16[%add3A_71, %broadcast_in_dim3A_714], %add3A_712 : memref<128x5xf32, #tpu.memory_space<vmem>>[vector<16xi32>, vector<16xi32>], vector<16xf32>,
      %mul3A_715 = vector.broadcast %squeeze3A_37 : f32 to vector<16xf32>
      %mul3A_716 = arith.mulf %mul3A_715, %scan3A_482#12 : vector<16xf32>
      %mul3A_717 = vector.broadcast %squeeze3A_47 : f32 to vector<16xf32>
      %mul3A_718 = arith.mulf %mul3A_717, %scan3A_482#13 : vector<16xf32>
      %add3A_719 = arith.addf %mul3A_716, %mul3A_718 : vector<16xf32>
      %broadcast_in_dim3A_720 = arith.constant 3 : i32
      %broadcast_in_dim3A_721 = vector.broadcast %broadcast_in_dim3A_720 : i32 to vector<16xi32>
      tpu.vector_store_idx %arg16[%add3A_71, %broadcast_in_dim3A_721], %add3A_719 : memref<128x5xf32, #tpu.memory_space<vmem>>[vector<16xi32>, vector<16xi32>], vector<16xf32>,
      %mul3A_722 = vector.broadcast %squeeze3A_39 : f32 to vector<16xf32>
      %mul3A_723 = arith.mulf %mul3A_722, %scan3A_482#12 : vector<16xf32>
      %mul3A_724 = vector.broadcast %squeeze3A_49 : f32 to vector<16xf32>
      %mul3A_725 = arith.mulf %mul3A_724, %scan3A_482#13 : vector<16xf32>
      %add3A_726 = arith.addf %mul3A_723, %mul3A_725 : vector<16xf32>
      %broadcast_in_dim3A_727 = arith.constant 4 : i32
      %broadcast_in_dim3A_728 = vector.broadcast %broadcast_in_dim3A_727 : i32 to vector<16xi32>
      tpu.vector_store_idx %arg16[%add3A_71, %broadcast_in_dim3A_728], %add3A_726 : memref<128x5xf32, #tpu.memory_space<vmem>>[vector<16xi32>, vector<16xi32>], vector<16xf32>,
      %mul3A_729 = vector.broadcast %squeeze3A : f32 to vector<16xf32>
      %mul3A_730 = arith.mulf %mul3A_729, %scan3A_482#14 : vector<16xf32>
      %mul3A_731 = vector.broadcast %squeeze3A_41 : f32 to vector<16xf32>
      %mul3A_732 = arith.mulf %mul3A_731, %scan3A_482#15 : vector<16xf32>
      %add3A_733 = arith.addf %mul3A_730, %mul3A_732 : vector<16xf32>
      %broadcast_in_dim3A_734 = arith.constant 0 : i32
      %broadcast_in_dim3A_735 = vector.broadcast %broadcast_in_dim3A_734 : i32 to vector<16xi32>
      tpu.vector_store_idx %arg16[%add3A_74, %broadcast_in_dim3A_735], %add3A_733 : memref<128x5xf32, #tpu.memory_space<vmem>>[vector<16xi32>, vector<16xi32>], vector<16xf32>,
      %mul3A_736 = vector.broadcast %squeeze3A_33 : f32 to vector<16xf32>
      %mul3A_737 = arith.mulf %mul3A_736, %scan3A_482#14 : vector<16xf32>
      %mul3A_738 = vector.broadcast %squeeze3A_43 : f32 to vector<16xf32>
      %mul3A_739 = arith.mulf %mul3A_738, %scan3A_482#15 : vector<16xf32>
      %add3A_740 = arith.addf %mul3A_737, %mul3A_739 : vector<16xf32>
      %broadcast_in_dim3A_741 = arith.constant 1 : i32
      %broadcast_in_dim3A_742 = vector.broadcast %broadcast_in_dim3A_741 : i32 to vector<16xi32>
      tpu.vector_store_idx %arg16[%add3A_74, %broadcast_in_dim3A_742], %add3A_740 : memref<128x5xf32, #tpu.memory_space<vmem>>[vector<16xi32>, vector<16xi32>], vector<16xf32>,
      %mul3A_743 = vector.broadcast %squeeze3A_35 : f32 to vector<16xf32>
      %mul3A_744 = arith.mulf %mul3A_743, %scan3A_482#14 : vector<16xf32>
      %mul3A_745 = vector.broadcast %squeeze3A_45 : f32 to vector<16xf32>
      %mul3A_746 = arith.mulf %mul3A_745, %scan3A_482#15 : vector<16xf32>
      %add3A_747 = arith.addf %mul3A_744, %mul3A_746 : vector<16xf32>
      %broadcast_in_dim3A_748 = arith.constant 2 : i32
      %broadcast_in_dim3A_749 = vector.broadcast %broadcast_in_dim3A_748 : i32 to vector<16xi32>
      tpu.vector_store_idx %arg16[%add3A_74, %broadcast_in_dim3A_749], %add3A_747 : memref<128x5xf32, #tpu.memory_space<vmem>>[vector<16xi32>, vector<16xi32>], vector<16xf32>,
      %mul3A_750 = vector.broadcast %squeeze3A_37 : f32 to vector<16xf32>
      %mul3A_751 = arith.mulf %mul3A_750, %scan3A_482#14 : vector<16xf32>
      %mul3A_752 = vector.broadcast %squeeze3A_47 : f32 to vector<16xf32>
      %mul3A_753 = arith.mulf %mul3A_752, %scan3A_482#15 : vector<16xf32>
      %add3A_754 = arith.addf %mul3A_751, %mul3A_753 : vector<16xf32>
      %broadcast_in_dim3A_755 = arith.constant 3 : i32
      %broadcast_in_dim3A_756 = vector.broadcast %broadcast_in_dim3A_755 : i32 to vector<16xi32>
      tpu.vector_store_idx %arg16[%add3A_74, %broadcast_in_dim3A_756], %add3A_754 : memref<128x5xf32, #tpu.memory_space<vmem>>[vector<16xi32>, vector<16xi32>], vector<16xf32>,
      %mul3A_757 = vector.broadcast %squeeze3A_39 : f32 to vector<16xf32>
      %mul3A_758 = arith.mulf %mul3A_757, %scan3A_482#14 : vector<16xf32>
      %mul3A_759 = vector.broadcast %squeeze3A_49 : f32 to vector<16xf32>
      %mul3A_760 = arith.mulf %mul3A_759, %scan3A_482#15 : vector<16xf32>
      %add3A_761 = arith.addf %mul3A_758, %mul3A_760 : vector<16xf32>
      %broadcast_in_dim3A_762 = arith.constant 4 : i32
      %broadcast_in_dim3A_763 = vector.broadcast %broadcast_in_dim3A_762 : i32 to vector<16xi32>
      tpu.vector_store_idx %arg16[%add3A_74, %broadcast_in_dim3A_763], %add3A_761 : memref<128x5xf32, #tpu.memory_space<vmem>>[vector<16xi32>, vector<16xi32>], vector<16xf32>,
      %mul3A_764 = arith.constant 128 : i32
      %mul3A_765 = arith.muli %add3A_135, %mul3A_764 : i32
      %add3A_766 = arith.addi %mul3A_76, %mul3A_765 : i32
      %multiple_of3A_767 = tpu.assume_multiple %add3A_766, 128 : i32
      %dma_start3A_768 = arith.constant 0 : i32
      %dma_start3A_769 = tpu.memref_slice %arg7[%multiple_of3A_767, %dma_start3A_768] : memref<320000x5xf32, #tpu.memory_space<hbm>> -> memref<128x5xf32, #tpu.memory_space<hbm>>
      %dma_start3A_770 = arith.constant 0 : i32
      %dma_start3A_771 = tpu.memref_slice %arg7[%multiple_of3A_767, %dma_start3A_770] : memref<320000x5xf32, #tpu.memory_space<hbm>> -> memref<128x5xf32, #tpu.memory_space<hbm>>
      tpu.enqueue_dma source(%arg16 : memref<128x5xf32, #tpu.memory_space<vmem>>) target(%dma_start3A_771 : memref<128x5xf32, #tpu.memory_space<hbm>>) target_semaphore(%arg22 : memref<!tpu.dma_semaphore, #tpu.memory_space<semaphore_mem>>)
      %while3A_772 = arith.constant 0 : i32
      scf.yield %while3A_772 : i32
    }
    %and3A_118 = arith.constant 1 : i32
    %and3A_119 = arith.andi %select_n3A_18, %and3A_118 : i32
    %eq3A_120 = arith.constant 1 : i32
    %eq3A_121 = arith.cmpi eq, %and3A_119, %eq3A_120 : i32
    %convert_element_type3A_122 = arith.extui %eq3A_121 : i1 to i32
    %cond3A_123 = arith.constant 0 : i32
    %cond3A_124 = arith.cmpi ne, %convert_element_type3A_122, %cond3A_123 : i32
    scf.if %cond3A_124 {
      %sub3A_130 = arith.constant 1 : i32
      %sub3A_131 = arith.subi %select_n3A_18, %sub3A_130 : i32
      %dma_wait3A = arith.constant 0 : i32
      %dma_wait3A_132 = tpu.memref_slice %arg8[%sub3A_131, %dma_wait3A] : memref<79x128xi32, #tpu.memory_space<vmem>> -> memref<1x128xi32, #tpu.memory_space<vmem>>
      %dma_wait3A_133 = tpu.memref_squeeze %dma_wait3A_132 : memref<1x128xi32, #tpu.memory_space<vmem>> -> memref<128xi32, #tpu.memory_space<vmem>>
      %dma_wait3A_134 = arith.constant 0 : i32
      %dma_wait3A_135 = arith.constant 0 : i32
      %dma_wait3A_136 = tpu.memref_slice %arg2[%dma_wait3A_134, %dma_wait3A_135] : memref<10000x128xi32, #tpu.memory_space<hbm>> -> memref<10000x128xi32, #tpu.memory_space<hbm>>
      tpu.wait_indirect_dma semaphore(%arg17 : memref<!tpu.dma_semaphore, #tpu.memory_space<semaphore_mem>>) src(%dma_wait3A_136 : memref<10000x128xi32, #tpu.memory_space<hbm>>) dst(%arg10 : memref<128x128xi32, #tpu.memory_space<vmem>>)
      %dma_wait3A_137 = arith.constant 0 : i32
      %dma_wait3A_138 = tpu.memref_slice %arg9[%sub3A_131, %dma_wait3A_137] : memref<79x128xi32, #tpu.memory_space<vmem>> -> memref<1x128xi32, #tpu.memory_space<vmem>>
      %dma_wait3A_139 = tpu.memref_squeeze %dma_wait3A_138 : memref<1x128xi32, #tpu.memory_space<vmem>> -> memref<128xi32, #tpu.memory_space<vmem>>
      %dma_wait3A_140 = arith.constant 0 : i32
      %dma_wait3A_141 = arith.constant 0 : i32
      %dma_wait3A_142 = tpu.memref_slice %arg3[%dma_wait3A_140, %dma_wait3A_141] : memref<10000x128xf32, #tpu.memory_space<hbm>> -> memref<10000x128xf32, #tpu.memory_space<hbm>>
      tpu.wait_indirect_dma semaphore(%arg19 : memref<!tpu.dma_semaphore, #tpu.memory_space<semaphore_mem>>) src(%dma_wait3A_142 : memref<10000x128xf32, #tpu.memory_space<hbm>>) dst(%arg12 : memref<128x128xf32, #tpu.memory_space<vmem>>)
      %sub3A_143 = arith.constant 3 : i32
      %sub3A_144 = arith.subi %select_n3A_18, %sub3A_143 : i32
      %mul3A_145 = arith.constant 128 : i32
      %mul3A_146 = arith.muli %sub3A_144, %mul3A_145 : i32
      %add3A_147 = arith.addi %mul3A_76, %mul3A_146 : i32
      %multiple_of3A = tpu.assume_multiple %add3A_147, 128 : i32
      %dma_wait3A_148 = arith.constant 0 : i32
      %dma_wait3A_149 = tpu.memref_slice %arg7[%multiple_of3A, %dma_wait3A_148] : memref<320000x5xf32, #tpu.memory_space<hbm>> -> memref<128x5xf32, #tpu.memory_space<hbm>>
      %dma_wait3A_150 = arith.constant 0 : i32
      %dma_wait3A_151 = tpu.memref_slice %arg7[%multiple_of3A, %dma_wait3A_150] : memref<320000x5xf32, #tpu.memory_space<hbm>> -> memref<128x5xf32, #tpu.memory_space<hbm>>
      tpu.wait_dma2 semaphore(%arg21 : memref<!tpu.dma_semaphore, #tpu.memory_space<semaphore_mem>>) src(%arg15 : memref<128x5xf32, #tpu.memory_space<vmem>>) dst(%dma_wait3A_151 : memref<128x5xf32, #tpu.memory_space<hbm>>)
      %sub3A_152 = arith.constant 1 : i32
      %sub3A_153 = arith.subi %select_n3A_18, %sub3A_152 : i32
      %scan3A = arith.constant 0 : i32
      %scan3A_154 = arith.constant 64 : i32
      %scan3A_155 = arith.addi %scan3A, %scan3A_154 : i32
      %scan3A_156 = arith.constant 1 : i32
      %scan3A_157:16 = scf.for %scan3A_467 = %scan3A to %scan3A_155 step %scan3A_156 iter_args(%scan3A_468 = %broadcast_in_dim3A_50, %scan3A_469 = %broadcast_in_dim3A_50, %scan3A_470 = %broadcast_in_dim3A_50, %scan3A_471 = %broadcast_in_dim3A_50, %scan3A_472 = %broadcast_in_dim3A_50, %scan3A_473 = %broadcast_in_dim3A_50, %scan3A_474 = %broadcast_in_dim3A_50, %scan3A_475 = %broadcast_in_dim3A_50, %scan3A_476 = %broadcast_in_dim3A_50, %scan3A_477 = %broadcast_in_dim3A_50, %scan3A_478 = %broadcast_in_dim3A_50, %scan3A_479 = %broadcast_in_dim3A_50, %scan3A_480 = %broadcast_in_dim3A_50, %scan3A_481 = %broadcast_in_dim3A_50, %scan3A_482 = %broadcast_in_dim3A_50, %scan3A_483 = %broadcast_in_dim3A_50) -> (vector<16xf32>, vector<16xf32>, vector<16xf32>, vector<16xf32>, vector<16xf32>, vector<16xf32>, vector<16xf32>, vector<16xf32>, vector<16xf32>, vector<16xf32>, vector<16xf32>, vector<16xf32>, vector<16xf32>, vector<16xf32>, vector<16xf32>, vector<16xf32>)  : i32 {
        %add3A_484 = vector.broadcast %scan3A_467 : i32 to vector<16xi32>
        %add3A_485 = arith.addi %iota3A, %add3A_484 : vector<16xi32>
        %and3A_486 = arith.constant 63 : i32
        %and3A_487 = vector.broadcast %and3A_486 : i32 to vector<16xi32>
        %and3A_488 = arith.andi %add3A_485, %and3A_487 : vector<16xi32>
        %add3A_489 = arith.constant 64 : i32
        %add3A_490 = vector.broadcast %add3A_489 : i32 to vector<16xi32>
        %add3A_491 = arith.addi %and3A_488, %add3A_490 : vector<16xi32>
        %gather3A = tpu.vector_load_idx %arg10[%add3A_53, %and3A_488] : memref<128x128xi32, #tpu.memory_space<vmem>>[vector<16xi32>, vector<16xi32>], vector<16xi32>,
        %gather3A_492 = tpu.vector_load_idx %arg10[%add3A_53, %add3A_491] : memref<128x128xi32, #tpu.memory_space<vmem>>[vector<16xi32>, vector<16xi32>], vector<16xi32>,
        %gather3A_493 = tpu.vector_load_idx %arg12[%add3A_53, %and3A_488] : memref<128x128xf32, #tpu.memory_space<vmem>>[vector<16xi32>, vector<16xi32>], vector<16xf32>,
        %gather3A_494 = tpu.vector_load_idx %arg12[%add3A_53, %add3A_491] : memref<128x128xf32, #tpu.memory_space<vmem>>[vector<16xi32>, vector<16xi32>], vector<16xf32>,
        %bitcast3A = vector.bitcast %gather3A : vector<16xi32> to vector<32xbf16>
        %unpack3A = tpu.unpack_subelements %bitcast3A, 0 {pack_format = #tpu.pack_format<interleaved>} : vector<32xbf16> -> vector<16xf32>
        %unpack3A_495 = tpu.unpack_subelements %bitcast3A, 1 {pack_format = #tpu.pack_format<interleaved>} : vector<32xbf16> -> vector<16xf32>
        %bitcast3A_496 = vector.bitcast %gather3A_492 : vector<16xi32> to vector<32xbf16>
        %unpack3A_497 = tpu.unpack_subelements %bitcast3A_496, 0 {pack_format = #tpu.pack_format<interleaved>} : vector<32xbf16> -> vector<16xf32>
        %unpack3A_498 = tpu.unpack_subelements %bitcast3A_496, 1 {pack_format = #tpu.pack_format<interleaved>} : vector<32xbf16> -> vector<16xf32>
        %mul3A_499 = arith.mulf %unpack3A, %gather3A_493 : vector<16xf32>
        %add3A_500 = arith.addf %scan3A_468, %mul3A_499 : vector<16xf32>
        %mul3A_501 = arith.mulf %unpack3A_495, %gather3A_494 : vector<16xf32>
        %add3A_502 = arith.addf %add3A_500, %mul3A_501 : vector<16xf32>
        %mul3A_503 = arith.mulf %unpack3A_497, %gather3A_493 : vector<16xf32>
        %add3A_504 = arith.addf %scan3A_469, %mul3A_503 : vector<16xf32>
        %mul3A_505 = arith.mulf %unpack3A_498, %gather3A_494 : vector<16xf32>
        %add3A_506 = arith.addf %add3A_504, %mul3A_505 : vector<16xf32>
        %gather3A_507 = tpu.vector_load_idx %arg10[%add3A_56, %and3A_488] : memref<128x128xi32, #tpu.memory_space<vmem>>[vector<16xi32>, vector<16xi32>], vector<16xi32>,
        %gather3A_508 = tpu.vector_load_idx %arg10[%add3A_56, %add3A_491] : memref<128x128xi32, #tpu.memory_space<vmem>>[vector<16xi32>, vector<16xi32>], vector<16xi32>,
        %gather3A_509 = tpu.vector_load_idx %arg12[%add3A_56, %and3A_488] : memref<128x128xf32, #tpu.memory_space<vmem>>[vector<16xi32>, vector<16xi32>], vector<16xf32>,
        %gather3A_510 = tpu.vector_load_idx %arg12[%add3A_56, %add3A_491] : memref<128x128xf32, #tpu.memory_space<vmem>>[vector<16xi32>, vector<16xi32>], vector<16xf32>,
        %bitcast3A_511 = vector.bitcast %gather3A_507 : vector<16xi32> to vector<32xbf16>
        %unpack3A_512 = tpu.unpack_subelements %bitcast3A_511, 0 {pack_format = #tpu.pack_format<interleaved>} : vector<32xbf16> -> vector<16xf32>
        %unpack3A_513 = tpu.unpack_subelements %bitcast3A_511, 1 {pack_format = #tpu.pack_format<interleaved>} : vector<32xbf16> -> vector<16xf32>
        %bitcast3A_514 = vector.bitcast %gather3A_508 : vector<16xi32> to vector<32xbf16>
        %unpack3A_515 = tpu.unpack_subelements %bitcast3A_514, 0 {pack_format = #tpu.pack_format<interleaved>} : vector<32xbf16> -> vector<16xf32>
        %unpack3A_516 = tpu.unpack_subelements %bitcast3A_514, 1 {pack_format = #tpu.pack_format<interleaved>} : vector<32xbf16> -> vector<16xf32>
        %mul3A_517 = arith.mulf %unpack3A_512, %gather3A_509 : vector<16xf32>
        %add3A_518 = arith.addf %scan3A_470, %mul3A_517 : vector<16xf32>
        %mul3A_519 = arith.mulf %unpack3A_513, %gather3A_510 : vector<16xf32>
        %add3A_520 = arith.addf %add3A_518, %mul3A_519 : vector<16xf32>
        %mul3A_521 = arith.mulf %unpack3A_515, %gather3A_509 : vector<16xf32>
        %add3A_522 = arith.addf %scan3A_471, %mul3A_521 : vector<16xf32>
        %mul3A_523 = arith.mulf %unpack3A_516, %gather3A_510 : vector<16xf32>
        %add3A_524 = arith.addf %add3A_522, %mul3A_523 : vector<16xf32>
        %gather3A_525 = tpu.vector_load_idx %arg10[%add3A_59, %and3A_488] : memref<128x128xi32, #tpu.memory_space<vmem>>[vector<16xi32>, vector<16xi32>], vector<16xi32>,
        %gather3A_526 = tpu.vector_load_idx %arg10[%add3A_59, %add3A_491] : memref<128x128xi32, #tpu.memory_space<vmem>>[vector<16xi32>, vector<16xi32>], vector<16xi32>,
        %gather3A_527 = tpu.vector_load_idx %arg12[%add3A_59, %and3A_488] : memref<128x128xf32, #tpu.memory_space<vmem>>[vector<16xi32>, vector<16xi32>], vector<16xf32>,
        %gather3A_528 = tpu.vector_load_idx %arg12[%add3A_59, %add3A_491] : memref<128x128xf32, #tpu.memory_space<vmem>>[vector<16xi32>, vector<16xi32>], vector<16xf32>,
        %bitcast3A_529 = vector.bitcast %gather3A_525 : vector<16xi32> to vector<32xbf16>
        %unpack3A_530 = tpu.unpack_subelements %bitcast3A_529, 0 {pack_format = #tpu.pack_format<interleaved>} : vector<32xbf16> -> vector<16xf32>
        %unpack3A_531 = tpu.unpack_subelements %bitcast3A_529, 1 {pack_format = #tpu.pack_format<interleaved>} : vector<32xbf16> -> vector<16xf32>
        %bitcast3A_532 = vector.bitcast %gather3A_526 : vector<16xi32> to vector<32xbf16>
        %unpack3A_533 = tpu.unpack_subelements %bitcast3A_532, 0 {pack_format = #tpu.pack_format<interleaved>} : vector<32xbf16> -> vector<16xf32>
        %unpack3A_534 = tpu.unpack_subelements %bitcast3A_532, 1 {pack_format = #tpu.pack_format<interleaved>} : vector<32xbf16> -> vector<16xf32>
        %mul3A_535 = arith.mulf %unpack3A_530, %gather3A_527 : vector<16xf32>
        %add3A_536 = arith.addf %scan3A_472, %mul3A_535 : vector<16xf32>
        %mul3A_537 = arith.mulf %unpack3A_531, %gather3A_528 : vector<16xf32>
        %add3A_538 = arith.addf %add3A_536, %mul3A_537 : vector<16xf32>
        %mul3A_539 = arith.mulf %unpack3A_533, %gather3A_527 : vector<16xf32>
        %add3A_540 = arith.addf %scan3A_473, %mul3A_539 : vector<16xf32>
        %mul3A_541 = arith.mulf %unpack3A_534, %gather3A_528 : vector<16xf32>
        %add3A_542 = arith.addf %add3A_540, %mul3A_541 : vector<16xf32>
        %gather3A_543 = tpu.vector_load_idx %arg10[%add3A_62, %and3A_488] : memref<128x128xi32, #tpu.memory_space<vmem>>[vector<16xi32>, vector<16xi32>], vector<16xi32>,
        %gather3A_544 = tpu.vector_load_idx %arg10[%add3A_62, %add3A_491] : memref<128x128xi32, #tpu.memory_space<vmem>>[vector<16xi32>, vector<16xi32>], vector<16xi32>,
        %gather3A_545 = tpu.vector_load_idx %arg12[%add3A_62, %and3A_488] : memref<128x128xf32, #tpu.memory_space<vmem>>[vector<16xi32>, vector<16xi32>], vector<16xf32>,
        %gather3A_546 = tpu.vector_load_idx %arg12[%add3A_62, %add3A_491] : memref<128x128xf32, #tpu.memory_space<vmem>>[vector<16xi32>, vector<16xi32>], vector<16xf32>,
        %bitcast3A_547 = vector.bitcast %gather3A_543 : vector<16xi32> to vector<32xbf16>
        %unpack3A_548 = tpu.unpack_subelements %bitcast3A_547, 0 {pack_format = #tpu.pack_format<interleaved>} : vector<32xbf16> -> vector<16xf32>
        %unpack3A_549 = tpu.unpack_subelements %bitcast3A_547, 1 {pack_format = #tpu.pack_format<interleaved>} : vector<32xbf16> -> vector<16xf32>
        %bitcast3A_550 = vector.bitcast %gather3A_544 : vector<16xi32> to vector<32xbf16>
        %unpack3A_551 = tpu.unpack_subelements %bitcast3A_550, 0 {pack_format = #tpu.pack_format<interleaved>} : vector<32xbf16> -> vector<16xf32>
        %unpack3A_552 = tpu.unpack_subelements %bitcast3A_550, 1 {pack_format = #tpu.pack_format<interleaved>} : vector<32xbf16> -> vector<16xf32>
        %mul3A_553 = arith.mulf %unpack3A_548, %gather3A_545 : vector<16xf32>
        %add3A_554 = arith.addf %scan3A_474, %mul3A_553 : vector<16xf32>
        %mul3A_555 = arith.mulf %unpack3A_549, %gather3A_546 : vector<16xf32>
        %add3A_556 = arith.addf %add3A_554, %mul3A_555 : vector<16xf32>
        %mul3A_557 = arith.mulf %unpack3A_551, %gather3A_545 : vector<16xf32>
        %add3A_558 = arith.addf %scan3A_475, %mul3A_557 : vector<16xf32>
        %mul3A_559 = arith.mulf %unpack3A_552, %gather3A_546 : vector<16xf32>
        %add3A_560 = arith.addf %add3A_558, %mul3A_559 : vector<16xf32>
        %gather3A_561 = tpu.vector_load_idx %arg10[%add3A_65, %and3A_488] : memref<128x128xi32, #tpu.memory_space<vmem>>[vector<16xi32>, vector<16xi32>], vector<16xi32>,
        %gather3A_562 = tpu.vector_load_idx %arg10[%add3A_65, %add3A_491] : memref<128x128xi32, #tpu.memory_space<vmem>>[vector<16xi32>, vector<16xi32>], vector<16xi32>,
        %gather3A_563 = tpu.vector_load_idx %arg12[%add3A_65, %and3A_488] : memref<128x128xf32, #tpu.memory_space<vmem>>[vector<16xi32>, vector<16xi32>], vector<16xf32>,
        %gather3A_564 = tpu.vector_load_idx %arg12[%add3A_65, %add3A_491] : memref<128x128xf32, #tpu.memory_space<vmem>>[vector<16xi32>, vector<16xi32>], vector<16xf32>,
        %bitcast3A_565 = vector.bitcast %gather3A_561 : vector<16xi32> to vector<32xbf16>
        %unpack3A_566 = tpu.unpack_subelements %bitcast3A_565, 0 {pack_format = #tpu.pack_format<interleaved>} : vector<32xbf16> -> vector<16xf32>
        %unpack3A_567 = tpu.unpack_subelements %bitcast3A_565, 1 {pack_format = #tpu.pack_format<interleaved>} : vector<32xbf16> -> vector<16xf32>
        %bitcast3A_568 = vector.bitcast %gather3A_562 : vector<16xi32> to vector<32xbf16>
        %unpack3A_569 = tpu.unpack_subelements %bitcast3A_568, 0 {pack_format = #tpu.pack_format<interleaved>} : vector<32xbf16> -> vector<16xf32>
        %unpack3A_570 = tpu.unpack_subelements %bitcast3A_568, 1 {pack_format = #tpu.pack_format<interleaved>} : vector<32xbf16> -> vector<16xf32>
        %mul3A_571 = arith.mulf %unpack3A_566, %gather3A_563 : vector<16xf32>
        %add3A_572 = arith.addf %scan3A_476, %mul3A_571 : vector<16xf32>
        %mul3A_573 = arith.mulf %unpack3A_567, %gather3A_564 : vector<16xf32>
        %add3A_574 = arith.addf %add3A_572, %mul3A_573 : vector<16xf32>
        %mul3A_575 = arith.mulf %unpack3A_569, %gather3A_563 : vector<16xf32>
        %add3A_576 = arith.addf %scan3A_477, %mul3A_575 : vector<16xf32>
        %mul3A_577 = arith.mulf %unpack3A_570, %gather3A_564 : vector<16xf32>
        %add3A_578 = arith.addf %add3A_576, %mul3A_577 : vector<16xf32>
        %gather3A_579 = tpu.vector_load_idx %arg10[%add3A_68, %and3A_488] : memref<128x128xi32, #tpu.memory_space<vmem>>[vector<16xi32>, vector<16xi32>], vector<16xi32>,
        %gather3A_580 = tpu.vector_load_idx %arg10[%add3A_68, %add3A_491] : memref<128x128xi32, #tpu.memory_space<vmem>>[vector<16xi32>, vector<16xi32>], vector<16xi32>,
        %gather3A_581 = tpu.vector_load_idx %arg12[%add3A_68, %and3A_488] : memref<128x128xf32, #tpu.memory_space<vmem>>[vector<16xi32>, vector<16xi32>], vector<16xf32>,
        %gather3A_582 = tpu.vector_load_idx %arg12[%add3A_68, %add3A_491] : memref<128x128xf32, #tpu.memory_space<vmem>>[vector<16xi32>, vector<16xi32>], vector<16xf32>,
        %bitcast3A_583 = vector.bitcast %gather3A_579 : vector<16xi32> to vector<32xbf16>
        %unpack3A_584 = tpu.unpack_subelements %bitcast3A_583, 0 {pack_format = #tpu.pack_format<interleaved>} : vector<32xbf16> -> vector<16xf32>
        %unpack3A_585 = tpu.unpack_subelements %bitcast3A_583, 1 {pack_format = #tpu.pack_format<interleaved>} : vector<32xbf16> -> vector<16xf32>
        %bitcast3A_586 = vector.bitcast %gather3A_580 : vector<16xi32> to vector<32xbf16>
        %unpack3A_587 = tpu.unpack_subelements %bitcast3A_586, 0 {pack_format = #tpu.pack_format<interleaved>} : vector<32xbf16> -> vector<16xf32>
        %unpack3A_588 = tpu.unpack_subelements %bitcast3A_586, 1 {pack_format = #tpu.pack_format<interleaved>} : vector<32xbf16> -> vector<16xf32>
        %mul3A_589 = arith.mulf %unpack3A_584, %gather3A_581 : vector<16xf32>
        %add3A_590 = arith.addf %scan3A_478, %mul3A_589 : vector<16xf32>
        %mul3A_591 = arith.mulf %unpack3A_585, %gather3A_582 : vector<16xf32>
        %add3A_592 = arith.addf %add3A_590, %mul3A_591 : vector<16xf32>
        %mul3A_593 = arith.mulf %unpack3A_587, %gather3A_581 : vector<16xf32>
        %add3A_594 = arith.addf %scan3A_479, %mul3A_593 : vector<16xf32>
        %mul3A_595 = arith.mulf %unpack3A_588, %gather3A_582 : vector<16xf32>
        %add3A_596 = arith.addf %add3A_594, %mul3A_595 : vector<16xf32>
        %gather3A_597 = tpu.vector_load_idx %arg10[%add3A_71, %and3A_488] : memref<128x128xi32, #tpu.memory_space<vmem>>[vector<16xi32>, vector<16xi32>], vector<16xi32>,
        %gather3A_598 = tpu.vector_load_idx %arg10[%add3A_71, %add3A_491] : memref<128x128xi32, #tpu.memory_space<vmem>>[vector<16xi32>, vector<16xi32>], vector<16xi32>,
        %gather3A_599 = tpu.vector_load_idx %arg12[%add3A_71, %and3A_488] : memref<128x128xf32, #tpu.memory_space<vmem>>[vector<16xi32>, vector<16xi32>], vector<16xf32>,
        %gather3A_600 = tpu.vector_load_idx %arg12[%add3A_71, %add3A_491] : memref<128x128xf32, #tpu.memory_space<vmem>>[vector<16xi32>, vector<16xi32>], vector<16xf32>,
        %bitcast3A_601 = vector.bitcast %gather3A_597 : vector<16xi32> to vector<32xbf16>
        %unpack3A_602 = tpu.unpack_subelements %bitcast3A_601, 0 {pack_format = #tpu.pack_format<interleaved>} : vector<32xbf16> -> vector<16xf32>
        %unpack3A_603 = tpu.unpack_subelements %bitcast3A_601, 1 {pack_format = #tpu.pack_format<interleaved>} : vector<32xbf16> -> vector<16xf32>
        %bitcast3A_604 = vector.bitcast %gather3A_598 : vector<16xi32> to vector<32xbf16>
        %unpack3A_605 = tpu.unpack_subelements %bitcast3A_604, 0 {pack_format = #tpu.pack_format<interleaved>} : vector<32xbf16> -> vector<16xf32>
        %unpack3A_606 = tpu.unpack_subelements %bitcast3A_604, 1 {pack_format = #tpu.pack_format<interleaved>} : vector<32xbf16> -> vector<16xf32>
        %mul3A_607 = arith.mulf %unpack3A_602, %gather3A_599 : vector<16xf32>
        %add3A_608 = arith.addf %scan3A_480, %mul3A_607 : vector<16xf32>
        %mul3A_609 = arith.mulf %unpack3A_603, %gather3A_600 : vector<16xf32>
        %add3A_610 = arith.addf %add3A_608, %mul3A_609 : vector<16xf32>
        %mul3A_611 = arith.mulf %unpack3A_605, %gather3A_599 : vector<16xf32>
        %add3A_612 = arith.addf %scan3A_481, %mul3A_611 : vector<16xf32>
        %mul3A_613 = arith.mulf %unpack3A_606, %gather3A_600 : vector<16xf32>
        %add3A_614 = arith.addf %add3A_612, %mul3A_613 : vector<16xf32>
        %gather3A_615 = tpu.vector_load_idx %arg10[%add3A_74, %and3A_488] : memref<128x128xi32, #tpu.memory_space<vmem>>[vector<16xi32>, vector<16xi32>], vector<16xi32>,
        %gather3A_616 = tpu.vector_load_idx %arg10[%add3A_74, %add3A_491] : memref<128x128xi32, #tpu.memory_space<vmem>>[vector<16xi32>, vector<16xi32>], vector<16xi32>,
        %gather3A_617 = tpu.vector_load_idx %arg12[%add3A_74, %and3A_488] : memref<128x128xf32, #tpu.memory_space<vmem>>[vector<16xi32>, vector<16xi32>], vector<16xf32>,
        %gather3A_618 = tpu.vector_load_idx %arg12[%add3A_74, %add3A_491] : memref<128x128xf32, #tpu.memory_space<vmem>>[vector<16xi32>, vector<16xi32>], vector<16xf32>,
        %bitcast3A_619 = vector.bitcast %gather3A_615 : vector<16xi32> to vector<32xbf16>
        %unpack3A_620 = tpu.unpack_subelements %bitcast3A_619, 0 {pack_format = #tpu.pack_format<interleaved>} : vector<32xbf16> -> vector<16xf32>
        %unpack3A_621 = tpu.unpack_subelements %bitcast3A_619, 1 {pack_format = #tpu.pack_format<interleaved>} : vector<32xbf16> -> vector<16xf32>
        %bitcast3A_622 = vector.bitcast %gather3A_616 : vector<16xi32> to vector<32xbf16>
        %unpack3A_623 = tpu.unpack_subelements %bitcast3A_622, 0 {pack_format = #tpu.pack_format<interleaved>} : vector<32xbf16> -> vector<16xf32>
        %unpack3A_624 = tpu.unpack_subelements %bitcast3A_622, 1 {pack_format = #tpu.pack_format<interleaved>} : vector<32xbf16> -> vector<16xf32>
        %mul3A_625 = arith.mulf %unpack3A_620, %gather3A_617 : vector<16xf32>
        %add3A_626 = arith.addf %scan3A_482, %mul3A_625 : vector<16xf32>
        %mul3A_627 = arith.mulf %unpack3A_621, %gather3A_618 : vector<16xf32>
        %add3A_628 = arith.addf %add3A_626, %mul3A_627 : vector<16xf32>
        %mul3A_629 = arith.mulf %unpack3A_623, %gather3A_617 : vector<16xf32>
        %add3A_630 = arith.addf %scan3A_483, %mul3A_629 : vector<16xf32>
        %mul3A_631 = arith.mulf %unpack3A_624, %gather3A_618 : vector<16xf32>
        %add3A_632 = arith.addf %add3A_630, %mul3A_631 : vector<16xf32>
        scf.yield %add3A_502, %add3A_506, %add3A_520, %add3A_524, %add3A_538, %add3A_542, %add3A_556, %add3A_560, %add3A_574, %add3A_578, %add3A_592, %add3A_596, %add3A_610, %add3A_614, %add3A_628, %add3A_632 : vector<16xf32>, vector<16xf32>, vector<16xf32>, vector<16xf32>, vector<16xf32>, vector<16xf32>, vector<16xf32>, vector<16xf32>, vector<16xf32>, vector<16xf32>, vector<16xf32>, vector<16xf32>, vector<16xf32>, vector<16xf32>, vector<16xf32>, vector<16xf32>
      }
      %scan3A_158 = arith.constant 64 : i32
      %mul3A_159 = vector.broadcast %squeeze3A : f32 to vector<16xf32>
      %mul3A_160 = arith.mulf %mul3A_159, %scan3A_157#0 : vector<16xf32>
      %mul3A_161 = vector.broadcast %squeeze3A_41 : f32 to vector<16xf32>
      %mul3A_162 = arith.mulf %mul3A_161, %scan3A_157#1 : vector<16xf32>
      %add3A_163 = arith.addf %mul3A_160, %mul3A_162 : vector<16xf32>
      %broadcast_in_dim3A_164 = arith.constant 0 : i32
      %broadcast_in_dim3A_165 = vector.broadcast %broadcast_in_dim3A_164 : i32 to vector<16xi32>
      tpu.vector_store_idx %arg15[%add3A_53, %broadcast_in_dim3A_165], %add3A_163 : memref<128x5xf32, #tpu.memory_space<vmem>>[vector<16xi32>, vector<16xi32>], vector<16xf32>,
      %mul3A_166 = vector.broadcast %squeeze3A_33 : f32 to vector<16xf32>
      %mul3A_167 = arith.mulf %mul3A_166, %scan3A_157#0 : vector<16xf32>
      %mul3A_168 = vector.broadcast %squeeze3A_43 : f32 to vector<16xf32>
      %mul3A_169 = arith.mulf %mul3A_168, %scan3A_157#1 : vector<16xf32>
      %add3A_170 = arith.addf %mul3A_167, %mul3A_169 : vector<16xf32>
      %broadcast_in_dim3A_171 = arith.constant 1 : i32
      %broadcast_in_dim3A_172 = vector.broadcast %broadcast_in_dim3A_171 : i32 to vector<16xi32>
      tpu.vector_store_idx %arg15[%add3A_53, %broadcast_in_dim3A_172], %add3A_170 : memref<128x5xf32, #tpu.memory_space<vmem>>[vector<16xi32>, vector<16xi32>], vector<16xf32>,
      %mul3A_173 = vector.broadcast %squeeze3A_35 : f32 to vector<16xf32>
      %mul3A_174 = arith.mulf %mul3A_173, %scan3A_157#0 : vector<16xf32>
      %mul3A_175 = vector.broadcast %squeeze3A_45 : f32 to vector<16xf32>
      %mul3A_176 = arith.mulf %mul3A_175, %scan3A_157#1 : vector<16xf32>
      %add3A_177 = arith.addf %mul3A_174, %mul3A_176 : vector<16xf32>
      %broadcast_in_dim3A_178 = arith.constant 2 : i32
      %broadcast_in_dim3A_179 = vector.broadcast %broadcast_in_dim3A_178 : i32 to vector<16xi32>
      tpu.vector_store_idx %arg15[%add3A_53, %broadcast_in_dim3A_179], %add3A_177 : memref<128x5xf32, #tpu.memory_space<vmem>>[vector<16xi32>, vector<16xi32>], vector<16xf32>,
      %mul3A_180 = vector.broadcast %squeeze3A_37 : f32 to vector<16xf32>
      %mul3A_181 = arith.mulf %mul3A_180, %scan3A_157#0 : vector<16xf32>
      %mul3A_182 = vector.broadcast %squeeze3A_47 : f32 to vector<16xf32>
      %mul3A_183 = arith.mulf %mul3A_182, %scan3A_157#1 : vector<16xf32>
      %add3A_184 = arith.addf %mul3A_181, %mul3A_183 : vector<16xf32>
      %broadcast_in_dim3A_185 = arith.constant 3 : i32
      %broadcast_in_dim3A_186 = vector.broadcast %broadcast_in_dim3A_185 : i32 to vector<16xi32>
      tpu.vector_store_idx %arg15[%add3A_53, %broadcast_in_dim3A_186], %add3A_184 : memref<128x5xf32, #tpu.memory_space<vmem>>[vector<16xi32>, vector<16xi32>], vector<16xf32>,
      %mul3A_187 = vector.broadcast %squeeze3A_39 : f32 to vector<16xf32>
      %mul3A_188 = arith.mulf %mul3A_187, %scan3A_157#0 : vector<16xf32>
      %mul3A_189 = vector.broadcast %squeeze3A_49 : f32 to vector<16xf32>
      %mul3A_190 = arith.mulf %mul3A_189, %scan3A_157#1 : vector<16xf32>
      %add3A_191 = arith.addf %mul3A_188, %mul3A_190 : vector<16xf32>
      %broadcast_in_dim3A_192 = arith.constant 4 : i32
      %broadcast_in_dim3A_193 = vector.broadcast %broadcast_in_dim3A_192 : i32 to vector<16xi32>
      tpu.vector_store_idx %arg15[%add3A_53, %broadcast_in_dim3A_193], %add3A_191 : memref<128x5xf32, #tpu.memory_space<vmem>>[vector<16xi32>, vector<16xi32>], vector<16xf32>,
      %mul3A_194 = vector.broadcast %squeeze3A : f32 to vector<16xf32>
      %mul3A_195 = arith.mulf %mul3A_194, %scan3A_157#2 : vector<16xf32>
      %mul3A_196 = vector.broadcast %squeeze3A_41 : f32 to vector<16xf32>
      %mul3A_197 = arith.mulf %mul3A_196, %scan3A_157#3 : vector<16xf32>
      %add3A_198 = arith.addf %mul3A_195, %mul3A_197 : vector<16xf32>
      %broadcast_in_dim3A_199 = arith.constant 0 : i32
      %broadcast_in_dim3A_200 = vector.broadcast %broadcast_in_dim3A_199 : i32 to vector<16xi32>
      tpu.vector_store_idx %arg15[%add3A_56, %broadcast_in_dim3A_200], %add3A_198 : memref<128x5xf32, #tpu.memory_space<vmem>>[vector<16xi32>, vector<16xi32>], vector<16xf32>,
      %mul3A_201 = vector.broadcast %squeeze3A_33 : f32 to vector<16xf32>
      %mul3A_202 = arith.mulf %mul3A_201, %scan3A_157#2 : vector<16xf32>
      %mul3A_203 = vector.broadcast %squeeze3A_43 : f32 to vector<16xf32>
      %mul3A_204 = arith.mulf %mul3A_203, %scan3A_157#3 : vector<16xf32>
      %add3A_205 = arith.addf %mul3A_202, %mul3A_204 : vector<16xf32>
      %broadcast_in_dim3A_206 = arith.constant 1 : i32
      %broadcast_in_dim3A_207 = vector.broadcast %broadcast_in_dim3A_206 : i32 to vector<16xi32>
      tpu.vector_store_idx %arg15[%add3A_56, %broadcast_in_dim3A_207], %add3A_205 : memref<128x5xf32, #tpu.memory_space<vmem>>[vector<16xi32>, vector<16xi32>], vector<16xf32>,
      %mul3A_208 = vector.broadcast %squeeze3A_35 : f32 to vector<16xf32>
      %mul3A_209 = arith.mulf %mul3A_208, %scan3A_157#2 : vector<16xf32>
      %mul3A_210 = vector.broadcast %squeeze3A_45 : f32 to vector<16xf32>
      %mul3A_211 = arith.mulf %mul3A_210, %scan3A_157#3 : vector<16xf32>
      %add3A_212 = arith.addf %mul3A_209, %mul3A_211 : vector<16xf32>
      %broadcast_in_dim3A_213 = arith.constant 2 : i32
      %broadcast_in_dim3A_214 = vector.broadcast %broadcast_in_dim3A_213 : i32 to vector<16xi32>
      tpu.vector_store_idx %arg15[%add3A_56, %broadcast_in_dim3A_214], %add3A_212 : memref<128x5xf32, #tpu.memory_space<vmem>>[vector<16xi32>, vector<16xi32>], vector<16xf32>,
      %mul3A_215 = vector.broadcast %squeeze3A_37 : f32 to vector<16xf32>
      %mul3A_216 = arith.mulf %mul3A_215, %scan3A_157#2 : vector<16xf32>
      %mul3A_217 = vector.broadcast %squeeze3A_47 : f32 to vector<16xf32>
      %mul3A_218 = arith.mulf %mul3A_217, %scan3A_157#3 : vector<16xf32>
      %add3A_219 = arith.addf %mul3A_216, %mul3A_218 : vector<16xf32>
      %broadcast_in_dim3A_220 = arith.constant 3 : i32
      %broadcast_in_dim3A_221 = vector.broadcast %broadcast_in_dim3A_220 : i32 to vector<16xi32>
      tpu.vector_store_idx %arg15[%add3A_56, %broadcast_in_dim3A_221], %add3A_219 : memref<128x5xf32, #tpu.memory_space<vmem>>[vector<16xi32>, vector<16xi32>], vector<16xf32>,
      %mul3A_222 = vector.broadcast %squeeze3A_39 : f32 to vector<16xf32>
      %mul3A_223 = arith.mulf %mul3A_222, %scan3A_157#2 : vector<16xf32>
      %mul3A_224 = vector.broadcast %squeeze3A_49 : f32 to vector<16xf32>
      %mul3A_225 = arith.mulf %mul3A_224, %scan3A_157#3 : vector<16xf32>
      %add3A_226 = arith.addf %mul3A_223, %mul3A_225 : vector<16xf32>
      %broadcast_in_dim3A_227 = arith.constant 4 : i32
      %broadcast_in_dim3A_228 = vector.broadcast %broadcast_in_dim3A_227 : i32 to vector<16xi32>
      tpu.vector_store_idx %arg15[%add3A_56, %broadcast_in_dim3A_228], %add3A_226 : memref<128x5xf32, #tpu.memory_space<vmem>>[vector<16xi32>, vector<16xi32>], vector<16xf32>,
      %mul3A_229 = vector.broadcast %squeeze3A : f32 to vector<16xf32>
      %mul3A_230 = arith.mulf %mul3A_229, %scan3A_157#4 : vector<16xf32>
      %mul3A_231 = vector.broadcast %squeeze3A_41 : f32 to vector<16xf32>
      %mul3A_232 = arith.mulf %mul3A_231, %scan3A_157#5 : vector<16xf32>
      %add3A_233 = arith.addf %mul3A_230, %mul3A_232 : vector<16xf32>
      %broadcast_in_dim3A_234 = arith.constant 0 : i32
      %broadcast_in_dim3A_235 = vector.broadcast %broadcast_in_dim3A_234 : i32 to vector<16xi32>
      tpu.vector_store_idx %arg15[%add3A_59, %broadcast_in_dim3A_235], %add3A_233 : memref<128x5xf32, #tpu.memory_space<vmem>>[vector<16xi32>, vector<16xi32>], vector<16xf32>,
      %mul3A_236 = vector.broadcast %squeeze3A_33 : f32 to vector<16xf32>
      %mul3A_237 = arith.mulf %mul3A_236, %scan3A_157#4 : vector<16xf32>
      %mul3A_238 = vector.broadcast %squeeze3A_43 : f32 to vector<16xf32>
      %mul3A_239 = arith.mulf %mul3A_238, %scan3A_157#5 : vector<16xf32>
      %add3A_240 = arith.addf %mul3A_237, %mul3A_239 : vector<16xf32>
      %broadcast_in_dim3A_241 = arith.constant 1 : i32
      %broadcast_in_dim3A_242 = vector.broadcast %broadcast_in_dim3A_241 : i32 to vector<16xi32>
      tpu.vector_store_idx %arg15[%add3A_59, %broadcast_in_dim3A_242], %add3A_240 : memref<128x5xf32, #tpu.memory_space<vmem>>[vector<16xi32>, vector<16xi32>], vector<16xf32>,
      %mul3A_243 = vector.broadcast %squeeze3A_35 : f32 to vector<16xf32>
      %mul3A_244 = arith.mulf %mul3A_243, %scan3A_157#4 : vector<16xf32>
      %mul3A_245 = vector.broadcast %squeeze3A_45 : f32 to vector<16xf32>
      %mul3A_246 = arith.mulf %mul3A_245, %scan3A_157#5 : vector<16xf32>
      %add3A_247 = arith.addf %mul3A_244, %mul3A_246 : vector<16xf32>
      %broadcast_in_dim3A_248 = arith.constant 2 : i32
      %broadcast_in_dim3A_249 = vector.broadcast %broadcast_in_dim3A_248 : i32 to vector<16xi32>
      tpu.vector_store_idx %arg15[%add3A_59, %broadcast_in_dim3A_249], %add3A_247 : memref<128x5xf32, #tpu.memory_space<vmem>>[vector<16xi32>, vector<16xi32>], vector<16xf32>,
      %mul3A_250 = vector.broadcast %squeeze3A_37 : f32 to vector<16xf32>
      %mul3A_251 = arith.mulf %mul3A_250, %scan3A_157#4 : vector<16xf32>
      %mul3A_252 = vector.broadcast %squeeze3A_47 : f32 to vector<16xf32>
      %mul3A_253 = arith.mulf %mul3A_252, %scan3A_157#5 : vector<16xf32>
      %add3A_254 = arith.addf %mul3A_251, %mul3A_253 : vector<16xf32>
      %broadcast_in_dim3A_255 = arith.constant 3 : i32
      %broadcast_in_dim3A_256 = vector.broadcast %broadcast_in_dim3A_255 : i32 to vector<16xi32>
      tpu.vector_store_idx %arg15[%add3A_59, %broadcast_in_dim3A_256], %add3A_254 : memref<128x5xf32, #tpu.memory_space<vmem>>[vector<16xi32>, vector<16xi32>], vector<16xf32>,
      %mul3A_257 = vector.broadcast %squeeze3A_39 : f32 to vector<16xf32>
      %mul3A_258 = arith.mulf %mul3A_257, %scan3A_157#4 : vector<16xf32>
      %mul3A_259 = vector.broadcast %squeeze3A_49 : f32 to vector<16xf32>
      %mul3A_260 = arith.mulf %mul3A_259, %scan3A_157#5 : vector<16xf32>
      %add3A_261 = arith.addf %mul3A_258, %mul3A_260 : vector<16xf32>
      %broadcast_in_dim3A_262 = arith.constant 4 : i32
      %broadcast_in_dim3A_263 = vector.broadcast %broadcast_in_dim3A_262 : i32 to vector<16xi32>
      tpu.vector_store_idx %arg15[%add3A_59, %broadcast_in_dim3A_263], %add3A_261 : memref<128x5xf32, #tpu.memory_space<vmem>>[vector<16xi32>, vector<16xi32>], vector<16xf32>,
      %mul3A_264 = vector.broadcast %squeeze3A : f32 to vector<16xf32>
      %mul3A_265 = arith.mulf %mul3A_264, %scan3A_157#6 : vector<16xf32>
      %mul3A_266 = vector.broadcast %squeeze3A_41 : f32 to vector<16xf32>
      %mul3A_267 = arith.mulf %mul3A_266, %scan3A_157#7 : vector<16xf32>
      %add3A_268 = arith.addf %mul3A_265, %mul3A_267 : vector<16xf32>
      %broadcast_in_dim3A_269 = arith.constant 0 : i32
      %broadcast_in_dim3A_270 = vector.broadcast %broadcast_in_dim3A_269 : i32 to vector<16xi32>
      tpu.vector_store_idx %arg15[%add3A_62, %broadcast_in_dim3A_270], %add3A_268 : memref<128x5xf32, #tpu.memory_space<vmem>>[vector<16xi32>, vector<16xi32>], vector<16xf32>,
      %mul3A_271 = vector.broadcast %squeeze3A_33 : f32 to vector<16xf32>
      %mul3A_272 = arith.mulf %mul3A_271, %scan3A_157#6 : vector<16xf32>
      %mul3A_273 = vector.broadcast %squeeze3A_43 : f32 to vector<16xf32>
      %mul3A_274 = arith.mulf %mul3A_273, %scan3A_157#7 : vector<16xf32>
      %add3A_275 = arith.addf %mul3A_272, %mul3A_274 : vector<16xf32>
      %broadcast_in_dim3A_276 = arith.constant 1 : i32
      %broadcast_in_dim3A_277 = vector.broadcast %broadcast_in_dim3A_276 : i32 to vector<16xi32>
      tpu.vector_store_idx %arg15[%add3A_62, %broadcast_in_dim3A_277], %add3A_275 : memref<128x5xf32, #tpu.memory_space<vmem>>[vector<16xi32>, vector<16xi32>], vector<16xf32>,
      %mul3A_278 = vector.broadcast %squeeze3A_35 : f32 to vector<16xf32>
      %mul3A_279 = arith.mulf %mul3A_278, %scan3A_157#6 : vector<16xf32>
      %mul3A_280 = vector.broadcast %squeeze3A_45 : f32 to vector<16xf32>
      %mul3A_281 = arith.mulf %mul3A_280, %scan3A_157#7 : vector<16xf32>
      %add3A_282 = arith.addf %mul3A_279, %mul3A_281 : vector<16xf32>
      %broadcast_in_dim3A_283 = arith.constant 2 : i32
      %broadcast_in_dim3A_284 = vector.broadcast %broadcast_in_dim3A_283 : i32 to vector<16xi32>
      tpu.vector_store_idx %arg15[%add3A_62, %broadcast_in_dim3A_284], %add3A_282 : memref<128x5xf32, #tpu.memory_space<vmem>>[vector<16xi32>, vector<16xi32>], vector<16xf32>,
      %mul3A_285 = vector.broadcast %squeeze3A_37 : f32 to vector<16xf32>
      %mul3A_286 = arith.mulf %mul3A_285, %scan3A_157#6 : vector<16xf32>
      %mul3A_287 = vector.broadcast %squeeze3A_47 : f32 to vector<16xf32>
      %mul3A_288 = arith.mulf %mul3A_287, %scan3A_157#7 : vector<16xf32>
      %add3A_289 = arith.addf %mul3A_286, %mul3A_288 : vector<16xf32>
      %broadcast_in_dim3A_290 = arith.constant 3 : i32
      %broadcast_in_dim3A_291 = vector.broadcast %broadcast_in_dim3A_290 : i32 to vector<16xi32>
      tpu.vector_store_idx %arg15[%add3A_62, %broadcast_in_dim3A_291], %add3A_289 : memref<128x5xf32, #tpu.memory_space<vmem>>[vector<16xi32>, vector<16xi32>], vector<16xf32>,
      %mul3A_292 = vector.broadcast %squeeze3A_39 : f32 to vector<16xf32>
      %mul3A_293 = arith.mulf %mul3A_292, %scan3A_157#6 : vector<16xf32>
      %mul3A_294 = vector.broadcast %squeeze3A_49 : f32 to vector<16xf32>
      %mul3A_295 = arith.mulf %mul3A_294, %scan3A_157#7 : vector<16xf32>
      %add3A_296 = arith.addf %mul3A_293, %mul3A_295 : vector<16xf32>
      %broadcast_in_dim3A_297 = arith.constant 4 : i32
      %broadcast_in_dim3A_298 = vector.broadcast %broadcast_in_dim3A_297 : i32 to vector<16xi32>
      tpu.vector_store_idx %arg15[%add3A_62, %broadcast_in_dim3A_298], %add3A_296 : memref<128x5xf32, #tpu.memory_space<vmem>>[vector<16xi32>, vector<16xi32>], vector<16xf32>,
      %mul3A_299 = vector.broadcast %squeeze3A : f32 to vector<16xf32>
      %mul3A_300 = arith.mulf %mul3A_299, %scan3A_157#8 : vector<16xf32>
      %mul3A_301 = vector.broadcast %squeeze3A_41 : f32 to vector<16xf32>
      %mul3A_302 = arith.mulf %mul3A_301, %scan3A_157#9 : vector<16xf32>
      %add3A_303 = arith.addf %mul3A_300, %mul3A_302 : vector<16xf32>
      %broadcast_in_dim3A_304 = arith.constant 0 : i32
      %broadcast_in_dim3A_305 = vector.broadcast %broadcast_in_dim3A_304 : i32 to vector<16xi32>
      tpu.vector_store_idx %arg15[%add3A_65, %broadcast_in_dim3A_305], %add3A_303 : memref<128x5xf32, #tpu.memory_space<vmem>>[vector<16xi32>, vector<16xi32>], vector<16xf32>,
      %mul3A_306 = vector.broadcast %squeeze3A_33 : f32 to vector<16xf32>
      %mul3A_307 = arith.mulf %mul3A_306, %scan3A_157#8 : vector<16xf32>
      %mul3A_308 = vector.broadcast %squeeze3A_43 : f32 to vector<16xf32>
      %mul3A_309 = arith.mulf %mul3A_308, %scan3A_157#9 : vector<16xf32>
      %add3A_310 = arith.addf %mul3A_307, %mul3A_309 : vector<16xf32>
      %broadcast_in_dim3A_311 = arith.constant 1 : i32
      %broadcast_in_dim3A_312 = vector.broadcast %broadcast_in_dim3A_311 : i32 to vector<16xi32>
      tpu.vector_store_idx %arg15[%add3A_65, %broadcast_in_dim3A_312], %add3A_310 : memref<128x5xf32, #tpu.memory_space<vmem>>[vector<16xi32>, vector<16xi32>], vector<16xf32>,
      %mul3A_313 = vector.broadcast %squeeze3A_35 : f32 to vector<16xf32>
      %mul3A_314 = arith.mulf %mul3A_313, %scan3A_157#8 : vector<16xf32>
      %mul3A_315 = vector.broadcast %squeeze3A_45 : f32 to vector<16xf32>
      %mul3A_316 = arith.mulf %mul3A_315, %scan3A_157#9 : vector<16xf32>
      %add3A_317 = arith.addf %mul3A_314, %mul3A_316 : vector<16xf32>
      %broadcast_in_dim3A_318 = arith.constant 2 : i32
      %broadcast_in_dim3A_319 = vector.broadcast %broadcast_in_dim3A_318 : i32 to vector<16xi32>
      tpu.vector_store_idx %arg15[%add3A_65, %broadcast_in_dim3A_319], %add3A_317 : memref<128x5xf32, #tpu.memory_space<vmem>>[vector<16xi32>, vector<16xi32>], vector<16xf32>,
      %mul3A_320 = vector.broadcast %squeeze3A_37 : f32 to vector<16xf32>
      %mul3A_321 = arith.mulf %mul3A_320, %scan3A_157#8 : vector<16xf32>
      %mul3A_322 = vector.broadcast %squeeze3A_47 : f32 to vector<16xf32>
      %mul3A_323 = arith.mulf %mul3A_322, %scan3A_157#9 : vector<16xf32>
      %add3A_324 = arith.addf %mul3A_321, %mul3A_323 : vector<16xf32>
      %broadcast_in_dim3A_325 = arith.constant 3 : i32
      %broadcast_in_dim3A_326 = vector.broadcast %broadcast_in_dim3A_325 : i32 to vector<16xi32>
      tpu.vector_store_idx %arg15[%add3A_65, %broadcast_in_dim3A_326], %add3A_324 : memref<128x5xf32, #tpu.memory_space<vmem>>[vector<16xi32>, vector<16xi32>], vector<16xf32>,
      %mul3A_327 = vector.broadcast %squeeze3A_39 : f32 to vector<16xf32>
      %mul3A_328 = arith.mulf %mul3A_327, %scan3A_157#8 : vector<16xf32>
      %mul3A_329 = vector.broadcast %squeeze3A_49 : f32 to vector<16xf32>
      %mul3A_330 = arith.mulf %mul3A_329, %scan3A_157#9 : vector<16xf32>
      %add3A_331 = arith.addf %mul3A_328, %mul3A_330 : vector<16xf32>
      %broadcast_in_dim3A_332 = arith.constant 4 : i32
      %broadcast_in_dim3A_333 = vector.broadcast %broadcast_in_dim3A_332 : i32 to vector<16xi32>
      tpu.vector_store_idx %arg15[%add3A_65, %broadcast_in_dim3A_333], %add3A_331 : memref<128x5xf32, #tpu.memory_space<vmem>>[vector<16xi32>, vector<16xi32>], vector<16xf32>,
      %mul3A_334 = vector.broadcast %squeeze3A : f32 to vector<16xf32>
      %mul3A_335 = arith.mulf %mul3A_334, %scan3A_157#10 : vector<16xf32>
      %mul3A_336 = vector.broadcast %squeeze3A_41 : f32 to vector<16xf32>
      %mul3A_337 = arith.mulf %mul3A_336, %scan3A_157#11 : vector<16xf32>
      %add3A_338 = arith.addf %mul3A_335, %mul3A_337 : vector<16xf32>
      %broadcast_in_dim3A_339 = arith.constant 0 : i32
      %broadcast_in_dim3A_340 = vector.broadcast %broadcast_in_dim3A_339 : i32 to vector<16xi32>
      tpu.vector_store_idx %arg15[%add3A_68, %broadcast_in_dim3A_340], %add3A_338 : memref<128x5xf32, #tpu.memory_space<vmem>>[vector<16xi32>, vector<16xi32>], vector<16xf32>,
      %mul3A_341 = vector.broadcast %squeeze3A_33 : f32 to vector<16xf32>
      %mul3A_342 = arith.mulf %mul3A_341, %scan3A_157#10 : vector<16xf32>
      %mul3A_343 = vector.broadcast %squeeze3A_43 : f32 to vector<16xf32>
      %mul3A_344 = arith.mulf %mul3A_343, %scan3A_157#11 : vector<16xf32>
      %add3A_345 = arith.addf %mul3A_342, %mul3A_344 : vector<16xf32>
      %broadcast_in_dim3A_346 = arith.constant 1 : i32
      %broadcast_in_dim3A_347 = vector.broadcast %broadcast_in_dim3A_346 : i32 to vector<16xi32>
      tpu.vector_store_idx %arg15[%add3A_68, %broadcast_in_dim3A_347], %add3A_345 : memref<128x5xf32, #tpu.memory_space<vmem>>[vector<16xi32>, vector<16xi32>], vector<16xf32>,
      %mul3A_348 = vector.broadcast %squeeze3A_35 : f32 to vector<16xf32>
      %mul3A_349 = arith.mulf %mul3A_348, %scan3A_157#10 : vector<16xf32>
      %mul3A_350 = vector.broadcast %squeeze3A_45 : f32 to vector<16xf32>
      %mul3A_351 = arith.mulf %mul3A_350, %scan3A_157#11 : vector<16xf32>
      %add3A_352 = arith.addf %mul3A_349, %mul3A_351 : vector<16xf32>
      %broadcast_in_dim3A_353 = arith.constant 2 : i32
      %broadcast_in_dim3A_354 = vector.broadcast %broadcast_in_dim3A_353 : i32 to vector<16xi32>
      tpu.vector_store_idx %arg15[%add3A_68, %broadcast_in_dim3A_354], %add3A_352 : memref<128x5xf32, #tpu.memory_space<vmem>>[vector<16xi32>, vector<16xi32>], vector<16xf32>,
      %mul3A_355 = vector.broadcast %squeeze3A_37 : f32 to vector<16xf32>
      %mul3A_356 = arith.mulf %mul3A_355, %scan3A_157#10 : vector<16xf32>
      %mul3A_357 = vector.broadcast %squeeze3A_47 : f32 to vector<16xf32>
      %mul3A_358 = arith.mulf %mul3A_357, %scan3A_157#11 : vector<16xf32>
      %add3A_359 = arith.addf %mul3A_356, %mul3A_358 : vector<16xf32>
      %broadcast_in_dim3A_360 = arith.constant 3 : i32
      %broadcast_in_dim3A_361 = vector.broadcast %broadcast_in_dim3A_360 : i32 to vector<16xi32>
      tpu.vector_store_idx %arg15[%add3A_68, %broadcast_in_dim3A_361], %add3A_359 : memref<128x5xf32, #tpu.memory_space<vmem>>[vector<16xi32>, vector<16xi32>], vector<16xf32>,
      %mul3A_362 = vector.broadcast %squeeze3A_39 : f32 to vector<16xf32>
      %mul3A_363 = arith.mulf %mul3A_362, %scan3A_157#10 : vector<16xf32>
      %mul3A_364 = vector.broadcast %squeeze3A_49 : f32 to vector<16xf32>
      %mul3A_365 = arith.mulf %mul3A_364, %scan3A_157#11 : vector<16xf32>
      %add3A_366 = arith.addf %mul3A_363, %mul3A_365 : vector<16xf32>
      %broadcast_in_dim3A_367 = arith.constant 4 : i32
      %broadcast_in_dim3A_368 = vector.broadcast %broadcast_in_dim3A_367 : i32 to vector<16xi32>
      tpu.vector_store_idx %arg15[%add3A_68, %broadcast_in_dim3A_368], %add3A_366 : memref<128x5xf32, #tpu.memory_space<vmem>>[vector<16xi32>, vector<16xi32>], vector<16xf32>,
      %mul3A_369 = vector.broadcast %squeeze3A : f32 to vector<16xf32>
      %mul3A_370 = arith.mulf %mul3A_369, %scan3A_157#12 : vector<16xf32>
      %mul3A_371 = vector.broadcast %squeeze3A_41 : f32 to vector<16xf32>
      %mul3A_372 = arith.mulf %mul3A_371, %scan3A_157#13 : vector<16xf32>
      %add3A_373 = arith.addf %mul3A_370, %mul3A_372 : vector<16xf32>
      %broadcast_in_dim3A_374 = arith.constant 0 : i32
      %broadcast_in_dim3A_375 = vector.broadcast %broadcast_in_dim3A_374 : i32 to vector<16xi32>
      tpu.vector_store_idx %arg15[%add3A_71, %broadcast_in_dim3A_375], %add3A_373 : memref<128x5xf32, #tpu.memory_space<vmem>>[vector<16xi32>, vector<16xi32>], vector<16xf32>,
      %mul3A_376 = vector.broadcast %squeeze3A_33 : f32 to vector<16xf32>
      %mul3A_377 = arith.mulf %mul3A_376, %scan3A_157#12 : vector<16xf32>
      %mul3A_378 = vector.broadcast %squeeze3A_43 : f32 to vector<16xf32>
      %mul3A_379 = arith.mulf %mul3A_378, %scan3A_157#13 : vector<16xf32>
      %add3A_380 = arith.addf %mul3A_377, %mul3A_379 : vector<16xf32>
      %broadcast_in_dim3A_381 = arith.constant 1 : i32
      %broadcast_in_dim3A_382 = vector.broadcast %broadcast_in_dim3A_381 : i32 to vector<16xi32>
      tpu.vector_store_idx %arg15[%add3A_71, %broadcast_in_dim3A_382], %add3A_380 : memref<128x5xf32, #tpu.memory_space<vmem>>[vector<16xi32>, vector<16xi32>], vector<16xf32>,
      %mul3A_383 = vector.broadcast %squeeze3A_35 : f32 to vector<16xf32>
      %mul3A_384 = arith.mulf %mul3A_383, %scan3A_157#12 : vector<16xf32>
      %mul3A_385 = vector.broadcast %squeeze3A_45 : f32 to vector<16xf32>
      %mul3A_386 = arith.mulf %mul3A_385, %scan3A_157#13 : vector<16xf32>
      %add3A_387 = arith.addf %mul3A_384, %mul3A_386 : vector<16xf32>
      %broadcast_in_dim3A_388 = arith.constant 2 : i32
      %broadcast_in_dim3A_389 = vector.broadcast %broadcast_in_dim3A_388 : i32 to vector<16xi32>
      tpu.vector_store_idx %arg15[%add3A_71, %broadcast_in_dim3A_389], %add3A_387 : memref<128x5xf32, #tpu.memory_space<vmem>>[vector<16xi32>, vector<16xi32>], vector<16xf32>,
      %mul3A_390 = vector.broadcast %squeeze3A_37 : f32 to vector<16xf32>
      %mul3A_391 = arith.mulf %mul3A_390, %scan3A_157#12 : vector<16xf32>
      %mul3A_392 = vector.broadcast %squeeze3A_47 : f32 to vector<16xf32>
      %mul3A_393 = arith.mulf %mul3A_392, %scan3A_157#13 : vector<16xf32>
      %add3A_394 = arith.addf %mul3A_391, %mul3A_393 : vector<16xf32>
      %broadcast_in_dim3A_395 = arith.constant 3 : i32
      %broadcast_in_dim3A_396 = vector.broadcast %broadcast_in_dim3A_395 : i32 to vector<16xi32>
      tpu.vector_store_idx %arg15[%add3A_71, %broadcast_in_dim3A_396], %add3A_394 : memref<128x5xf32, #tpu.memory_space<vmem>>[vector<16xi32>, vector<16xi32>], vector<16xf32>,
      %mul3A_397 = vector.broadcast %squeeze3A_39 : f32 to vector<16xf32>
      %mul3A_398 = arith.mulf %mul3A_397, %scan3A_157#12 : vector<16xf32>
      %mul3A_399 = vector.broadcast %squeeze3A_49 : f32 to vector<16xf32>
      %mul3A_400 = arith.mulf %mul3A_399, %scan3A_157#13 : vector<16xf32>
      %add3A_401 = arith.addf %mul3A_398, %mul3A_400 : vector<16xf32>
      %broadcast_in_dim3A_402 = arith.constant 4 : i32
      %broadcast_in_dim3A_403 = vector.broadcast %broadcast_in_dim3A_402 : i32 to vector<16xi32>
      tpu.vector_store_idx %arg15[%add3A_71, %broadcast_in_dim3A_403], %add3A_401 : memref<128x5xf32, #tpu.memory_space<vmem>>[vector<16xi32>, vector<16xi32>], vector<16xf32>,
      %mul3A_404 = vector.broadcast %squeeze3A : f32 to vector<16xf32>
      %mul3A_405 = arith.mulf %mul3A_404, %scan3A_157#14 : vector<16xf32>
      %mul3A_406 = vector.broadcast %squeeze3A_41 : f32 to vector<16xf32>
      %mul3A_407 = arith.mulf %mul3A_406, %scan3A_157#15 : vector<16xf32>
      %add3A_408 = arith.addf %mul3A_405, %mul3A_407 : vector<16xf32>
      %broadcast_in_dim3A_409 = arith.constant 0 : i32
      %broadcast_in_dim3A_410 = vector.broadcast %broadcast_in_dim3A_409 : i32 to vector<16xi32>
      tpu.vector_store_idx %arg15[%add3A_74, %broadcast_in_dim3A_410], %add3A_408 : memref<128x5xf32, #tpu.memory_space<vmem>>[vector<16xi32>, vector<16xi32>], vector<16xf32>,
      %mul3A_411 = vector.broadcast %squeeze3A_33 : f32 to vector<16xf32>
      %mul3A_412 = arith.mulf %mul3A_411, %scan3A_157#14 : vector<16xf32>
      %mul3A_413 = vector.broadcast %squeeze3A_43 : f32 to vector<16xf32>
      %mul3A_414 = arith.mulf %mul3A_413, %scan3A_157#15 : vector<16xf32>
      %add3A_415 = arith.addf %mul3A_412, %mul3A_414 : vector<16xf32>
      %broadcast_in_dim3A_416 = arith.constant 1 : i32
      %broadcast_in_dim3A_417 = vector.broadcast %broadcast_in_dim3A_416 : i32 to vector<16xi32>
      tpu.vector_store_idx %arg15[%add3A_74, %broadcast_in_dim3A_417], %add3A_415 : memref<128x5xf32, #tpu.memory_space<vmem>>[vector<16xi32>, vector<16xi32>], vector<16xf32>,
      %mul3A_418 = vector.broadcast %squeeze3A_35 : f32 to vector<16xf32>
      %mul3A_419 = arith.mulf %mul3A_418, %scan3A_157#14 : vector<16xf32>
      %mul3A_420 = vector.broadcast %squeeze3A_45 : f32 to vector<16xf32>
      %mul3A_421 = arith.mulf %mul3A_420, %scan3A_157#15 : vector<16xf32>
      %add3A_422 = arith.addf %mul3A_419, %mul3A_421 : vector<16xf32>
      %broadcast_in_dim3A_423 = arith.constant 2 : i32
      %broadcast_in_dim3A_424 = vector.broadcast %broadcast_in_dim3A_423 : i32 to vector<16xi32>
      tpu.vector_store_idx %arg15[%add3A_74, %broadcast_in_dim3A_424], %add3A_422 : memref<128x5xf32, #tpu.memory_space<vmem>>[vector<16xi32>, vector<16xi32>], vector<16xf32>,
      %mul3A_425 = vector.broadcast %squeeze3A_37 : f32 to vector<16xf32>
      %mul3A_426 = arith.mulf %mul3A_425, %scan3A_157#14 : vector<16xf32>
      %mul3A_427 = vector.broadcast %squeeze3A_47 : f32 to vector<16xf32>
      %mul3A_428 = arith.mulf %mul3A_427, %scan3A_157#15 : vector<16xf32>
      %add3A_429 = arith.addf %mul3A_426, %mul3A_428 : vector<16xf32>
      %broadcast_in_dim3A_430 = arith.constant 3 : i32
      %broadcast_in_dim3A_431 = vector.broadcast %broadcast_in_dim3A_430 : i32 to vector<16xi32>
      tpu.vector_store_idx %arg15[%add3A_74, %broadcast_in_dim3A_431], %add3A_429 : memref<128x5xf32, #tpu.memory_space<vmem>>[vector<16xi32>, vector<16xi32>], vector<16xf32>,
      %mul3A_432 = vector.broadcast %squeeze3A_39 : f32 to vector<16xf32>
      %mul3A_433 = arith.mulf %mul3A_432, %scan3A_157#14 : vector<16xf32>
      %mul3A_434 = vector.broadcast %squeeze3A_49 : f32 to vector<16xf32>
      %mul3A_435 = arith.mulf %mul3A_434, %scan3A_157#15 : vector<16xf32>
      %add3A_436 = arith.addf %mul3A_433, %mul3A_435 : vector<16xf32>
      %broadcast_in_dim3A_437 = arith.constant 4 : i32
      %broadcast_in_dim3A_438 = vector.broadcast %broadcast_in_dim3A_437 : i32 to vector<16xi32>
      tpu.vector_store_idx %arg15[%add3A_74, %broadcast_in_dim3A_438], %add3A_436 : memref<128x5xf32, #tpu.memory_space<vmem>>[vector<16xi32>, vector<16xi32>], vector<16xf32>,
      %mul3A_439 = arith.constant 128 : i32
      %mul3A_440 = arith.muli %sub3A_153, %mul3A_439 : i32
      %add3A_441 = arith.addi %mul3A_76, %mul3A_440 : i32
      %multiple_of3A_442 = tpu.assume_multiple %add3A_441, 128 : i32
      %dma_start3A_443 = arith.constant 0 : i32
      %dma_start3A_444 = tpu.memref_slice %arg7[%multiple_of3A_442, %dma_start3A_443] : memref<320000x5xf32, #tpu.memory_space<hbm>> -> memref<128x5xf32, #tpu.memory_space<hbm>>
      %dma_start3A_445 = arith.constant 0 : i32
      %dma_start3A_446 = tpu.memref_slice %arg7[%multiple_of3A_442, %dma_start3A_445] : memref<320000x5xf32, #tpu.memory_space<hbm>> -> memref<128x5xf32, #tpu.memory_space<hbm>>
      tpu.enqueue_dma source(%arg15 : memref<128x5xf32, #tpu.memory_space<vmem>>) target(%dma_start3A_446 : memref<128x5xf32, #tpu.memory_space<hbm>>) target_semaphore(%arg21 : memref<!tpu.dma_semaphore, #tpu.memory_space<semaphore_mem>>)
      %sub3A_447 = arith.constant 2 : i32
      %sub3A_448 = arith.subi %select_n3A_18, %sub3A_447 : i32
      %mul3A_449 = arith.constant 128 : i32
      %mul3A_450 = arith.muli %sub3A_448, %mul3A_449 : i32
      %add3A_451 = arith.addi %mul3A_76, %mul3A_450 : i32
      %multiple_of3A_452 = tpu.assume_multiple %add3A_451, 128 : i32
      %dma_wait3A_453 = arith.constant 0 : i32
      %dma_wait3A_454 = tpu.memref_slice %arg7[%multiple_of3A_452, %dma_wait3A_453] : memref<320000x5xf32, #tpu.memory_space<hbm>> -> memref<128x5xf32, #tpu.memory_space<hbm>>
      %dma_wait3A_455 = arith.constant 0 : i32
      %dma_wait3A_456 = tpu.memref_slice %arg7[%multiple_of3A_452, %dma_wait3A_455] : memref<320000x5xf32, #tpu.memory_space<hbm>> -> memref<128x5xf32, #tpu.memory_space<hbm>>
      tpu.wait_dma2 semaphore(%arg22 : memref<!tpu.dma_semaphore, #tpu.memory_space<semaphore_mem>>) src(%arg16 : memref<128x5xf32, #tpu.memory_space<vmem>>) dst(%dma_wait3A_456 : memref<128x5xf32, #tpu.memory_space<hbm>>)
      %sub3A_457 = arith.constant 1 : i32
      %sub3A_458 = arith.subi %select_n3A_18, %sub3A_457 : i32
      %mul3A_459 = arith.constant 128 : i32
      %mul3A_460 = arith.muli %sub3A_458, %mul3A_459 : i32
      %add3A_461 = arith.addi %mul3A_76, %mul3A_460 : i32
      %multiple_of3A_462 = tpu.assume_multiple %add3A_461, 128 : i32
      %dma_wait3A_463 = arith.constant 0 : i32
      %dma_wait3A_464 = tpu.memref_slice %arg7[%multiple_of3A_462, %dma_wait3A_463] : memref<320000x5xf32, #tpu.memory_space<hbm>> -> memref<128x5xf32, #tpu.memory_space<hbm>>
      %dma_wait3A_465 = arith.constant 0 : i32
      %dma_wait3A_466 = tpu.memref_slice %arg7[%multiple_of3A_462, %dma_wait3A_465] : memref<320000x5xf32, #tpu.memory_space<hbm>> -> memref<128x5xf32, #tpu.memory_space<hbm>>
      tpu.wait_dma2 semaphore(%arg21 : memref<!tpu.dma_semaphore, #tpu.memory_space<semaphore_mem>>) src(%arg15 : memref<128x5xf32, #tpu.memory_space<vmem>>) dst(%dma_wait3A_466 : memref<128x5xf32, #tpu.memory_space<hbm>>)
    } else {
    }
    %not3A_125 = arith.constant true
    %not3A_126 = arith.xori %eq3A_121, %not3A_125 : i1
    %convert_element_type3A_127 = arith.extui %not3A_126 : i1 to i32
    %cond3A_128 = arith.constant 0 : i32
    %cond3A_129 = arith.cmpi ne, %convert_element_type3A_127, %cond3A_128 : i32
    scf.if %cond3A_129 {
      %sub3A_130 = arith.constant 2 : i32
      %sub3A_131 = arith.subi %select_n3A_18, %sub3A_130 : i32
      %mul3A_132 = arith.constant 128 : i32
      %mul3A_133 = arith.muli %sub3A_131, %mul3A_132 : i32
      %add3A_134 = arith.addi %mul3A_76, %mul3A_133 : i32
      %multiple_of3A = tpu.assume_multiple %add3A_134, 128 : i32
      %dma_wait3A = arith.constant 0 : i32
      %dma_wait3A_135 = tpu.memref_slice %arg7[%multiple_of3A, %dma_wait3A] : memref<320000x5xf32, #tpu.memory_space<hbm>> -> memref<128x5xf32, #tpu.memory_space<hbm>>
      %dma_wait3A_136 = arith.constant 0 : i32
      %dma_wait3A_137 = tpu.memref_slice %arg7[%multiple_of3A, %dma_wait3A_136] : memref<320000x5xf32, #tpu.memory_space<hbm>> -> memref<128x5xf32, #tpu.memory_space<hbm>>
      tpu.wait_dma2 semaphore(%arg21 : memref<!tpu.dma_semaphore, #tpu.memory_space<semaphore_mem>>) src(%arg15 : memref<128x5xf32, #tpu.memory_space<vmem>>) dst(%dma_wait3A_137 : memref<128x5xf32, #tpu.memory_space<hbm>>)
      %sub3A_138 = arith.constant 1 : i32
      %sub3A_139 = arith.subi %select_n3A_18, %sub3A_138 : i32
      %mul3A_140 = arith.constant 128 : i32
      %mul3A_141 = arith.muli %sub3A_139, %mul3A_140 : i32
      %add3A_142 = arith.addi %mul3A_76, %mul3A_141 : i32
      %multiple_of3A_143 = tpu.assume_multiple %add3A_142, 128 : i32
      %dma_wait3A_144 = arith.constant 0 : i32
      %dma_wait3A_145 = tpu.memref_slice %arg7[%multiple_of3A_143, %dma_wait3A_144] : memref<320000x5xf32, #tpu.memory_space<hbm>> -> memref<128x5xf32, #tpu.memory_space<hbm>>
      %dma_wait3A_146 = arith.constant 0 : i32
      %dma_wait3A_147 = tpu.memref_slice %arg7[%multiple_of3A_143, %dma_wait3A_146] : memref<320000x5xf32, #tpu.memory_space<hbm>> -> memref<128x5xf32, #tpu.memory_space<hbm>>
      tpu.wait_dma2 semaphore(%arg22 : memref<!tpu.dma_semaphore, #tpu.memory_space<semaphore_mem>>) src(%arg16 : memref<128x5xf32, #tpu.memory_space<vmem>>) dst(%dma_wait3A_147 : memref<128x5xf32, #tpu.memory_space<hbm>>)
    } else {
    }
    return
  }
}

module attributes {stable_mosaic.version = 14 : i64} {
  func.func @_mm_body(%arg0: i32, %arg1: memref<1000x128xf32, #tpu.memory_space<vmem>>, %arg2: memref<2x128x128xf32, #tpu.memory_space<vmem>>, %arg3: memref<1000x128xi32, #tpu.memory_space<vmem>>) attributes {dimension_semantics = [#tpu.dimension_semantics<arbitrary>], iteration_bounds = array<i64: 10>, scalar_prefetch = 0 : i64, scratch_operands = 0 : i64, tpu.core_type = #tpu.core_type<tc>, window_params = [{transform_indices = @transform_0, window_bounds = array<i64: 1000, 128>}, {pipeline_mode = #tpu.pipeline_mode<synchronous>, transform_indices = @transform_1, window_bounds = array<i64: 2, 128, 128>}, {transform_indices = @transform_2, window_bounds = array<i64: 1000, 128>}]} {
    %get3A = arith.constant 0 : index
    %get3A_0 = arith.constant 0 : index
    %get3A_1 = vector.load %arg1[%get3A, %get3A_0] : memref<1000x128xf32, #tpu.memory_space<vmem>>, vector<1000x128xf32>
    %get3A_2 = arith.constant 0 : index
    %get3A_3 = arith.constant 0 : index
    %get3A_4 = arith.constant 0 : index
    %get3A_5 = vector.load %arg2[%get3A_2, %get3A_3, %get3A_4] : memref<2x128x128xf32, #tpu.memory_space<vmem>>, vector<1x128x128xf32>
    %get3A_6 = vector.shape_cast %get3A_5 : vector<1x128x128xf32> to vector<128x128xf32>
    %dot_general3A = arith.constant dense<0.000000e+00> : vector<1000x128xf32>
    %dot_general3A_7 = tpu.matmul %get3A_1, %get3A_6, %dot_general3A {dimension_numbers = #tpu.dot_dimension_numbers<[1], [0], [0], [1], [0, 0, 1, 1], [], []>, transpose_lhs_hint = false} : vector<1000x128xf32>, vector<128x128xf32>, vector<1000x128xf32> -> vector<1000x128xf32>
    %get3A_8 = arith.constant 1 : index
    %get3A_9 = arith.constant 0 : index
    %get3A_10 = arith.constant 0 : index
    %get3A_11 = vector.load %arg2[%get3A_8, %get3A_9, %get3A_10] : memref<2x128x128xf32, #tpu.memory_space<vmem>>, vector<1x128x128xf32>
    %get3A_12 = vector.shape_cast %get3A_11 : vector<1x128x128xf32> to vector<128x128xf32>
    %dot_general3A_13 = arith.constant dense<0.000000e+00> : vector<1000x128xf32>
    %dot_general3A_14 = tpu.matmul %get3A_1, %get3A_12, %dot_general3A_13 {dimension_numbers = #tpu.dot_dimension_numbers<[1], [0], [0], [1], [0, 0, 1, 1], [], []>, transpose_lhs_hint = false} : vector<1000x128xf32>, vector<128x128xf32>, vector<1000x128xf32> -> vector<1000x128xf32>
    %convert_element_type3A = arith.truncf %dot_general3A_7 : vector<1000x128xf32> to vector<1000x128xbf16>
    %bitcast_convert_type3A = tpu.bitcast %convert_element_type3A : vector<1000x128xbf16> -> vector<1000x128xi16>
    %slice3A = vector.extract_strided_slice %bitcast_convert_type3A {offsets = [0, 0], sizes = [1000, 64], strides = [1, 1]} : vector<1000x128xi16> to vector<1000x64xi16>
    %convert_element_type3A_15 = arith.extui %slice3A : vector<1000x64xi16> to vector<1000x64xi32>
    %slice3A_16 = vector.extract_strided_slice %bitcast_convert_type3A {offsets = [0, 64], sizes = [1000, 64], strides = [1, 1]} : vector<1000x128xi16> to vector<1000x64xi16>
    %convert_element_type3A_17 = arith.extui %slice3A_16 : vector<1000x64xi16> to vector<1000x64xi32>
    %shift_left3A = arith.constant 16 : i32
    %shift_left3A_18 = vector.broadcast %shift_left3A : i32 to vector<1000x64xi32>
    %shift_left3A_19 = arith.shli %convert_element_type3A_17, %shift_left3A_18 : vector<1000x64xi32>
    %or3A = arith.ori %convert_element_type3A_15, %shift_left3A_19 : vector<1000x64xi32>
    %swap3A = arith.constant 0 : index
    %swap3A_20 = arith.constant 0 : index
    %swap3A_21 = vector.load %arg3[%swap3A, %swap3A_20] : memref<1000x128xi32, #tpu.memory_space<vmem>>, vector<1000x64xi32>
    tpu.vector_store %arg3[%swap3A, %swap3A_20], %or3A {strides = array<i32>} : memref<1000x128xi32, #tpu.memory_space<vmem>>, vector<1000x64xi32>,
    %convert_element_type3A_22 = arith.truncf %dot_general3A_14 : vector<1000x128xf32> to vector<1000x128xbf16>
    %bitcast_convert_type3A_23 = tpu.bitcast %convert_element_type3A_22 : vector<1000x128xbf16> -> vector<1000x128xi16>
    %slice3A_24 = vector.extract_strided_slice %bitcast_convert_type3A_23 {offsets = [0, 0], sizes = [1000, 64], strides = [1, 1]} : vector<1000x128xi16> to vector<1000x64xi16>
    %convert_element_type3A_25 = arith.extui %slice3A_24 : vector<1000x64xi16> to vector<1000x64xi32>
    %slice3A_26 = vector.extract_strided_slice %bitcast_convert_type3A_23 {offsets = [0, 64], sizes = [1000, 64], strides = [1, 1]} : vector<1000x128xi16> to vector<1000x64xi16>
    %convert_element_type3A_27 = arith.extui %slice3A_26 : vector<1000x64xi16> to vector<1000x64xi32>
    %shift_left3A_28 = arith.constant 16 : i32
    %shift_left3A_29 = vector.broadcast %shift_left3A_28 : i32 to vector<1000x64xi32>
    %shift_left3A_30 = arith.shli %convert_element_type3A_27, %shift_left3A_29 : vector<1000x64xi32>
    %or3A_31 = arith.ori %convert_element_type3A_25, %shift_left3A_30 : vector<1000x64xi32>
    %swap3A_32 = arith.constant 0 : index
    %swap3A_33 = arith.constant 64 : index
    %swap3A_34 = vector.load %arg3[%swap3A_32, %swap3A_33] : memref<1000x128xi32, #tpu.memory_space<vmem>>, vector<1000x64xi32>
    tpu.vector_store %arg3[%swap3A_32, %swap3A_33], %or3A_31 {strides = array<i32>} : memref<1000x128xi32, #tpu.memory_space<vmem>>, vector<1000x64xi32>,
    return
  }
  func.func @transform_0(%arg0: i32) -> (i32, i32) {
    %c0_i32 = arith.constant 0 : i32
    %c0_i32_0 = arith.constant 0 : i32
    return %arg0, %c0_i32 : i32, i32
  }
  func.func @transform_1(%arg0: i32) -> (i32, i32, i32) {
    %c0_i32 = arith.constant 0 : i32
    %c0_i32_0 = arith.constant 0 : i32
    %c0_i32_1 = arith.constant 0 : i32
    %c0_i32_2 = arith.constant 0 : i32
    return %c0_i32, %c0_i32_0, %c0_i32_1 : i32, i32, i32
  }
  func.func @transform_2(%arg0: i32) -> (i32, i32) {
    %c0_i32 = arith.constant 0 : i32
    %c0_i32_0 = arith.constant 0 : i32
    return %arg0, %c0_i32 : i32, i32
  }
}

</mosaic_0001>

<sc_bundles>
// kernel: kernel.4.cloned.1.call-start
scs
__scs_entry_jumppad:
0x0: {  	(pc) =	sbr.rel $0x88, $3  }
0x1: {  	(tag) =	ssettag $0x0;
	lr =	simm.s32 $0x1  }
0x2: {  	[smem:$0x3F9C] =	sst lr;
	_ =	strace $0xD0000000  }
0x3: {  	_ = 	snop  }
0x4: {  	_ = 	snop  }
0x5: {  	_ = 	snop  }
0x6: {  	_ = 	snop  }
0x7: {  	_ = 	snop  }
__scs_overlays_trampoline_lowered:
0x8: {  	[smem:$0x3FAB] =	sst s0  }
0x9: {  	[smem:$0x3FAC] =	sst s1  }
0xa: {  	[smem:$0x3FAD] =	sst s2  }
0xb: {  	[smem:$0x3FAE] =	sst s3  }
0xc: {  	[smem:$0x3FAF] =	sst s4  }
0xd: {  	[smem:$0x3FB0] =	sst s5  }
0xe: {  	[smem:$0x3FB1] =	sst s6  }
0xf: {  	[smem:$0x3FB2] =	sst s7  }
0x10: {  	[smem:$0x3FB3] =	sst s8  }
0x11: {  	[smem:$0x3FB4] =	sst s9;
	s0 =	simm.s32 @!p0 $0x0  }
0x12: {  	s1 =	sld [smem:$0x3F9A];
	s0 =	simm.s32 @p0 $0x1  }
0x13: {  	[smem:$0x3FB5] =	sst s0;
	s0 =	simm.s32 @!p1 $0x0  }
0x14: {  	s2 =	sld [smem:$0x3F99];
	s0 =	simm.s32 @p1 $0x1  }
0x15: {  	[smem:$0x3FB6] =	sst s0;
	s0 =	simm.s32 @!p2 $0x0  }
0x16: {  	s3 =	sld [smem:$0x3FDB];
	s0 =	simm.s32 @p2 $0x1  }
0x17: {  	s4 =	simm.s32 $0x1BF5;
	[smem:$0x3FB8] =	sst s0  }
0x18: {  	s0 =	sld [smem:$0x3F9B];
	_ =	swait.ge [sflag:s4], $0x0  }
0x19: {  	s7 =	sld [smem:$0x3F9C]  }
0x1a: {  	s8 =	sadd.s32 $0xFFFFE003, lr  }
0x1b: {  	s9 =	sadd.s32 $0xFFFFFEF7, lr;
	s5 =	simm.s32 $0xFFFFFFFF;
	p2 =	slt.u32 s8, $0xFFFFF086  }
0x1c: {  	p1 =	slt.u32 s9, $0xF7A;
	s5 =	simm.s32 @!p2 $0x0  }
0x1d: {  	s5 =	simm.s32 @p1 $0x1;
	p0 =	seq.s32 s7, s2  }
0x1e: {  	s7 =	smul.u32 @!p0 $0xF7A, s2;
	p2 =	seq.s32 @!p0 s5, $0x0  }
0x1f: {  	s9 =	smul.u32 $0xF7A, s1;
	s8 =	simm.s32 @!p0 $0x1BF5;
	p2 =	por !p2, p0  }
0x20: {  	[sflag:s8] =	ssyncset.s32 @!p0 $0xFFFFF086;
	s6 =	sadd.s32 @!p0 s3, s7;
	s7 =	simm.s32 @!p0 $0x108  }
0x21: {  	s3 =	sadd.s32 s3, s9;
	s6 =	sadd.s32 @!p0 $0x88, s6;
	s7 =	simm.s32 @p2 $0x1082  }
0x22: {  	[simem:s7], [sflag:s8] =	dma.local @!p0 [hbm:s6], $0xF7A  }
0x23: {  	s9 =	sor.u32 $0xD0000000, s2;
	s6 =	simm.s32 $0x108;
	_ =	swait.ge @!p0 [sflag:s8], $0x0  }
0x24: {  	s3 =	sadd.s32 $0x88, s3;
	s6 =	simm.s32 @!p1 $0x1082;
	[sflag:s4] =	ssyncset.s32 $0xFFFFF086  }
0x25: {  	[simem:s6], [sflag:s4] =	dma.local [hbm:s3], $0xF7A  }
0x26: {  	[smem:$0x3F9C] =	sst s1;
	(tag) =	ssettag s2;
	_ =	strace s9  }
0x27: {  	s1 =	sld [smem:$0x3FAC]  }
0x28: {  	s2 =	sld [smem:$0x3FAD]  }
0x29: {  	s4 =	sld [smem:$0x3FAF]  }
0x2a: {  	p0 =	seq.s32 s5, $0x0;
	s5 =	sld [smem:$0x3FB0]  }
0x2b: {  	s6 =	sld [smem:$0x3FB1]  }
0x2c: {  	s7 =	sld [smem:$0x3FB2]  }
0x2d: {  	s3 =	simm.s32 $0x108;
	s8 =	sld [smem:$0x3FB3]  }
0x2e: {  	s3 =	simm.s32 @!p0 $0x1082;
	s9 =	sld [smem:$0x3FB4]  }
0x2f: {  	lr =	sadd.s32 s0, s3;
	s0 =	sld [smem:$0x3FAB]  }
0x30: {  	s3 =	sld [smem:$0x3FAE]  }
0x31: {  	[smem:$0x3FB7] =	sst s10  }
0x32: {  	s10 =	sld [smem:$0x3FB5];
	_ =	sdelay $0x3  }
0x33: {  	p0 =	seq.s32 s10, $0x1;
	s10 =	sld [smem:$0x3FB7];
	_ =	sdelay $0x3  }
0x34: {  	[smem:$0x3FB7] =	sst s10  }
0x35: {  	s10 =	sld [smem:$0x3FB6];
	_ =	sdelay $0x3  }
0x36: {  	p1 =	seq.s32 s10, $0x1;
	s10 =	sld [smem:$0x3FB7];
	_ =	sdelay $0x3  }
0x37: {  	[smem:$0x3FB7] =	sst s10  }
0x38: {  	s10 =	sld [smem:$0x3FB8]  }
0x39: {  	_ = 	snop;
	(pc) =	sbr.ind lr, $3  }
0x3a: {  	_ = 	snop  }
0x3b: {  	_ = 	snop  }
0x3c: {  	p2 =	seq.s32 s10, $0x1;
	s10 =	sld [smem:$0x3FB7]  }
0x3d: {  	_ =	shalt  }
0x3e: {  	_ =	shalt  }
0x3f: {  	_ =	shalt  }
0x40: {  	_ =	shalt  }
0x41: {  	_ =	shalt  }
0x42: {  	_ =	shalt  }
0x43: {  	_ =	shalt  }
0x44: {  	_ =	shalt  }
0x45: {  	_ =	shalt  }
0x46: {  	_ =	shalt  }
0x47: {  	_ =	shalt  }
0x48: {  	_ =	shalt  }
0x49: {  	_ =	shalt  }
0x4a: {  	_ =	shalt  }
0x4b: {  	_ =	shalt  }
0x4c: {  	_ =	shalt  }
0x4d: {  	_ =	shalt  }
0x4e: {  	_ =	shalt  }
0x4f: {  	_ =	shalt  }
0x50: {  	_ =	shalt  }
0x51: {  	_ =	shalt  }
0x52: {  	_ =	shalt  }
0x53: {  	_ =	shalt  }
0x54: {  	_ =	shalt  }
0x55: {  	_ =	shalt  }
0x56: {  	_ =	shalt  }
0x57: {  	_ =	shalt  }
0x58: {  	_ =	shalt  }
0x59: {  	_ =	shalt  }
0x5a: {  	_ =	shalt  }
0x5b: {  	_ =	shalt  }
0x5c: {  	_ =	shalt  }
0x5d: {  	_ =	shalt  }
0x5e: {  	_ =	shalt  }
0x5f: {  	_ =	shalt  }
0x60: {  	_ =	shalt  }
0x61: {  	_ =	shalt  }
0x62: {  	_ =	shalt  }
0x63: {  	_ =	shalt  }
0x64: {  	_ =	shalt  }
0x65: {  	_ =	shalt  }
0x66: {  	_ =	shalt  }
0x67: {  	_ =	shalt  }
0x68: {  	_ =	shalt  }
0x69: {  	_ =	shalt  }
0x6a: {  	_ =	shalt  }
0x6b: {  	_ =	shalt  }
0x6c: {  	_ =	shalt  }
0x6d: {  	_ =	shalt  }
0x6e: {  	_ =	shalt  }
0x6f: {  	_ =	shalt  }
0x70: {  	_ =	shalt  }
0x71: {  	_ =	shalt  }
0x72: {  	_ =	shalt  }
0x73: {  	_ =	shalt  }
0x74: {  	_ =	shalt  }
0x75: {  	_ =	shalt  }
0x76: {  	_ =	shalt  }
0x77: {  	_ =	shalt  }
0x78: {  	_ =	shalt  }
0x79: {  	_ =	shalt  }
0x7a: {  	_ =	shalt  }
0x7b: {  	_ =	shalt  }
0x7c: {  	_ =	shalt  }
0x7d: {  	_ =	shalt  }
0x7e: {  	_ =	shalt  }
0x7f: {  	_ =	shalt  }
0x80: {  	_ =	shalt  }
0x81: {  	_ =	shalt  }
0x82: {  	_ =	shalt  }
0x83: {  	_ =	shalt  }
0x84: {  	_ =	shalt  }
0x85: {  	_ =	shalt  }
0x86: {  	_ =	shalt  }
0x87: {  	_ =	shalt  }
.Lfunc_end0:
.L_simem_size_0:
called_computation_lowered:
.L_overlay_start_0:
0x88: {  	s2 =	sld [smem:$0x3FD9]  }
0x89: {  	s3 =	sld [smem:$0x3FFE];
	_ =	sdelay $0x1  }
0x8a: {  	s1 =	srdreg.scid  }
0x8b: {  	s0 =	sand.u32 $0x1, s1  }
0x8c: {  	s17 =	sshll.u32 s0, $0xA;
	s2 =	sadd.s32 s3, s2  }
0x8d: {  	s2 =	sadd.s32 s2, s17  }
0x8e: {  	[smem:$0x3FC3] =	sst s2  }
0x8f: {  	_ = 	snop  }
0x90: {  	s2 =	sld [smem:$0x3FC8]  }
0x91: {  	s18 =	sld [smem:$0x3FD0];
	(tm) =	ssettm $0x1  }
0x92: {  	s4 =	sld [smem:$0x3FFB];
	_ =	sdelay $0x3  }
0x93: {  	_ =	strace s4  }
0x94: {  	s4 =	sld [smem:$0x3FFC];
	_ =	sdelay $0x3  }
0x95: {  	_ =	strace s4  }
0x96: {  	s4 =	sld [smem:$0x3FFD];
	_ =	sdelay $0x3  }
0x97: {  	_ =	strace s4  }
0x98: {  	_ =	strace $0x8FFFFFFF  }
0x99: {  	s19 =	sld [smem:$0x3FDB];
	_ =	sdelay $0x1  }
0x9a: {  	s5 =	simm.s32 $_scs_section_size  }
0x9b: {  	s6 =	simm.s32 $_size__tile_overlayer_lowered;
	s7 =	simm.s32 $_tile_overlayer_lowered  }
0x9c: {  	s22 =	simm.s32 $0x1BFF;
	s21 =	sshll.u32 s7, $0x1;
	s4 =	sadd.s32 s5, s19  }
0x9d: {  	s8 =	simm.s32 $0x0;
	s20 =	sshll.u32 s6, $0x1;
	s6 =	sadd.s32 s21, s4  }
0x9e: {  	[timem:s8], [sflag:s22] =	dma.local [hbm:s6], s20  }
0x9f: {  	_ =	swait.ge [sflag:s22], s20  }
0xa0: {  	s5 =	ssub.s32 $0x0, s20;
	[sflag:s22] =	ssyncset.done $0x0  }
0xa1: {  	[sflag:s22] =	ssyncadd.s32 s5;
	_ =	sdelay $0x1  }
0xa2: {  	s23 =	simm.s32 $0x1B8B  }
0xa3: {  	_ =	swait.ge [sflag:s23], $0x1  }
0xa4: {  	[sflag:s23] =	ssyncset.done $0x0  }
0xa5: {  	s25 =	simm.s32 $0x1B8E;
	s24 =	sld [smem:$0x3FFE];
	[sflag:s23] =	ssyncadd.s32 $0xFFFFFFFF  }
0xa6: {  	s26 =	simm.s32 $execute0_lowered;
	[smem:$0x3FD2] =	sst s25  }
0xa7: {  	s6 =	sshll.u32 s26, $0x1;
	_ =	strace $0x80000046;
	[dreg:$0x1] =	wrdreg $0xFFFFFFFF  }
0xa8: {  	s28 =	simm.s32 $_size_execute0_lowered;
	s4 =	sadd.s32 s4, s6;
	[dreg:$0x0] =	wrdreg $0x0  }
0xa9: {  	s6 =	sshll.u32 s28, $0x1;
	[dreg:$0x2] =	wrdreg s4  }
0xaa: {  	[dreg:$0x3] =	wrdreg s6  }
0xab: {  	[dreg:$0x4] =	wrdreg $0xC0  }
0xac: {  	_ =	task [dreg:s8], $0x5FFFF  }
0xad: {  	[dreg:$0x1] =	wrdreg $0xFFFFFFFF  }
0xae: {  	[dreg:$0x0] =	wrdreg $0x60  }
0xaf: {  	[dreg:$0x2] =	wrdreg s24  }
0xb0: {  	[dreg:$0x3] =	wrdreg s2  }
0xb1: {  	[dreg:$0x4] =	wrdreg s18  }
0xb2: {  	[dreg:$0x5] =	wrdreg $0x9  }
0xb3: {  	_ =	task.clear_ibuf [dreg:s8], $0x6FFFF;
	_ =	strace $0x90000046  }
0xb4: {  	s29 =	simm.s32 $0x9;
	_ =	strace $0x80000048  }
0xb5: {  	_ =	swait.ge [sflag:s29], $0x1  }
0xb6: {  	[sflag:s29] =	ssyncadd.s32 $0xFFFFFFFF  }
0xb7: {  	_ =	strace $0x90000048  }
0xb8: {  	_ =	sfence  }
0xb9: {  	s30 =	sld [smem:$0x0];
	_ =	sdelay $0x2  }
0xba: {  	s31 =	sshll.u32 s1, $0xD;
	s1 =	sshrl.u32 s1, $0x2  }
0xbb: {  	s3 =	sand.u32 $0x4000, s31;
	s1 =	sadd.s32 s1, s30  }
0xbc: {  	s0 =	sor.u32 s3, s0;
	s1 =	sshll.u32 s1, $0x11  }
0xbd: {  	s0 =	sor.u32 s1, s0  }
0xbe: {  	s0 =	sadd.s32 $0x8F2B, s0  }
0xbf: {  	[sflag:s0] =	ssyncadd.remote.s32 $0x1  }
0xc0: {  	_ =	sfence.sel $0xFFFF  }
0xc1: {  	[dreg:$0x0] =	wrdreg $0xFFFFFFFF;
	(pc) =	sbr.abs _section_cstart, $3  }
0xc2: {  	[dreg:$0x1] =	wrdreg $0xFFFFFFFF  }
0xc3: {  	_ =	task.clear_ibuf [dreg:s8], $0x2FFFF;
	_ =	strace $0x9FFFFFFF  }
0xc4: {  	(tm) =	ssettm $0x7FFFFFFF  }
0xc5: {  	_ =	shalt  }
tec
execute0_lowered:
.L_overlay_start_1:
0x0: {  	(tag) =	ssettag $0x1  }
0x1: {  	s1 =	rddreg [dreg:$0x0];
	v30 =	vlaneseq.u32  }
0x2: {  	s3 =	rddreg [dreg:$0x1];
	s5 =	simm.s32 $0x0;
	v35 =	vmul.u32 $0x80, v30  }
0x3: {  	s8 =	stileid.u32;
	[smem:$0x7FF] =	sst s5  }
0x4: {  	s0 =	srdreg.scid;
	s4 =	rddreg [dreg:$0x2];
	_ =	strace $0x80000047;
	v48 =	vor.u32 $0x2800, v35;
	[tilespmem:$0x1FF30] =	vst v35  }
0x5: {  	s11 =	simm.s32 $0x2700;
	s15 =	simm.s32 $0x7;
	s16 =	simm.s32 $0x2780;
	v45 =	vor.u32 $0x2000, v35;
	[tilespmem:$0x1FF00] =	vst v48  }
0x6: {  	s17 =	simm.s32 $0x80;
	s18 =	simm.s32 $0x4F00;
	s19 =	simm.s32 $0xCF00;
	v43 =	vor.u32 $0x1800, v35;
	[tilespmem:$0x1FF10] =	vst v45  }
0x7: {  	s20 =	simm.s32 $0x8F00;
	s21 =	simm.s32 $0x10F00;
	s22 =	simm.s32 $0x1;
	v38 =	vor.u32 $0x40, v35;
	[tilespmem:$0x1FF20] =	vst v43  }
0x8: {  	s23 =	simm.s32 $0x3;
	s24 =	simm.s32 $0x14F20;
	s25 =	simm.s32 $0x2;
	v39 =	vor.u32 $0x800, v35;
	[tilespmem:$0x1FF40] =	vst v38  }
0x9: {  	s26 =	simm.s32 $0x4;
	s28 =	simm.s32 $0x15320;
	s2 =	smul.u32 $0x4E, s8;
	v55 =	vor.u32 $0x3840, v35;
	[tilespmem:$0x1FF50] =	vst v39  }
0xa: {  	s29 =	simm.s32 $0x5;
	s30 =	simm.s32 $0x0;
	s0 =	sand.u32 $0x1, s0;
	v40 =	vor.u32 $0x840, v35;
	[tilespmem:$0x1FF60] =	vst v55  }
0xb: {  	p0 =	seq.s32 s0, $0x0;
	s0 =	ssub.s32 $0x2, s0;
	s6 =	sadd.s32 $0x4E2, s2;
	v41 =	vor.u32 $0x1000, v35;
	[tilespmem:$0x1FF70] =	vst v40  }
0xc: {  	s7 =	smin.u32 s8, $0x2;
	s9 =	sshrl.u32 s0, $0x1;
	v49 =	vor.u32 $0x1040, v35;
	s6 =	smov.u32 @p0 s2;
	[tilespmem:$0x1FF80] =	vst v41  }
0xd: {  	v42 =	vor.u32 $0x1840, v35;
	p0 =	slt.u32 s8, $0x2;
	s0 =	ssub.s32 s0, s9;
	[tilespmem:$0x1FF90] =	vst v49;
	s2 =	sadd.s32 s7, s6  }
0xe: {  	v50 =	vor.u32 $0x3000, v35;
	[tilespmem:$0x1FFA0] =	vst v42;
	s6 =	sadd.s32 $0x13E00, s1;
	s11 =	simm.s32 @!p0 $0x2680;
	s13 =	smax.u32 s0, $0x1  }
.Ltmp0:
0xf: {  	v51 =	vor.u32 $0x3040, v35;
	[tilespmem:$0x1FFB0] =	vst v50;
	s7 =	sshll.u32 s2, $0x4;
	s8 =	sshll.u32 s2, $0x7;
	(pc) =	sbr.rel .LBB2_1-.Ltmp0, $4  }
0x10: {  	v52 =	vor.u32 $0x3800, v35;
	[tilespmem:$0x1FFC0] =	vst v51;
	s10 =	sadd.s32 s7, s1;
	s7 =	simm.s32 $0x4F;
	s2 =	sadd.s32 s11, s8  }
0x11: {  	v47 =	vor.u32 $0x2040, v35;
	[tilespmem:$0x1FFD0] =	vst v52;
	s11 =	sadd.s32 s4, s8;
	s7 =	simm.s32 @!p0 $0x4E;
	s2 =	sand.u32 $0x1FFFFF80, s2  }
0x12: {  	v46 =	vor.u32 $0x2840, v35;
	[tilespmem:$0x1FFE0] =	vst v47;
	s9 =	sadd.s32 $0xA000, s10;
	s12 =	sand.u32 $0x1, s7;
	s2 =	sadd.s32 s4, s2  }
0x13: {  	[tilespmem:$0x1FFF0] =	vst v46;
	s10 =	sadd.s32 $0x200, s10;
	[dreg:$0x4] =	wrdreg s2;
	p0 =	seq.s32 s12, $0x0  }
.LBB2_8:
0x14: {  	s0 =	simm.s32 $0x6;
	s2 =	simm.s32 $0x5  }
.LBB2_12:
0x15: {  	s30 =	sadd.s32 $0x1, s30  }
0x16: {  	_ =	swait.ge [sflag:s2], $0x400;
	p1 =	sne.s32 s30, s13  }
.Ltmp1:
0x17: {  	[sflag:s2] =	ssyncset.done $0x0;
	(pc) =	sbr.rel @!p1 .LBB2_13-.Ltmp1, $4  }
0x18: {  	[sflag:s2] =	ssyncadd.s32 $0xFFFFFC00  }
0x19: {  	_ =	swait.ge [sflag:s0], $0x400  }
0x1a: {  	[sflag:s0] =	ssyncset.done $0x0  }
0x1b: {  	[sflag:s0] =	ssyncadd.s32 $0xFFFFFC00  }
.LBB2_1:
0x1c: {  	s0 =	simm.s32 $0x14F00  }
0x1d: {  	[tilespmem:s0], [sflag:$0x7] =	stream.linear.gather [hbm4b:s1+s5], $0x20, $0x38;
	[tilespmem:$0x15720] =	vst v63  }
0x1e: {  	_ =	swait.ge [sflag:s15], $0x20  }
0x1f: {  	[sflag:s15] =	ssyncset.done $0x0  }
0x20: {  	[sflag:s15] =	ssyncadd.s32 $0xFFFFFFE0  }
0x21: {  	[tilespmem:s5], [sflag:$0x7] =	stream.linear.gather [hbm4b:s9+s5], $0x2780, $0x38;
	[tilespmem:$0x15720] =	vst v63  }
0x22: {  	_ =	swait.ge [sflag:s15], $0x2780  }
0x23: {  	[sflag:s15] =	ssyncset.done $0x0  }
0x24: {  	[sflag:s15] =	ssyncadd.s32 $0xFFFFD880  }
0x25: {  	[tilespmem:s16], [sflag:$0x7] =	stream.linear.gather [hbm4b:s10+s5], $0x2780, $0x38;
	[tilespmem:$0x15720] =	vst v63  }
0x26: {  	_ =	swait.ge [sflag:s15], $0x2780  }
0x27: {  	[sflag:s15] =	ssyncset.done $0x0  }
0x28: {  	[sflag:s15] =	ssyncadd.s32 $0xFFFFD880  }
0x29: {  	v0 =	vld [tilespmem:$0x14F00]  }
0x2a: {  	v1 =	vld [tilespmem:$0x14F10];
	_ =	sdelay $0x2  }
0x2b: {  	[tilespmem:s18], [sflag:$0x1] =	stream.indirect.gather [hbm4b:s6+s17], $0x80, s5, s17, $0xb8;
	[tilespmem:$0x15720] =	vst v63  }
0x2c: {  	v2 =	vbroadcast v0, $0x0  }
0x2d: {  	[tilespmem:s19], [sflag:$0x3] =	stream.indirect.gather [hbm4b:s3+s17], $0x80, s16, s17, $0xb8;
	v56 =	vbroadcast v1, $0x0;
	[tilespmem:$0x15720] =	vst v63  }
0x2e: {  	v57 =	vbroadcast v0, $0x1;
	[tilespmem:$0x1FE60] =	vst v2  }
0x2f: {  	v58 =	vbroadcast v1, $0x1;
	[tilespmem:$0x1FE70] =	vst v56  }
0x30: {  	v59 =	vbroadcast v0, $0x2;
	[tilespmem:$0x1FE80] =	vst v57  }
0x31: {  	v60 =	vbroadcast v1, $0x2;
	[tilespmem:$0x1FE90] =	vst v58  }
0x32: {  	v61 =	vbroadcast v0, $0x3;
	[tilespmem:$0x1FEA0] =	vst v59  }
0x33: {  	v62 =	vbroadcast v1, $0x3;
	[tilespmem:$0x1FEB0] =	vst v60  }
0x34: {  	v0 =	vbroadcast v0, $0x4;
	[tilespmem:$0x1FEC0] =	vst v61  }
0x35: {  	v63 =	vbroadcast v1, $0x4;
	[tilespmem:$0x1FED0] =	vst v62  }
0x36: {  	[tilespmem:$0x1FEE0] =	vst v0  }
0x37: {  	s31 =	simm.s32 $0x0;
	[tilespmem:$0x1FEF0] =	vst v63  }
.LBB2_2:
0x38: {  	s0 =	sshll.u32 s31, $0x8  }
0x39: {  	s2 =	sor.u32 $0x80, s0  }
0x3a: {  	[tilespmem:s20], [sflag:$0x2] =	stream.indirect.gather [hbm4b:s6+s17], $0x80, s2, s17, $0xb8;
	[tilespmem:$0x15720] =	vst v63  }
0x3b: {  	s12 =	sadd.s32 $0x2800, s0  }
0x3c: {  	[tilespmem:s21], [sflag:$0x4] =	stream.indirect.gather [hbm4b:s3+s17], $0x80, s12, s17, $0xb8;
	[tilespmem:$0x15720] =	vst v63  }
0x3d: {  	_ =	swait.ge [sflag:s22], $0x4000  }
0x3e: {  	s14 =	simm.s32 $0x0;
	[sflag:s22] =	ssyncset.done $0x0  }
0x3f: {  	v0 =	vadd.s32 s14, v30;
	[sflag:s22] =	ssyncadd.s32 $0xFFFFC000  }
0x40: {  	v0 =	vand.u32 $0x3F, v0;
	_ =	swait.ge [sflag:s23], $0x4000  }
0x41: {  	p1 =	seq.s32 s31, $0x0;
	v10 =	vor.u32 v35, v0;
	[sflag:s23] =	ssyncset.done $0x0  }
0x42: {  	v1 =	vor.u32 v38, v0;
	s12 =	simm.s32 @!p1 $0x5;
	[sflag:s23] =	ssyncadd.s32 $0xFFFFC000  }
0x43: {  	v13 =	vor.u32 v39, v0;
	_ =	swait.ge @!p1 [sflag:s12], $0x400  }
0x44: {  	v2 =	vor.u32 v40, v0;
	[sflag:s12] =	ssyncset.done @!p1 $0x0  }
0x45: {  	v14 =	vor.u32 v41, v0;
	[sflag:s12] =	ssyncadd.s32 @!p1 $0xFFFFFC00  }
0x46: {  	v4 =	vor.u32 v49, v0;
	v3 =	vld.idx.msk [tilespmem:v10+s18+$0x0], $0xffff  }
0x47: {  	v12 =	vor.u32 v43, v0;
	v5 =	vld.idx.msk [tilespmem:v1+s18+$0x0], $0xffff  }
0x48: {  	v9 =	vor.u32 v42, v0;
	v8 =	vld.idx.msk [tilespmem:v13+s18+$0x0], $0xffff  }
0x49: {  	v49 =	vor.u32 v45, v0;
	v17 =	vld.idx.msk [tilespmem:v2+s18+$0x0], $0xffff  }
0x4a: {  	v21 =	vor.u32 v47, v0;
	v19 =	vld.idx.msk [tilespmem:v14+s18+$0x0], $0xffff  }
0x4b: {  	v48 =	vor.u32 v48, v0;
	v22 =	vld.idx.msk [tilespmem:v4+s18+$0x0], $0xffff  }
0x4c: {  	v24 =	vor.u32 v46, v0;
	v23 =	vld.idx.msk [tilespmem:v12+s18+$0x0], $0xffff  }
0x4d: {  	v45 =	vor.u32 v50, v0;
	v25 =	vld.idx.msk [tilespmem:v9+s18+$0x0], $0xffff  }
0x4e: {  	v31 =	vor.u32 v51, v0;
	v30 =	vld.idx.msk [tilespmem:v49+s18+$0x0], $0xffff  }
0x4f: {  	v43 =	vor.u32 v52, v0;
	v32 =	vld.idx.msk [tilespmem:v21+s18+$0x0], $0xffff  }
0x50: {  	v36 =	vor.u32 v55, v0;
	v33 =	vld.idx.msk [tilespmem:v48+s18+$0x0], $0xffff  }
0x51: {  	v34 =	vld.idx.msk [tilespmem:v24+s18+$0x0], $0xffff  }
0x52: {  	v35 =	vld.idx.msk [tilespmem:v45+s18+$0x0], $0xffff  }
0x53: {  	v37 =	vld.idx.msk [tilespmem:v31+s18+$0x0], $0xffff  }
0x54: {  	v11 =	vimm.f32 $0.0e+00;
	v27 =	vimm.f32 $0.0e+00;
	v20 =	vld.idx.msk [tilespmem:v43+s18+$0x0], $0xffff;
	v0 =	vunpack.i.u.bf16.f32 v3  }
0x55: {  	v18 =	vld.idx.msk [tilespmem:v36+s18+$0x0], $0xffff;
	v38 =	vunpack.i.u.bf16.f32 v5;
	v39 =	vunpack.i.u.bf16.f32 v8;
	v40 =	vunpack.i.u.bf16.f32 v17  }
0x56: {  	v41 =	vunpack.i.u.bf16.f32 v19;
	v42 =	vunpack.i.u.bf16.f32 v22;
	v44 =	vunpack.i.u.bf16.f32 v23  }
0x57: {  	v50 =	vld.idx.msk [tilespmem:v1+s19+$0x0], $0xffff;
	v53 =	vunpack.i.u.bf16.f32 v25;
	v55 =	vunpack.i.u.bf16.f32 v30;
	v57 =	vunpack.i.u.bf16.f32 v32  }
0x58: {  	v59 =	vld.idx.msk [tilespmem:v2+s19+$0x0], $0xffff;
	v7 =	vunpack.i.u.bf16.f32 v33;
	v6 =	vunpack.i.u.bf16.f32 v34;
	v28 =	vunpack.i.u.bf16.f32 v35  }
0x59: {  	v52 =	vld.idx.msk [tilespmem:v4+s19+$0x0], $0xffff;
	v29 =	vunpack.i.u.bf16.f32 v37;
	v2 =	vunpack.i.l.bf16.f32 v3;
	v47 =	vunpack.i.u.bf16.f32 v20  }
0x5a: {  	v9 =	vld.idx.msk [tilespmem:v9+s19+$0x0], $0xffff;
	v46 =	vunpack.i.u.bf16.f32 v18;
	v5 =	vunpack.i.l.bf16.f32 v5;
	v4 =	vunpack.i.l.bf16.f32 v8  }
0x5b: {  	v3 =	vunpack.i.l.bf16.f32 v17;
	v1 =	vunpack.i.l.bf16.f32 v19;
	v60 =	vunpack.i.l.bf16.f32 v22  }
0x5c: {  	v31 =	vld.idx.msk [tilespmem:v31+s19+$0x0], $0xffff;
	v26 =	vunpack.i.l.bf16.f32 v23;
	v54 =	vunpack.i.l.bf16.f32 v25;
	v61 =	vmul.f32 v0, v50  }
0x5d: {  	v58 =	vunpack.i.l.bf16.f32 v30;
	v62 =	vmul.f32 v38, v50;
	v0 =	vmul.f32 v39, v59  }
0x5e: {  	v8 =	vld.idx.msk [tilespmem:v21+s19+$0x0], $0xffff;
	v56 =	vunpack.i.l.bf16.f32 v32;
	v63 =	vmul.f32 v40, v59;
	v50 =	vmul.f32 v41, v52  }
0x5f: {  	v32 =	vimm.f32 $0.0e+00;
	v51 =	vmul.f32 v42, v52;
	v52 =	vmul.f32 v44, v9  }
0x60: {  	v17 =	vld.idx.msk [tilespmem:v24+s19+$0x0], $0xffff;
	v25 =	vmul.f32 v53, v9;
	v59 =	vunpack.i.l.bf16.f32 v33;
	v53 =	vunpack.i.l.bf16.f32 v37  }
0x61: {  	v19 =	vmul.f32 v28, v31;
	v44 =	vimm.f32 $0.0e+00;
	v42 =	vimm.f32 $0.0e+00  }
0x62: {  	v41 =	vimm.f32 $0.0e+00;
	v39 =	vimm.f32 $0.0e+00;
	v40 =	vimm.f32 $0.0e+00  }
0x63: {  	v37 =	vimm.f32 $0.0e+00;
	v21 =	vmul.f32 v55, v8;
	v22 =	vmul.f32 v57, v8;
	v8 =	vld.idx.msk [tilespmem:v10+s19+$0x0], $0xffff  }
0x64: {  	v9 =	vld.idx.msk [tilespmem:v13+s19+$0x0], $0xffff;
	v38 =	vimm.f32 $0.0e+00;
	v33 =	vimm.f32 $0.0e+00;
	v28 =	vimm.f32 $0.0e+00  }
0x65: {  	v55 =	vunpack.i.l.bf16.f32 v34;
	v23 =	vmul.f32 v7, v17;
	v24 =	vmul.f32 v6, v17;
	v7 =	vld.idx.msk [tilespmem:v14+s19+$0x0], $0xffff  }
0x66: {  	v57 =	vunpack.i.l.bf16.f32 v35;
	v17 =	vmul.f32 v29, v31;
	v34 =	vimm.f32 $0.0e+00  }
0x67: {  	s14 =	sshll.u32 s31, $0x1;
	s12 =	simm.s32 $0x1;
	v29 =	vimm.f32 $0.0e+00;
	v6 =	vld.idx.msk [tilespmem:v12+s19+$0x0], $0xffff;
	v31 =	vimm.f32 $0.0e+00;
	v35 =	vimm.f32 $0.0e+00  }
.LBB2_3:
0x68: {  	v2 =	vmul.f32 v2, v8;
	v5 =	vmul.f32 v5, v8  }
0x69: {  	v4 =	vmul.f32 v4, v9;
	v3 =	vmul.f32 v3, v9;
	v9 =	vunpack.i.l.bf16.f32 v18;
	v18 =	vld.idx.msk [tilespmem:v48+s19+$0x0], $0xffff  }
0x6a: {  	v1 =	vmul.f32 v1, v7;
	v2 =	vadd.f32 v2, v11;
	v5 =	vadd.f32 v5, v44  }
0x6b: {  	v4 =	vadd.f32 v4, v42;
	v3 =	vadd.f32 v3, v41  }
0x6c: {  	v8 =	vld.idx.msk [tilespmem:v49+s19+$0x0], $0xffff;
	v1 =	vadd.f32 v1, v39;
	v2 =	vadd.f32 v2, v61  }
0x6d: {  	v7 =	vmul.f32 v60, v7;
	v44 =	vadd.f32 v5, v62;
	v42 =	vadd.f32 v4, v0  }
0x6e: {  	v5 =	vld.idx.msk [tilespmem:v45+s19+$0x0], $0xffff;
	v0 =	vmul.f32 v54, v6;
	v39 =	vadd.f32 v1, v50;
	v1 =	vmul.f32 v59, v18  }
0x6f: {  	v41 =	vadd.f32 v3, v63;
	v3 =	vadd.f32 v7, v40;
	[tilespmem:$0x1FE20] =	vst v2;
	v2 =	vmul.f32 v26, v6  }
0x70: {  	v0 =	vadd.f32 v0, v38;
	v1 =	vadd.f32 v1, v33  }
0x71: {  	v4 =	vmul.f32 v58, v8;
	v7 =	vmul.f32 v56, v8;
	v2 =	vadd.f32 v2, v37  }
0x72: {  	v38 =	vadd.f32 v0, v25;
	v0 =	vmul.f32 v55, v18;
	v1 =	vadd.f32 v1, v23  }
0x73: {  	v37 =	vadd.f32 v2, v52;
	v2 =	vadd.f32 v4, v27  }
0x74: {  	v6 =	vld.idx.msk [tilespmem:v43+s19+$0x0], $0xffff;
	v4 =	vadd.f32 v7, v32;
	v7 =	vmul.f32 v57, v5;
	v0 =	vadd.f32 v0, v34  }
0x75: {  	v2 =	vadd.f32 v2, v21  }
0x76: {  	v5 =	vmul.f32 v53, v5;
	[tilespmem:$0x1FE50] =	vst v1;
	v0 =	vadd.f32 v0, v24;
	v1 =	vadd.f32 v7, v29  }
0x77: {  	[tilespmem:$0x1FDE0] =	vst v2;
	v2 =	vadd.f32 v4, v22  }
0x78: {  	v10 =	vld [tilespmem:$0x1FFA0];
	[tilespmem:$0x1FE40] =	vst v0;
	v4 =	vadd.f32 v5, v31;
	v1 =	vadd.f32 v1, v19  }
0x79: {  	v20 =	vunpack.i.l.bf16.f32 v20;
	v40 =	vadd.f32 v3, v51;
	v0 =	vmul.f32 v9, v6;
	[tilespmem:$0x1FE30] =	vst v2  }
0x7a: {  	v3 =	vld.idx.msk [tilespmem:v36+s19+$0x0], $0xffff;
	v2 =	vmul.f32 v20, v6;
	v6 =	vlaneseq.u32;
	[tilespmem:$0x1FDF0] =	vst v1;
	v1 =	vadd.f32 v4, v17  }
0x7b: {  	v6 =	vadd.s32 s12, v6  }
0x7c: {  	[tilespmem:$0x1FE10] =	vst v1;
	v1 =	vand.u32 $0x3F, v6  }
0x7d: {  	v19 =	vor.u32 v10, v1;
	v10 =	vld [tilespmem:$0x1FF10]  }
0x7e: {  	v9 =	vld [tilespmem:$0x1FF20]  }
0x7f: {  	v5 =	vmul.f32 v47, v3;
	v3 =	vmul.f32 v46, v3;
	v0 =	vadd.f32 v0, v28  }
0x80: {  	v4 =	vld [tilespmem:$0x1FF80]  }
0x81: {  	v0 =	vadd.f32 v0, v3;
	v3 =	vld [tilespmem:$0x1FF50]  }
0x82: {  	v2 =	vadd.f32 v2, v35;
	v49 =	vor.u32 v10, v1;
	v10 =	vld [tilespmem:$0x1FFE0]  }
0x83: {  	v17 =	vor.u32 v9, v1;
	[tilespmem:$0x1FE00] =	vst v0;
	v0 =	vld [tilespmem:$0x1FF30]  }
0x84: {  	v35 =	vadd.f32 v2, v5;
	v2 =	vld [tilespmem:$0x1FF40]  }
0x85: {  	v5 =	vld [tilespmem:$0x1FF90]  }
0x86: {  	v7 =	vor.u32 v4, v1;
	v6 =	vor.u32 v3, v1;
	v3 =	vld [tilespmem:$0x1FF70]  }
0x87: {  	v23 =	vor.u32 v10, v1;
	v10 =	vld [tilespmem:$0x1FF00]  }
0x88: {  	v25 =	vld.idx.msk [tilespmem:v17+s18+$0x0], $0xffff  }
0x89: {  	v51 =	vld.idx.msk [tilespmem:v19+s18+$0x0], $0xffff  }
0x8a: {  	v19 =	vld.idx.msk [tilespmem:v19+s19+$0x0], $0xffff  }
0x8b: {  	v0 =	vor.u32 v0, v1;
	v22 =	vld.idx.msk [tilespmem:v7+s18+$0x0], $0xffff  }
0x8c: {  	v48 =	vor.u32 v10, v1;
	v10 =	vld [tilespmem:$0x1FFF0]  }
0x8d: {  	v2 =	vor.u32 v2, v1;
	v7 =	vld.idx.msk [tilespmem:v7+s19+$0x0], $0xffff  }
0x8e: {  	v5 =	vor.u32 v5, v1;
	v9 =	vld.idx.msk [tilespmem:v6+s18+$0x0], $0xffff  }
0x8f: {  	v52 =	vld.idx.msk [tilespmem:v49+s18+$0x0], $0xffff  }
0x90: {  	v4 =	vld.idx.msk [tilespmem:v0+s18+$0x0], $0xffff  }
0x91: {  	v50 =	vor.u32 v10, v1;
	v10 =	vld [tilespmem:$0x1FFB0]  }
0x92: {  	v3 =	vor.u32 v3, v1;
	v8 =	vld.idx.msk [tilespmem:v2+s18+$0x0], $0xffff  }
0x93: {  	v24 =	vld.idx.msk [tilespmem:v5+s18+$0x0], $0xffff  }
0x94: {  	v62 =	vld.idx.msk [tilespmem:v2+s19+$0x0], $0xffff  }
0x95: {  	v30 =	vld.idx.msk [tilespmem:v5+s19+$0x0], $0xffff  }
0x96: {  	v45 =	vor.u32 v10, v1;
	v10 =	vld [tilespmem:$0x1FFC0]  }
0x97: {  	v21 =	vld.idx.msk [tilespmem:v3+s18+$0x0], $0xffff  }
0x98: {  	v63 =	vld.idx.msk [tilespmem:v3+s19+$0x0], $0xffff  }
0x99: {  	v55 =	vld.idx.msk [tilespmem:v23+s18+$0x0], $0xffff  }
0x9a: {  	v23 =	vld.idx.msk [tilespmem:v23+s19+$0x0], $0xffff  }
0x9b: {  	v53 =	vor.u32 v10, v1;
	v10 =	vld [tilespmem:$0x1FFD0]  }
0x9c: {  	v58 =	vunpack.i.u.bf16.f32 v9;
	v56 =	vunpack.i.u.bf16.f32 v8;
	v5 =	vunpack.i.l.bf16.f32 v8;
	v8 =	vld.idx.msk [tilespmem:v0+s19+$0x0], $0xffff  }
0x9d: {  	v54 =	vunpack.i.u.bf16.f32 v4;
	v2 =	vunpack.i.l.bf16.f32 v4;
	v4 =	vunpack.i.l.bf16.f32 v9;
	v9 =	vld.idx.msk [tilespmem:v6+s19+$0x0], $0xffff  }
0x9e: {  	v6 =	vld.idx.msk [tilespmem:v17+s19+$0x0], $0xffff  }
0x9f: {  	v57 =	vld.idx.msk [tilespmem:v48+s18+$0x0], $0xffff  }
0xa0: {  	v43 =	vor.u32 v10, v1;
	v10 =	vld [tilespmem:$0x1FF60]  }
0xa1: {  	v27 =	vunpack.i.u.bf16.f32 v52;
	v11 =	vld.idx.msk [tilespmem:v45+s18+$0x0], $0xffff  }
0xa2: {  	v59 =	vunpack.i.u.bf16.f32 v21;
	v3 =	vunpack.i.l.bf16.f32 v21;
	v21 =	vmul.f32 v27, v23;
	v27 =	vld [tilespmem:$0x1FDE0]  }
0xa3: {  	v14 =	vunpack.i.u.bf16.f32 v24;
	v60 =	vunpack.i.l.bf16.f32 v24;
	v24 =	vld.idx.msk [tilespmem:v50+s19+$0x0], $0xffff  }
0xa4: {  	v0 =	vmul.f32 v58, v63;
	v12 =	vld.idx.msk [tilespmem:v53+s18+$0x0], $0xffff  }
0xa5: {  	v63 =	vmul.f32 v59, v63;
	v28 =	vunpack.i.u.bf16.f32 v57;
	v34 =	vld.idx.msk [tilespmem:v53+s19+$0x0], $0xffff;
	v36 =	vor.u32 v10, v1  }
0xa6: {  	v59 =	vunpack.i.l.bf16.f32 v57;
	v32 =	vunpack.i.u.bf16.f32 v11;
	v57 =	vunpack.i.l.bf16.f32 v11;
	v11 =	vld [tilespmem:$0x1FE20]  }
0xa7: {  	v15 =	vunpack.i.u.bf16.f32 v25;
	v16 =	vunpack.i.u.bf16.f32 v51;
	v10 =	vld.idx.msk [tilespmem:v50+s18+$0x0], $0xffff  }
0xa8: {  	v26 =	vunpack.i.l.bf16.f32 v25;
	v25 =	vmul.f32 v16, v19;
	v29 =	vunpack.i.u.bf16.f32 v55;
	v20 =	vld.idx.msk [tilespmem:v43+s18+$0x0], $0xffff  }
0xa9: {  	v13 =	vunpack.i.u.bf16.f32 v22;
	v1 =	vunpack.i.l.bf16.f32 v22;
	v22 =	vmul.f32 v29, v23;
	v29 =	vld [tilespmem:$0x1FDF0]  }
0xaa: {  	p2 =	sne.s32 s12, $0x3F;
	v61 =	vmul.f32 v54, v62;
	v62 =	vmul.f32 v56, v62;
	v54 =	vunpack.i.l.bf16.f32 v51;
	v18 =	vld.idx.msk [tilespmem:v36+s18+$0x0], $0xffff  }
.Ltmp2:
0xab: {  	v51 =	vmul.f32 v14, v30;
	v58 =	vunpack.i.l.bf16.f32 v52;
	v23 =	vmul.f32 v28, v24;
	v28 =	vld [tilespmem:$0x1FE00];
	(pc) =	sbr.rel @p2 .LBB2_3-.Ltmp2, $4  }
0xac: {  	v52 =	vmul.f32 v15, v19;
	v33 =	vunpack.i.u.bf16.f32 v12;
	v19 =	vmul.f32 v32, v34;
	v32 =	vld [tilespmem:$0x1FE30]  }
0xad: {  	v56 =	vunpack.i.l.bf16.f32 v55;
	v50 =	vmul.f32 v13, v30;
	v17 =	vmul.f32 v33, v34;
	v34 =	vld [tilespmem:$0x1FE40]  }
0xae: {  	v53 =	vunpack.i.l.bf16.f32 v12;
	v33 =	vld [tilespmem:$0x1FE50];
	v31 =	vunpack.i.u.bf16.f32 v10;
	v47 =	vunpack.i.u.bf16.f32 v20  }
0xaf: {  	s12 =	sadd.s32 $0x1, s12;
	v55 =	vunpack.i.l.bf16.f32 v10;
	v24 =	vmul.f32 v31, v24;
	v31 =	vld [tilespmem:$0x1FE10];
	v46 =	vunpack.i.u.bf16.f32 v18  }
0xb0: {  	v2 =	vmul.f32 v2, v8;
	v5 =	vmul.f32 v5, v8  }
0xb1: {  	v4 =	vmul.f32 v4, v9;
	v3 =	vmul.f32 v3, v9  }
0xb2: {  	v1 =	vmul.f32 v1, v7;
	v7 =	vmul.f32 v60, v7;
	v2 =	vadd.f32 v2, v11  }
0xb3: {  	v12 =	vmul.f32 v26, v6;
	v5 =	vadd.f32 v5, v44;
	v4 =	vadd.f32 v4, v42  }
0xb4: {  	v10 =	vld.idx.msk [tilespmem:v49+s19+$0x0], $0xffff;
	v6 =	vmul.f32 v54, v6;
	v3 =	vadd.f32 v3, v41;
	v1 =	vadd.f32 v1, v39  }
0xb5: {  	v14 =	vld.idx.msk [tilespmem:v43+s19+$0x0], $0xffff;
	v7 =	vadd.f32 v7, v40;
	v12 =	vadd.f32 v12, v37  }
0xb6: {  	v11 =	vld.idx.msk [tilespmem:v48+s19+$0x0], $0xffff;
	v6 =	vadd.f32 v6, v38;
	v2 =	vadd.f32 v2, v61  }
0xb7: {  	v5 =	vadd.f32 v5, v62;
	v0 =	vadd.f32 v4, v0  }
0xb8: {  	v8 =	vunpack.i.l.bf16.f32 v20;
	v4 =	vld.idx.msk [tilespmem:v45+s19+$0x0], $0xffff;
	v3 =	vadd.f32 v3, v63;
	v1 =	vadd.f32 v1, v50  }
0xb9: {  	v9 =	vunpack.i.l.bf16.f32 v18;
	v7 =	vadd.f32 v7, v51;
	v12 =	vadd.f32 v12, v52  }
0xba: {  	v16 =	vld.idx.msk [tilespmem:v36+s19+$0x0], $0xffff;
	v6 =	vadd.f32 v6, v25;
	v13 =	vmul.f32 v58, v10;
	v10 =	vmul.f32 v56, v10  }
0xbb: {  	v30 =	vld [tilespmem:$0x1FE80];
	v45 =	vlaneseq.u32;
	v8 =	vmul.f32 v8, v14;
	v15 =	vmul.f32 v59, v11  }
0xbc: {  	v48 =	vld [tilespmem:$0x1FEB0];
	v11 =	vmul.f32 v55, v11;
	v13 =	vadd.f32 v13, v27;
	v10 =	vadd.f32 v10, v32  }
0xbd: {  	v62 =	vld [tilespmem:$0x1FE60];
	v8 =	vadd.f32 v8, v35;
	v18 =	vmul.f32 v57, v4;
	v4 =	vmul.f32 v53, v4  }
0xbe: {  	v63 =	vld [tilespmem:$0x1FE70];
	v9 =	vmul.f32 v9, v14;
	v15 =	vadd.f32 v15, v33;
	v11 =	vadd.f32 v11, v34  }
0xbf: {  	v25 =	vadd.f32 v13, v21;
	v13 =	vmul.f32 v46, v16;
	v4 =	vadd.f32 v4, v31;
	v31 =	vld [tilespmem:$0x1FE90]  }
0xc0: {  	v46 =	vmul.u32 $0x8, v45;
	v21 =	vadd.f32 v11, v24;
	v11 =	vmul.f32 v47, v16;
	v47 =	vld [tilespmem:$0x1FEA0]  }
0xc1: {  	v9 =	vadd.f32 v9, v28;
	v27 =	vadd.f32 v10, v22  }
0xc2: {  	v14 =	vmul.f32 v2, v62;
	v20 =	vadd.f32 v15, v23;
	v49 =	vor.u32 $0x1, v46;
	[tilespmem:$0x1FCC0] =	vst v46  }
0xc3: {  	v28 =	vld [tilespmem:$0x1FEC0];
	v10 =	vadd.f32 v18, v29;
	v15 =	vmul.f32 v5, v63;
	v50 =	vor.u32 $0x2, v46;
	[tilespmem:$0x1FA90] =	vst v49  }
0xc4: {  	v16 =	vmul.f32 v2, v30;
	v24 =	vmul.f32 v5, v48;
	v29 =	vld [tilespmem:$0x1FED0];
	v51 =	vor.u32 $0x3, v46;
	[tilespmem:$0x1FAA0] =	vst v50  }
0xc5: {  	v52 =	vor.u32 $0x4, v46;
	[tilespmem:$0x1FAB0] =	vst v51;
	v22 =	vmul.f32 v5, v31;
	v23 =	vmul.f32 v2, v47  }
0xc6: {  	v26 =	vld [tilespmem:$0x1FEF0];
	v53 =	vor.u32 $0x80, v46;
	[tilespmem:$0x1FAC0] =	vst v52;
	v18 =	vadd.f32 v10, v19;
	v10 =	vadd.f32 v15, v14  }
0xc7: {  	[tilespmem:$0x1FAD0] =	vst v53;
	v14 =	vadd.f32 v22, v16;
	v15 =	vadd.f32 v24, v23;
	v24 =	vld [tilespmem:$0x1FEE0]  }
0xc8: {  	[tilespmem:v46+s24+$0x0] =	vst.idx.msk $0xffff, v10;
	v22 =	vadd.f32 v4, v17;
	v17 =	vadd.f32 v8, v11;
	v11 =	vor.u32 $0x84, v46  }
0xc9: {  	v19 =	vmul.f32 v5, v29;
	v16 =	vmul.f32 v2, v28;
	[tilespmem:$0x1FB10] =	vst v11  }
0xca: {  	[tilespmem:v49+s24+$0x0] =	vst.idx.msk $0xffff, v14  }
0xcb: {  	v5 =	vmul.f32 v5, v26;
	v4 =	vadd.f32 v19, v16;
	v16 =	vor.u32 $0x81, v46;
	[tilespmem:v50+s24+$0x0] =	vst.idx.msk $0xffff, v15  }
0xcc: {  	v19 =	vadd.f32 v9, v13;
	v13 =	vor.u32 $0x100, v46;
	[tilespmem:$0x1FAE0] =	vst v16;
	v2 =	vmul.f32 v2, v24  }
0xcd: {  	v10 =	vmul.f32 v0, v62;
	v23 =	vmul.f32 v3, v63;
	[tilespmem:$0x1FB20] =	vst v13  }
0xce: {  	v15 =	vor.u32 $0x82, v46;
	[tilespmem:v51+s24+$0x0] =	vst.idx.msk $0xffff, v4;
	v2 =	vadd.f32 v5, v2  }
0xcf: {  	v4 =	vmul.f32 v0, v30;
	[tilespmem:$0x1FAF0] =	vst v15;
	v5 =	vadd.f32 v23, v10;
	v10 =	vmul.f32 v3, v31  }
0xd0: {  	v14 =	vmul.f32 v3, v48;
	[tilespmem:v52+s24+$0x0] =	vst.idx.msk $0xffff, v2  }
0xd1: {  	v2 =	vmul.f32 v0, v47;
	v4 =	vadd.f32 v10, v4;
	v10 =	vor.u32 $0x83, v46;
	[tilespmem:v53+s24+$0x0] =	vst.idx.msk $0xffff, v5  }
0xd2: {  	[tilespmem:$0x1FB00] =	vst v10  }
0xd3: {  	v2 =	vadd.f32 v14, v2;
	[tilespmem:v16+s24+$0x0] =	vst.idx.msk $0xffff, v4;
	v14 =	vor.u32 $0x101, v46  }
0xd4: {  	v8 =	vmul.f32 v3, v29;
	v5 =	vmul.f32 v0, v28;
	v16 =	vor.u32 $0x280, v46;
	[tilespmem:$0x1FB30] =	vst v14  }
0xd5: {  	v3 =	vmul.f32 v3, v26;
	v0 =	vmul.f32 v0, v24;
	[tilespmem:$0x1FC10] =	vst v16  }
0xd6: {  	[tilespmem:v15+s24+$0x0] =	vst.idx.msk $0xffff, v2;
	v2 =	vadd.f32 v8, v5;
	v15 =	vor.u32 $0x204, v46  }
0xd7: {  	v4 =	vmul.f32 v7, v63;
	v0 =	vadd.f32 v3, v0;
	v3 =	vmul.f32 v1, v62;
	[tilespmem:$0x1FC00] =	vst v15  }
0xd8: {  	[tilespmem:v10+s24+$0x0] =	vst.idx.msk $0xffff, v2  }
0xd9: {  	v9 =	vmul.f32 v7, v29;
	v3 =	vadd.f32 v4, v3;
	v10 =	vor.u32 $0x102, v46;
	[tilespmem:v11+s24+$0x0] =	vst.idx.msk $0xffff, v0  }
0xda: {  	v5 =	vmul.f32 v7, v31;
	v2 =	vmul.f32 v1, v30;
	[tilespmem:$0x1FB40] =	vst v10  }
0xdb: {  	v8 =	vmul.f32 v7, v48;
	v4 =	vmul.f32 v1, v47;
	v11 =	vor.u32 $0x103, v46;
	[tilespmem:v13+s24+$0x0] =	vst.idx.msk $0xffff, v3  }
0xdc: {  	v0 =	vmul.f32 v1, v28;
	v2 =	vadd.f32 v5, v2;
	v13 =	vor.u32 $0x104, v46;
	[tilespmem:$0x1FB50] =	vst v11  }
0xdd: {  	[tilespmem:$0x1FB60] =	vst v13  }
0xde: {  	v3 =	vadd.f32 v8, v4;
	v0 =	vadd.f32 v9, v0;
	v9 =	vor.u32 $0x180, v46;
	[tilespmem:v14+s24+$0x0] =	vst.idx.msk $0xffff, v2  }
0xdf: {  	[tilespmem:$0x1FB70] =	vst v9  }
0xe0: {  	v1 =	vmul.f32 v1, v24;
	v4 =	vmul.f32 v7, v26;
	v14 =	vor.u32 $0x201, v46;
	[tilespmem:v10+s24+$0x0] =	vst.idx.msk $0xffff, v3  }
0xe1: {  	v5 =	vmul.f32 v6, v63;
	[tilespmem:$0x1FBD0] =	vst v14  }
0xe2: {  	v2 =	vmul.f32 v12, v62;
	v1 =	vadd.f32 v4, v1;
	v10 =	vor.u32 $0x184, v46;
	[tilespmem:v11+s24+$0x0] =	vst.idx.msk $0xffff, v0  }
0xe3: {  	v7 =	vmul.f32 v6, v31;
	[tilespmem:$0x1FBB0] =	vst v10  }
0xe4: {  	v4 =	vmul.f32 v12, v30;
	v0 =	vadd.f32 v5, v2;
	v11 =	vor.u32 $0x181, v46;
	[tilespmem:v13+s24+$0x0] =	vst.idx.msk $0xffff, v1  }
0xe5: {  	v8 =	vmul.f32 v6, v48;
	v3 =	vmul.f32 v12, v47;
	[tilespmem:$0x1FB80] =	vst v11  }
0xe6: {  	v2 =	vadd.f32 v7, v4;
	v4 =	vmul.f32 v12, v28;
	v13 =	vor.u32 $0x182, v46;
	[tilespmem:v9+s24+$0x0] =	vst.idx.msk $0xffff, v0  }
0xe7: {  	v5 =	vmul.f32 v6, v29;
	v1 =	vmul.f32 v12, v24;
	v12 =	vor.u32 $0x202, v46;
	[tilespmem:$0x1FB90] =	vst v13  }
0xe8: {  	v6 =	vmul.f32 v6, v26;
	v7 =	vmul.f32 v27, v63;
	v9 =	vor.u32 $0x183, v46;
	[tilespmem:$0x1FBE0] =	vst v12  }
0xe9: {  	v3 =	vadd.f32 v8, v3;
	v4 =	vadd.f32 v5, v4;
	v5 =	vmul.f32 v25, v62;
	[tilespmem:$0x1FBA0] =	vst v9  }
0xea: {  	v0 =	vadd.f32 v6, v1;
	v6 =	vmul.f32 v27, v31;
	[tilespmem:v11+s24+$0x0] =	vst.idx.msk $0xffff, v2  }
0xeb: {  	v1 =	vadd.f32 v7, v5;
	v5 =	vmul.f32 v25, v30;
	v11 =	vor.u32 $0x200, v46;
	[tilespmem:v13+s24+$0x0] =	vst.idx.msk $0xffff, v3  }
0xec: {  	v7 =	vmul.f32 v27, v48;
	v2 =	vmul.f32 v25, v47;
	[tilespmem:$0x1FBC0] =	vst v11  }
0xed: {  	v8 =	vmul.f32 v27, v29;
	v13 =	vor.u32 $0x203, v46;
	[tilespmem:v9+s24+$0x0] =	vst.idx.msk $0xffff, v4  }
0xee: {  	v5 =	vadd.f32 v6, v5;
	v6 =	vmul.f32 v25, v28;
	v2 =	vadd.f32 v7, v2;
	[tilespmem:$0x1FBF0] =	vst v13  }
0xef: {  	[tilespmem:v10+s24+$0x0] =	vst.idx.msk $0xffff, v0;
	v0 =	vmul.f32 v20, v47;
	v10 =	vmul.f32 v21, v48  }
0xf0: {  	v7 =	vmul.f32 v27, v26;
	v3 =	vadd.f32 v8, v6;
	[tilespmem:v11+s24+$0x0] =	vst.idx.msk $0xffff, v1  }
0xf1: {  	v6 =	vmul.f32 v25, v24;
	v0 =	vadd.f32 v10, v0;
	v10 =	vor.u32 $0x283, v46;
	[tilespmem:v14+s24+$0x0] =	vst.idx.msk $0xffff, v5  }
0xf2: {  	v9 =	vmul.f32 v21, v31;
	[tilespmem:$0x1FC40] =	vst v10  }
0xf3: {  	v6 =	vadd.f32 v7, v6;
	v7 =	vmul.f32 v20, v30;
	v14 =	vor.u32 $0x282, v46;
	[tilespmem:v12+s24+$0x0] =	vst.idx.msk $0xffff, v2  }
0xf4: {  	v1 =	vmul.f32 v20, v28;
	v11 =	vmul.f32 v21, v29;
	[tilespmem:$0x1FC30] =	vst v14  }
0xf5: {  	v5 =	vadd.f32 v9, v7;
	v9 =	vor.u32 $0x281, v46;
	[tilespmem:v13+s24+$0x0] =	vst.idx.msk $0xffff, v3  }
0xf6: {  	v1 =	vadd.f32 v11, v1;
	v11 =	vor.u32 $0x284, v46;
	[tilespmem:$0x1FC20] =	vst v9  }
0xf7: {  	v4 =	vmul.f32 v20, v62;
	v8 =	vmul.f32 v21, v63;
	v12 =	vor.u32 $0x300, v46;
	[tilespmem:$0x1FC50] =	vst v11  }
0xf8: {  	[tilespmem:$0x1FC60] =	vst v12  }
0xf9: {  	v4 =	vadd.f32 v8, v4;
	v13 =	vor.u32 $0x301, v46;
	[tilespmem:v15+s24+$0x0] =	vst.idx.msk $0xffff, v6  }
0xfa: {  	v8 =	vmul.f32 v22, v31;
	[tilespmem:$0x1FC70] =	vst v13  }
0xfb: {  	v2 =	vmul.f32 v20, v24;
	v3 =	vmul.f32 v21, v26;
	[tilespmem:v16+s24+$0x0] =	vst.idx.msk $0xffff, v4  }
0xfc: {  	v7 =	vmul.f32 v22, v63;
	v6 =	vmul.f32 v18, v62;
	[tilespmem:v9+s24+$0x0] =	vst.idx.msk $0xffff, v5  }
0xfd: {  	v4 =	vmul.f32 v18, v30;
	[tilespmem:v14+s24+$0x0] =	vst.idx.msk $0xffff, v0;
	v0 =	vadd.f32 v3, v2  }
0xfe: {  	v5 =	vmul.f32 v18, v47;
	v9 =	vmul.f32 v22, v48;
	[tilespmem:v10+s24+$0x0] =	vst.idx.msk $0xffff, v1  }
0xff: {  	v1 =	vadd.f32 v8, v4;
	v8 =	vor.u32 $0x302, v46;
	[tilespmem:v11+s24+$0x0] =	vst.idx.msk $0xffff, v0  }
0x100: {  	v2 =	vadd.f32 v7, v6;
	v3 =	vadd.f32 v9, v5;
	v9 =	vor.u32 $0x303, v46;
	[tilespmem:$0x1FC80] =	vst v8  }
0x101: {  	v6 =	vmul.f32 v19, v63;
	v7 =	vmul.f32 v19, v31;
	v10 =	vor.u32 $0x304, v46;
	[tilespmem:$0x1FC90] =	vst v9  }
0x102: {  	v4 =	vmul.f32 v22, v29;
	v0 =	vmul.f32 v18, v28;
	[tilespmem:$0x1FCA0] =	vst v10  }
0x103: {  	v5 =	vmul.f32 v22, v26;
	v11 =	vor.u32 $0x380, v46;
	[tilespmem:v12+s24+$0x0] =	vst.idx.msk $0xffff, v2;
	v2 =	vmul.f32 v18, v24  }
0x104: {  	[tilespmem:v13+s24+$0x0] =	vst.idx.msk $0xffff, v1;
	v1 =	vmul.f32 v17, v62;
	v0 =	vadd.f32 v4, v0  }
0x105: {  	v4 =	vmul.f32 v17, v30;
	v2 =	vadd.f32 v5, v2;
	[tilespmem:v8+s24+$0x0] =	vst.idx.msk $0xffff, v3;
	v8 =	vor.u32 $0x381, v46  }
0x106: {  	v3 =	vmul.f32 v19, v48;
	[tilespmem:v9+s24+$0x0] =	vst.idx.msk $0xffff, v0;
	v0 =	vadd.f32 v6, v1;
	v6 =	vor.u32 $0x382, v46  }
0x107: {  	v1 =	vadd.f32 v7, v4;
	v7 =	vor.u32 $0x383, v46;
	[tilespmem:v10+s24+$0x0] =	vst.idx.msk $0xffff, v2;
	v2 =	vmul.f32 v17, v47  }
0x108: {  	v4 =	vmul.f32 v19, v29;
	v9 =	vor.u32 $0x384, v46;
	[tilespmem:v11+s24+$0x0] =	vst.idx.msk $0xffff, v0;
	v0 =	vmul.f32 v17, v28  }
0x109: {  	[tilespmem:$0x1FCB0] =	vst v11;
	v5 =	vmul.f32 v19, v26;
	v2 =	vadd.f32 v3, v2;
	v3 =	vmul.f32 v17, v24  }
0x10a: {  	[tilespmem:v8+s24+$0x0] =	vst.idx.msk $0xffff, v1;
	v0 =	vadd.f32 v4, v0  }
0x10b: {  	[tilespmem:v6+s24+$0x0] =	vst.idx.msk $0xffff, v2;
	v1 =	vadd.f32 v5, v3  }
0x10c: {  	[tilespmem:v7+s24+$0x0] =	vst.idx.msk $0xffff, v0  }
0x10d: {  	s0 =	sadd.s32 s0, s11;
	[tilespmem:v9+s24+$0x0] =	vst.idx.msk $0xffff, v1  }
0x10e: {  	[hbm4b:s0+s5] =	stream.linear.scatter [tilespmem:s24], [sflag:$0x5], $0x400, $0x38;
	[tilespmem:$0x15720] =	vst v63  }
0x10f: {  	[tilespmem:$0x1FCD0] =	vst v8;
	s0 =	sadd.s32 $0x2, s14  }
0x110: {  	[tilespmem:$0x1FCE0] =	vst v6;
	p2 =	sge.u32 s0, s7  }
0x111: {  	[tilespmem:$0x1FCF0] =	vst v7;
	s0 =	sshll.u32 @!p2 s0, $0x7;
	s12 =	simm.s32 @!p2 $0x80;
	s14 =	simm.s32 @!p2 $0x4F00  }
0x112: {  	[tilespmem:s14], [sflag:$0x1] =	stream.indirect.gather @!p2 [hbm4b:s6+s12], $0x80, s0, s12, $0xb8;
	[tilespmem:$0x15720] =	vst v63  }
0x113: {  	[tilespmem:$0x1FD00] =	vst v9;
	s0 =	sadd.s32 @!p2 $0x2780, s0;
	s14 =	simm.s32 @!p2 $0xCF00  }
0x114: {  	[tilespmem:s14], [sflag:$0x3] =	stream.indirect.gather @!p2 [hbm4b:s3+s12], $0x80, s0, s12, $0xb8;
	[tilespmem:$0x15720] =	vst v63  }
0x115: {  	_ =	swait.ge [sflag:s25], $0x4000  }
0x116: {  	[sflag:s25] =	ssyncset.done $0x0  }
0x117: {  	[sflag:s25] =	ssyncadd.s32 $0xFFFFC000  }
0x118: {  	_ =	swait.ge [sflag:s26], $0x4000  }
0x119: {  	[sflag:s26] =	ssyncset.done $0x0  }
0x11a: {  	s0 =	simm.s32 @!p1 $0x6;
	v35 =	vld [tilespmem:$0x1FF30];
	[sflag:s26] =	ssyncadd.s32 $0xFFFFC000  }
0x11b: {  	v38 =	vld [tilespmem:$0x1FF40];
	_ =	swait.ge @!p1 [sflag:s0], $0x400  }
0x11c: {  	v39 =	vld [tilespmem:$0x1FF50]  }
0x11d: {  	v40 =	vld [tilespmem:$0x1FF70]  }
0x11e: {  	v41 =	vld [tilespmem:$0x1FF80]  }
0x11f: {  	v49 =	vld [tilespmem:$0x1FF90]  }
0x120: {  	v42 =	vld [tilespmem:$0x1FFA0]  }
0x121: {  	v47 =	vld [tilespmem:$0x1FFE0]  }
0x122: {  	s14 =	simm.s32 $0x0;
	v46 =	vld [tilespmem:$0x1FFF0]  }
0x123: {  	v0 =	vadd.s32 s14, v45;
	v43 =	vld [tilespmem:$0x1FF20]  }
0x124: {  	v0 =	vand.u32 $0x3F, v0;
	v45 =	vld [tilespmem:$0x1FF10]  }
0x125: {  	v48 =	vld [tilespmem:$0x1FF00];
	v6 =	vor.u32 v35, v0  }
0x126: {  	v50 =	vld [tilespmem:$0x1FFB0];
	v1 =	vor.u32 v38, v0  }
0x127: {  	v51 =	vld [tilespmem:$0x1FFC0]  }
0x128: {  	[sflag:s0] =	ssyncset.done @!p1 $0x0;
	v52 =	vld [tilespmem:$0x1FFD0];
	v7 =	vor.u32 v39, v0  }
0x129: {  	v55 =	vld [tilespmem:$0x1FF60];
	[sflag:s0] =	ssyncadd.s32 @!p1 $0xFFFFFC00;
	v2 =	vor.u32 v40, v0  }
0x12a: {  	v10 =	vor.u32 v41, v0;
	v3 =	vld.idx.msk [tilespmem:v6+s20+$0x0], $0xffff  }
0x12b: {  	v4 =	vor.u32 v49, v0;
	v5 =	vld.idx.msk [tilespmem:v1+s20+$0x0], $0xffff  }
0x12c: {  	v8 =	vor.u32 v42, v0;
	v1 =	vld.idx.msk [tilespmem:v1+s21+$0x0], $0xffff  }
0x12d: {  	v11 =	vor.u32 v47, v0;
	v9 =	vld.idx.msk [tilespmem:v7+s20+$0x0], $0xffff  }
0x12e: {  	v13 =	vor.u32 v46, v0;
	v12 =	vld.idx.msk [tilespmem:v2+s20+$0x0], $0xffff  }
0x12f: {  	v14 =	vld.idx.msk [tilespmem:v10+s20+$0x0], $0xffff  }
0x130: {  	v18 =	vor.u32 v45, v0;
	v15 =	vld.idx.msk [tilespmem:v4+s20+$0x0], $0xffff  }
0x131: {  	v21 =	vor.u32 v48, v0;
	v16 =	vld.idx.msk [tilespmem:v8+s20+$0x0], $0xffff  }
0x132: {  	v26 =	vld.idx.msk [tilespmem:v11+s20+$0x0], $0xffff  }
0x133: {  	v30 =	vor.u32 v43, v0;
	v28 =	vld.idx.msk [tilespmem:v13+s20+$0x0], $0xffff  }
0x134: {  	v2 =	vld.idx.msk [tilespmem:v2+s21+$0x0], $0xffff  }
0x135: {  	v31 =	vld.idx.msk [tilespmem:v18+s20+$0x0], $0xffff  }
0x136: {  	v44 =	vimm.f32 $0.0e+00;
	v17 =	vor.u32 v51, v0;
	v32 =	vld.idx.msk [tilespmem:v21+s20+$0x0], $0xffff  }
0x137: {  	v53 =	vimm.f32 $0.0e+00;
	v20 =	vor.u32 v50, v0;
	v54 =	vor.u32 v55, v0;
	v4 =	vld.idx.msk [tilespmem:v4+s21+$0x0], $0xffff  }
0x138: {  	[tilespmem:$0x1FD10] =	vst v18;
	v29 =	vld.idx.msk [tilespmem:v30+s20+$0x0], $0xffff;
	v18 =	vunpack.i.u.bf16.f32 v3;
	v19 =	vunpack.i.u.bf16.f32 v5;
	v63 =	vunpack.i.l.bf16.f32 v5  }
0x139: {  	v8 =	vld.idx.msk [tilespmem:v8+s21+$0x0], $0xffff;
	v24 =	vmul.f32 v18, v1;
	v23 =	vmul.f32 v19, v1;
	v1 =	vunpack.i.u.bf16.f32 v9  }
0x13a: {  	v11 =	vld.idx.msk [tilespmem:v11+s21+$0x0], $0xffff;
	v18 =	vunpack.i.u.bf16.f32 v14;
	v5 =	vunpack.i.l.bf16.f32 v9;
	v62 =	vunpack.i.l.bf16.f32 v12  }
0x13b: {  	v34 =	vld.idx.msk [tilespmem:v17+s20+$0x0], $0xffff;
	v60 =	vunpack.i.l.bf16.f32 v31;
	v61 =	vunpack.i.l.bf16.f32 v26;
	v59 =	vunpack.i.l.bf16.f32 v32  }
0x13c: {  	v33 =	vld.idx.msk [tilespmem:v20+s20+$0x0], $0xffff;
	v27 =	vmul.f32 v1, v2;
	v1 =	vunpack.i.u.bf16.f32 v12;
	v19 =	vmul.f32 v18, v4  }
0x13d: {  	v13 =	vld.idx.msk [tilespmem:v13+s21+$0x0], $0xffff;
	v25 =	vmul.f32 v1, v2;
	v1 =	vunpack.i.u.bf16.f32 v15;
	v2 =	vunpack.i.u.bf16.f32 v29  }
0x13e: {  	[tilespmem:$0x1FD30] =	vst v20;
	v20 =	vmul.f32 v1, v4;
	v4 =	vor.u32 v52, v0;
	v0 =	vunpack.i.u.bf16.f32 v16  }
0x13f: {  	[tilespmem:$0x1FD20] =	vst v21;
	v21 =	vmul.f32 v2, v8;
	v2 =	vunpack.i.u.bf16.f32 v26;
	v22 =	vmul.f32 v0, v8;
	v8 =	vld.idx.msk [tilespmem:v54+s20+$0x0], $0xffff  }
0x140: {  	v1 =	vld.idx.msk [tilespmem:v17+s21+$0x0], $0xffff;
	v26 =	vunpack.i.l.bf16.f32 v34;
	v0 =	vunpack.i.u.bf16.f32 v31;
	v17 =	vmul.f32 v2, v11  }
0x141: {  	v2 =	vunpack.i.u.bf16.f32 v33;
	v18 =	vmul.f32 v0, v11;
	v0 =	vunpack.i.u.bf16.f32 v32  }
0x142: {  	[tilespmem:$0x1FD50] =	vst v54;
	v31 =	vimm.f32 $0.0e+00;
	v57 =	vmul.f32 v0, v13;
	v0 =	vunpack.i.u.bf16.f32 v28  }
0x143: {  	[tilespmem:$0x1FD40] =	vst v4;
	v32 =	vimm.f32 $0.0e+00;
	v58 =	vmul.f32 v0, v13;
	v0 =	vunpack.i.u.bf16.f32 v34;
	v11 =	vld.idx.msk [tilespmem:v4+s20+$0x0], $0xffff  }
0x144: {  	v13 =	vimm.f32 $0.0e+00;
	[tilespmem:$0x1FD70] =	vst v8;
	v54 =	vunpack.i.u.bf16.f32 v8;
	v8 =	vimm.f32 $0.0e+00  }
0x145: {  	v34 =	vimm.f32 $0.0e+00;
	v36 =	vmul.f32 v2, v1;
	[tilespmem:$0x1FD80] =	vst v8;
	v8 =	vimm.f32 $0.0e+00  }
0x146: {  	v37 =	vmul.f32 v0, v1;
	v4 =	vunpack.i.l.bf16.f32 v3;
	[tilespmem:$0x1FD90] =	vst v8;
	v8 =	vimm.f32 $0.0e+00  }
0x147: {  	v9 =	vld.idx.msk [tilespmem:v7+s21+$0x0], $0xffff;
	v3 =	vunpack.i.l.bf16.f32 v14;
	v2 =	vunpack.i.l.bf16.f32 v15;
	v0 =	vunpack.i.l.bf16.f32 v29;
	[tilespmem:$0x1FDA0] =	vst v8  }
0x148: {  	v1 =	vunpack.i.l.bf16.f32 v16;
	v29 =	vunpack.i.l.bf16.f32 v28;
	v8 =	vld.idx.msk [tilespmem:v6+s21+$0x0], $0xffff;
	v6 =	vimm.f32 $0.0e+00;
	[tilespmem:$0x1FD60] =	vst v11  }
0x149: {  	v28 =	vunpack.i.l.bf16.f32 v33;
	v15 =	vimm.f32 $0.0e+00;
	[tilespmem:$0x1FDB0] =	vst v6;
	v6 =	vimm.f32 $0.0e+00  }
0x14a: {  	v7 =	vld.idx.msk [tilespmem:v10+s21+$0x0], $0xffff;
	v14 =	vimm.f32 $0.0e+00;
	v16 =	vimm.f32 $0.0e+00;
	[tilespmem:$0x1FDC0] =	vst v6;
	v6 =	vimm.f32 $0.0e+00  }
0x14b: {  	s0 =	simm.s32 $0x1;
	v33 =	vimm.f32 $0.0e+00;
	v56 =	vunpack.i.u.bf16.f32 v11;
	[tilespmem:$0x1FDD0] =	vst v6;
	v6 =	vld.idx.msk [tilespmem:v30+s21+$0x0], $0xffff;
	v30 =	vlaneseq.u32  }
.LBB2_5:
0x14c: {  	v5 =	vmul.f32 v5, v9;
	v9 =	vmul.f32 v62, v9;
	v62 =	vld [tilespmem:$0x1FD90];
	_ =	sdelay $0x4  }
0x14d: {  	v5 =	vadd.f32 v5, v62;
	v62 =	vld [tilespmem:$0x1FDA0];
	_ =	sdelay $0x1  }
0x14e: {  	v4 =	vmul.f32 v4, v8;
	_ =	sdelay $0x1  }
0x14f: {  	v4 =	vadd.f32 v4, v13;
	v13 =	vld [tilespmem:$0x1FD80]  }
0x150: {  	v5 =	vadd.f32 v5, v27;
	v9 =	vadd.f32 v9, v62;
	_ =	sdelay $0x1  }
0x151: {  	v8 =	vmul.f32 v63, v8;
	[tilespmem:$0x1FD90] =	vst v5;
	v5 =	vadd.f32 v9, v25;
	_ =	sdelay $0x1  }
0x152: {  	v4 =	vadd.f32 v4, v24;
	v8 =	vadd.f32 v8, v13;
	[tilespmem:$0x1FDA0] =	vst v5;
	v5 =	vld [tilespmem:$0x1FDB0]  }
0x153: {  	v13 =	vld [tilespmem:$0x1FD20]  }
0x154: {  	v10 =	vld [tilespmem:$0x1FD10];
	[tilespmem:$0x1FA40] =	vst v4;
	v4 =	vadd.f32 v8, v23  }
0x155: {  	v3 =	vmul.f32 v3, v7  }
0x156: {  	[tilespmem:$0x1FD80] =	vst v4;
	v4 =	vld [tilespmem:$0x1FD30]  }
0x157: {  	v3 =	vadd.f32 v3, v5;
	v5 =	vld [tilespmem:$0x1FDC0];
	_ =	sdelay $0x1  }
0x158: {  	v0 =	vmul.f32 v0, v6;
	v1 =	vmul.f32 v1, v6;
	v6 =	vld [tilespmem:$0x1FD40]  }
0x159: {  	v2 =	vmul.f32 v2, v7;
	v7 =	vld [tilespmem:$0x1FDD0]  }
0x15a: {  	v13 =	vld.idx.msk [tilespmem:v13+s21+$0x0], $0xffff;
	v3 =	vadd.f32 v3, v19  }
0x15b: {  	v10 =	vld.idx.msk [tilespmem:v10+s21+$0x0], $0xffff;
	v2 =	vadd.f32 v2, v5  }
0x15c: {  	v0 =	vadd.f32 v0, v32;
	[tilespmem:$0x1FDB0] =	vst v3;
	v3 =	vld [tilespmem:$0x1FD50]  }
0x15d: {  	v2 =	vadd.f32 v2, v20  }
0x15e: {  	v0 =	vadd.f32 v0, v21;
	v1 =	vadd.f32 v1, v7;
	v4 =	vld.idx.msk [tilespmem:v4+s21+$0x0], $0xffff  }
0x15f: {  	[tilespmem:$0x1FDC0] =	vst v2;
	v2 =	vmul.f32 v59, v13  }
0x160: {  	v12 =	vld [tilespmem:$0x1FD70];
	[tilespmem:$0x1FA10] =	vst v0;
	v0 =	vadd.f32 v1, v22;
	v5 =	vmul.f32 v60, v10  }
0x161: {  	v6 =	vld.idx.msk [tilespmem:v6+s21+$0x0], $0xffff;
	v7 =	vmul.f32 v61, v10;
	v2 =	vadd.f32 v2, v14  }
0x162: {  	v11 =	vld [tilespmem:$0x1FD60];
	[tilespmem:$0x1FDD0] =	vst v0;
	v0 =	vmul.f32 v29, v13;
	v1 =	vadd.f32 v5, v15  }
0x163: {  	v5 =	vadd.f32 v7, v31;
	v7 =	vmul.f32 v28, v4;
	v2 =	vadd.f32 v2, v57  }
0x164: {  	v0 =	vadd.f32 v0, v16;
	v1 =	vadd.f32 v1, v18;
	v3 =	vld.idx.msk [tilespmem:v3+s21+$0x0], $0xffff  }
0x165: {  	v12 =	vunpack.i.l.bf16.f32 v12;
	v4 =	vmul.f32 v26, v4;
	[tilespmem:$0x1FA60] =	vst v2;
	v2 =	vadd.f32 v7, v44  }
0x166: {  	v24 =	vadd.f32 v0, v58;
	v0 =	vmul.f32 v12, v6;
	[tilespmem:$0x1F9F0] =	vst v1;
	v1 =	vadd.f32 v5, v17  }
0x167: {  	v11 =	vunpack.i.l.bf16.f32 v11;
	v4 =	vadd.f32 v4, v53;
	v2 =	vadd.f32 v2, v36  }
0x168: {  	v0 =	vadd.f32 v0, v33;
	[tilespmem:$0x1FA00] =	vst v1;
	v1 =	vmul.f32 v11, v6  }
0x169: {  	v5 =	vmul.f32 v56, v3;
	v3 =	vmul.f32 v54, v3;
	[tilespmem:$0x1FA70] =	vst v2;
	v2 =	vadd.f32 v4, v37  }
0x16a: {  	v6 =	vadd.s32 s0, v30  }
0x16b: {  	v1 =	vadd.f32 v1, v34;
	v0 =	vadd.f32 v0, v3;
	[tilespmem:$0x1FA80] =	vst v2;
	v2 =	vand.u32 $0x3F, v6  }
0x16c: {  	v6 =	vor.u32 v35, v2  }
0x16d: {  	v1 =	vadd.f32 v1, v5;
	[tilespmem:$0x1FA30] =	vst v0;
	v0 =	vor.u32 v38, v2  }
0x16e: {  	v7 =	vor.u32 v39, v2  }
0x16f: {  	[tilespmem:$0x1FA50] =	vst v1;
	v1 =	vor.u32 v40, v2  }
0x170: {  	v11 =	vor.u32 v41, v2  }
0x171: {  	v4 =	vor.u32 v49, v2;
	v3 =	vld.idx.msk [tilespmem:v6+s20+$0x0], $0xffff  }
0x172: {  	v16 =	vor.u32 v43, v2;
	v5 =	vld.idx.msk [tilespmem:v0+s20+$0x0], $0xffff  }
0x173: {  	v9 =	vor.u32 v42, v2;
	v8 =	vld.idx.msk [tilespmem:v7+s20+$0x0], $0xffff  }
0x174: {  	v10 =	vor.u32 v45, v2;
	v12 =	vld.idx.msk [tilespmem:v1+s20+$0x0], $0xffff  }
0x175: {  	v14 =	vor.u32 v47, v2;
	v13 =	vld.idx.msk [tilespmem:v11+s20+$0x0], $0xffff  }
0x176: {  	v23 =	vor.u32 v48, v2;
	v15 =	vld.idx.msk [tilespmem:v4+s20+$0x0], $0xffff  }
0x177: {  	v17 =	vor.u32 v46, v2;
	[tilespmem:$0x1FA20] =	vst v16;
	v16 =	vld.idx.msk [tilespmem:v16+s20+$0x0], $0xffff  }
0x178: {  	v22 =	vor.u32 v50, v2;
	v18 =	vld.idx.msk [tilespmem:v9+s20+$0x0], $0xffff  }
0x179: {  	v20 =	vor.u32 v51, v2;
	v19 =	vld.idx.msk [tilespmem:v10+s20+$0x0], $0xffff  }
0x17a: {  	v21 =	vld.idx.msk [tilespmem:v14+s20+$0x0], $0xffff  }
0x17b: {  	v26 =	vld.idx.msk [tilespmem:v23+s20+$0x0], $0xffff  }
0x17c: {  	v28 =	vld.idx.msk [tilespmem:v17+s20+$0x0], $0xffff  }
0x17d: {  	v36 =	vld.idx.msk [tilespmem:v22+s20+$0x0], $0xffff  }
0x17e: {  	v37 =	vld.idx.msk [tilespmem:v20+s20+$0x0], $0xffff  }
0x17f: {  	v27 =	vld.idx.msk [tilespmem:v0+s21+$0x0], $0xffff  }
0x180: {  	[tilespmem:$0x1FD10] =	vst v10;
	v10 =	vor.u32 v52, v2;
	v60 =	vld.idx.msk [tilespmem:v1+s21+$0x0], $0xffff  }
0x181: {  	v2 =	vor.u32 v55, v2;
	v61 =	vld.idx.msk [tilespmem:v4+s21+$0x0], $0xffff  }
0x182: {  	v53 =	vmovc v51;
	v51 =	vmovc v46;
	v46 =	vmov v48;
	v48 =	vmov v42;
	v42 =	vmov v39;
	[tilespmem:$0x1FD20] =	vst v23;
	v39 =	vld.idx.msk [tilespmem:v9+s21+$0x0], $0xffff  }
0x183: {  	[tilespmem:$0x1FD30] =	vst v22;
	v9 =	vld.idx.msk [tilespmem:v7+s21+$0x0], $0xffff;
	v22 =	vunpack.i.u.bf16.f32 v3;
	v23 =	vunpack.i.u.bf16.f32 v5  }
0x184: {  	v7 =	vld.idx.msk [tilespmem:v11+s21+$0x0], $0xffff;
	v25 =	vunpack.i.u.bf16.f32 v8;
	v29 =	vunpack.i.u.bf16.f32 v12;
	v57 =	vunpack.i.u.bf16.f32 v13  }
0x185: {  	v54 =	vld.idx.msk [tilespmem:v10+s20+$0x0], $0xffff;
	v58 =	vunpack.i.u.bf16.f32 v15;
	v59 =	vunpack.i.u.bf16.f32 v16;
	v30 =	vunpack.i.u.bf16.f32 v18  }
0x186: {  	[tilespmem:$0x1FD50] =	vst v2;
	v2 =	vld.idx.msk [tilespmem:v2+s20+$0x0], $0xffff;
	v31 =	vunpack.i.u.bf16.f32 v19;
	v32 =	vunpack.i.u.bf16.f32 v21;
	v4 =	vunpack.i.l.bf16.f32 v3  }
0x187: {  	v63 =	vunpack.i.l.bf16.f32 v5;
	v62 =	vunpack.i.l.bf16.f32 v12;
	v12 =	vld.idx.msk [tilespmem:v14+s21+$0x0], $0xffff;
	v3 =	vunpack.i.l.bf16.f32 v13  }
0x188: {  	v0 =	vunpack.i.l.bf16.f32 v16;
	v16 =	vmovc v24;
	v13 =	vld.idx.msk [tilespmem:v17+s21+$0x0], $0xffff;
	v24 =	vmul.f32 v22, v27;
	v23 =	vmul.f32 v23, v27  }
0x189: {  	v5 =	vunpack.i.l.bf16.f32 v8;
	v14 =	vld.idx.msk [tilespmem:v20+s21+$0x0], $0xffff;
	v27 =	vmul.f32 v25, v60;
	v25 =	vmul.f32 v29, v60  }
0x18a: {  	v8 =	vld.idx.msk [tilespmem:v6+s21+$0x0], $0xffff;
	v60 =	vunpack.i.l.bf16.f32 v19;
	v19 =	vmul.f32 v57, v61;
	v20 =	vmul.f32 v58, v61  }
0x18b: {  	v6 =	vld [tilespmem:$0x1FA20];
	v61 =	vunpack.i.l.bf16.f32 v21;
	v21 =	vmul.f32 v59, v39;
	v22 =	vmul.f32 v30, v39  }
0x18c: {  	v39 =	vmovc v42;
	v42 =	vmovc v48;
	v48 =	vmov v46;
	v46 =	vmov v51;
	v51 =	vmov v53;
	v53 =	vld [tilespmem:$0x1FA80];
	[tilespmem:$0x1FD60] =	vst v54  }
0x18d: {  	v56 =	vunpack.i.u.bf16.f32 v54;
	[tilespmem:$0x1FD70] =	vst v2;
	v54 =	vunpack.i.u.bf16.f32 v2;
	v2 =	vunpack.i.l.bf16.f32 v15;
	v15 =	vld [tilespmem:$0x1F9F0]  }
0x18e: {  	v1 =	vunpack.i.l.bf16.f32 v18;
	v18 =	vmul.f32 v31, v12;
	v31 =	vld [tilespmem:$0x1FA00]  }
0x18f: {  	v44 =	vmovc v41;
	v41 =	vmovc v38;
	v33 =	vunpack.i.u.bf16.f32 v26;
	v34 =	vunpack.i.u.bf16.f32 v28;
	v17 =	vmul.f32 v32, v12;
	v32 =	vld [tilespmem:$0x1FA10]  }
0x190: {  	p1 =	sne.s32 s0, $0x3F;
	[tilespmem:$0x1FD40] =	vst v10;
	v10 =	vmovc v52;
	v52 =	vmovc v50;
	v50 =	vmov v47;
	v47 =	vmov v43;
	v57 =	vmul.f32 v33, v13;
	v33 =	vld [tilespmem:$0x1FA30]  }
.Ltmp3:
0x191: {  	v43 =	vmovc v40;
	v40 =	vmovc v35;
	v35 =	vunpack.i.u.bf16.f32 v36;
	v38 =	vunpack.i.u.bf16.f32 v37;
	v58 =	vmul.f32 v34, v13;
	v13 =	vld [tilespmem:$0x1FA40];
	(pc) =	sbr.rel @p1 .LBB2_5-.Ltmp3, $4  }
0x192: {  	v59 =	vunpack.i.l.bf16.f32 v26;
	v29 =	vunpack.i.l.bf16.f32 v28;
	v28 =	vunpack.i.l.bf16.f32 v36;
	v34 =	vld [tilespmem:$0x1FA50]  }
0x193: {  	v26 =	vunpack.i.l.bf16.f32 v37;
	v36 =	vmul.f32 v35, v14;
	v37 =	vmul.f32 v38, v14;
	v14 =	vld [tilespmem:$0x1FA60]  }
0x194: {  	v30 =	vlaneseq.u32;
	v35 =	vmovc v40;
	v38 =	vmov v41;
	v41 =	vmov v44;
	v44 =	vld [tilespmem:$0x1FA70]  }
0x195: {  	s0 =	sadd.s32 $0x1, s0;
	v40 =	vmovc v43;
	v43 =	vmovc v47;
	v47 =	vmov v50;
	v50 =	vmov v52;
	v52 =	vmov v10;
	v6 =	vld.idx.msk [tilespmem:v6+s21+$0x0], $0xffff  }
0x196: {  	v12 =	vmul.f32 v63, v8;
	v63 =	vld [tilespmem:$0x1FD90]  }
0x197: {  	v4 =	vmul.f32 v4, v8;
	v10 =	vld [tilespmem:$0x1FD80];
	_ =	sdelay $0x1  }
0x198: {  	v5 =	vmul.f32 v5, v9;
	v4 =	vadd.f32 v4, v13;
	v13 =	vld [tilespmem:$0x1FD10];
	_ =	sdelay $0x1  }
0x199: {  	v5 =	vadd.f32 v5, v63  }
0x19a: {  	v8 =	vadd.f32 v12, v10;
	v12 =	vld [tilespmem:$0x1FDA0]  }
0x19b: {  	v5 =	vadd.f32 v5, v27;
	v27 =	vld [tilespmem:$0x1FD30]  }
0x19c: {  	v3 =	vmul.f32 v3, v7;
	v2 =	vmul.f32 v2, v7;
	v7 =	vadd.f32 v8, v23;
	v23 =	vld [tilespmem:$0x1FD20];
	_ =	sdelay $0x2  }
0x19d: {  	v62 =	vmul.f32 v62, v9;
	v10 =	vld.idx.msk [tilespmem:v13+s21+$0x0], $0xffff  }
0x19e: {  	v11 =	vld [tilespmem:$0x1FDD0];
	v0 =	vmul.f32 v0, v6  }
0x19f: {  	v4 =	vadd.f32 v4, v24;
	v24 =	vld [tilespmem:$0x1FDB0];
	v9 =	vadd.f32 v62, v12  }
0x1a0: {  	v0 =	vadd.f32 v0, v32;
	v32 =	vld [tilespmem:$0x1FE70]  }
0x1a1: {  	v1 =	vmul.f32 v1, v6;
	v8 =	vadd.f32 v9, v25;
	v9 =	vld.idx.msk [tilespmem:v27+s21+$0x0], $0xffff  }
0x1a2: {  	v6 =	vld.idx.msk [tilespmem:v23+s21+$0x0], $0xffff;
	v60 =	vmul.f32 v60, v10;
	v10 =	vmul.f32 v61, v10  }
0x1a3: {  	v25 =	vld [tilespmem:$0x1FDC0]  }
0x1a4: {  	v10 =	vadd.f32 v10, v31;
	v31 =	vld [tilespmem:$0x1FE60]  }
0x1a5: {  	v27 =	vld [tilespmem:$0x1FE90]  }
0x1a6: {  	v13 =	vmul.f32 v28, v9;
	v9 =	vmul.f32 v26, v9;
	v26 =	vld [tilespmem:$0x1FE80]  }
0x1a7: {  	v12 =	vmul.f32 v59, v6;
	v59 =	vld [tilespmem:$0x1FD40]  }
0x1a8: {  	v62 =	vmul.f32 v7, v32;
	v28 =	vld [tilespmem:$0x1FEA0]  }
0x1a9: {  	v6 =	vmul.f32 v29, v6;
	v29 =	vld [tilespmem:$0x1FEB0];
	v61 =	vmul.f32 v4, v31  }
0x1aa: {  	v2 =	vadd.f32 v2, v25;
	v25 =	vmul.f32 v7, v27  }
0x1ab: {  	v12 =	vadd.f32 v12, v14;
	v14 =	vadd.f32 v62, v61;
	v62 =	vld [tilespmem:$0x1FD50];
	v63 =	vmul.f32 v4, v26  }
0x1ac: {  	v1 =	vadd.f32 v1, v11;
	v3 =	vadd.f32 v3, v24;
	v24 =	vld [tilespmem:$0x1FEC0]  }
0x1ad: {  	v6 =	vadd.f32 v6, v16;
	v16 =	vadd.f32 v25, v63;
	v25 =	vld [tilespmem:$0x1FED0]  }
0x1ae: {  	v11 =	vadd.f32 v60, v15;
	v60 =	vmul.f32 v4, v28;
	v61 =	vmul.f32 v7, v29;
	_ =	sdelay $0x1  }
0x1af: {  	v60 =	vadd.f32 v61, v60;
	v61 =	vld [tilespmem:$0x1FA90]  }
0x1b0: {  	v2 =	vadd.f32 v2, v20;
	v20 =	vld.idx.msk [tilespmem:v59+s21+$0x0], $0xffff  }
0x1b1: {  	v63 =	vmul.f32 v4, v24;
	v59 =	vld [tilespmem:$0x1FCC0];
	v23 =	vmul.f32 v7, v25  }
0x1b2: {  	v1 =	vadd.f32 v1, v22;
	v22 =	vld.idx.msk [tilespmem:v62+s21+$0x0], $0xffff  }
0x1b3: {  	v62 =	vadd.f32 v23, v63;
	v63 =	vld [tilespmem:$0x1FAA0];
	_ =	sdelay $0x2  }
0x1b4: {  	v3 =	vadd.f32 v3, v19;
	v19 =	vld [tilespmem:$0x1FEF0]  }
0x1b5: {  	v11 =	vadd.f32 v11, v18;
	v18 =	vld [tilespmem:$0x1FEE0]  }
0x1b6: {  	v10 =	vadd.f32 v10, v17;
	v17 =	vld [tilespmem:$0x1FAB0]  }
0x1b7: {  	[tilespmem:v59+s28+$0x0] =	vst.idx.msk $0xffff, v14  }
0x1b8: {  	[tilespmem:v61+s28+$0x0] =	vst.idx.msk $0xffff, v16  }
0x1b9: {  	[tilespmem:v63+s28+$0x0] =	vst.idx.msk $0xffff, v60;
	v63 =	vld [tilespmem:$0x1FAC0];
	_ =	sdelay $0x1  }
0x1ba: {  	v0 =	vadd.f32 v0, v21;
	v4 =	vmul.f32 v4, v18;
	v7 =	vmul.f32 v7, v19  }
0x1bb: {  	v21 =	vmul.f32 v5, v31;
	v12 =	vadd.f32 v12, v57;
	v23 =	vmul.f32 v8, v32  }
0x1bc: {  	v4 =	vadd.f32 v7, v4;
	v59 =	vmul.f32 v5, v26;
	v60 =	vmul.f32 v8, v27  }
0x1bd: {  	v57 =	vld [tilespmem:$0x1FAD0];
	v61 =	vmul.f32 v5, v28;
	[tilespmem:v17+s28+$0x0] =	vst.idx.msk $0xffff, v62;
	v62 =	vmul.f32 v8, v29  }
0x1be: {  	v14 =	vadd.f32 v23, v21;
	v23 =	vadd.f32 v60, v59;
	v59 =	vld [tilespmem:$0x1FAE0]  }
0x1bf: {  	v6 =	vadd.f32 v6, v58;
	v58 =	vadd.f32 v62, v61;
	v62 =	vld [tilespmem:$0x1FD60]  }
0x1c0: {  	[tilespmem:v63+s28+$0x0] =	vst.idx.msk $0xffff, v4;
	v63 =	vld [tilespmem:$0x1FAF0];
	_ =	sdelay $0x3  }
0x1c1: {  	v15 =	vunpack.i.l.bf16.f32 v62;
	v62 =	vld [tilespmem:$0x1FD70]  }
0x1c2: {  	v60 =	vmul.f32 v5, v24;
	v61 =	vmul.f32 v8, v25  }
0x1c3: {  	v21 =	vmul.f32 v8, v19;
	[tilespmem:v57+s28+$0x0] =	vst.idx.msk $0xffff, v14  }
0x1c4: {  	v5 =	vmul.f32 v5, v18;
	v4 =	vadd.f32 v61, v60;
	v60 =	vld [tilespmem:$0x1FB00];
	[tilespmem:v59+s28+$0x0] =	vst.idx.msk $0xffff, v23  }
0x1c5: {  	v59 =	vmul.f32 v2, v27;
	[tilespmem:v63+s28+$0x0] =	vst.idx.msk $0xffff, v58;
	v58 =	vmul.f32 v3, v26;
	v63 =	vld [tilespmem:$0x1FB10]  }
0x1c6: {  	v5 =	vadd.f32 v21, v5;
	v21 =	vld [tilespmem:$0x1FB20];
	v8 =	vunpack.i.l.bf16.f32 v62  }
0x1c7: {  	v14 =	vmul.f32 v15, v20;
	v8 =	vmul.f32 v8, v20;
	v20 =	vadd.f32 v59, v58;
	v58 =	vld [tilespmem:$0x1FB30];
	_ =	sdelay $0x1  }
0x1c8: {  	v57 =	vmul.f32 v2, v32;
	v23 =	vmul.f32 v3, v31  }
0x1c9: {  	v13 =	vadd.f32 v13, v44;
	v44 =	vmul.f32 v0, v26  }
0x1ca: {  	v61 =	vadd.f32 v57, v23;
	v23 =	vmul.f32 v3, v28;
	v57 =	vmul.f32 v2, v29  }
0x1cb: {  	[tilespmem:v60+s28+$0x0] =	vst.idx.msk $0xffff, v4;
	v60 =	vmul.f32 v2, v25;
	v2 =	vmul.f32 v2, v19  }
0x1cc: {  	v59 =	vmul.f32 v3, v24;
	v3 =	vmul.f32 v3, v18;
	[tilespmem:v63+s28+$0x0] =	vst.idx.msk $0xffff, v5  }
0x1cd: {  	v62 =	vmul.f32 v1, v32;
	v4 =	vadd.f32 v57, v23;
	v63 =	vld [tilespmem:$0x1FB40];
	[tilespmem:v21+s28+$0x0] =	vst.idx.msk $0xffff, v61  }
0x1ce: {  	v2 =	vadd.f32 v2, v3;
	v3 =	vadd.f32 v9, v53;
	[tilespmem:v58+s28+$0x0] =	vst.idx.msk $0xffff, v20;
	v20 =	vld [tilespmem:$0x1FB50]  }
0x1cf: {  	v23 =	vld [tilespmem:$0x1FB60];
	v53 =	vmul.f32 v1, v27;
	v5 =	vadd.f32 v60, v59;
	v59 =	vmul.f32 v1, v29  }
0x1d0: {  	v57 =	vld [tilespmem:$0x1FB70];
	v60 =	vmul.f32 v0, v24;
	v61 =	vmul.f32 v0, v31  }
0x1d1: {  	v13 =	vadd.f32 v13, v36;
	v58 =	vmul.f32 v0, v28;
	v0 =	vmul.f32 v0, v18  }
0x1d2: {  	v21 =	vadd.f32 v62, v61;
	v61 =	vmul.f32 v1, v25;
	v1 =	vmul.f32 v1, v19;
	v62 =	vld [tilespmem:$0x1FB80]  }
0x1d3: {  	v16 =	vmul.f32 v11, v31;
	v17 =	vmul.f32 v10, v32;
	v7 =	vadd.f32 v14, v34  }
0x1d4: {  	v14 =	vld [tilespmem:$0x1FB90];
	v34 =	vmul.f32 v10, v29;
	v3 =	vadd.f32 v3, v37;
	v0 =	vadd.f32 v1, v0  }
0x1d5: {  	v15 =	vld [tilespmem:$0x1FBA0];
	v1 =	vadd.f32 v17, v16;
	v16 =	vmul.f32 v6, v32;
	[tilespmem:v63+s28+$0x0] =	vst.idx.msk $0xffff, v4  }
0x1d6: {  	v17 =	vmul.f32 v12, v26;
	v4 =	vadd.f32 v59, v58;
	[tilespmem:v20+s28+$0x0] =	vst.idx.msk $0xffff, v5;
	v20 =	vld [tilespmem:$0x1FBB0]  }
0x1d7: {  	v5 =	vadd.f32 v8, v33;
	v33 =	vmul.f32 v11, v28;
	[tilespmem:v23+s28+$0x0] =	vst.idx.msk $0xffff, v2  }
0x1d8: {  	v8 =	vmul.f32 v54, v22;
	v2 =	vadd.f32 v53, v44;
	[tilespmem:v57+s28+$0x0] =	vst.idx.msk $0xffff, v21;
	v57 =	vld [tilespmem:$0x1FBC0]  }
0x1d9: {  	v63 =	vadd.f32 v61, v60;
	v59 =	vld [tilespmem:$0x1FBD0];
	v44 =	vmul.f32 v11, v24;
	v53 =	vmul.f32 v10, v25  }
0x1da: {  	v61 =	vld [tilespmem:$0x1FBE0];
	v23 =	vmul.f32 v10, v27;
	v21 =	vmul.f32 v11, v26;
	[tilespmem:v62+s28+$0x0] =	vst.idx.msk $0xffff, v2  }
0x1db: {  	v2 =	vmul.f32 v56, v22;
	v60 =	vadd.f32 v53, v44;
	v62 =	vmul.f32 v11, v18  }
0x1dc: {  	v22 =	vmul.f32 v6, v29;
	v44 =	vmul.f32 v12, v24;
	[tilespmem:v14+s28+$0x0] =	vst.idx.msk $0xffff, v4  }
0x1dd: {  	v53 =	vmul.f32 v6, v25;
	v56 =	vmul.f32 v12, v18;
	v14 =	vld [tilespmem:$0x1FBF0];
	[tilespmem:v15+s28+$0x0] =	vst.idx.msk $0xffff, v63  }
0x1de: {  	v11 =	vmul.f32 v13, v28;
	[tilespmem:v20+s28+$0x0] =	vst.idx.msk $0xffff, v0;
	v0 =	vadd.f32 v23, v21;
	v23 =	vld [tilespmem:$0x1FC00]  }
0x1df: {  	v58 =	vadd.f32 v34, v33;
	v34 =	vld [tilespmem:$0x1FC10];
	v63 =	vmul.f32 v10, v19;
	v15 =	vmul.f32 v12, v31  }
0x1e0: {  	v37 =	vld [tilespmem:$0x1FC20];
	v2 =	vadd.f32 v7, v2;
	v20 =	vmul.f32 v6, v27;
	[tilespmem:v57+s28+$0x0] =	vst.idx.msk $0xffff, v1  }
0x1e1: {  	v54 =	vld [tilespmem:$0x1FC30];
	v21 =	vmul.f32 v12, v28;
	v6 =	vmul.f32 v6, v19;
	[tilespmem:v59+s28+$0x0] =	vst.idx.msk $0xffff, v0  }
0x1e2: {  	v12 =	vmul.f32 v3, v29;
	v1 =	vadd.f32 v63, v62;
	[tilespmem:v61+s28+$0x0] =	vst.idx.msk $0xffff, v58;
	v61 =	vld [tilespmem:$0x1FC40]  }
0x1e3: {  	v33 =	vadd.f32 v20, v17;
	v57 =	vmul.f32 v13, v31;
	v63 =	vadd.f32 v5, v8;
	v8 =	vld [tilespmem:$0x1FC50]  }
0x1e4: {  	v10 =	vld [tilespmem:$0x1FC60];
	v36 =	vadd.f32 v22, v21;
	v17 =	vmul.f32 v13, v18;
	v20 =	vmul.f32 v2, v31  }
0x1e5: {  	v0 =	vadd.f32 v16, v15;
	v59 =	vmul.f32 v13, v26;
	[tilespmem:v14+s28+$0x0] =	vst.idx.msk $0xffff, v60;
	v14 =	vld [tilespmem:$0x1FC70]  }
0x1e6: {  	v22 =	vld [tilespmem:$0x1FC80];
	v15 =	vmul.f32 v13, v24;
	v16 =	vmul.f32 v3, v25;
	[tilespmem:v23+s28+$0x0] =	vst.idx.msk $0xffff, v1  }
0x1e7: {  	v58 =	vmul.f32 v3, v32;
	v21 =	vmul.f32 v63, v32;
	v32 =	vld [tilespmem:$0x1FC90];
	[tilespmem:v34+s28+$0x0] =	vst.idx.msk $0xffff, v0  }
0x1e8: {  	v4 =	vmul.f32 v63, v19;
	v1 =	vadd.f32 v53, v44;
	v34 =	vld [tilespmem:$0x1FCA0];
	[tilespmem:v37+s28+$0x0] =	vst.idx.msk $0xffff, v33  }
0x1e9: {  	v60 =	vmul.f32 v3, v27;
	v44 =	vld [tilespmem:$0x1FCB0];
	v0 =	vadd.f32 v6, v56;
	[tilespmem:v54+s28+$0x0] =	vst.idx.msk $0xffff, v36  }
0x1ea: {  	v3 =	vmul.f32 v3, v19;
	v62 =	vadd.f32 v58, v57;
	v58 =	vld [tilespmem:$0x1FCD0];
	[tilespmem:v61+s28+$0x0] =	vst.idx.msk $0xffff, v1  }
0x1eb: {  	v57 =	vmul.f32 v63, v25;
	v9 =	vadd.f32 v60, v59;
	v60 =	vld [tilespmem:$0x1FCE0];
	[tilespmem:v8+s28+$0x0] =	vst.idx.msk $0xffff, v0  }
0x1ec: {  	v37 =	vmul.f32 v63, v27;
	v1 =	vadd.f32 v12, v11;
	[tilespmem:v10+s28+$0x0] =	vst.idx.msk $0xffff, v62;
	v62 =	vld [tilespmem:$0x1FCF0]  }
0x1ed: {  	v54 =	vmul.f32 v63, v29;
	v63 =	vld [tilespmem:$0x1FD00];
	v0 =	vadd.f32 v16, v15;
	[tilespmem:v14+s28+$0x0] =	vst.idx.msk $0xffff, v9  }
0x1ee: {  	v23 =	vadd.f32 v3, v17;
	v36 =	vmul.f32 v2, v26;
	[tilespmem:v22+s28+$0x0] =	vst.idx.msk $0xffff, v1  }
0x1ef: {  	v53 =	vmul.f32 v2, v28;
	v33 =	vadd.f32 v21, v20;
	[tilespmem:v32+s28+$0x0] =	vst.idx.msk $0xffff, v0  }
0x1f0: {  	s31 =	sadd.s32 $0x1, s31;
	v56 =	vmul.f32 v2, v24;
	v1 =	vadd.f32 v37, v36;
	[tilespmem:v34+s28+$0x0] =	vst.idx.msk $0xffff, v23  }
0x1f1: {  	p1 =	sne.s32 s31, $0x27;
	v2 =	vmul.f32 v2, v18;
	v0 =	vadd.f32 v54, v53;
	[tilespmem:v44+s28+$0x0] =	vst.idx.msk $0xffff, v33  }
.Ltmp4:
0x1f2: {  	v59 =	vadd.f32 v57, v56;
	[tilespmem:v58+s28+$0x0] =	vst.idx.msk $0xffff, v1;
	(pc) =	sbr.rel @p1 .LBB2_2-.Ltmp4, $4  }
0x1f3: {  	s0 =	sadd.s32 s8, s2;
	v61 =	vadd.f32 v4, v2;
	[tilespmem:v60+s28+$0x0] =	vst.idx.msk $0xffff, v0  }
0x1f4: {  	s0 =	sand.u32 $0x1FFFFF80, s0;
	[tilespmem:v62+s28+$0x0] =	vst.idx.msk $0xffff, v59  }
0x1f5: {  	s0 =	sadd.s32 s4, s0;
	[tilespmem:v63+s28+$0x0] =	vst.idx.msk $0xffff, v61  }
0x1f6: {  	[hbm4b:s0+s5] =	stream.linear.scatter [tilespmem:s28], [sflag:$0x6], $0x400, $0x38;
	[tilespmem:$0x15720] =	vst v63  }
.Ltmp5:
0x1f7: {  	(pc) =	sbr.rel @p0 .LBB2_8-.Ltmp5, $1  }
0x1f8: {  	_ =	sdelay $0x3  }
0x1f9: {  	_ =	swait.ge [sflag:s22], $0x4000  }
0x1fa: {  	s0 =	simm.s32 $0x0;
	[sflag:s22] =	ssyncset.done $0x0  }
0x1fb: {  	v0 =	vadd.s32 s0, v30;
	[sflag:s22] =	ssyncadd.s32 $0xFFFFC000  }
0x1fc: {  	v0 =	vand.u32 $0x3F, v0;
	_ =	swait.ge [sflag:s23], $0x4000  }
0x1fd: {  	v4 =	vor.u32 v35, v0;
	[sflag:s23] =	ssyncset.done $0x0  }
0x1fe: {  	v1 =	vor.u32 v38, v0;
	[sflag:s23] =	ssyncadd.s32 $0xFFFFC000  }
0x1ff: {  	v5 =	vor.u32 v39, v0;
	_ =	swait.ge [sflag:s29], $0x400  }
0x200: {  	v2 =	vor.u32 v40, v0;
	[sflag:s29] =	ssyncset.done $0x0  }
0x201: {  	v7 =	vor.u32 v41, v0;
	[sflag:s29] =	ssyncadd.s32 $0xFFFFFC00  }
0x202: {  	v6 =	vor.u32 v49, v0;
	v3 =	vld.idx.msk [tilespmem:v4+s18+$0x0], $0xffff  }
0x203: {  	v9 =	vor.u32 v43, v0;
	v8 =	vld.idx.msk [tilespmem:v1+s18+$0x0], $0xffff  }
0x204: {  	v11 =	vor.u32 v42, v0;
	v10 =	vld.idx.msk [tilespmem:v5+s18+$0x0], $0xffff  }
0x205: {  	v57 =	vor.u32 v45, v0;
	v12 =	vld.idx.msk [tilespmem:v2+s18+$0x0], $0xffff  }
0x206: {  	v14 =	vor.u32 v47, v0;
	v13 =	vld.idx.msk [tilespmem:v7+s18+$0x0], $0xffff  }
0x207: {  	v56 =	vor.u32 v48, v0;
	v15 =	vld.idx.msk [tilespmem:v6+s18+$0x0], $0xffff  }
0x208: {  	v17 =	vor.u32 v46, v0;
	v16 =	vld.idx.msk [tilespmem:v9+s18+$0x0], $0xffff  }
0x209: {  	v54 =	vor.u32 v50, v0;
	v18 =	vld.idx.msk [tilespmem:v11+s18+$0x0], $0xffff  }
0x20a: {  	v22 =	vor.u32 v51, v0;
	v19 =	vld.idx.msk [tilespmem:v57+s18+$0x0], $0xffff  }
0x20b: {  	v53 =	vor.u32 v52, v0;
	v28 =	vld.idx.msk [tilespmem:v14+s18+$0x0], $0xffff  }
0x20c: {  	v52 =	vor.u32 v55, v0;
	v35 =	vld.idx.msk [tilespmem:v56+s18+$0x0], $0xffff  }
0x20d: {  	v36 =	vld.idx.msk [tilespmem:v17+s18+$0x0], $0xffff  }
0x20e: {  	v37 =	vld.idx.msk [tilespmem:v54+s18+$0x0], $0xffff  }
0x20f: {  	v44 =	vimm.f32 $0.0e+00;
	v49 =	vimm.f32 $0.0e+00;
	v48 =	vimm.f32 $0.0e+00;
	v38 =	vld.idx.msk [tilespmem:v22+s18+$0x0], $0xffff  }
0x210: {  	v46 =	vimm.f32 $0.0e+00;
	v42 =	vimm.f32 $0.0e+00;
	v40 =	vimm.f32 $0.0e+00;
	v43 =	vld.idx.msk [tilespmem:v53+s18+$0x0], $0xffff  }
0x211: {  	v39 =	vimm.f32 $0.0e+00;
	v41 =	vld.idx.msk [tilespmem:v52+s18+$0x0], $0xffff;
	v20 =	vunpack.i.u.bf16.f32 v3;
	v23 =	vunpack.i.u.bf16.f32 v8  }
0x212: {  	v31 =	vld.idx.msk [tilespmem:v1+s19+$0x0], $0xffff;
	v26 =	vunpack.i.u.bf16.f32 v10;
	v27 =	vunpack.i.u.bf16.f32 v12;
	v29 =	vunpack.i.u.bf16.f32 v13  }
0x213: {  	v6 =	vld.idx.msk [tilespmem:v6+s19+$0x0], $0xffff;
	v58 =	vunpack.i.u.bf16.f32 v15;
	v59 =	vunpack.i.u.bf16.f32 v16;
	v60 =	vunpack.i.u.bf16.f32 v18  }
0x214: {  	v11 =	vld.idx.msk [tilespmem:v11+s19+$0x0], $0xffff;
	v61 =	vunpack.i.u.bf16.f32 v19;
	v62 =	vunpack.i.u.bf16.f32 v28;
	v47 =	vunpack.i.u.bf16.f32 v35  }
0x215: {  	v33 =	vld.idx.msk [tilespmem:v17+s19+$0x0], $0xffff;
	v55 =	vunpack.i.u.bf16.f32 v36;
	v50 =	vunpack.i.u.bf16.f32 v37;
	v51 =	vunpack.i.u.bf16.f32 v38  }
0x216: {  	v34 =	vld.idx.msk [tilespmem:v22+s19+$0x0], $0xffff;
	v0 =	vunpack.i.l.bf16.f32 v3;
	v1 =	vunpack.i.u.bf16.f32 v43;
	v3 =	vunpack.i.l.bf16.f32 v8  }
0x217: {  	v32 =	vunpack.i.l.bf16.f32 v10;
	v30 =	vunpack.i.l.bf16.f32 v12;
	v25 =	vunpack.i.l.bf16.f32 v13  }
0x218: {  	v63 =	vld.idx.msk [tilespmem:v2+s19+$0x0], $0xffff;
	v24 =	vunpack.i.l.bf16.f32 v15;
	v2 =	vmul.f32 v23, v31;
	v23 =	vmul.f32 v29, v6  }
0x219: {  	v21 =	vunpack.i.l.bf16.f32 v16;
	v22 =	vmul.f32 v58, v6;
	v17 =	vmul.f32 v60, v11  }
0x21a: {  	[tilespmem:$0x1F980] =	vst v1;
	v1 =	vunpack.i.u.bf16.f32 v41;
	v60 =	vmul.f32 v47, v33;
	v55 =	vmul.f32 v55, v33  }
0x21b: {  	v8 =	vld.idx.msk [tilespmem:v14+s19+$0x0], $0xffff;
	v29 =	vunpack.i.l.bf16.f32 v28;
	v47 =	vmul.f32 v50, v34;
	v45 =	vmul.f32 v51, v34  }
0x21c: {  	v51 =	vimm.f32 $0.0e+00;
	v50 =	vimm.f32 $0.0e+00;
	v6 =	vld.idx.msk [tilespmem:v4+s19+$0x0], $0xffff;
	v4 =	vimm.f32 $0.0e+00  }
0x21d: {  	[tilespmem:$0x1F990] =	vst v1;
	v1 =	vmul.f32 v20, v31;
	v20 =	vunpack.i.l.bf16.f32 v18;
	v31 =	vmul.f32 v26, v63  }
0x21e: {  	v26 =	vmul.f32 v27, v63;
	v27 =	vunpack.i.l.bf16.f32 v19;
	[tilespmem:$0x1F9A0] =	vst v4;
	v4 =	vimm.f32 $0.0e+00  }
0x21f: {  	v19 =	vmul.f32 v59, v11;
	v18 =	vunpack.i.l.bf16.f32 v35;
	[tilespmem:$0x1F9B0] =	vst v4;
	v4 =	vimm.f32 $0.0e+00  }
0x220: {  	v5 =	vld.idx.msk [tilespmem:v5+s19+$0x0], $0xffff;
	v63 =	vunpack.i.l.bf16.f32 v36;
	[tilespmem:$0x1F9C0] =	vst v4;
	v4 =	vimm.f32 $0.0e+00;
	v59 =	vmul.f32 v61, v8  }
0x221: {  	v58 =	vmul.f32 v62, v8;
	v62 =	vunpack.i.l.bf16.f32 v37;
	[tilespmem:$0x1F9D0] =	vst v4;
	v4 =	vld.idx.msk [tilespmem:v7+s19+$0x0], $0xffff;
	v7 =	vimm.f32 $0.0e+00  }
0x222: {  	s0 =	simm.s32 $0x1;
	v28 =	vld.idx.msk [tilespmem:v9+s19+$0x0], $0xffff;
	v61 =	vunpack.i.l.bf16.f32 v38;
	v38 =	vimm.f32 $0.0e+00;
	v37 =	vimm.f32 $0.0e+00;
	[tilespmem:$0x1F9E0] =	vst v7  }
.LBB2_10:
0x223: {  	v0 =	vmul.f32 v0, v6;
	_ =	sdelay $0x1  }
0x224: {  	v0 =	vadd.f32 v0, v44;
	_ =	sdelay $0x1  }
0x225: {  	v44 =	vadd.f32 v0, v1;
	v1 =	vld.idx.msk [tilespmem:v54+s19+$0x0], $0xffff  }
0x226: {  	v54 =	vld [tilespmem:$0x1F9A0]  }
0x227: {  	v11 =	vld.idx.msk [tilespmem:v56+s19+$0x0], $0xffff;
	v3 =	vmul.f32 v3, v6  }
0x228: {  	v56 =	vld [tilespmem:$0x1F9B0]  }
0x229: {  	v3 =	vadd.f32 v3, v51;
	v0 =	vmul.f32 v21, v28;
	_ =	sdelay $0x1  }
0x22a: {  	v51 =	vadd.f32 v3, v2;
	v2 =	vmul.f32 v20, v28;
	v0 =	vadd.f32 v0, v54;
	_ =	sdelay $0x1  }
0x22b: {  	v6 =	vld.idx.msk [tilespmem:v57+s19+$0x0], $0xffff;
	v2 =	vadd.f32 v2, v56;
	v0 =	vadd.f32 v0, v19  }
0x22c: {  	v8 =	vmul.f32 v32, v5;
	v5 =	vmul.f32 v30, v5  }
0x22d: {  	[tilespmem:$0x1F9A0] =	vst v0;
	v0 =	vadd.f32 v2, v17;
	v2 =	vld [tilespmem:$0x1F9C0]  }
0x22e: {  	v5 =	vadd.f32 v5, v50;
	_ =	sdelay $0x1  }
0x22f: {  	v10 =	vmul.f32 v25, v4;
	v50 =	vadd.f32 v5, v26;
	v5 =	vmul.f32 v27, v6;
	_ =	sdelay $0x1  }
0x230: {  	v3 =	vadd.f32 v10, v48;
	v2 =	vadd.f32 v5, v2;
	v5 =	vld [tilespmem:$0x1F9D0]  }
0x231: {  	v4 =	vmul.f32 v24, v4  }
0x232: {  	v57 =	vld [tilespmem:$0x1F9E0];
	v8 =	vadd.f32 v8, v49;
	v48 =	vadd.f32 v3, v23;
	v3 =	vmul.f32 v18, v11  }
0x233: {  	v13 =	vld [tilespmem:$0x1FF10];
	v4 =	vadd.f32 v4, v46;
	v6 =	vmul.f32 v29, v6  }
0x234: {  	v49 =	vadd.f32 v8, v31;
	v8 =	vld.idx.msk [tilespmem:v53+s19+$0x0], $0xffff;
	v3 =	vadd.f32 v3, v42  }
0x235: {  	v14 =	vld [tilespmem:$0x1FFE0];
	[tilespmem:$0x1F9B0] =	vst v0;
	v0 =	vmul.f32 v63, v11;
	v2 =	vadd.f32 v2, v59;
	v5 =	vadd.f32 v6, v5  }
0x236: {  	v46 =	vadd.f32 v4, v22;
	v4 =	vld.idx.msk [tilespmem:v52+s19+$0x0], $0xffff;
	v3 =	vadd.f32 v3, v60;
	v6 =	vmul.f32 v62, v1  }
0x237: {  	v0 =	vadd.f32 v0, v57;
	[tilespmem:$0x1F9C0] =	vst v2;
	v2 =	vadd.f32 v5, v58;
	v5 =	vld [tilespmem:$0x1F980]  }
0x238: {  	[tilespmem:$0x1F960] =	vst v3;
	v3 =	vadd.f32 v6, v40;
	v6 =	vld [tilespmem:$0x1F990]  }
0x239: {  	v16 =	vld [tilespmem:$0x1FF00];
	v0 =	vadd.f32 v0, v55  }
0x23a: {  	v9 =	vunpack.i.l.bf16.f32 v41;
	v20 =	vld [tilespmem:$0x1FFC0]  }
0x23b: {  	v7 =	vunpack.i.l.bf16.f32 v43;
	v19 =	vld [tilespmem:$0x1FFB0];
	[tilespmem:$0x1F9E0] =	vst v0;
	v0 =	vmul.f32 v9, v8  }
0x23c: {  	v1 =	vmul.f32 v61, v1;
	v62 =	vld [tilespmem:$0x1FF20];
	[tilespmem:$0x1F9D0] =	vst v2;
	v2 =	vmul.f32 v7, v8  }
0x23d: {  	v63 =	vld [tilespmem:$0x1FFA0];
	v0 =	vadd.f32 v0, v37;
	v5 =	vmul.f32 v5, v4;
	v4 =	vmul.f32 v6, v4  }
0x23e: {  	v17 =	vld [tilespmem:$0x1FFF0];
	v1 =	vadd.f32 v1, v39;
	v2 =	vadd.f32 v2, v38;
	v6 =	vlaneseq.u32  }
0x23f: {  	v3 =	vadd.f32 v3, v47;
	v6 =	vadd.s32 s0, v6;
	v39 =	vadd.f32 v0, v4;
	v0 =	vld [tilespmem:$0x1FF30]  }
0x240: {  	v42 =	vadd.f32 v1, v45;
	v1 =	vand.u32 $0x3F, v6;
	v40 =	vadd.f32 v2, v5;
	v2 =	vld [tilespmem:$0x1FF50]  }
0x241: {  	[tilespmem:$0x1F970] =	vst v3;
	v3 =	vld [tilespmem:$0x1FF80];
	v9 =	vor.u32 v62, v1  }
0x242: {  	v6 =	vld [tilespmem:$0x1FF90];
	v11 =	vor.u32 v63, v1  }
0x243: {  	v57 =	vor.u32 v13, v1;
	v22 =	vor.u32 v20, v1;
	v20 =	vld [tilespmem:$0x1FFD0]  }
0x244: {  	v14 =	vor.u32 v14, v1;
	v4 =	vor.u32 v0, v1;
	v0 =	vld [tilespmem:$0x1FF40]  }
0x245: {  	v56 =	vor.u32 v16, v1;
	v5 =	vor.u32 v2, v1;
	v2 =	vld [tilespmem:$0x1FF70]  }
0x246: {  	v16 =	vld.idx.msk [tilespmem:v9+s18+$0x0], $0xffff  }
0x247: {  	v17 =	vor.u32 v17, v1;
	v18 =	vld.idx.msk [tilespmem:v11+s18+$0x0], $0xffff  }
0x248: {  	v54 =	vor.u32 v19, v1;
	v19 =	vld.idx.msk [tilespmem:v57+s18+$0x0], $0xffff  }
0x249: {  	v28 =	vld.idx.msk [tilespmem:v14+s18+$0x0], $0xffff  }
0x24a: {  	v45 =	vld.idx.msk [tilespmem:v56+s18+$0x0], $0xffff  }
0x24b: {  	v7 =	vor.u32 v3, v1;
	v53 =	vor.u32 v20, v1;
	v20 =	vld [tilespmem:$0x1FF60]  }
0x24c: {  	v47 =	vld.idx.msk [tilespmem:v17+s18+$0x0], $0xffff  }
0x24d: {  	v61 =	vld.idx.msk [tilespmem:v54+s18+$0x0], $0xffff  }
0x24e: {  	v6 =	vor.u32 v6, v1;
	v33 =	vld.idx.msk [tilespmem:v22+s18+$0x0], $0xffff  }
0x24f: {  	v11 =	vld.idx.msk [tilespmem:v11+s19+$0x0], $0xffff  }
0x250: {  	v13 =	vld.idx.msk [tilespmem:v7+s18+$0x0], $0xffff  }
0x251: {  	v0 =	vor.u32 v0, v1;
	v3 =	vld.idx.msk [tilespmem:v4+s18+$0x0], $0xffff  }
0x252: {  	v2 =	vor.u32 v2, v1;
	v10 =	vld.idx.msk [tilespmem:v5+s18+$0x0], $0xffff  }
0x253: {  	v15 =	vld.idx.msk [tilespmem:v6+s18+$0x0], $0xffff  }
0x254: {  	v35 =	vld.idx.msk [tilespmem:v6+s19+$0x0], $0xffff  }
0x255: {  	v43 =	vld.idx.msk [tilespmem:v53+s18+$0x0], $0xffff  }
0x256: {  	v52 =	vor.u32 v20, v1;
	v58 =	vunpack.i.u.bf16.f32 v16;
	v59 =	vunpack.i.u.bf16.f32 v18;
	v8 =	vld.idx.msk [tilespmem:v0+s18+$0x0], $0xffff  }
0x257: {  	v62 =	vunpack.i.u.bf16.f32 v19;
	v63 =	vunpack.i.u.bf16.f32 v28;
	v34 =	vunpack.i.u.bf16.f32 v45;
	v12 =	vld.idx.msk [tilespmem:v2+s18+$0x0], $0xffff  }
0x258: {  	v36 =	vunpack.i.u.bf16.f32 v47;
	v37 =	vunpack.i.u.bf16.f32 v61;
	v38 =	vunpack.i.u.bf16.f32 v33;
	v27 =	vld.idx.msk [tilespmem:v0+s19+$0x0], $0xffff  }
0x259: {  	v21 =	vunpack.i.l.bf16.f32 v16;
	v29 =	vunpack.i.u.bf16.f32 v13;
	v25 =	vunpack.i.l.bf16.f32 v13;
	v60 =	vld.idx.msk [tilespmem:v2+s19+$0x0], $0xffff  }
0x25a: {  	v1 =	vunpack.i.u.bf16.f32 v3;
	v23 =	vunpack.i.u.bf16.f32 v10;
	v32 =	vunpack.i.l.bf16.f32 v10;
	v10 =	vld.idx.msk [tilespmem:v17+s19+$0x0], $0xffff  }
0x25b: {  	v55 =	vunpack.i.u.bf16.f32 v15;
	v0 =	vunpack.i.l.bf16.f32 v3;
	v24 =	vunpack.i.l.bf16.f32 v15;
	v41 =	vld.idx.msk [tilespmem:v52+s18+$0x0], $0xffff  }
0x25c: {  	v17 =	vmul.f32 v59, v11;
	v2 =	vunpack.i.u.bf16.f32 v43;
	v20 =	vunpack.i.u.bf16.f32 v8  }
0x25d: {  	v26 =	vunpack.i.u.bf16.f32 v12;
	v3 =	vunpack.i.l.bf16.f32 v8;
	v8 =	vld.idx.msk [tilespmem:v14+s19+$0x0], $0xffff;
	v1 =	vmul.f32 v1, v27  }
0x25e: {  	v30 =	vunpack.i.l.bf16.f32 v12;
	v12 =	vld.idx.msk [tilespmem:v22+s19+$0x0], $0xffff;
	v31 =	vmul.f32 v23, v60;
	v23 =	vmul.f32 v29, v35  }
0x25f: {  	p1 =	sne.s32 s0, $0x3F;
	v6 =	vld.idx.msk [tilespmem:v4+s19+$0x0], $0xffff;
	v22 =	vmul.f32 v55, v35;
	v29 =	vunpack.i.l.bf16.f32 v28;
	v55 =	vmul.f32 v36, v10  }
.Ltmp6:
0x260: {  	v5 =	vld.idx.msk [tilespmem:v5+s19+$0x0], $0xffff;
	[tilespmem:$0x1F980] =	vst v2;
	v2 =	vunpack.i.u.bf16.f32 v41;
	v26 =	vmul.f32 v26, v60;
	v60 =	vmul.f32 v34, v10;
	(pc) =	sbr.rel @p1 .LBB2_10-.Ltmp6, $4  }
0x261: {  	v4 =	vld.idx.msk [tilespmem:v7+s19+$0x0], $0xffff;
	[tilespmem:$0x1F990] =	vst v2;
	v2 =	vmul.f32 v20, v27;
	v20 =	vunpack.i.l.bf16.f32 v18;
	v27 =	vunpack.i.l.bf16.f32 v19  }
0x262: {  	v28 =	vld.idx.msk [tilespmem:v9+s19+$0x0], $0xffff;
	v19 =	vmul.f32 v58, v11;
	v18 =	vunpack.i.l.bf16.f32 v45;
	v59 =	vmul.f32 v62, v8  }
0x263: {  	v58 =	vmul.f32 v63, v8;
	v63 =	vunpack.i.l.bf16.f32 v47;
	v47 =	vmul.f32 v37, v12;
	v37 =	vmovc v39;
	v39 =	vmovc v42;
	v42 =	vld [tilespmem:$0x1F960]  }
0x264: {  	s0 =	sadd.s32 $0x1, s0;
	v62 =	vunpack.i.l.bf16.f32 v61;
	v61 =	vunpack.i.l.bf16.f32 v33;
	v45 =	vmul.f32 v38, v12;
	v38 =	vmovc v40;
	v40 =	vld [tilespmem:$0x1F970]  }
0x265: {  	_ =	sdelay $0x1  }
0x266: {  	v35 =	vld [tilespmem:$0x1FE60]  }
0x267: {  	v36 =	vld [tilespmem:$0x1FE70]  }
0x268: {  	v8 =	vld.idx.msk [tilespmem:v54+s19+$0x0], $0xffff  }
0x269: {  	v9 =	vld.idx.msk [tilespmem:v53+s19+$0x0], $0xffff  }
0x26a: {  	v0 =	vmul.f32 v0, v6;
	v10 =	vld [tilespmem:$0x1FCC0]  }
0x26b: {  	v3 =	vmul.f32 v3, v6;
	v34 =	vmul.f32 v32, v5;
	v32 =	vld [tilespmem:$0x1FE80]  }
0x26c: {  	v16 =	vld [tilespmem:$0x1FEC0]  }
0x26d: {  	v14 =	vld [tilespmem:$0x1FEE0];
	v0 =	vadd.f32 v0, v44;
	v3 =	vadd.f32 v3, v51  }
0x26e: {  	v15 =	vld [tilespmem:$0x1FEF0]  }
0x26f: {  	v44 =	vld.idx.msk [tilespmem:v52+s19+$0x0], $0xffff;
	v0 =	vadd.f32 v0, v1;
	v1 =	vadd.f32 v3, v2  }
0x270: {  	v51 =	vmul.f32 v30, v5;
	v53 =	vadd.f32 v34, v49;
	v34 =	vld [tilespmem:$0x1FEB0]  }
0x271: {  	v30 =	vld [tilespmem:$0x1FED0];
	v33 =	vmul.f32 v0, v35;
	v7 =	vmul.f32 v1, v36  }
0x272: {  	v2 =	vld.idx.msk [tilespmem:v57+s19+$0x0], $0xffff  }
0x273: {  	v3 =	vld.idx.msk [tilespmem:v56+s19+$0x0], $0xffff;
	v6 =	vadd.f32 v7, v33  }
0x274: {  	v33 =	vld [tilespmem:$0x1FE90]  }
0x275: {  	v24 =	vmul.f32 v24, v4;
	[tilespmem:v10+s24+$0x0] =	vst.idx.msk $0xffff, v6;
	v6 =	vadd.f32 v53, v31;
	v31 =	vld [tilespmem:$0x1FEA0]  }
0x276: {  	v49 =	vld [tilespmem:$0x1FA90]  }
0x277: {  	v52 =	vmul.f32 v25, v4;
	v4 =	vadd.f32 v24, v46;
	v5 =	vadd.f32 v51, v50;
	v51 =	vld [tilespmem:$0x1FAA0]  }
0x278: {  	v54 =	vmul.f32 v0, v32;
	v57 =	vmul.f32 v0, v16;
	v53 =	vld [tilespmem:$0x1FAB0]  }
0x279: {  	v4 =	vadd.f32 v4, v22;
	v12 =	vmul.f32 v1, v34;
	v13 =	vmul.f32 v1, v30  }
0x27a: {  	v5 =	vadd.f32 v5, v26;
	v56 =	vmul.f32 v1, v33;
	v11 =	vmul.f32 v0, v31  }
0x27b: {  	v50 =	vadd.f32 v13, v57;
	v1 =	vmul.f32 v1, v15;
	v0 =	vmul.f32 v0, v14  }
0x27c: {  	v57 =	vld [tilespmem:$0x1FAC0];
	v7 =	vadd.f32 v56, v54;
	v11 =	vadd.f32 v12, v11  }
0x27d: {  	v0 =	vadd.f32 v1, v0;
	v1 =	vadd.f32 v52, v48;
	v48 =	vld [tilespmem:$0x1FAD0]  }
0x27e: {  	v22 =	vmul.f32 v4, v36;
	[tilespmem:v49+s24+$0x0] =	vst.idx.msk $0xffff, v7;
	v49 =	vld [tilespmem:$0x1FAE0]  }
0x27f: {  	v26 =	vmul.f32 v5, v34;
	v25 =	vmul.f32 v6, v31;
	[tilespmem:v51+s24+$0x0] =	vst.idx.msk $0xffff, v11  }
0x280: {  	v13 =	vmul.f32 v5, v33;
	v24 =	vmul.f32 v4, v33;
	[tilespmem:v53+s24+$0x0] =	vst.idx.msk $0xffff, v50;
	v53 =	vld [tilespmem:$0x1FAF0]  }
0x281: {  	v54 =	vmul.f32 v6, v35;
	v56 =	vmul.f32 v5, v36;
	v50 =	vadd.f32 v26, v25;
	v25 =	vld [tilespmem:$0x1FB00]  }
0x282: {  	v46 =	vld [tilespmem:$0x1FB10];
	v12 =	vmul.f32 v6, v32;
	v52 =	vmul.f32 v5, v30  }
0x283: {  	v7 =	vadd.f32 v56, v54;
	v54 =	vmul.f32 v6, v14;
	v51 =	vmul.f32 v6, v16  }
0x284: {  	v5 =	vmul.f32 v5, v15;
	[tilespmem:v57+s24+$0x0] =	vst.idx.msk $0xffff, v0;
	v0 =	vadd.f32 v13, v12  }
0x285: {  	v56 =	vadd.f32 v52, v51;
	v52 =	vmul.f32 v4, v34;
	[tilespmem:v48+s24+$0x0] =	vst.idx.msk $0xffff, v7  }
0x286: {  	v12 =	vmul.f32 v4, v30;
	[tilespmem:v49+s24+$0x0] =	vst.idx.msk $0xffff, v0;
	v0 =	vadd.f32 v1, v23  }
0x287: {  	v13 =	vld [tilespmem:$0x1F9B0];
	v4 =	vmul.f32 v4, v15;
	v1 =	vadd.f32 v5, v54;
	v49 =	vmul.f32 v21, v28  }
0x288: {  	v54 =	vmul.f32 v20, v28;
	[tilespmem:v53+s24+$0x0] =	vst.idx.msk $0xffff, v50;
	v57 =	vmul.f32 v0, v35  }
0x289: {  	v23 =	vmul.f32 v0, v32;
	v51 =	vmul.f32 v0, v31;
	[tilespmem:v25+s24+$0x0] =	vst.idx.msk $0xffff, v56  }
0x28a: {  	v50 =	vld [tilespmem:$0x1FB20];
	v26 =	vadd.f32 v22, v57;
	[tilespmem:v46+s24+$0x0] =	vst.idx.msk $0xffff, v1;
	v57 =	vmul.f32 v0, v16  }
0x28b: {  	v56 =	vld [tilespmem:$0x1F9A0];
	v48 =	vadd.f32 v24, v23;
	v0 =	vmul.f32 v0, v14;
	v22 =	vmul.f32 v27, v2  }
0x28c: {  	v53 =	vld [tilespmem:$0x1FB30];
	v1 =	vadd.f32 v54, v13;
	v2 =	vmul.f32 v29, v2;
	v24 =	vmul.f32 v18, v3  }
0x28d: {  	v6 =	vadd.f32 v52, v51;
	v46 =	vld [tilespmem:$0x1F9C0];
	v3 =	vmul.f32 v63, v3;
	v13 =	vmul.f32 v62, v8  }
0x28e: {  	v20 =	vld [tilespmem:$0x1FB40];
	v8 =	vmul.f32 v61, v8;
	v21 =	vadd.f32 v12, v57;
	v1 =	vadd.f32 v1, v17  }
0x28f: {  	v23 =	vld [tilespmem:$0x1FB50];
	v0 =	vadd.f32 v4, v0;
	v7 =	vadd.f32 v13, v40;
	v40 =	vunpack.i.l.bf16.f32 v41  }
0x290: {  	v57 =	vld [tilespmem:$0x1F9E0];
	v8 =	vadd.f32 v8, v39;
	v5 =	vadd.f32 v49, v56;
	v27 =	vmul.f32 v1, v36  }
0x291: {  	v49 =	vmul.f32 v1, v33;
	v56 =	vadd.f32 v24, v42;
	v7 =	vadd.f32 v7, v47  }
0x292: {  	v25 =	vld [tilespmem:$0x1FB60];
	v8 =	vadd.f32 v8, v45;
	v4 =	vadd.f32 v22, v46;
	v22 =	vunpack.i.l.bf16.f32 v43  }
0x293: {  	v11 =	vld [tilespmem:$0x1F980];
	v5 =	vadd.f32 v5, v19;
	v19 =	vmul.f32 v1, v30;
	v41 =	vmul.f32 v22, v9  }
0x294: {  	v54 =	vld [tilespmem:$0x1FB70];
	[tilespmem:v50+s24+$0x0] =	vst.idx.msk $0xffff, v26;
	v22 =	vmul.f32 v7, v32;
	v39 =	vmul.f32 v8, v34  }
0x295: {  	v63 =	vld [tilespmem:$0x1FB80];
	[tilespmem:v53+s24+$0x0] =	vst.idx.msk $0xffff, v48;
	v53 =	vmul.f32 v1, v34;
	v3 =	vadd.f32 v3, v57  }
0x296: {  	v61 =	vld [tilespmem:$0x1FC10];
	v4 =	vadd.f32 v4, v59;
	v1 =	vmul.f32 v1, v15;
	v26 =	vmul.f32 v5, v35  }
0x297: {  	v17 =	vld [tilespmem:$0x1FB90];
	[tilespmem:v20+s24+$0x0] =	vst.idx.msk $0xffff, v6;
	v48 =	vmul.f32 v5, v32;
	v52 =	vmul.f32 v5, v31  }
0x298: {  	v50 =	vld [tilespmem:$0x1F9D0];
	v18 =	vmul.f32 v5, v16;
	v5 =	vmul.f32 v5, v14;
	[tilespmem:v23+s24+$0x0] =	vst.idx.msk $0xffff, v21  }
0x299: {  	v13 =	vld [tilespmem:$0x1FC20];
	v3 =	vadd.f32 v3, v55;
	v20 =	vmul.f32 v4, v35;
	v24 =	vmul.f32 v4, v32  }
0x29a: {  	v42 =	vld [tilespmem:$0x1FBC0];
	[tilespmem:v25+s24+$0x0] =	vst.idx.msk $0xffff, v0;
	v0 =	vadd.f32 v27, v26;
	v51 =	vadd.f32 v49, v48  }
0x29b: {  	v47 =	vld [tilespmem:$0x1FC80];
	v43 =	vmul.f32 v4, v31;
	v12 =	vadd.f32 v53, v52;
	v6 =	vadd.f32 v19, v18  }
0x29c: {  	v23 =	vld [tilespmem:$0x1FBA0];
	v1 =	vadd.f32 v1, v5;
	v5 =	vmul.f32 v40, v9;
	v49 =	vmul.f32 v4, v16  }
0x29d: {  	v55 =	vld [tilespmem:$0x1FBF0];
	v4 =	vmul.f32 v4, v14;
	v2 =	vadd.f32 v2, v50;
	v52 =	vmul.f32 v3, v36  }
0x29e: {  	v26 =	vld [tilespmem:$0x1FBB0];
	v18 =	vmul.f32 v3, v30;
	[tilespmem:v54+s24+$0x0] =	vst.idx.msk $0xffff, v0;
	v0 =	vadd.f32 v56, v60  }
0x29f: {  	v48 =	vld [tilespmem:$0x1FBD0];
	v54 =	vadd.f32 v41, v38;
	v60 =	vmul.f32 v3, v33;
	v38 =	vmul.f32 v7, v31  }
0x2a0: {  	v53 =	vld [tilespmem:$0x1FBE0];
	v41 =	vmul.f32 v7, v16;
	[tilespmem:v63+s24+$0x0] =	vst.idx.msk $0xffff, v51;
	v63 =	vmul.f32 v3, v34  }
0x2a1: {  	v19 =	vld [tilespmem:$0x1FC30];
	v56 =	vadd.f32 v5, v37;
	v3 =	vmul.f32 v3, v15;
	v51 =	vmul.f32 v0, v35  }
0x2a2: {  	v40 =	vld [tilespmem:$0x1FC70];
	v2 =	vadd.f32 v2, v58;
	v59 =	vmul.f32 v0, v32;
	v62 =	vmul.f32 v0, v31  }
0x2a3: {  	v37 =	vld [tilespmem:$0x1FC60];
	[tilespmem:v17+s24+$0x0] =	vst.idx.msk $0xffff, v12;
	v17 =	vmul.f32 v0, v16;
	v0 =	vmul.f32 v0, v14  }
0x2a4: {  	v58 =	vld [tilespmem:$0x1FC00];
	v21 =	vmul.f32 v2, v36;
	v25 =	vmul.f32 v2, v33  }
0x2a5: {  	v12 =	vld [tilespmem:$0x1F990];
	v46 =	vmul.f32 v2, v34;
	v50 =	vmul.f32 v2, v30  }
0x2a6: {  	v57 =	vadd.f32 v52, v51;
	v51 =	vld [tilespmem:$0x1FCA0];
	[tilespmem:v23+s24+$0x0] =	vst.idx.msk $0xffff, v6;
	v27 =	vadd.f32 v21, v20  }
0x2a7: {  	v5 =	vadd.f32 v63, v62;
	v62 =	vld [tilespmem:$0x1FCF0];
	v6 =	vadd.f32 v25, v24;
	[tilespmem:v26+s24+$0x0] =	vst.idx.msk $0xffff, v1  }
0x2a8: {  	v2 =	vmul.f32 v2, v15;
	v63 =	vld [tilespmem:$0x1FD00];
	v1 =	vadd.f32 v46, v43;
	[tilespmem:v42+s24+$0x0] =	vst.idx.msk $0xffff, v27  }
0x2a9: {  	v0 =	vadd.f32 v3, v0;
	v24 =	vld [tilespmem:$0x1FC40];
	[tilespmem:v48+s24+$0x0] =	vst.idx.msk $0xffff, v6;
	v6 =	vadd.f32 v50, v49  }
0x2aa: {  	v2 =	vadd.f32 v2, v4;
	v20 =	vmul.f32 v7, v35;
	v26 =	vld [tilespmem:$0x1FC50];
	[tilespmem:v53+s24+$0x0] =	vst.idx.msk $0xffff, v1  }
0x2ab: {  	v21 =	vmul.f32 v8, v36;
	v49 =	vld [tilespmem:$0x1FC90];
	[tilespmem:v55+s24+$0x0] =	vst.idx.msk $0xffff, v6;
	v6 =	vmul.f32 v11, v44  }
0x2ac: {  	v10 =	vmul.f32 v12, v44;
	[tilespmem:v58+s24+$0x0] =	vst.idx.msk $0xffff, v2;
	v2 =	vadd.f32 v60, v59;
	v59 =	vld [tilespmem:$0x1FCD0]  }
0x2ad: {  	v43 =	vmul.f32 v7, v14;
	v44 =	vmul.f32 v8, v15;
	v1 =	vadd.f32 v54, v6;
	v54 =	vld [tilespmem:$0x1FCB0]  }
0x2ae: {  	v23 =	vmul.f32 v8, v33;
	v27 =	vadd.f32 v56, v10;
	[tilespmem:v61+s24+$0x0] =	vst.idx.msk $0xffff, v57;
	v61 =	vld [tilespmem:$0x1FCE0]  }
0x2af: {  	v48 =	vadd.f32 v44, v43;
	v43 =	vld [tilespmem:$0x1FF20];
	[tilespmem:v13+s24+$0x0] =	vst.idx.msk $0xffff, v2;
	v2 =	vadd.f32 v18, v17  }
0x2b0: {  	v25 =	vadd.f32 v21, v20;
	[tilespmem:v19+s24+$0x0] =	vst.idx.msk $0xffff, v5;
	v45 =	vmul.f32 v1, v35;
	v35 =	vld [tilespmem:$0x1FF30]  }
0x2b1: {  	v46 =	vmul.f32 v27, v36;
	[tilespmem:v24+s24+$0x0] =	vst.idx.msk $0xffff, v2;
	v2 =	vadd.f32 v39, v38;
	v38 =	vld [tilespmem:$0x1FF40]  }
0x2b2: {  	v3 =	vadd.f32 v23, v22;
	v42 =	vmul.f32 v8, v30;
	v39 =	vld [tilespmem:$0x1FF50];
	[tilespmem:v26+s24+$0x0] =	vst.idx.msk $0xffff, v0  }
0x2b3: {  	v53 =	vmul.f32 v27, v33;
	v50 =	vadd.f32 v46, v45;
	v45 =	vld [tilespmem:$0x1FF10];
	[tilespmem:v37+s24+$0x0] =	vst.idx.msk $0xffff, v25  }
0x2b4: {  	v56 =	vmul.f32 v27, v34;
	v46 =	vld [tilespmem:$0x1FFF0];
	[tilespmem:v40+s24+$0x0] =	vst.idx.msk $0xffff, v3;
	v3 =	vadd.f32 v42, v41  }
0x2b5: {  	v58 =	vmul.f32 v27, v30;
	v52 =	vmul.f32 v1, v32;
	v40 =	vld [tilespmem:$0x1FF70];
	[tilespmem:v47+s24+$0x0] =	vst.idx.msk $0xffff, v2  }
0x2b6: {  	v55 =	vmul.f32 v1, v31;
	v57 =	vmul.f32 v1, v16;
	v41 =	vld [tilespmem:$0x1FF80];
	[tilespmem:v49+s24+$0x0] =	vst.idx.msk $0xffff, v3  }
0x2b7: {  	v1 =	vmul.f32 v1, v14;
	v42 =	vld [tilespmem:$0x1FFA0];
	v2 =	vadd.f32 v53, v52;
	[tilespmem:v51+s24+$0x0] =	vst.idx.msk $0xffff, v48  }
0x2b8: {  	v0 =	vmul.f32 v27, v15;
	v47 =	vld [tilespmem:$0x1FFE0];
	v3 =	vadd.f32 v56, v55;
	[tilespmem:v54+s24+$0x0] =	vst.idx.msk $0xffff, v50  }
0x2b9: {  	v60 =	vadd.f32 v58, v57;
	v52 =	vld [tilespmem:$0x1FFD0];
	[tilespmem:v59+s24+$0x0] =	vst.idx.msk $0xffff, v2  }
.Ltmp7:
0x2ba: {  	v0 =	vadd.f32 v0, v1;
	v49 =	vld [tilespmem:$0x1FF90];
	[tilespmem:v61+s24+$0x0] =	vst.idx.msk $0xffff, v3;
	(pc) =	sbr.rel .LBB2_12-.Ltmp7, $4  }
0x2bb: {  	v55 =	vld [tilespmem:$0x1FF60];
	[tilespmem:v62+s24+$0x0] =	vst.idx.msk $0xffff, v60  }
0x2bc: {  	s0 =	rddreg [dreg:$0x4];
	v48 =	vld [tilespmem:$0x1FF00];
	[tilespmem:v63+s24+$0x0] =	vst.idx.msk $0xffff, v0  }
0x2bd: {  	v51 =	vld [tilespmem:$0x1FFC0];
	[hbm4b:s0+s5] =	stream.linear.scatter [tilespmem:s24], [sflag:$0x5], $0x400, $0x38  }
0x2be: {  	s2 =	simm.s32 $0x6;
	v30 =	vlaneseq.u32;
	v50 =	vld [tilespmem:$0x1FFB0];
	s0 =	simm.s32 $0x5  }
.LBB2_13:
0x2bf: {  	_ =	sfence.sel $0x180000  }
0x2c0: {  	[bflag:$0x0] =	sbarrier.arrive $0xFFFF  }
0x2c1: {  	_ =	strace $0x90000047  }
0x2c2: {  	s0 =	stileid.u32;
	[bflag:$0x2] =	sbarrier.arrive $0xFFFF  }
0x2c3: {  	p0 =	sne.s32 s0, $0x0;
	s0 =	rddreg [dreg:$0x3]  }
0x2c4: {  	s0 =	sadd.s32 @!p0 $0x100000, s0  }
0x2c5: {  	[sflag:s0] =	ssyncadd.tile.s32 @!p0 $0x1;
	_ =	shalt  }
.Lfunc_end2:
_tile_overlayer_lowered:
.L_overlay_start_2:
0x2c6: {  	(tag) =	ssettag $0x2  }
0x2c7: {  	s0 =	rddreg [dreg:$0x0];
	s2 =	stileid.u32  }
0x2c8: {  	s1 =	rddreg [dreg:$0x1];
	p0 =	sne.s32 s2, $0x0  }
0x2c9: {  	s3 =	rddreg [dreg:$0x2];
	[bflag:$0x3] =	sbarrier.arrive $0xFFFF;
	s2 =	simm.s32 @!p0 $0x1C07  }
0x2ca: {  	[timem:s3], [sflag:s2] =	dma.local @!p0 [hbm:s0], s1  }
0x2cb: {  	s0 =	simm.s32 @!p0 $0x7  }
0x2cc: {  	_ =	swait.ge @!p0 [sflag:s0], s1  }
0x2cd: {  	s1 =	ssub.s32 @!p0 $0x0, s1;
	[sflag:s0] =	ssyncset.done @!p0 $0x0  }
0x2ce: {  	[sflag:s0] =	ssyncadd.s32 @!p0 s1  }
0x2cf: {  	[bflag:$0x3] =	sbarrier.arrive $0xFFFF  }
0x2d0: {  	_ =	shalt  }

</sc_bundles>
